<compile_context>
chip_gen: v7x
topology: tpu7x:2x2x1
jax: 0.10.2.dev20260603
libtpu: 0.0.44.dev20260713+nightly
codegen_flags: <defaults>
</compile_context>

<pallas_src>
import functools

import numpy as np
import jax
import jax.numpy as jnp
from jax import lax
from jax.experimental import pallas as pl
from jax.experimental.pallas import tpu as pltpu
from jax.experimental.pallas import tpu_sc as plsc

_N = 10000
_NPAD = 10240
_E = 160000
_D = 256
_HALF = 128
_L = 4
_ALPHA = 0.1
_THETA = 0.5
_NC = 2
_NS = 16
_G = 128
_GS = 64
_SPG = _G // _GS

_EPT = 10240
_EP = _NS * _EPT
_KP = _EPT // _G
_RPT = _NPAD // _NS
_ED = _NC * _NS * 5120
_KD = 5120 // _GS

_mesh = plsc.VectorSubcoreMesh(core_axis_name="c", subcore_axis_name="s")


def _fill2d(ref, rows, cols, value):
    vals = jnp.full((16,), value, jnp.float32)

    def body(i, _):
        for j in range(cols // 16):
            ref[i, pl.ds(j * 16, 16)] = vals
        return 0

    lax.fori_loop(0, rows, body, 0)


@functools.partial(
    pl.kernel,
    out_type=jax.ShapeDtypeStruct((_NC, _NPAD, _HALF), jnp.float32),
    mesh=_mesh,
    scratch_types=[
        pltpu.VMEM((_KD, _GS), jnp.int32),
        pltpu.VMEM((_GS, _HALF), jnp.float32),
        pltpu.VMEM_SHARED((_NPAD, _HALF), jnp.float32),
    ],
)
def _deg_sc(dst_hbm, out_hbm, idx_v, ones_v, acc_sh):
    cid = lax.axis_index("c")
    sid = lax.axis_index("s")
    wid = cid * _NS + sid
    _fill2d(ones_v, _GS, _HALF, 0.0)
    for r in range(_RPT // _GS):
        pltpu.sync_copy(ones_v,
                        acc_sh.at[pl.ds(sid * _RPT + r * _GS, _GS)])
    _fill2d(ones_v, _GS, _HALF, 1.0)
    plsc.subcore_barrier()
    pltpu.sync_copy(dst_hbm.at[wid], idx_v)

    def body(j, _):
        pltpu.sync_copy(ones_v, acc_sh.at[idx_v.at[j]], add=True)
        return 0

    lax.fori_loop(0, _KD, body, 0)
    plsc.subcore_barrier()
    for r in range(_RPT // _GS):
        sl = pl.ds(sid * _RPT + r * _GS, _GS)
        pltpu.sync_copy(acc_sh.at[sl], out_hbm.at[cid, sl])


@functools.partial(
    pl.kernel,
    out_type=jax.ShapeDtypeStruct((_NC, _NPAD, _HALF), jnp.float32),
    mesh=_mesh,
    scratch_types=[
        pltpu.VMEM((_KP, _G), jnp.int32),
        pltpu.VMEM((_KP * _SPG, _GS), jnp.int32),
        pltpu.VMEM((_G, _HALF), jnp.float32),
        pltpu.VMEM((_G, _HALF), jnp.float32),
        pltpu.VMEM_SHARED((_NPAD, _HALF), jnp.float32),
        pltpu.SemaphoreType.DMA,
        pltpu.SemaphoreType.DMA,
    ],
)
def _prop_sc(hs_hbm, src_hbm, dst_hbm, out_hbm, src_v, dst_v, rows_a,
             rows_b, acc_sh, sem_a, sem_b):
    cid = lax.axis_index("c")
    sid = lax.axis_index("s")
    wid = cid * _NS + sid
    _fill2d(rows_a, _GS, _HALF, 0.0)
    for r in range(_RPT // _GS):
        pltpu.sync_copy(rows_a.at[pl.ds(0, _GS)],
                        acc_sh.at[pl.ds(sid * _RPT + r * _GS, _GS)])
    plsc.subcore_barrier()
    pltpu.sync_copy(src_hbm.at[wid], src_v)
    pltpu.sync_copy(dst_hbm.at[sid], dst_v)

    def body(j, _):
        pltpu.async_copy(hs_hbm.at[src_v.at[j]], rows_a, sem_a).wait()
        for q in range(_SPG):
            pltpu.sync_copy(rows_a.at[pl.ds(q * _GS, _GS)],
                            acc_sh.at[dst_v.at[_SPG * j + q]], add=True)
        return 0

    lax.fori_loop(0, _KP, body, 0)
    plsc.subcore_barrier()
    for r in range(_RPT // _GS):
        sl = pl.ds(sid * _RPT + r * _GS, _GS)
        pltpu.sync_copy(acc_sh.at[sl], out_hbm.at[cid, sl])


_RT = 1024


def _prep_body(x_ref, w_ref, b_ref, d0_ref, d1_ref, x0_ref, hs0_ref, hs1_ref):
    x0 = jnp.dot(x_ref[...], w_ref[...],
                 preferred_element_type=jnp.float32) + b_ref[...]
    deg = d0_ref[...][:, 0:1] + d1_ref[...][:, 0:1] + 1.0
    dinv = lax.rsqrt(deg)
    x0_ref[...] = x0
    hs = dinv * x0
    hs0_ref[...] = hs[:, :_HALF]
    hs1_ref[...] = hs[:, _HALF:]


def _tc_prep(x_p, wt, b2, d0, d1):
    grid = (_NPAD // _RT,)
    return pl.pallas_call(
        _prep_body,
        grid=grid,
        in_specs=[
            pl.BlockSpec((_RT, _D), lambda i: (i, 0)),
            pl.BlockSpec((_D, _D), lambda i: (0, 0)),
            pl.BlockSpec((1, _D), lambda i: (0, 0)),
            pl.BlockSpec((_RT, _HALF), lambda i: (i, 0)),
            pl.BlockSpec((_RT, _HALF), lambda i: (i, 0)),
        ],
        out_specs=[
            pl.BlockSpec((_RT, _D), lambda i: (i, 0)),
            pl.BlockSpec((_RT, _HALF), lambda i: (i, 0)),
            pl.BlockSpec((_RT, _HALF), lambda i: (i, 0)),
        ],
        out_shape=[
            jax.ShapeDtypeStruct((_NPAD, _D), jnp.float32),
            jax.ShapeDtypeStruct((_NPAD, _HALF), jnp.float32),
            jax.ShapeDtypeStruct((_NPAD, _HALF), jnp.float32),
        ],
    )(x_p, wt, b2, d0, d1)


def _update_body(beta, relu, a0_ref, a1_ref, x0_ref, h_ref, d0_ref, d1_ref,
                 w_ref, hn_ref, hs0_ref, hs1_ref):
    deg = d0_ref[...][:, 0:1] + d1_ref[...][:, 0:1] + 1.0
    dinv = lax.rsqrt(deg)
    h = h_ref[...]
    aggf = jnp.concatenate([a0_ref[...], a1_ref[...]], axis=1)
    agg = dinv * aggf + (dinv * dinv) * h
    t = (1.0 - _ALPHA) * agg + _ALPHA * x0_ref[...]
    raw = (1.0 - beta) * t + beta * jnp.dot(
        t, w_ref[...], preferred_element_type=jnp.float32)
    h2 = raw + h
    if relu:
        h2 = jnp.maximum(h2, 0.0)
    hn_ref[...] = h2
    hs = dinv * h2
    hs0_ref[...] = hs[:, :_HALF]
    hs1_ref[...] = hs[:, _HALF:]


def _tc_update(a0, a1, x0, h, d0, d1, w, beta, relu):
    grid = (_NPAD // _RT,)
    return pl.pallas_call(
        functools.partial(_update_body, beta, relu),
        grid=grid,
        in_specs=[
            pl.BlockSpec((_RT, _HALF), lambda i: (i, 0)),
            pl.BlockSpec((_RT, _HALF), lambda i: (i, 0)),
            pl.BlockSpec((_RT, _D), lambda i: (i, 0)),
            pl.BlockSpec((_RT, _D), lambda i: (i, 0)),
            pl.BlockSpec((_RT, _HALF), lambda i: (i, 0)),
            pl.BlockSpec((_RT, _HALF), lambda i: (i, 0)),
            pl.BlockSpec((_D, _D), lambda i: (0, 0)),
        ],
        out_specs=[
            pl.BlockSpec((_RT, _D), lambda i: (i, 0)),
            pl.BlockSpec((_RT, _HALF), lambda i: (i, 0)),
            pl.BlockSpec((_RT, _HALF), lambda i: (i, 0)),
        ],
        out_shape=[
            jax.ShapeDtypeStruct((_NPAD, _D), jnp.float32),
            jax.ShapeDtypeStruct((_NPAD, _HALF), jnp.float32),
            jax.ShapeDtypeStruct((_NPAD, _HALF), jnp.float32),
        ],
    )(a0, a1, x0, h, d0, d1, w)


def kernel(x, edge_index, W_proj, b_proj, W_convs):
    src = edge_index[0]
    dst = edge_index[1]
    pad_p = _EP - _E
    srcp = jnp.concatenate([src, jnp.zeros((pad_p,), jnp.int32)])
    dstp = jnp.concatenate([dst, jnp.full((pad_p,), _NPAD - 1, jnp.int32)])
    src3 = jnp.concatenate([srcp, srcp + _NPAD]).reshape(_NC * _NS, _KP, _G)
    dst3 = dstp.reshape(_NS, _KP * _SPG, _GS)
    pad_d = _ED - _E
    dstd = jnp.concatenate([dst, jnp.full((pad_d,), _NPAD - 1, jnp.int32)])
    dstd3 = dstd.reshape(_NC * _NS, _KD, _GS)
    deg_parts = _deg_sc(dstd3)
    d0, d1 = deg_parts[0], deg_parts[1]

    x_p = jnp.pad(x, ((0, _NPAD - _N), (0, 0)))
    x0, hs0, hs1 = _tc_prep(x_p, W_proj.T, b_proj.reshape(1, _D), d0, d1)
    h = x0
    for i in range(_L):
        hs_flat = jnp.concatenate([hs0, hs1], axis=0)
        agg = _prop_sc(hs_flat, src3, dst3)
        beta = float(np.log(_THETA / (i + 1) + 1.0))
        h, hs0, hs1 = _tc_update(agg[0], agg[1], x0, h, d0, d1, W_convs[i],
                                 beta, relu=(i < _L - 1))
    return h[:_N]

# --- scband reference (transcript-rebuilt; emitter-appended) ---
"""Pipeline reference for scband-srp-40080634806830 (READ-ONLY COPY).

The authoritative reference and input builder live on the scoring server;
editing this copy changes nothing except your own understanding.
"""

import jax, jax.numpy as jnp
import numpy as np

N = 10000
E = 160000
D = 256
H = 256
L = 4
ALPHA = 0.1
THETA = 0.5


def setup_inputs(seed: int = 0) -> dict:
    key = jax.random.key(seed)
    ks = jax.random.split(key, 6)
    x = jax.random.normal(ks[0], (N, D), dtype=jnp.float32)
    edge_index = jax.random.randint(ks[1], (2, E), 0, N, dtype=jnp.int32)
    # Linear proj: torch nn.Linear(in_c, hid_c) -> weight [hid_c, in_c], bias [hid_c]
    W_proj = (jax.random.normal(ks[2], (H, D), dtype=jnp.float32) / np.sqrt(D)).astype(jnp.float32)
    b_proj = (jax.random.normal(ks[3], (H,), dtype=jnp.float32) * 0.01).astype(jnp.float32)
    # GCN2Conv shared weight1 per layer: [channels, channels]
    W_convs = (jax.random.normal(ks[4], (L, H, H), dtype=jnp.float32) / np.sqrt(H)).astype(jnp.float32)
    return {"x": x, "edge_index": edge_index, "W_proj": W_proj, "b_proj": b_proj, "W_convs": W_convs}


def reference(x, edge_index, W_proj, b_proj, W_convs):
    src = edge_index[0]
    dst = edge_index[1]
    loop = jnp.arange(N, dtype=src.dtype)
    src_f = jnp.concatenate([src, loop])
    dst_f = jnp.concatenate([dst, loop])
    # gcn_norm: symmetric normalization with self-loops (fill_value=1.0)
    deg = jax.ops.segment_sum(jnp.ones(src_f.shape[0], dtype=jnp.float32), dst_f, num_segments=N)
    dinv = jnp.where(deg > 0, 1.0 / jnp.sqrt(deg), 0.0)
    norm = dinv[src_f] * dinv[dst_f]

    x0 = x @ W_proj.T + b_proj
    h = x0
    for i in range(L):
        # propagate: agg_i = sum_j norm_ij * h_j (scatter-add over dst)
        msg = h[src_f] * norm[:, None]
        agg = jax.ops.segment_sum(msg, dst_f, num_segments=N)
        # GCN2Conv (shared_weights=True): out = (1-beta)*t + beta*(t @ W), t = (1-alpha)*Ah + alpha*x0
        t = (1.0 - ALPHA) * agg + ALPHA * x0
        beta = float(np.log(THETA / (i + 1) + 1.0))
        raw = (1.0 - beta) * t + beta * (t @ W_convs[i])
        # SRP extra residual
        h = raw + h
        if i != L - 1:
            h = jax.nn.relu(h)
            # dropout inactive in eval mode
    return h

if __name__ == "__main__":
    import jax
    _d = setup_inputs()
    print(jax.jit(kernel)(*tuple(_d.values())))

</pallas_src>

<mosaic_0001>
#map = affine_map<(d0, d1) -> (0, 0, 0)>
module attributes {stable_mosaic.version = 14 : i64} {
  func.func @_deg_sc(%arg0: i32, %arg1: i32, %arg2: memref<32x80x64xi32, #tpu.memory_space<hbm>>, %arg3: memref<2x10240x128xf32, #tpu.memory_space<hbm>>, %arg4: memref<80x64xi32, #tpu.memory_space<vmem>>, %arg5: memref<64x128xf32, #tpu.memory_space<vmem>>, %arg6: memref<10240x128xf32, #tpu.memory_space<vmem_shared>>) attributes {dimension_semantics = [#tpu.dimension_semantics<core_parallel>, #tpu.dimension_semantics<subcore_parallel>], iteration_bounds = array<i64: 2, 16>, scalar_prefetch = 0 : i64, scratch_operands = 3 : i64, tpu.core_type = #tpu.core_type<sc_vector_subcore>, window_params = [{transform_indices = #map}, {transform_indices = #map}]} {
    %mul3A = arith.constant 16 : i32
    %mul3A_0 = arith.muli %arg0, %mul3A : i32
    %add3A = arith.addi %mul3A_0, %arg1 : i32
    %broadcast_in_dim3A = arith.constant 0.000000e+00 : f32
    %broadcast_in_dim3A_1 = vector.broadcast %broadcast_in_dim3A : f32 to vector<16xf32>
    %scan3A = arith.constant 0 : i32
    %scan3A_2 = arith.constant 0 : i32
    %scan3A_3 = arith.constant 64 : i32
    %scan3A_4 = arith.addi %scan3A_2, %scan3A_3 : i32
    %scan3A_5 = arith.constant 1 : i32
    %scan3A_6 = scf.for %scan3A_105 = %scan3A_2 to %scan3A_4 step %scan3A_5 iter_args(%scan3A_106 = %scan3A) -> (i32)  : i32 {
      %swap3A = arith.index_cast %scan3A_105 : i32 to index
      %swap3A_107 = arith.constant 0 : index
      %swap3A_108 = tpu.vector_load %arg5[%swap3A, %swap3A_107] {strides = array<i32>} : memref<64x128xf32, #tpu.memory_space<vmem>>, vector<1x16xf32>,
      %swap3A_109 = vector.shape_cast %swap3A_108 : vector<1x16xf32> to vector<16xf32>
      %swap3A_110 = vector.shape_cast %broadcast_in_dim3A_1 : vector<16xf32> to vector<1x16xf32>
      tpu.vector_store %arg5[%swap3A, %swap3A_107], %swap3A_110 {strides = array<i32>} : memref<64x128xf32, #tpu.memory_space<vmem>>, vector<1x16xf32>,
      %swap3A_111 = arith.index_cast %scan3A_105 : i32 to index
      %swap3A_112 = arith.constant 16 : index
      %swap3A_113 = tpu.vector_load %arg5[%swap3A_111, %swap3A_112] {strides = array<i32>} : memref<64x128xf32, #tpu.memory_space<vmem>>, vector<1x16xf32>,
      %swap3A_114 = vector.shape_cast %swap3A_113 : vector<1x16xf32> to vector<16xf32>
      %swap3A_115 = vector.shape_cast %broadcast_in_dim3A_1 : vector<16xf32> to vector<1x16xf32>
      tpu.vector_store %arg5[%swap3A_111, %swap3A_112], %swap3A_115 {strides = array<i32>} : memref<64x128xf32, #tpu.memory_space<vmem>>, vector<1x16xf32>,
      %swap3A_116 = arith.index_cast %scan3A_105 : i32 to index
      %swap3A_117 = arith.constant 32 : index
      %swap3A_118 = tpu.vector_load %arg5[%swap3A_116, %swap3A_117] {strides = array<i32>} : memref<64x128xf32, #tpu.memory_space<vmem>>, vector<1x16xf32>,
      %swap3A_119 = vector.shape_cast %swap3A_118 : vector<1x16xf32> to vector<16xf32>
      %swap3A_120 = vector.shape_cast %broadcast_in_dim3A_1 : vector<16xf32> to vector<1x16xf32>
      tpu.vector_store %arg5[%swap3A_116, %swap3A_117], %swap3A_120 {strides = array<i32>} : memref<64x128xf32, #tpu.memory_space<vmem>>, vector<1x16xf32>,
      %swap3A_121 = arith.index_cast %scan3A_105 : i32 to index
      %swap3A_122 = arith.constant 48 : index
      %swap3A_123 = tpu.vector_load %arg5[%swap3A_121, %swap3A_122] {strides = array<i32>} : memref<64x128xf32, #tpu.memory_space<vmem>>, vector<1x16xf32>,
      %swap3A_124 = vector.shape_cast %swap3A_123 : vector<1x16xf32> to vector<16xf32>
      %swap3A_125 = vector.shape_cast %broadcast_in_dim3A_1 : vector<16xf32> to vector<1x16xf32>
      tpu.vector_store %arg5[%swap3A_121, %swap3A_122], %swap3A_125 {strides = array<i32>} : memref<64x128xf32, #tpu.memory_space<vmem>>, vector<1x16xf32>,
      %swap3A_126 = arith.index_cast %scan3A_105 : i32 to index
      %swap3A_127 = arith.constant 64 : index
      %swap3A_128 = tpu.vector_load %arg5[%swap3A_126, %swap3A_127] {strides = array<i32>} : memref<64x128xf32, #tpu.memory_space<vmem>>, vector<1x16xf32>,
      %swap3A_129 = vector.shape_cast %swap3A_128 : vector<1x16xf32> to vector<16xf32>
      %swap3A_130 = vector.shape_cast %broadcast_in_dim3A_1 : vector<16xf32> to vector<1x16xf32>
      tpu.vector_store %arg5[%swap3A_126, %swap3A_127], %swap3A_130 {strides = array<i32>} : memref<64x128xf32, #tpu.memory_space<vmem>>, vector<1x16xf32>,
      %swap3A_131 = arith.index_cast %scan3A_105 : i32 to index
      %swap3A_132 = arith.constant 80 : index
      %swap3A_133 = tpu.vector_load %arg5[%swap3A_131, %swap3A_132] {strides = array<i32>} : memref<64x128xf32, #tpu.memory_space<vmem>>, vector<1x16xf32>,
      %swap3A_134 = vector.shape_cast %swap3A_133 : vector<1x16xf32> to vector<16xf32>
      %swap3A_135 = vector.shape_cast %broadcast_in_dim3A_1 : vector<16xf32> to vector<1x16xf32>
      tpu.vector_store %arg5[%swap3A_131, %swap3A_132], %swap3A_135 {strides = array<i32>} : memref<64x128xf32, #tpu.memory_space<vmem>>, vector<1x16xf32>,
      %swap3A_136 = arith.index_cast %scan3A_105 : i32 to index
      %swap3A_137 = arith.constant 96 : index
      %swap3A_138 = tpu.vector_load %arg5[%swap3A_136, %swap3A_137] {strides = array<i32>} : memref<64x128xf32, #tpu.memory_space<vmem>>, vector<1x16xf32>,
      %swap3A_139 = vector.shape_cast %swap3A_138 : vector<1x16xf32> to vector<16xf32>
      %swap3A_140 = vector.shape_cast %broadcast_in_dim3A_1 : vector<16xf32> to vector<1x16xf32>
      tpu.vector_store %arg5[%swap3A_136, %swap3A_137], %swap3A_140 {strides = array<i32>} : memref<64x128xf32, #tpu.memory_space<vmem>>, vector<1x16xf32>,
      %swap3A_141 = arith.index_cast %scan3A_105 : i32 to index
      %swap3A_142 = arith.constant 112 : index
      %swap3A_143 = tpu.vector_load %arg5[%swap3A_141, %swap3A_142] {strides = array<i32>} : memref<64x128xf32, #tpu.memory_space<vmem>>, vector<1x16xf32>,
      %swap3A_144 = vector.shape_cast %swap3A_143 : vector<1x16xf32> to vector<16xf32>
      %swap3A_145 = vector.shape_cast %broadcast_in_dim3A_1 : vector<16xf32> to vector<1x16xf32>
      tpu.vector_store %arg5[%swap3A_141, %swap3A_142], %swap3A_145 {strides = array<i32>} : memref<64x128xf32, #tpu.memory_space<vmem>>, vector<1x16xf32>,
      %scan3A_146 = arith.constant 0 : i32
      scf.yield %scan3A_146 : i32
    }
    %scan3A_7 = arith.constant 64 : i32
    %mul3A_8 = arith.constant 640 : i32
    %mul3A_9 = arith.muli %arg1, %mul3A_8 : i32
    %add3A_10 = arith.constant 0 : i32
    %add3A_11 = arith.addi %mul3A_9, %add3A_10 : i32
    "tpu.region"() ({
      %run_scoped3A = tpu.sem_alloc : memref<!tpu.dma_semaphore, #tpu.memory_space<semaphore_mem>>
      %dma_start3A = arith.constant 0 : i32
      %dma_start3A_105 = tpu.memref_slice %arg6[%add3A_11, %dma_start3A] : memref<10240x128xf32, #tpu.memory_space<vmem_shared>> -> memref<64x128xf32, #tpu.memory_space<vmem_shared>>
      %dma_start3A_106 = arith.constant 0 : i32
      %dma_start3A_107 = tpu.memref_slice %arg6[%add3A_11, %dma_start3A_106] : memref<10240x128xf32, #tpu.memory_space<vmem_shared>> -> memref<64x128xf32, #tpu.memory_space<vmem_shared>>
      tpu.enqueue_dma source(%arg5 : memref<64x128xf32, #tpu.memory_space<vmem>>) target(%dma_start3A_107 : memref<64x128xf32, #tpu.memory_space<vmem_shared>>) target_semaphore(%run_scoped3A : memref<!tpu.dma_semaphore, #tpu.memory_space<semaphore_mem>>)
      %dma_wait3A = arith.constant 0 : i32
      %dma_wait3A_108 = tpu.memref_slice %arg6[%add3A_11, %dma_wait3A] : memref<10240x128xf32, #tpu.memory_space<vmem_shared>> -> memref<64x128xf32, #tpu.memory_space<vmem_shared>>
      %dma_wait3A_109 = arith.constant 0 : i32
      %dma_wait3A_110 = tpu.memref_slice %arg6[%add3A_11, %dma_wait3A_109] : memref<10240x128xf32, #tpu.memory_space<vmem_shared>> -> memref<64x128xf32, #tpu.memory_space<vmem_shared>>
      tpu.wait_dma2 semaphore(%run_scoped3A : memref<!tpu.dma_semaphore, #tpu.memory_space<semaphore_mem>>) src(%arg5 : memref<64x128xf32, #tpu.memory_space<vmem>>) dst(%dma_wait3A_110 : memref<64x128xf32, #tpu.memory_space<vmem_shared>>)
      tpu.yield
    }) : () -> ()
    %mul3A_12 = arith.constant 640 : i32
    %mul3A_13 = arith.muli %arg1, %mul3A_12 : i32
    %add3A_14 = arith.constant 64 : i32
    %add3A_15 = arith.addi %mul3A_13, %add3A_14 : i32
    "tpu.region"() ({
      %run_scoped3A = tpu.sem_alloc : memref<!tpu.dma_semaphore, #tpu.memory_space<semaphore_mem>>
      %dma_start3A = arith.constant 0 : i32
      %dma_start3A_105 = tpu.memref_slice %arg6[%add3A_15, %dma_start3A] : memref<10240x128xf32, #tpu.memory_space<vmem_shared>> -> memref<64x128xf32, #tpu.memory_space<vmem_shared>>
      %dma_start3A_106 = arith.constant 0 : i32
      %dma_start3A_107 = tpu.memref_slice %arg6[%add3A_15, %dma_start3A_106] : memref<10240x128xf32, #tpu.memory_space<vmem_shared>> -> memref<64x128xf32, #tpu.memory_space<vmem_shared>>
      tpu.enqueue_dma source(%arg5 : memref<64x128xf32, #tpu.memory_space<vmem>>) target(%dma_start3A_107 : memref<64x128xf32, #tpu.memory_space<vmem_shared>>) target_semaphore(%run_scoped3A : memref<!tpu.dma_semaphore, #tpu.memory_space<semaphore_mem>>)
      %dma_wait3A = arith.constant 0 : i32
      %dma_wait3A_108 = tpu.memref_slice %arg6[%add3A_15, %dma_wait3A] : memref<10240x128xf32, #tpu.memory_space<vmem_shared>> -> memref<64x128xf32, #tpu.memory_space<vmem_shared>>
      %dma_wait3A_109 = arith.constant 0 : i32
      %dma_wait3A_110 = tpu.memref_slice %arg6[%add3A_15, %dma_wait3A_109] : memref<10240x128xf32, #tpu.memory_space<vmem_shared>> -> memref<64x128xf32, #tpu.memory_space<vmem_shared>>
      tpu.wait_dma2 semaphore(%run_scoped3A : memref<!tpu.dma_semaphore, #tpu.memory_space<semaphore_mem>>) src(%arg5 : memref<64x128xf32, #tpu.memory_space<vmem>>) dst(%dma_wait3A_110 : memref<64x128xf32, #tpu.memory_space<vmem_shared>>)
      tpu.yield
    }) : () -> ()
    %mul3A_16 = arith.constant 640 : i32
    %mul3A_17 = arith.muli %arg1, %mul3A_16 : i32
    %add3A_18 = arith.constant 128 : i32
    %add3A_19 = arith.addi %mul3A_17, %add3A_18 : i32
    "tpu.region"() ({
      %run_scoped3A = tpu.sem_alloc : memref<!tpu.dma_semaphore, #tpu.memory_space<semaphore_mem>>
      %dma_start3A = arith.constant 0 : i32
      %dma_start3A_105 = tpu.memref_slice %arg6[%add3A_19, %dma_start3A] : memref<10240x128xf32, #tpu.memory_space<vmem_shared>> -> memref<64x128xf32, #tpu.memory_space<vmem_shared>>
      %dma_start3A_106 = arith.constant 0 : i32
      %dma_start3A_107 = tpu.memref_slice %arg6[%add3A_19, %dma_start3A_106] : memref<10240x128xf32, #tpu.memory_space<vmem_shared>> -> memref<64x128xf32, #tpu.memory_space<vmem_shared>>
      tpu.enqueue_dma source(%arg5 : memref<64x128xf32, #tpu.memory_space<vmem>>) target(%dma_start3A_107 : memref<64x128xf32, #tpu.memory_space<vmem_shared>>) target_semaphore(%run_scoped3A : memref<!tpu.dma_semaphore, #tpu.memory_space<semaphore_mem>>)
      %dma_wait3A = arith.constant 0 : i32
      %dma_wait3A_108 = tpu.memref_slice %arg6[%add3A_19, %dma_wait3A] : memref<10240x128xf32, #tpu.memory_space<vmem_shared>> -> memref<64x128xf32, #tpu.memory_space<vmem_shared>>
      %dma_wait3A_109 = arith.constant 0 : i32
      %dma_wait3A_110 = tpu.memref_slice %arg6[%add3A_19, %dma_wait3A_109] : memref<10240x128xf32, #tpu.memory_space<vmem_shared>> -> memref<64x128xf32, #tpu.memory_space<vmem_shared>>
      tpu.wait_dma2 semaphore(%run_scoped3A : memref<!tpu.dma_semaphore, #tpu.memory_space<semaphore_mem>>) src(%arg5 : memref<64x128xf32, #tpu.memory_space<vmem>>) dst(%dma_wait3A_110 : memref<64x128xf32, #tpu.memory_space<vmem_shared>>)
      tpu.yield
    }) : () -> ()
    %mul3A_20 = arith.constant 640 : i32
    %mul3A_21 = arith.muli %arg1, %mul3A_20 : i32
    %add3A_22 = arith.constant 192 : i32
    %add3A_23 = arith.addi %mul3A_21, %add3A_22 : i32
    "tpu.region"() ({
      %run_scoped3A = tpu.sem_alloc : memref<!tpu.dma_semaphore, #tpu.memory_space<semaphore_mem>>
      %dma_start3A = arith.constant 0 : i32
      %dma_start3A_105 = tpu.memref_slice %arg6[%add3A_23, %dma_start3A] : memref<10240x128xf32, #tpu.memory_space<vmem_shared>> -> memref<64x128xf32, #tpu.memory_space<vmem_shared>>
      %dma_start3A_106 = arith.constant 0 : i32
      %dma_start3A_107 = tpu.memref_slice %arg6[%add3A_23, %dma_start3A_106] : memref<10240x128xf32, #tpu.memory_space<vmem_shared>> -> memref<64x128xf32, #tpu.memory_space<vmem_shared>>
      tpu.enqueue_dma source(%arg5 : memref<64x128xf32, #tpu.memory_space<vmem>>) target(%dma_start3A_107 : memref<64x128xf32, #tpu.memory_space<vmem_shared>>) target_semaphore(%run_scoped3A : memref<!tpu.dma_semaphore, #tpu.memory_space<semaphore_mem>>)
      %dma_wait3A = arith.constant 0 : i32
      %dma_wait3A_108 = tpu.memref_slice %arg6[%add3A_23, %dma_wait3A] : memref<10240x128xf32, #tpu.memory_space<vmem_shared>> -> memref<64x128xf32, #tpu.memory_space<vmem_shared>>
      %dma_wait3A_109 = arith.constant 0 : i32
      %dma_wait3A_110 = tpu.memref_slice %arg6[%add3A_23, %dma_wait3A_109] : memref<10240x128xf32, #tpu.memory_space<vmem_shared>> -> memref<64x128xf32, #tpu.memory_space<vmem_shared>>
      tpu.wait_dma2 semaphore(%run_scoped3A : memref<!tpu.dma_semaphore, #tpu.memory_space<semaphore_mem>>) src(%arg5 : memref<64x128xf32, #tpu.memory_space<vmem>>) dst(%dma_wait3A_110 : memref<64x128xf32, #tpu.memory_space<vmem_shared>>)
      tpu.yield
    }) : () -> ()
    %mul3A_24 = arith.constant 640 : i32
    %mul3A_25 = arith.muli %arg1, %mul3A_24 : i32
    %add3A_26 = arith.constant 256 : i32
    %add3A_27 = arith.addi %mul3A_25, %add3A_26 : i32
    "tpu.region"() ({
      %run_scoped3A = tpu.sem_alloc : memref<!tpu.dma_semaphore, #tpu.memory_space<semaphore_mem>>
      %dma_start3A = arith.constant 0 : i32
      %dma_start3A_105 = tpu.memref_slice %arg6[%add3A_27, %dma_start3A] : memref<10240x128xf32, #tpu.memory_space<vmem_shared>> -> memref<64x128xf32, #tpu.memory_space<vmem_shared>>
      %dma_start3A_106 = arith.constant 0 : i32
      %dma_start3A_107 = tpu.memref_slice %arg6[%add3A_27, %dma_start3A_106] : memref<10240x128xf32, #tpu.memory_space<vmem_shared>> -> memref<64x128xf32, #tpu.memory_space<vmem_shared>>
      tpu.enqueue_dma source(%arg5 : memref<64x128xf32, #tpu.memory_space<vmem>>) target(%dma_start3A_107 : memref<64x128xf32, #tpu.memory_space<vmem_shared>>) target_semaphore(%run_scoped3A : memref<!tpu.dma_semaphore, #tpu.memory_space<semaphore_mem>>)
      %dma_wait3A = arith.constant 0 : i32
      %dma_wait3A_108 = tpu.memref_slice %arg6[%add3A_27, %dma_wait3A] : memref<10240x128xf32, #tpu.memory_space<vmem_shared>> -> memref<64x128xf32, #tpu.memory_space<vmem_shared>>
      %dma_wait3A_109 = arith.constant 0 : i32
      %dma_wait3A_110 = tpu.memref_slice %arg6[%add3A_27, %dma_wait3A_109] : memref<10240x128xf32, #tpu.memory_space<vmem_shared>> -> memref<64x128xf32, #tpu.memory_space<vmem_shared>>
      tpu.wait_dma2 semaphore(%run_scoped3A : memref<!tpu.dma_semaphore, #tpu.memory_space<semaphore_mem>>) src(%arg5 : memref<64x128xf32, #tpu.memory_space<vmem>>) dst(%dma_wait3A_110 : memref<64x128xf32, #tpu.memory_space<vmem_shared>>)
      tpu.yield
    }) : () -> ()
    %mul3A_28 = arith.constant 640 : i32
    %mul3A_29 = arith.muli %arg1, %mul3A_28 : i32
    %add3A_30 = arith.constant 320 : i32
    %add3A_31 = arith.addi %mul3A_29, %add3A_30 : i32
    "tpu.region"() ({
      %run_scoped3A = tpu.sem_alloc : memref<!tpu.dma_semaphore, #tpu.memory_space<semaphore_mem>>
      %dma_start3A = arith.constant 0 : i32
      %dma_start3A_105 = tpu.memref_slice %arg6[%add3A_31, %dma_start3A] : memref<10240x128xf32, #tpu.memory_space<vmem_shared>> -> memref<64x128xf32, #tpu.memory_space<vmem_shared>>
      %dma_start3A_106 = arith.constant 0 : i32
      %dma_start3A_107 = tpu.memref_slice %arg6[%add3A_31, %dma_start3A_106] : memref<10240x128xf32, #tpu.memory_space<vmem_shared>> -> memref<64x128xf32, #tpu.memory_space<vmem_shared>>
      tpu.enqueue_dma source(%arg5 : memref<64x128xf32, #tpu.memory_space<vmem>>) target(%dma_start3A_107 : memref<64x128xf32, #tpu.memory_space<vmem_shared>>) target_semaphore(%run_scoped3A : memref<!tpu.dma_semaphore, #tpu.memory_space<semaphore_mem>>)
      %dma_wait3A = arith.constant 0 : i32
      %dma_wait3A_108 = tpu.memref_slice %arg6[%add3A_31, %dma_wait3A] : memref<10240x128xf32, #tpu.memory_space<vmem_shared>> -> memref<64x128xf32, #tpu.memory_space<vmem_shared>>
      %dma_wait3A_109 = arith.constant 0 : i32
      %dma_wait3A_110 = tpu.memref_slice %arg6[%add3A_31, %dma_wait3A_109] : memref<10240x128xf32, #tpu.memory_space<vmem_shared>> -> memref<64x128xf32, #tpu.memory_space<vmem_shared>>
      tpu.wait_dma2 semaphore(%run_scoped3A : memref<!tpu.dma_semaphore, #tpu.memory_space<semaphore_mem>>) src(%arg5 : memref<64x128xf32, #tpu.memory_space<vmem>>) dst(%dma_wait3A_110 : memref<64x128xf32, #tpu.memory_space<vmem_shared>>)
      tpu.yield
    }) : () -> ()
    %mul3A_32 = arith.constant 640 : i32
    %mul3A_33 = arith.muli %arg1, %mul3A_32 : i32
    %add3A_34 = arith.constant 384 : i32
    %add3A_35 = arith.addi %mul3A_33, %add3A_34 : i32
    "tpu.region"() ({
      %run_scoped3A = tpu.sem_alloc : memref<!tpu.dma_semaphore, #tpu.memory_space<semaphore_mem>>
      %dma_start3A = arith.constant 0 : i32
      %dma_start3A_105 = tpu.memref_slice %arg6[%add3A_35, %dma_start3A] : memref<10240x128xf32, #tpu.memory_space<vmem_shared>> -> memref<64x128xf32, #tpu.memory_space<vmem_shared>>
      %dma_start3A_106 = arith.constant 0 : i32
      %dma_start3A_107 = tpu.memref_slice %arg6[%add3A_35, %dma_start3A_106] : memref<10240x128xf32, #tpu.memory_space<vmem_shared>> -> memref<64x128xf32, #tpu.memory_space<vmem_shared>>
      tpu.enqueue_dma source(%arg5 : memref<64x128xf32, #tpu.memory_space<vmem>>) target(%dma_start3A_107 : memref<64x128xf32, #tpu.memory_space<vmem_shared>>) target_semaphore(%run_scoped3A : memref<!tpu.dma_semaphore, #tpu.memory_space<semaphore_mem>>)
      %dma_wait3A = arith.constant 0 : i32
      %dma_wait3A_108 = tpu.memref_slice %arg6[%add3A_35, %dma_wait3A] : memref<10240x128xf32, #tpu.memory_space<vmem_shared>> -> memref<64x128xf32, #tpu.memory_space<vmem_shared>>
      %dma_wait3A_109 = arith.constant 0 : i32
      %dma_wait3A_110 = tpu.memref_slice %arg6[%add3A_35, %dma_wait3A_109] : memref<10240x128xf32, #tpu.memory_space<vmem_shared>> -> memref<64x128xf32, #tpu.memory_space<vmem_shared>>
      tpu.wait_dma2 semaphore(%run_scoped3A : memref<!tpu.dma_semaphore, #tpu.memory_space<semaphore_mem>>) src(%arg5 : memref<64x128xf32, #tpu.memory_space<vmem>>) dst(%dma_wait3A_110 : memref<64x128xf32, #tpu.memory_space<vmem_shared>>)
      tpu.yield
    }) : () -> ()
    %mul3A_36 = arith.constant 640 : i32
    %mul3A_37 = arith.muli %arg1, %mul3A_36 : i32
    %add3A_38 = arith.constant 448 : i32
    %add3A_39 = arith.addi %mul3A_37, %add3A_38 : i32
    "tpu.region"() ({
      %run_scoped3A = tpu.sem_alloc : memref<!tpu.dma_semaphore, #tpu.memory_space<semaphore_mem>>
      %dma_start3A = arith.constant 0 : i32
      %dma_start3A_105 = tpu.memref_slice %arg6[%add3A_39, %dma_start3A] : memref<10240x128xf32, #tpu.memory_space<vmem_shared>> -> memref<64x128xf32, #tpu.memory_space<vmem_shared>>
      %dma_start3A_106 = arith.constant 0 : i32
      %dma_start3A_107 = tpu.memref_slice %arg6[%add3A_39, %dma_start3A_106] : memref<10240x128xf32, #tpu.memory_space<vmem_shared>> -> memref<64x128xf32, #tpu.memory_space<vmem_shared>>
      tpu.enqueue_dma source(%arg5 : memref<64x128xf32, #tpu.memory_space<vmem>>) target(%dma_start3A_107 : memref<64x128xf32, #tpu.memory_space<vmem_shared>>) target_semaphore(%run_scoped3A : memref<!tpu.dma_semaphore, #tpu.memory_space<semaphore_mem>>)
      %dma_wait3A = arith.constant 0 : i32
      %dma_wait3A_108 = tpu.memref_slice %arg6[%add3A_39, %dma_wait3A] : memref<10240x128xf32, #tpu.memory_space<vmem_shared>> -> memref<64x128xf32, #tpu.memory_space<vmem_shared>>
      %dma_wait3A_109 = arith.constant 0 : i32
      %dma_wait3A_110 = tpu.memref_slice %arg6[%add3A_39, %dma_wait3A_109] : memref<10240x128xf32, #tpu.memory_space<vmem_shared>> -> memref<64x128xf32, #tpu.memory_space<vmem_shared>>
      tpu.wait_dma2 semaphore(%run_scoped3A : memref<!tpu.dma_semaphore, #tpu.memory_space<semaphore_mem>>) src(%arg5 : memref<64x128xf32, #tpu.memory_space<vmem>>) dst(%dma_wait3A_110 : memref<64x128xf32, #tpu.memory_space<vmem_shared>>)
      tpu.yield
    }) : () -> ()
    %mul3A_40 = arith.constant 640 : i32
    %mul3A_41 = arith.muli %arg1, %mul3A_40 : i32
    %add3A_42 = arith.constant 512 : i32
    %add3A_43 = arith.addi %mul3A_41, %add3A_42 : i32
    "tpu.region"() ({
      %run_scoped3A = tpu.sem_alloc : memref<!tpu.dma_semaphore, #tpu.memory_space<semaphore_mem>>
      %dma_start3A = arith.constant 0 : i32
      %dma_start3A_105 = tpu.memref_slice %arg6[%add3A_43, %dma_start3A] : memref<10240x128xf32, #tpu.memory_space<vmem_shared>> -> memref<64x128xf32, #tpu.memory_space<vmem_shared>>
      %dma_start3A_106 = arith.constant 0 : i32
      %dma_start3A_107 = tpu.memref_slice %arg6[%add3A_43, %dma_start3A_106] : memref<10240x128xf32, #tpu.memory_space<vmem_shared>> -> memref<64x128xf32, #tpu.memory_space<vmem_shared>>
      tpu.enqueue_dma source(%arg5 : memref<64x128xf32, #tpu.memory_space<vmem>>) target(%dma_start3A_107 : memref<64x128xf32, #tpu.memory_space<vmem_shared>>) target_semaphore(%run_scoped3A : memref<!tpu.dma_semaphore, #tpu.memory_space<semaphore_mem>>)
      %dma_wait3A = arith.constant 0 : i32
      %dma_wait3A_108 = tpu.memref_slice %arg6[%add3A_43, %dma_wait3A] : memref<10240x128xf32, #tpu.memory_space<vmem_shared>> -> memref<64x128xf32, #tpu.memory_space<vmem_shared>>
      %dma_wait3A_109 = arith.constant 0 : i32
      %dma_wait3A_110 = tpu.memref_slice %arg6[%add3A_43, %dma_wait3A_109] : memref<10240x128xf32, #tpu.memory_space<vmem_shared>> -> memref<64x128xf32, #tpu.memory_space<vmem_shared>>
      tpu.wait_dma2 semaphore(%run_scoped3A : memref<!tpu.dma_semaphore, #tpu.memory_space<semaphore_mem>>) src(%arg5 : memref<64x128xf32, #tpu.memory_space<vmem>>) dst(%dma_wait3A_110 : memref<64x128xf32, #tpu.memory_space<vmem_shared>>)
      tpu.yield
    }) : () -> ()
    %mul3A_44 = arith.constant 640 : i32
    %mul3A_45 = arith.muli %arg1, %mul3A_44 : i32
    %add3A_46 = arith.constant 576 : i32
    %add3A_47 = arith.addi %mul3A_45, %add3A_46 : i32
    "tpu.region"() ({
      %run_scoped3A = tpu.sem_alloc : memref<!tpu.dma_semaphore, #tpu.memory_space<semaphore_mem>>
      %dma_start3A = arith.constant 0 : i32
      %dma_start3A_105 = tpu.memref_slice %arg6[%add3A_47, %dma_start3A] : memref<10240x128xf32, #tpu.memory_space<vmem_shared>> -> memref<64x128xf32, #tpu.memory_space<vmem_shared>>
      %dma_start3A_106 = arith.constant 0 : i32
      %dma_start3A_107 = tpu.memref_slice %arg6[%add3A_47, %dma_start3A_106] : memref<10240x128xf32, #tpu.memory_space<vmem_shared>> -> memref<64x128xf32, #tpu.memory_space<vmem_shared>>
      tpu.enqueue_dma source(%arg5 : memref<64x128xf32, #tpu.memory_space<vmem>>) target(%dma_start3A_107 : memref<64x128xf32, #tpu.memory_space<vmem_shared>>) target_semaphore(%run_scoped3A : memref<!tpu.dma_semaphore, #tpu.memory_space<semaphore_mem>>)
      %dma_wait3A = arith.constant 0 : i32
      %dma_wait3A_108 = tpu.memref_slice %arg6[%add3A_47, %dma_wait3A] : memref<10240x128xf32, #tpu.memory_space<vmem_shared>> -> memref<64x128xf32, #tpu.memory_space<vmem_shared>>
      %dma_wait3A_109 = arith.constant 0 : i32
      %dma_wait3A_110 = tpu.memref_slice %arg6[%add3A_47, %dma_wait3A_109] : memref<10240x128xf32, #tpu.memory_space<vmem_shared>> -> memref<64x128xf32, #tpu.memory_space<vmem_shared>>
      tpu.wait_dma2 semaphore(%run_scoped3A : memref<!tpu.dma_semaphore, #tpu.memory_space<semaphore_mem>>) src(%arg5 : memref<64x128xf32, #tpu.memory_space<vmem>>) dst(%dma_wait3A_110 : memref<64x128xf32, #tpu.memory_space<vmem_shared>>)
      tpu.yield
    }) : () -> ()
    %broadcast_in_dim3A_48 = arith.constant 1.000000e+00 : f32
    %broadcast_in_dim3A_49 = vector.broadcast %broadcast_in_dim3A_48 : f32 to vector<16xf32>
    %scan3A_50 = arith.constant 0 : i32
    %scan3A_51 = arith.constant 0 : i32
    %scan3A_52 = arith.constant 64 : i32
    %scan3A_53 = arith.addi %scan3A_51, %scan3A_52 : i32
    %scan3A_54 = arith.constant 1 : i32
    %scan3A_55 = scf.for %scan3A_105 = %scan3A_51 to %scan3A_53 step %scan3A_54 iter_args(%scan3A_106 = %scan3A_50) -> (i32)  : i32 {
      %swap3A = arith.index_cast %scan3A_105 : i32 to index
      %swap3A_107 = arith.constant 0 : index
      %swap3A_108 = tpu.vector_load %arg5[%swap3A, %swap3A_107] {strides = array<i32>} : memref<64x128xf32, #tpu.memory_space<vmem>>, vector<1x16xf32>,
      %swap3A_109 = vector.shape_cast %swap3A_108 : vector<1x16xf32> to vector<16xf32>
      %swap3A_110 = vector.shape_cast %broadcast_in_dim3A_49 : vector<16xf32> to vector<1x16xf32>
      tpu.vector_store %arg5[%swap3A, %swap3A_107], %swap3A_110 {strides = array<i32>} : memref<64x128xf32, #tpu.memory_space<vmem>>, vector<1x16xf32>,
      %swap3A_111 = arith.index_cast %scan3A_105 : i32 to index
      %swap3A_112 = arith.constant 16 : index
      %swap3A_113 = tpu.vector_load %arg5[%swap3A_111, %swap3A_112] {strides = array<i32>} : memref<64x128xf32, #tpu.memory_space<vmem>>, vector<1x16xf32>,
      %swap3A_114 = vector.shape_cast %swap3A_113 : vector<1x16xf32> to vector<16xf32>
      %swap3A_115 = vector.shape_cast %broadcast_in_dim3A_49 : vector<16xf32> to vector<1x16xf32>
      tpu.vector_store %arg5[%swap3A_111, %swap3A_112], %swap3A_115 {strides = array<i32>} : memref<64x128xf32, #tpu.memory_space<vmem>>, vector<1x16xf32>,
      %swap3A_116 = arith.index_cast %scan3A_105 : i32 to index
      %swap3A_117 = arith.constant 32 : index
      %swap3A_118 = tpu.vector_load %arg5[%swap3A_116, %swap3A_117] {strides = array<i32>} : memref<64x128xf32, #tpu.memory_space<vmem>>, vector<1x16xf32>,
      %swap3A_119 = vector.shape_cast %swap3A_118 : vector<1x16xf32> to vector<16xf32>
      %swap3A_120 = vector.shape_cast %broadcast_in_dim3A_49 : vector<16xf32> to vector<1x16xf32>
      tpu.vector_store %arg5[%swap3A_116, %swap3A_117], %swap3A_120 {strides = array<i32>} : memref<64x128xf32, #tpu.memory_space<vmem>>, vector<1x16xf32>,
      %swap3A_121 = arith.index_cast %scan3A_105 : i32 to index
      %swap3A_122 = arith.constant 48 : index
      %swap3A_123 = tpu.vector_load %arg5[%swap3A_121, %swap3A_122] {strides = array<i32>} : memref<64x128xf32, #tpu.memory_space<vmem>>, vector<1x16xf32>,
      %swap3A_124 = vector.shape_cast %swap3A_123 : vector<1x16xf32> to vector<16xf32>
      %swap3A_125 = vector.shape_cast %broadcast_in_dim3A_49 : vector<16xf32> to vector<1x16xf32>
      tpu.vector_store %arg5[%swap3A_121, %swap3A_122], %swap3A_125 {strides = array<i32>} : memref<64x128xf32, #tpu.memory_space<vmem>>, vector<1x16xf32>,
      %swap3A_126 = arith.index_cast %scan3A_105 : i32 to index
      %swap3A_127 = arith.constant 64 : index
      %swap3A_128 = tpu.vector_load %arg5[%swap3A_126, %swap3A_127] {strides = array<i32>} : memref<64x128xf32, #tpu.memory_space<vmem>>, vector<1x16xf32>,
      %swap3A_129 = vector.shape_cast %swap3A_128 : vector<1x16xf32> to vector<16xf32>
      %swap3A_130 = vector.shape_cast %broadcast_in_dim3A_49 : vector<16xf32> to vector<1x16xf32>
      tpu.vector_store %arg5[%swap3A_126, %swap3A_127], %swap3A_130 {strides = array<i32>} : memref<64x128xf32, #tpu.memory_space<vmem>>, vector<1x16xf32>,
      %swap3A_131 = arith.index_cast %scan3A_105 : i32 to index
      %swap3A_132 = arith.constant 80 : index
      %swap3A_133 = tpu.vector_load %arg5[%swap3A_131, %swap3A_132] {strides = array<i32>} : memref<64x128xf32, #tpu.memory_space<vmem>>, vector<1x16xf32>,
      %swap3A_134 = vector.shape_cast %swap3A_133 : vector<1x16xf32> to vector<16xf32>
      %swap3A_135 = vector.shape_cast %broadcast_in_dim3A_49 : vector<16xf32> to vector<1x16xf32>
      tpu.vector_store %arg5[%swap3A_131, %swap3A_132], %swap3A_135 {strides = array<i32>} : memref<64x128xf32, #tpu.memory_space<vmem>>, vector<1x16xf32>,
      %swap3A_136 = arith.index_cast %scan3A_105 : i32 to index
      %swap3A_137 = arith.constant 96 : index
      %swap3A_138 = tpu.vector_load %arg5[%swap3A_136, %swap3A_137] {strides = array<i32>} : memref<64x128xf32, #tpu.memory_space<vmem>>, vector<1x16xf32>,
      %swap3A_139 = vector.shape_cast %swap3A_138 : vector<1x16xf32> to vector<16xf32>
      %swap3A_140 = vector.shape_cast %broadcast_in_dim3A_49 : vector<16xf32> to vector<1x16xf32>
      tpu.vector_store %arg5[%swap3A_136, %swap3A_137], %swap3A_140 {strides = array<i32>} : memref<64x128xf32, #tpu.memory_space<vmem>>, vector<1x16xf32>,
      %swap3A_141 = arith.index_cast %scan3A_105 : i32 to index
      %swap3A_142 = arith.constant 112 : index
      %swap3A_143 = tpu.vector_load %arg5[%swap3A_141, %swap3A_142] {strides = array<i32>} : memref<64x128xf32, #tpu.memory_space<vmem>>, vector<1x16xf32>,
      %swap3A_144 = vector.shape_cast %swap3A_143 : vector<1x16xf32> to vector<16xf32>
      %swap3A_145 = vector.shape_cast %broadcast_in_dim3A_49 : vector<16xf32> to vector<1x16xf32>
      tpu.vector_store %arg5[%swap3A_141, %swap3A_142], %swap3A_145 {strides = array<i32>} : memref<64x128xf32, #tpu.memory_space<vmem>>, vector<1x16xf32>,
      %scan3A_146 = arith.constant 0 : i32
      scf.yield %scan3A_146 : i32
    }
    %scan3A_56 = arith.constant 64 : i32
    %barrier3A = arith.constant 0 : index
    tpu.barrier barrier_id(%barrier3A)
    "tpu.region"() ({
      %run_scoped3A = tpu.sem_alloc : memref<!tpu.dma_semaphore, #tpu.memory_space<semaphore_mem>>
      %dma_start3A = arith.constant 0 : i32
      %dma_start3A_105 = arith.constant 0 : i32
      %dma_start3A_106 = tpu.memref_slice %arg2[%add3A, %dma_start3A, %dma_start3A_105] : memref<32x80x64xi32, #tpu.memory_space<hbm>> -> memref<1x80x64xi32, #tpu.memory_space<hbm>>
      %dma_start3A_107 = tpu.memref_squeeze %dma_start3A_106 : memref<1x80x64xi32, #tpu.memory_space<hbm>> -> memref<80x64xi32, #tpu.memory_space<hbm>>
      %dma_start3A_108 = arith.constant 0 : i32
      %dma_start3A_109 = arith.constant 0 : i32
      %dma_start3A_110 = tpu.memref_slice %arg2[%add3A, %dma_start3A_108, %dma_start3A_109] : memref<32x80x64xi32, #tpu.memory_space<hbm>> -> memref<1x80x64xi32, #tpu.memory_space<hbm>>
      %dma_start3A_111 = tpu.memref_squeeze %dma_start3A_110 : memref<1x80x64xi32, #tpu.memory_space<hbm>> -> memref<80x64xi32, #tpu.memory_space<hbm>>
      tpu.enqueue_dma source(%dma_start3A_111 : memref<80x64xi32, #tpu.memory_space<hbm>>) target(%arg4 : memref<80x64xi32, #tpu.memory_space<vmem>>) target_semaphore(%run_scoped3A : memref<!tpu.dma_semaphore, #tpu.memory_space<semaphore_mem>>)
      %dma_wait3A = arith.constant 0 : i32
      %dma_wait3A_112 = arith.constant 0 : i32
      %dma_wait3A_113 = tpu.memref_slice %arg2[%add3A, %dma_wait3A, %dma_wait3A_112] : memref<32x80x64xi32, #tpu.memory_space<hbm>> -> memref<1x80x64xi32, #tpu.memory_space<hbm>>
      %dma_wait3A_114 = tpu.memref_squeeze %dma_wait3A_113 : memref<1x80x64xi32, #tpu.memory_space<hbm>> -> memref<80x64xi32, #tpu.memory_space<hbm>>
      %dma_wait3A_115 = arith.constant 0 : i32
      %dma_wait3A_116 = arith.constant 0 : i32
      %dma_wait3A_117 = tpu.memref_slice %arg2[%add3A, %dma_wait3A_115, %dma_wait3A_116] : memref<32x80x64xi32, #tpu.memory_space<hbm>> -> memref<1x80x64xi32, #tpu.memory_space<hbm>>
      %dma_wait3A_118 = tpu.memref_squeeze %dma_wait3A_117 : memref<1x80x64xi32, #tpu.memory_space<hbm>> -> memref<80x64xi32, #tpu.memory_space<hbm>>
      tpu.wait_dma2 semaphore(%run_scoped3A : memref<!tpu.dma_semaphore, #tpu.memory_space<semaphore_mem>>) src(%dma_wait3A_118 : memref<80x64xi32, #tpu.memory_space<hbm>>) dst(%arg4 : memref<80x64xi32, #tpu.memory_space<vmem>>)
      tpu.yield
    }) : () -> ()
    %scan3A_57 = arith.constant 0 : i32
    %scan3A_58 = arith.constant 0 : i32
    %scan3A_59 = arith.constant 80 : i32
    %scan3A_60 = arith.addi %scan3A_58, %scan3A_59 : i32
    %scan3A_61 = arith.constant 1 : i32
    %scan3A_62 = scf.for %scan3A_105 = %scan3A_58 to %scan3A_60 step %scan3A_61 iter_args(%scan3A_106 = %scan3A_57) -> (i32)  : i32 {
      "tpu.region"() ({
        %run_scoped3A = tpu.sem_alloc : memref<!tpu.dma_semaphore, #tpu.memory_space<semaphore_mem>>
        %dma_start3A = arith.constant 0 : i32
        %dma_start3A_108 = tpu.memref_slice %arg4[%scan3A_105, %dma_start3A] : memref<80x64xi32, #tpu.memory_space<vmem>> -> memref<1x64xi32, #tpu.memory_space<vmem>>
        %dma_start3A_109 = tpu.memref_squeeze %dma_start3A_108 : memref<1x64xi32, #tpu.memory_space<vmem>> -> memref<64xi32, #tpu.memory_space<vmem>>
        %dma_start3A_110 = arith.constant 0 : i32
        %dma_start3A_111 = arith.constant 0 : i32
        %dma_start3A_112 = tpu.memref_slice %arg6[%dma_start3A_110, %dma_start3A_111] : memref<10240x128xf32, #tpu.memory_space<vmem_shared>> -> memref<10240x128xf32, #tpu.memory_space<vmem_shared>>
        tpu.enqueue_indirect_dma source(%arg5 : memref<64x128xf32, #tpu.memory_space<vmem>>) target(%dma_start3A_112 : memref<10240x128xf32, #tpu.memory_space<vmem_shared>>) offsets(%dma_start3A_109 : memref<64xi32, #tpu.memory_space<vmem>>) semaphore(%run_scoped3A : memref<!tpu.dma_semaphore, #tpu.memory_space<semaphore_mem>>) {add = true}
        %dma_wait3A = arith.constant 0 : i32
        %dma_wait3A_113 = tpu.memref_slice %arg4[%scan3A_105, %dma_wait3A] : memref<80x64xi32, #tpu.memory_space<vmem>> -> memref<1x64xi32, #tpu.memory_space<vmem>>
        %dma_wait3A_114 = tpu.memref_squeeze %dma_wait3A_113 : memref<1x64xi32, #tpu.memory_space<vmem>> -> memref<64xi32, #tpu.memory_space<vmem>>
        %dma_wait3A_115 = arith.constant 0 : i32
        %dma_wait3A_116 = arith.constant 0 : i32
        %dma_wait3A_117 = tpu.memref_slice %arg6[%dma_wait3A_115, %dma_wait3A_116] : memref<10240x128xf32, #tpu.memory_space<vmem_shared>> -> memref<10240x128xf32, #tpu.memory_space<vmem_shared>>
        tpu.wait_indirect_dma semaphore(%run_scoped3A : memref<!tpu.dma_semaphore, #tpu.memory_space<semaphore_mem>>) src(%arg5 : memref<64x128xf32, #tpu.memory_space<vmem>>) dst(%dma_wait3A_117 : memref<10240x128xf32, #tpu.memory_space<vmem_shared>>)
        tpu.yield
      }) : () -> ()
      %scan3A_107 = arith.constant 0 : i32
      scf.yield %scan3A_107 : i32
    }
    %scan3A_63 = arith.constant 80 : i32
    %barrier3A_64 = arith.constant 0 : index
    tpu.barrier barrier_id(%barrier3A_64)
    %mul3A_65 = arith.constant 640 : i32
    %mul3A_66 = arith.muli %arg1, %mul3A_65 : i32
    %add3A_67 = arith.constant 0 : i32
    %add3A_68 = arith.addi %mul3A_66, %add3A_67 : i32
    "tpu.region"() ({
      %run_scoped3A = tpu.sem_alloc : memref<!tpu.dma_semaphore, #tpu.memory_space<semaphore_mem>>
      %dma_start3A = arith.constant 0 : i32
      %dma_start3A_105 = tpu.memref_slice %arg3[%arg0, %add3A_68, %dma_start3A] : memref<2x10240x128xf32, #tpu.memory_space<hbm>> -> memref<1x64x128xf32, #tpu.memory_space<hbm>>
      %dma_start3A_106 = tpu.memref_squeeze %dma_start3A_105 : memref<1x64x128xf32, #tpu.memory_space<hbm>> -> memref<64x128xf32, #tpu.memory_space<hbm>>
      %dma_start3A_107 = arith.constant 0 : i32
      %dma_start3A_108 = tpu.memref_slice %arg6[%add3A_68, %dma_start3A_107] : memref<10240x128xf32, #tpu.memory_space<vmem_shared>> -> memref<64x128xf32, #tpu.memory_space<vmem_shared>>
      tpu.enqueue_dma source(%dma_start3A_108 : memref<64x128xf32, #tpu.memory_space<vmem_shared>>) target(%dma_start3A_106 : memref<64x128xf32, #tpu.memory_space<hbm>>) target_semaphore(%run_scoped3A : memref<!tpu.dma_semaphore, #tpu.memory_space<semaphore_mem>>)
      %dma_wait3A = arith.constant 0 : i32
      %dma_wait3A_109 = tpu.memref_slice %arg3[%arg0, %add3A_68, %dma_wait3A] : memref<2x10240x128xf32, #tpu.memory_space<hbm>> -> memref<1x64x128xf32, #tpu.memory_space<hbm>>
      %dma_wait3A_110 = tpu.memref_squeeze %dma_wait3A_109 : memref<1x64x128xf32, #tpu.memory_space<hbm>> -> memref<64x128xf32, #tpu.memory_space<hbm>>
      %dma_wait3A_111 = arith.constant 0 : i32
      %dma_wait3A_112 = tpu.memref_slice %arg6[%add3A_68, %dma_wait3A_111] : memref<10240x128xf32, #tpu.memory_space<vmem_shared>> -> memref<64x128xf32, #tpu.memory_space<vmem_shared>>
      tpu.wait_dma2 semaphore(%run_scoped3A : memref<!tpu.dma_semaphore, #tpu.memory_space<semaphore_mem>>) src(%dma_wait3A_112 : memref<64x128xf32, #tpu.memory_space<vmem_shared>>) dst(%dma_wait3A_110 : memref<64x128xf32, #tpu.memory_space<hbm>>)
      tpu.yield
    }) : () -> ()
    %mul3A_69 = arith.constant 640 : i32
    %mul3A_70 = arith.muli %arg1, %mul3A_69 : i32
    %add3A_71 = arith.constant 64 : i32
    %add3A_72 = arith.addi %mul3A_70, %add3A_71 : i32
    "tpu.region"() ({
      %run_scoped3A = tpu.sem_alloc : memref<!tpu.dma_semaphore, #tpu.memory_space<semaphore_mem>>
      %dma_start3A = arith.constant 0 : i32
      %dma_start3A_105 = tpu.memref_slice %arg3[%arg0, %add3A_72, %dma_start3A] : memref<2x10240x128xf32, #tpu.memory_space<hbm>> -> memref<1x64x128xf32, #tpu.memory_space<hbm>>
      %dma_start3A_106 = tpu.memref_squeeze %dma_start3A_105 : memref<1x64x128xf32, #tpu.memory_space<hbm>> -> memref<64x128xf32, #tpu.memory_space<hbm>>
      %dma_start3A_107 = arith.constant 0 : i32
      %dma_start3A_108 = tpu.memref_slice %arg6[%add3A_72, %dma_start3A_107] : memref<10240x128xf32, #tpu.memory_space<vmem_shared>> -> memref<64x128xf32, #tpu.memory_space<vmem_shared>>
      tpu.enqueue_dma source(%dma_start3A_108 : memref<64x128xf32, #tpu.memory_space<vmem_shared>>) target(%dma_start3A_106 : memref<64x128xf32, #tpu.memory_space<hbm>>) target_semaphore(%run_scoped3A : memref<!tpu.dma_semaphore, #tpu.memory_space<semaphore_mem>>)
      %dma_wait3A = arith.constant 0 : i32
      %dma_wait3A_109 = tpu.memref_slice %arg3[%arg0, %add3A_72, %dma_wait3A] : memref<2x10240x128xf32, #tpu.memory_space<hbm>> -> memref<1x64x128xf32, #tpu.memory_space<hbm>>
      %dma_wait3A_110 = tpu.memref_squeeze %dma_wait3A_109 : memref<1x64x128xf32, #tpu.memory_space<hbm>> -> memref<64x128xf32, #tpu.memory_space<hbm>>
      %dma_wait3A_111 = arith.constant 0 : i32
      %dma_wait3A_112 = tpu.memref_slice %arg6[%add3A_72, %dma_wait3A_111] : memref<10240x128xf32, #tpu.memory_space<vmem_shared>> -> memref<64x128xf32, #tpu.memory_space<vmem_shared>>
      tpu.wait_dma2 semaphore(%run_scoped3A : memref<!tpu.dma_semaphore, #tpu.memory_space<semaphore_mem>>) src(%dma_wait3A_112 : memref<64x128xf32, #tpu.memory_space<vmem_shared>>) dst(%dma_wait3A_110 : memref<64x128xf32, #tpu.memory_space<hbm>>)
      tpu.yield
    }) : () -> ()
    %mul3A_73 = arith.constant 640 : i32
    %mul3A_74 = arith.muli %arg1, %mul3A_73 : i32
    %add3A_75 = arith.constant 128 : i32
    %add3A_76 = arith.addi %mul3A_74, %add3A_75 : i32
    "tpu.region"() ({
      %run_scoped3A = tpu.sem_alloc : memref<!tpu.dma_semaphore, #tpu.memory_space<semaphore_mem>>
      %dma_start3A = arith.constant 0 : i32
      %dma_start3A_105 = tpu.memref_slice %arg3[%arg0, %add3A_76, %dma_start3A] : memref<2x10240x128xf32, #tpu.memory_space<hbm>> -> memref<1x64x128xf32, #tpu.memory_space<hbm>>
      %dma_start3A_106 = tpu.memref_squeeze %dma_start3A_105 : memref<1x64x128xf32, #tpu.memory_space<hbm>> -> memref<64x128xf32, #tpu.memory_space<hbm>>
      %dma_start3A_107 = arith.constant 0 : i32
      %dma_start3A_108 = tpu.memref_slice %arg6[%add3A_76, %dma_start3A_107] : memref<10240x128xf32, #tpu.memory_space<vmem_shared>> -> memref<64x128xf32, #tpu.memory_space<vmem_shared>>
      tpu.enqueue_dma source(%dma_start3A_108 : memref<64x128xf32, #tpu.memory_space<vmem_shared>>) target(%dma_start3A_106 : memref<64x128xf32, #tpu.memory_space<hbm>>) target_semaphore(%run_scoped3A : memref<!tpu.dma_semaphore, #tpu.memory_space<semaphore_mem>>)
      %dma_wait3A = arith.constant 0 : i32
      %dma_wait3A_109 = tpu.memref_slice %arg3[%arg0, %add3A_76, %dma_wait3A] : memref<2x10240x128xf32, #tpu.memory_space<hbm>> -> memref<1x64x128xf32, #tpu.memory_space<hbm>>
      %dma_wait3A_110 = tpu.memref_squeeze %dma_wait3A_109 : memref<1x64x128xf32, #tpu.memory_space<hbm>> -> memref<64x128xf32, #tpu.memory_space<hbm>>
      %dma_wait3A_111 = arith.constant 0 : i32
      %dma_wait3A_112 = tpu.memref_slice %arg6[%add3A_76, %dma_wait3A_111] : memref<10240x128xf32, #tpu.memory_space<vmem_shared>> -> memref<64x128xf32, #tpu.memory_space<vmem_shared>>
      tpu.wait_dma2 semaphore(%run_scoped3A : memref<!tpu.dma_semaphore, #tpu.memory_space<semaphore_mem>>) src(%dma_wait3A_112 : memref<64x128xf32, #tpu.memory_space<vmem_shared>>) dst(%dma_wait3A_110 : memref<64x128xf32, #tpu.memory_space<hbm>>)
      tpu.yield
    }) : () -> ()
    %mul3A_77 = arith.constant 640 : i32
    %mul3A_78 = arith.muli %arg1, %mul3A_77 : i32
    %add3A_79 = arith.constant 192 : i32
    %add3A_80 = arith.addi %mul3A_78, %add3A_79 : i32
    "tpu.region"() ({
      %run_scoped3A = tpu.sem_alloc : memref<!tpu.dma_semaphore, #tpu.memory_space<semaphore_mem>>
      %dma_start3A = arith.constant 0 : i32
      %dma_start3A_105 = tpu.memref_slice %arg3[%arg0, %add3A_80, %dma_start3A] : memref<2x10240x128xf32, #tpu.memory_space<hbm>> -> memref<1x64x128xf32, #tpu.memory_space<hbm>>
      %dma_start3A_106 = tpu.memref_squeeze %dma_start3A_105 : memref<1x64x128xf32, #tpu.memory_space<hbm>> -> memref<64x128xf32, #tpu.memory_space<hbm>>
      %dma_start3A_107 = arith.constant 0 : i32
      %dma_start3A_108 = tpu.memref_slice %arg6[%add3A_80, %dma_start3A_107] : memref<10240x128xf32, #tpu.memory_space<vmem_shared>> -> memref<64x128xf32, #tpu.memory_space<vmem_shared>>
      tpu.enqueue_dma source(%dma_start3A_108 : memref<64x128xf32, #tpu.memory_space<vmem_shared>>) target(%dma_start3A_106 : memref<64x128xf32, #tpu.memory_space<hbm>>) target_semaphore(%run_scoped3A : memref<!tpu.dma_semaphore, #tpu.memory_space<semaphore_mem>>)
      %dma_wait3A = arith.constant 0 : i32
      %dma_wait3A_109 = tpu.memref_slice %arg3[%arg0, %add3A_80, %dma_wait3A] : memref<2x10240x128xf32, #tpu.memory_space<hbm>> -> memref<1x64x128xf32, #tpu.memory_space<hbm>>
      %dma_wait3A_110 = tpu.memref_squeeze %dma_wait3A_109 : memref<1x64x128xf32, #tpu.memory_space<hbm>> -> memref<64x128xf32, #tpu.memory_space<hbm>>
      %dma_wait3A_111 = arith.constant 0 : i32
      %dma_wait3A_112 = tpu.memref_slice %arg6[%add3A_80, %dma_wait3A_111] : memref<10240x128xf32, #tpu.memory_space<vmem_shared>> -> memref<64x128xf32, #tpu.memory_space<vmem_shared>>
      tpu.wait_dma2 semaphore(%run_scoped3A : memref<!tpu.dma_semaphore, #tpu.memory_space<semaphore_mem>>) src(%dma_wait3A_112 : memref<64x128xf32, #tpu.memory_space<vmem_shared>>) dst(%dma_wait3A_110 : memref<64x128xf32, #tpu.memory_space<hbm>>)
      tpu.yield
    }) : () -> ()
    %mul3A_81 = arith.constant 640 : i32
    %mul3A_82 = arith.muli %arg1, %mul3A_81 : i32
    %add3A_83 = arith.constant 256 : i32
    %add3A_84 = arith.addi %mul3A_82, %add3A_83 : i32
    "tpu.region"() ({
      %run_scoped3A = tpu.sem_alloc : memref<!tpu.dma_semaphore, #tpu.memory_space<semaphore_mem>>
      %dma_start3A = arith.constant 0 : i32
      %dma_start3A_105 = tpu.memref_slice %arg3[%arg0, %add3A_84, %dma_start3A] : memref<2x10240x128xf32, #tpu.memory_space<hbm>> -> memref<1x64x128xf32, #tpu.memory_space<hbm>>
      %dma_start3A_106 = tpu.memref_squeeze %dma_start3A_105 : memref<1x64x128xf32, #tpu.memory_space<hbm>> -> memref<64x128xf32, #tpu.memory_space<hbm>>
      %dma_start3A_107 = arith.constant 0 : i32
      %dma_start3A_108 = tpu.memref_slice %arg6[%add3A_84, %dma_start3A_107] : memref<10240x128xf32, #tpu.memory_space<vmem_shared>> -> memref<64x128xf32, #tpu.memory_space<vmem_shared>>
      tpu.enqueue_dma source(%dma_start3A_108 : memref<64x128xf32, #tpu.memory_space<vmem_shared>>) target(%dma_start3A_106 : memref<64x128xf32, #tpu.memory_space<hbm>>) target_semaphore(%run_scoped3A : memref<!tpu.dma_semaphore, #tpu.memory_space<semaphore_mem>>)
      %dma_wait3A = arith.constant 0 : i32
      %dma_wait3A_109 = tpu.memref_slice %arg3[%arg0, %add3A_84, %dma_wait3A] : memref<2x10240x128xf32, #tpu.memory_space<hbm>> -> memref<1x64x128xf32, #tpu.memory_space<hbm>>
      %dma_wait3A_110 = tpu.memref_squeeze %dma_wait3A_109 : memref<1x64x128xf32, #tpu.memory_space<hbm>> -> memref<64x128xf32, #tpu.memory_space<hbm>>
      %dma_wait3A_111 = arith.constant 0 : i32
      %dma_wait3A_112 = tpu.memref_slice %arg6[%add3A_84, %dma_wait3A_111] : memref<10240x128xf32, #tpu.memory_space<vmem_shared>> -> memref<64x128xf32, #tpu.memory_space<vmem_shared>>
      tpu.wait_dma2 semaphore(%run_scoped3A : memref<!tpu.dma_semaphore, #tpu.memory_space<semaphore_mem>>) src(%dma_wait3A_112 : memref<64x128xf32, #tpu.memory_space<vmem_shared>>) dst(%dma_wait3A_110 : memref<64x128xf32, #tpu.memory_space<hbm>>)
      tpu.yield
    }) : () -> ()
    %mul3A_85 = arith.constant 640 : i32
    %mul3A_86 = arith.muli %arg1, %mul3A_85 : i32
    %add3A_87 = arith.constant 320 : i32
    %add3A_88 = arith.addi %mul3A_86, %add3A_87 : i32
    "tpu.region"() ({
      %run_scoped3A = tpu.sem_alloc : memref<!tpu.dma_semaphore, #tpu.memory_space<semaphore_mem>>
      %dma_start3A = arith.constant 0 : i32
      %dma_start3A_105 = tpu.memref_slice %arg3[%arg0, %add3A_88, %dma_start3A] : memref<2x10240x128xf32, #tpu.memory_space<hbm>> -> memref<1x64x128xf32, #tpu.memory_space<hbm>>
      %dma_start3A_106 = tpu.memref_squeeze %dma_start3A_105 : memref<1x64x128xf32, #tpu.memory_space<hbm>> -> memref<64x128xf32, #tpu.memory_space<hbm>>
      %dma_start3A_107 = arith.constant 0 : i32
      %dma_start3A_108 = tpu.memref_slice %arg6[%add3A_88, %dma_start3A_107] : memref<10240x128xf32, #tpu.memory_space<vmem_shared>> -> memref<64x128xf32, #tpu.memory_space<vmem_shared>>
      tpu.enqueue_dma source(%dma_start3A_108 : memref<64x128xf32, #tpu.memory_space<vmem_shared>>) target(%dma_start3A_106 : memref<64x128xf32, #tpu.memory_space<hbm>>) target_semaphore(%run_scoped3A : memref<!tpu.dma_semaphore, #tpu.memory_space<semaphore_mem>>)
      %dma_wait3A = arith.constant 0 : i32
      %dma_wait3A_109 = tpu.memref_slice %arg3[%arg0, %add3A_88, %dma_wait3A] : memref<2x10240x128xf32, #tpu.memory_space<hbm>> -> memref<1x64x128xf32, #tpu.memory_space<hbm>>
      %dma_wait3A_110 = tpu.memref_squeeze %dma_wait3A_109 : memref<1x64x128xf32, #tpu.memory_space<hbm>> -> memref<64x128xf32, #tpu.memory_space<hbm>>
      %dma_wait3A_111 = arith.constant 0 : i32
      %dma_wait3A_112 = tpu.memref_slice %arg6[%add3A_88, %dma_wait3A_111] : memref<10240x128xf32, #tpu.memory_space<vmem_shared>> -> memref<64x128xf32, #tpu.memory_space<vmem_shared>>
      tpu.wait_dma2 semaphore(%run_scoped3A : memref<!tpu.dma_semaphore, #tpu.memory_space<semaphore_mem>>) src(%dma_wait3A_112 : memref<64x128xf32, #tpu.memory_space<vmem_shared>>) dst(%dma_wait3A_110 : memref<64x128xf32, #tpu.memory_space<hbm>>)
      tpu.yield
    }) : () -> ()
    %mul3A_89 = arith.constant 640 : i32
    %mul3A_90 = arith.muli %arg1, %mul3A_89 : i32
    %add3A_91 = arith.constant 384 : i32
    %add3A_92 = arith.addi %mul3A_90, %add3A_91 : i32
    "tpu.region"() ({
      %run_scoped3A = tpu.sem_alloc : memref<!tpu.dma_semaphore, #tpu.memory_space<semaphore_mem>>
      %dma_start3A = arith.constant 0 : i32
      %dma_start3A_105 = tpu.memref_slice %arg3[%arg0, %add3A_92, %dma_start3A] : memref<2x10240x128xf32, #tpu.memory_space<hbm>> -> memref<1x64x128xf32, #tpu.memory_space<hbm>>
      %dma_start3A_106 = tpu.memref_squeeze %dma_start3A_105 : memref<1x64x128xf32, #tpu.memory_space<hbm>> -> memref<64x128xf32, #tpu.memory_space<hbm>>
      %dma_start3A_107 = arith.constant 0 : i32
      %dma_start3A_108 = tpu.memref_slice %arg6[%add3A_92, %dma_start3A_107] : memref<10240x128xf32, #tpu.memory_space<vmem_shared>> -> memref<64x128xf32, #tpu.memory_space<vmem_shared>>
      tpu.enqueue_dma source(%dma_start3A_108 : memref<64x128xf32, #tpu.memory_space<vmem_shared>>) target(%dma_start3A_106 : memref<64x128xf32, #tpu.memory_space<hbm>>) target_semaphore(%run_scoped3A : memref<!tpu.dma_semaphore, #tpu.memory_space<semaphore_mem>>)
      %dma_wait3A = arith.constant 0 : i32
      %dma_wait3A_109 = tpu.memref_slice %arg3[%arg0, %add3A_92, %dma_wait3A] : memref<2x10240x128xf32, #tpu.memory_space<hbm>> -> memref<1x64x128xf32, #tpu.memory_space<hbm>>
      %dma_wait3A_110 = tpu.memref_squeeze %dma_wait3A_109 : memref<1x64x128xf32, #tpu.memory_space<hbm>> -> memref<64x128xf32, #tpu.memory_space<hbm>>
      %dma_wait3A_111 = arith.constant 0 : i32
      %dma_wait3A_112 = tpu.memref_slice %arg6[%add3A_92, %dma_wait3A_111] : memref<10240x128xf32, #tpu.memory_space<vmem_shared>> -> memref<64x128xf32, #tpu.memory_space<vmem_shared>>
      tpu.wait_dma2 semaphore(%run_scoped3A : memref<!tpu.dma_semaphore, #tpu.memory_space<semaphore_mem>>) src(%dma_wait3A_112 : memref<64x128xf32, #tpu.memory_space<vmem_shared>>) dst(%dma_wait3A_110 : memref<64x128xf32, #tpu.memory_space<hbm>>)
      tpu.yield
    }) : () -> ()
    %mul3A_93 = arith.constant 640 : i32
    %mul3A_94 = arith.muli %arg1, %mul3A_93 : i32
    %add3A_95 = arith.constant 448 : i32
    %add3A_96 = arith.addi %mul3A_94, %add3A_95 : i32
    "tpu.region"() ({
      %run_scoped3A = tpu.sem_alloc : memref<!tpu.dma_semaphore, #tpu.memory_space<semaphore_mem>>
      %dma_start3A = arith.constant 0 : i32
      %dma_start3A_105 = tpu.memref_slice %arg3[%arg0, %add3A_96, %dma_start3A] : memref<2x10240x128xf32, #tpu.memory_space<hbm>> -> memref<1x64x128xf32, #tpu.memory_space<hbm>>
      %dma_start3A_106 = tpu.memref_squeeze %dma_start3A_105 : memref<1x64x128xf32, #tpu.memory_space<hbm>> -> memref<64x128xf32, #tpu.memory_space<hbm>>
      %dma_start3A_107 = arith.constant 0 : i32
      %dma_start3A_108 = tpu.memref_slice %arg6[%add3A_96, %dma_start3A_107] : memref<10240x128xf32, #tpu.memory_space<vmem_shared>> -> memref<64x128xf32, #tpu.memory_space<vmem_shared>>
      tpu.enqueue_dma source(%dma_start3A_108 : memref<64x128xf32, #tpu.memory_space<vmem_shared>>) target(%dma_start3A_106 : memref<64x128xf32, #tpu.memory_space<hbm>>) target_semaphore(%run_scoped3A : memref<!tpu.dma_semaphore, #tpu.memory_space<semaphore_mem>>)
      %dma_wait3A = arith.constant 0 : i32
      %dma_wait3A_109 = tpu.memref_slice %arg3[%arg0, %add3A_96, %dma_wait3A] : memref<2x10240x128xf32, #tpu.memory_space<hbm>> -> memref<1x64x128xf32, #tpu.memory_space<hbm>>
      %dma_wait3A_110 = tpu.memref_squeeze %dma_wait3A_109 : memref<1x64x128xf32, #tpu.memory_space<hbm>> -> memref<64x128xf32, #tpu.memory_space<hbm>>
      %dma_wait3A_111 = arith.constant 0 : i32
      %dma_wait3A_112 = tpu.memref_slice %arg6[%add3A_96, %dma_wait3A_111] : memref<10240x128xf32, #tpu.memory_space<vmem_shared>> -> memref<64x128xf32, #tpu.memory_space<vmem_shared>>
      tpu.wait_dma2 semaphore(%run_scoped3A : memref<!tpu.dma_semaphore, #tpu.memory_space<semaphore_mem>>) src(%dma_wait3A_112 : memref<64x128xf32, #tpu.memory_space<vmem_shared>>) dst(%dma_wait3A_110 : memref<64x128xf32, #tpu.memory_space<hbm>>)
      tpu.yield
    }) : () -> ()
    %mul3A_97 = arith.constant 640 : i32
    %mul3A_98 = arith.muli %arg1, %mul3A_97 : i32
    %add3A_99 = arith.constant 512 : i32
    %add3A_100 = arith.addi %mul3A_98, %add3A_99 : i32
    "tpu.region"() ({
      %run_scoped3A = tpu.sem_alloc : memref<!tpu.dma_semaphore, #tpu.memory_space<semaphore_mem>>
      %dma_start3A = arith.constant 0 : i32
      %dma_start3A_105 = tpu.memref_slice %arg3[%arg0, %add3A_100, %dma_start3A] : memref<2x10240x128xf32, #tpu.memory_space<hbm>> -> memref<1x64x128xf32, #tpu.memory_space<hbm>>
      %dma_start3A_106 = tpu.memref_squeeze %dma_start3A_105 : memref<1x64x128xf32, #tpu.memory_space<hbm>> -> memref<64x128xf32, #tpu.memory_space<hbm>>
      %dma_start3A_107 = arith.constant 0 : i32
      %dma_start3A_108 = tpu.memref_slice %arg6[%add3A_100, %dma_start3A_107] : memref<10240x128xf32, #tpu.memory_space<vmem_shared>> -> memref<64x128xf32, #tpu.memory_space<vmem_shared>>
      tpu.enqueue_dma source(%dma_start3A_108 : memref<64x128xf32, #tpu.memory_space<vmem_shared>>) target(%dma_start3A_106 : memref<64x128xf32, #tpu.memory_space<hbm>>) target_semaphore(%run_scoped3A : memref<!tpu.dma_semaphore, #tpu.memory_space<semaphore_mem>>)
      %dma_wait3A = arith.constant 0 : i32
      %dma_wait3A_109 = tpu.memref_slice %arg3[%arg0, %add3A_100, %dma_wait3A] : memref<2x10240x128xf32, #tpu.memory_space<hbm>> -> memref<1x64x128xf32, #tpu.memory_space<hbm>>
      %dma_wait3A_110 = tpu.memref_squeeze %dma_wait3A_109 : memref<1x64x128xf32, #tpu.memory_space<hbm>> -> memref<64x128xf32, #tpu.memory_space<hbm>>
      %dma_wait3A_111 = arith.constant 0 : i32
      %dma_wait3A_112 = tpu.memref_slice %arg6[%add3A_100, %dma_wait3A_111] : memref<10240x128xf32, #tpu.memory_space<vmem_shared>> -> memref<64x128xf32, #tpu.memory_space<vmem_shared>>
      tpu.wait_dma2 semaphore(%run_scoped3A : memref<!tpu.dma_semaphore, #tpu.memory_space<semaphore_mem>>) src(%dma_wait3A_112 : memref<64x128xf32, #tpu.memory_space<vmem_shared>>) dst(%dma_wait3A_110 : memref<64x128xf32, #tpu.memory_space<hbm>>)
      tpu.yield
    }) : () -> ()
    %mul3A_101 = arith.constant 640 : i32
    %mul3A_102 = arith.muli %arg1, %mul3A_101 : i32
    %add3A_103 = arith.constant 576 : i32
    %add3A_104 = arith.addi %mul3A_102, %add3A_103 : i32
    "tpu.region"() ({
      %run_scoped3A = tpu.sem_alloc : memref<!tpu.dma_semaphore, #tpu.memory_space<semaphore_mem>>
      %dma_start3A = arith.constant 0 : i32
      %dma_start3A_105 = tpu.memref_slice %arg3[%arg0, %add3A_104, %dma_start3A] : memref<2x10240x128xf32, #tpu.memory_space<hbm>> -> memref<1x64x128xf32, #tpu.memory_space<hbm>>
      %dma_start3A_106 = tpu.memref_squeeze %dma_start3A_105 : memref<1x64x128xf32, #tpu.memory_space<hbm>> -> memref<64x128xf32, #tpu.memory_space<hbm>>
      %dma_start3A_107 = arith.constant 0 : i32
      %dma_start3A_108 = tpu.memref_slice %arg6[%add3A_104, %dma_start3A_107] : memref<10240x128xf32, #tpu.memory_space<vmem_shared>> -> memref<64x128xf32, #tpu.memory_space<vmem_shared>>
      tpu.enqueue_dma source(%dma_start3A_108 : memref<64x128xf32, #tpu.memory_space<vmem_shared>>) target(%dma_start3A_106 : memref<64x128xf32, #tpu.memory_space<hbm>>) target_semaphore(%run_scoped3A : memref<!tpu.dma_semaphore, #tpu.memory_space<semaphore_mem>>)
      %dma_wait3A = arith.constant 0 : i32
      %dma_wait3A_109 = tpu.memref_slice %arg3[%arg0, %add3A_104, %dma_wait3A] : memref<2x10240x128xf32, #tpu.memory_space<hbm>> -> memref<1x64x128xf32, #tpu.memory_space<hbm>>
      %dma_wait3A_110 = tpu.memref_squeeze %dma_wait3A_109 : memref<1x64x128xf32, #tpu.memory_space<hbm>> -> memref<64x128xf32, #tpu.memory_space<hbm>>
      %dma_wait3A_111 = arith.constant 0 : i32
      %dma_wait3A_112 = tpu.memref_slice %arg6[%add3A_104, %dma_wait3A_111] : memref<10240x128xf32, #tpu.memory_space<vmem_shared>> -> memref<64x128xf32, #tpu.memory_space<vmem_shared>>
      tpu.wait_dma2 semaphore(%run_scoped3A : memref<!tpu.dma_semaphore, #tpu.memory_space<semaphore_mem>>) src(%dma_wait3A_112 : memref<64x128xf32, #tpu.memory_space<vmem_shared>>) dst(%dma_wait3A_110 : memref<64x128xf32, #tpu.memory_space<hbm>>)
      tpu.yield
    }) : () -> ()
    return
  }
}

#map = affine_map<(d0, d1) -> (0, 0)>
#map1 = affine_map<(d0, d1) -> (0, 0, 0)>
module attributes {stable_mosaic.version = 14 : i64} {
  func.func @_prop_sc(%arg0: i32, %arg1: i32, %arg2: memref<20480x128xf32, #tpu.memory_space<hbm>>, %arg3: memref<32x80x128xi32, #tpu.memory_space<hbm>>, %arg4: memref<16x160x64xi32, #tpu.memory_space<hbm>>, %arg5: memref<2x10240x128xf32, #tpu.memory_space<hbm>>, %arg6: memref<80x128xi32, #tpu.memory_space<vmem>>, %arg7: memref<160x64xi32, #tpu.memory_space<vmem>>, %arg8: memref<128x128xf32, #tpu.memory_space<vmem>>, %arg9: memref<128x128xf32, #tpu.memory_space<vmem>>, %arg10: memref<10240x128xf32, #tpu.memory_space<vmem_shared>>, %arg11: memref<!tpu.dma_semaphore, #tpu.memory_space<semaphore_mem>>, %arg12: memref<!tpu.dma_semaphore, #tpu.memory_space<semaphore_mem>>) attributes {dimension_semantics = [#tpu.dimension_semantics<core_parallel>, #tpu.dimension_semantics<subcore_parallel>], iteration_bounds = array<i64: 2, 16>, scalar_prefetch = 0 : i64, scratch_operands = 7 : i64, tpu.core_type = #tpu.core_type<sc_vector_subcore>, window_params = [{transform_indices = #map}, {transform_indices = #map1}, {transform_indices = #map1}, {transform_indices = #map1}]} {
    %mul3A = arith.constant 16 : i32
    %mul3A_0 = arith.muli %arg0, %mul3A : i32
    %add3A = arith.addi %mul3A_0, %arg1 : i32
    %broadcast_in_dim3A = arith.constant 0.000000e+00 : f32
    %broadcast_in_dim3A_1 = vector.broadcast %broadcast_in_dim3A : f32 to vector<16xf32>
    %scan3A = arith.constant 0 : i32
    %scan3A_2 = arith.constant 0 : i32
    %scan3A_3 = arith.constant 64 : i32
    %scan3A_4 = arith.addi %scan3A_2, %scan3A_3 : i32
    %scan3A_5 = arith.constant 1 : i32
    %scan3A_6 = scf.for %scan3A_96 = %scan3A_2 to %scan3A_4 step %scan3A_5 iter_args(%scan3A_97 = %scan3A) -> (i32)  : i32 {
      %swap3A = arith.index_cast %scan3A_96 : i32 to index
      %swap3A_98 = arith.constant 0 : index
      %swap3A_99 = tpu.vector_load %arg8[%swap3A, %swap3A_98] {strides = array<i32>} : memref<128x128xf32, #tpu.memory_space<vmem>>, vector<1x16xf32>,
      %swap3A_100 = vector.shape_cast %swap3A_99 : vector<1x16xf32> to vector<16xf32>
      %swap3A_101 = vector.shape_cast %broadcast_in_dim3A_1 : vector<16xf32> to vector<1x16xf32>
      tpu.vector_store %arg8[%swap3A, %swap3A_98], %swap3A_101 {strides = array<i32>} : memref<128x128xf32, #tpu.memory_space<vmem>>, vector<1x16xf32>,
      %swap3A_102 = arith.index_cast %scan3A_96 : i32 to index
      %swap3A_103 = arith.constant 16 : index
      %swap3A_104 = tpu.vector_load %arg8[%swap3A_102, %swap3A_103] {strides = array<i32>} : memref<128x128xf32, #tpu.memory_space<vmem>>, vector<1x16xf32>,
      %swap3A_105 = vector.shape_cast %swap3A_104 : vector<1x16xf32> to vector<16xf32>
      %swap3A_106 = vector.shape_cast %broadcast_in_dim3A_1 : vector<16xf32> to vector<1x16xf32>
      tpu.vector_store %arg8[%swap3A_102, %swap3A_103], %swap3A_106 {strides = array<i32>} : memref<128x128xf32, #tpu.memory_space<vmem>>, vector<1x16xf32>,
      %swap3A_107 = arith.index_cast %scan3A_96 : i32 to index
      %swap3A_108 = arith.constant 32 : index
      %swap3A_109 = tpu.vector_load %arg8[%swap3A_107, %swap3A_108] {strides = array<i32>} : memref<128x128xf32, #tpu.memory_space<vmem>>, vector<1x16xf32>,
      %swap3A_110 = vector.shape_cast %swap3A_109 : vector<1x16xf32> to vector<16xf32>
      %swap3A_111 = vector.shape_cast %broadcast_in_dim3A_1 : vector<16xf32> to vector<1x16xf32>
      tpu.vector_store %arg8[%swap3A_107, %swap3A_108], %swap3A_111 {strides = array<i32>} : memref<128x128xf32, #tpu.memory_space<vmem>>, vector<1x16xf32>,
      %swap3A_112 = arith.index_cast %scan3A_96 : i32 to index
      %swap3A_113 = arith.constant 48 : index
      %swap3A_114 = tpu.vector_load %arg8[%swap3A_112, %swap3A_113] {strides = array<i32>} : memref<128x128xf32, #tpu.memory_space<vmem>>, vector<1x16xf32>,
      %swap3A_115 = vector.shape_cast %swap3A_114 : vector<1x16xf32> to vector<16xf32>
      %swap3A_116 = vector.shape_cast %broadcast_in_dim3A_1 : vector<16xf32> to vector<1x16xf32>
      tpu.vector_store %arg8[%swap3A_112, %swap3A_113], %swap3A_116 {strides = array<i32>} : memref<128x128xf32, #tpu.memory_space<vmem>>, vector<1x16xf32>,
      %swap3A_117 = arith.index_cast %scan3A_96 : i32 to index
      %swap3A_118 = arith.constant 64 : index
      %swap3A_119 = tpu.vector_load %arg8[%swap3A_117, %swap3A_118] {strides = array<i32>} : memref<128x128xf32, #tpu.memory_space<vmem>>, vector<1x16xf32>,
      %swap3A_120 = vector.shape_cast %swap3A_119 : vector<1x16xf32> to vector<16xf32>
      %swap3A_121 = vector.shape_cast %broadcast_in_dim3A_1 : vector<16xf32> to vector<1x16xf32>
      tpu.vector_store %arg8[%swap3A_117, %swap3A_118], %swap3A_121 {strides = array<i32>} : memref<128x128xf32, #tpu.memory_space<vmem>>, vector<1x16xf32>,
      %swap3A_122 = arith.index_cast %scan3A_96 : i32 to index
      %swap3A_123 = arith.constant 80 : index
      %swap3A_124 = tpu.vector_load %arg8[%swap3A_122, %swap3A_123] {strides = array<i32>} : memref<128x128xf32, #tpu.memory_space<vmem>>, vector<1x16xf32>,
      %swap3A_125 = vector.shape_cast %swap3A_124 : vector<1x16xf32> to vector<16xf32>
      %swap3A_126 = vector.shape_cast %broadcast_in_dim3A_1 : vector<16xf32> to vector<1x16xf32>
      tpu.vector_store %arg8[%swap3A_122, %swap3A_123], %swap3A_126 {strides = array<i32>} : memref<128x128xf32, #tpu.memory_space<vmem>>, vector<1x16xf32>,
      %swap3A_127 = arith.index_cast %scan3A_96 : i32 to index
      %swap3A_128 = arith.constant 96 : index
      %swap3A_129 = tpu.vector_load %arg8[%swap3A_127, %swap3A_128] {strides = array<i32>} : memref<128x128xf32, #tpu.memory_space<vmem>>, vector<1x16xf32>,
      %swap3A_130 = vector.shape_cast %swap3A_129 : vector<1x16xf32> to vector<16xf32>
      %swap3A_131 = vector.shape_cast %broadcast_in_dim3A_1 : vector<16xf32> to vector<1x16xf32>
      tpu.vector_store %arg8[%swap3A_127, %swap3A_128], %swap3A_131 {strides = array<i32>} : memref<128x128xf32, #tpu.memory_space<vmem>>, vector<1x16xf32>,
      %swap3A_132 = arith.index_cast %scan3A_96 : i32 to index
      %swap3A_133 = arith.constant 112 : index
      %swap3A_134 = tpu.vector_load %arg8[%swap3A_132, %swap3A_133] {strides = array<i32>} : memref<128x128xf32, #tpu.memory_space<vmem>>, vector<1x16xf32>,
      %swap3A_135 = vector.shape_cast %swap3A_134 : vector<1x16xf32> to vector<16xf32>
      %swap3A_136 = vector.shape_cast %broadcast_in_dim3A_1 : vector<16xf32> to vector<1x16xf32>
      tpu.vector_store %arg8[%swap3A_132, %swap3A_133], %swap3A_136 {strides = array<i32>} : memref<128x128xf32, #tpu.memory_space<vmem>>, vector<1x16xf32>,
      %scan3A_137 = arith.constant 0 : i32
      scf.yield %scan3A_137 : i32
    }
    %scan3A_7 = arith.constant 64 : i32
    %mul3A_8 = arith.constant 640 : i32
    %mul3A_9 = arith.muli %arg1, %mul3A_8 : i32
    %add3A_10 = arith.constant 0 : i32
    %add3A_11 = arith.addi %mul3A_9, %add3A_10 : i32
    "tpu.region"() ({
      %run_scoped3A = tpu.sem_alloc : memref<!tpu.dma_semaphore, #tpu.memory_space<semaphore_mem>>
      %dma_start3A = arith.constant 0 : i32
      %dma_start3A_96 = arith.constant 0 : i32
      %dma_start3A_97 = tpu.memref_slice %arg8[%dma_start3A, %dma_start3A_96] : memref<128x128xf32, #tpu.memory_space<vmem>> -> memref<64x128xf32, #tpu.memory_space<vmem>>
      %dma_start3A_98 = arith.constant 0 : i32
      %dma_start3A_99 = tpu.memref_slice %arg10[%add3A_11, %dma_start3A_98] : memref<10240x128xf32, #tpu.memory_space<vmem_shared>> -> memref<64x128xf32, #tpu.memory_space<vmem_shared>>
      %dma_start3A_100 = arith.constant 0 : i32
      %dma_start3A_101 = tpu.memref_slice %arg10[%add3A_11, %dma_start3A_100] : memref<10240x128xf32, #tpu.memory_space<vmem_shared>> -> memref<64x128xf32, #tpu.memory_space<vmem_shared>>
      %dma_start3A_102 = arith.constant 0 : i32
      %dma_start3A_103 = arith.constant 0 : i32
      %dma_start3A_104 = tpu.memref_slice %arg8[%dma_start3A_102, %dma_start3A_103] : memref<128x128xf32, #tpu.memory_space<vmem>> -> memref<64x128xf32, #tpu.memory_space<vmem>>
      tpu.enqueue_dma source(%dma_start3A_104 : memref<64x128xf32, #tpu.memory_space<vmem>>) target(%dma_start3A_101 : memref<64x128xf32, #tpu.memory_space<vmem_shared>>) target_semaphore(%run_scoped3A : memref<!tpu.dma_semaphore, #tpu.memory_space<semaphore_mem>>)
      %dma_wait3A = arith.constant 0 : i32
      %dma_wait3A_105 = arith.constant 0 : i32
      %dma_wait3A_106 = tpu.memref_slice %arg8[%dma_wait3A, %dma_wait3A_105] : memref<128x128xf32, #tpu.memory_space<vmem>> -> memref<64x128xf32, #tpu.memory_space<vmem>>
      %dma_wait3A_107 = arith.constant 0 : i32
      %dma_wait3A_108 = tpu.memref_slice %arg10[%add3A_11, %dma_wait3A_107] : memref<10240x128xf32, #tpu.memory_space<vmem_shared>> -> memref<64x128xf32, #tpu.memory_space<vmem_shared>>
      %dma_wait3A_109 = arith.constant 0 : i32
      %dma_wait3A_110 = tpu.memref_slice %arg10[%add3A_11, %dma_wait3A_109] : memref<10240x128xf32, #tpu.memory_space<vmem_shared>> -> memref<64x128xf32, #tpu.memory_space<vmem_shared>>
      %dma_wait3A_111 = arith.constant 0 : i32
      %dma_wait3A_112 = arith.constant 0 : i32
      %dma_wait3A_113 = tpu.memref_slice %arg8[%dma_wait3A_111, %dma_wait3A_112] : memref<128x128xf32, #tpu.memory_space<vmem>> -> memref<64x128xf32, #tpu.memory_space<vmem>>
      tpu.wait_dma2 semaphore(%run_scoped3A : memref<!tpu.dma_semaphore, #tpu.memory_space<semaphore_mem>>) src(%dma_wait3A_113 : memref<64x128xf32, #tpu.memory_space<vmem>>) dst(%dma_wait3A_110 : memref<64x128xf32, #tpu.memory_space<vmem_shared>>)
      tpu.yield
    }) : () -> ()
    %mul3A_12 = arith.constant 640 : i32
    %mul3A_13 = arith.muli %arg1, %mul3A_12 : i32
    %add3A_14 = arith.constant 64 : i32
    %add3A_15 = arith.addi %mul3A_13, %add3A_14 : i32
    "tpu.region"() ({
      %run_scoped3A = tpu.sem_alloc : memref<!tpu.dma_semaphore, #tpu.memory_space<semaphore_mem>>
      %dma_start3A = arith.constant 0 : i32
      %dma_start3A_96 = arith.constant 0 : i32
      %dma_start3A_97 = tpu.memref_slice %arg8[%dma_start3A, %dma_start3A_96] : memref<128x128xf32, #tpu.memory_space<vmem>> -> memref<64x128xf32, #tpu.memory_space<vmem>>
      %dma_start3A_98 = arith.constant 0 : i32
      %dma_start3A_99 = tpu.memref_slice %arg10[%add3A_15, %dma_start3A_98] : memref<10240x128xf32, #tpu.memory_space<vmem_shared>> -> memref<64x128xf32, #tpu.memory_space<vmem_shared>>
      %dma_start3A_100 = arith.constant 0 : i32
      %dma_start3A_101 = tpu.memref_slice %arg10[%add3A_15, %dma_start3A_100] : memref<10240x128xf32, #tpu.memory_space<vmem_shared>> -> memref<64x128xf32, #tpu.memory_space<vmem_shared>>
      %dma_start3A_102 = arith.constant 0 : i32
      %dma_start3A_103 = arith.constant 0 : i32
      %dma_start3A_104 = tpu.memref_slice %arg8[%dma_start3A_102, %dma_start3A_103] : memref<128x128xf32, #tpu.memory_space<vmem>> -> memref<64x128xf32, #tpu.memory_space<vmem>>
      tpu.enqueue_dma source(%dma_start3A_104 : memref<64x128xf32, #tpu.memory_space<vmem>>) target(%dma_start3A_101 : memref<64x128xf32, #tpu.memory_space<vmem_shared>>) target_semaphore(%run_scoped3A : memref<!tpu.dma_semaphore, #tpu.memory_space<semaphore_mem>>)
      %dma_wait3A = arith.constant 0 : i32
      %dma_wait3A_105 = arith.constant 0 : i32
      %dma_wait3A_106 = tpu.memref_slice %arg8[%dma_wait3A, %dma_wait3A_105] : memref<128x128xf32, #tpu.memory_space<vmem>> -> memref<64x128xf32, #tpu.memory_space<vmem>>
      %dma_wait3A_107 = arith.constant 0 : i32
      %dma_wait3A_108 = tpu.memref_slice %arg10[%add3A_15, %dma_wait3A_107] : memref<10240x128xf32, #tpu.memory_space<vmem_shared>> -> memref<64x128xf32, #tpu.memory_space<vmem_shared>>
      %dma_wait3A_109 = arith.constant 0 : i32
      %dma_wait3A_110 = tpu.memref_slice %arg10[%add3A_15, %dma_wait3A_109] : memref<10240x128xf32, #tpu.memory_space<vmem_shared>> -> memref<64x128xf32, #tpu.memory_space<vmem_shared>>
      %dma_wait3A_111 = arith.constant 0 : i32
      %dma_wait3A_112 = arith.constant 0 : i32
      %dma_wait3A_113 = tpu.memref_slice %arg8[%dma_wait3A_111, %dma_wait3A_112] : memref<128x128xf32, #tpu.memory_space<vmem>> -> memref<64x128xf32, #tpu.memory_space<vmem>>
      tpu.wait_dma2 semaphore(%run_scoped3A : memref<!tpu.dma_semaphore, #tpu.memory_space<semaphore_mem>>) src(%dma_wait3A_113 : memref<64x128xf32, #tpu.memory_space<vmem>>) dst(%dma_wait3A_110 : memref<64x128xf32, #tpu.memory_space<vmem_shared>>)
      tpu.yield
    }) : () -> ()
    %mul3A_16 = arith.constant 640 : i32
    %mul3A_17 = arith.muli %arg1, %mul3A_16 : i32
    %add3A_18 = arith.constant 128 : i32
    %add3A_19 = arith.addi %mul3A_17, %add3A_18 : i32
    "tpu.region"() ({
      %run_scoped3A = tpu.sem_alloc : memref<!tpu.dma_semaphore, #tpu.memory_space<semaphore_mem>>
      %dma_start3A = arith.constant 0 : i32
      %dma_start3A_96 = arith.constant 0 : i32
      %dma_start3A_97 = tpu.memref_slice %arg8[%dma_start3A, %dma_start3A_96] : memref<128x128xf32, #tpu.memory_space<vmem>> -> memref<64x128xf32, #tpu.memory_space<vmem>>
      %dma_start3A_98 = arith.constant 0 : i32
      %dma_start3A_99 = tpu.memref_slice %arg10[%add3A_19, %dma_start3A_98] : memref<10240x128xf32, #tpu.memory_space<vmem_shared>> -> memref<64x128xf32, #tpu.memory_space<vmem_shared>>
      %dma_start3A_100 = arith.constant 0 : i32
      %dma_start3A_101 = tpu.memref_slice %arg10[%add3A_19, %dma_start3A_100] : memref<10240x128xf32, #tpu.memory_space<vmem_shared>> -> memref<64x128xf32, #tpu.memory_space<vmem_shared>>
      %dma_start3A_102 = arith.constant 0 : i32
      %dma_start3A_103 = arith.constant 0 : i32
      %dma_start3A_104 = tpu.memref_slice %arg8[%dma_start3A_102, %dma_start3A_103] : memref<128x128xf32, #tpu.memory_space<vmem>> -> memref<64x128xf32, #tpu.memory_space<vmem>>
      tpu.enqueue_dma source(%dma_start3A_104 : memref<64x128xf32, #tpu.memory_space<vmem>>) target(%dma_start3A_101 : memref<64x128xf32, #tpu.memory_space<vmem_shared>>) target_semaphore(%run_scoped3A : memref<!tpu.dma_semaphore, #tpu.memory_space<semaphore_mem>>)
      %dma_wait3A = arith.constant 0 : i32
      %dma_wait3A_105 = arith.constant 0 : i32
      %dma_wait3A_106 = tpu.memref_slice %arg8[%dma_wait3A, %dma_wait3A_105] : memref<128x128xf32, #tpu.memory_space<vmem>> -> memref<64x128xf32, #tpu.memory_space<vmem>>
      %dma_wait3A_107 = arith.constant 0 : i32
      %dma_wait3A_108 = tpu.memref_slice %arg10[%add3A_19, %dma_wait3A_107] : memref<10240x128xf32, #tpu.memory_space<vmem_shared>> -> memref<64x128xf32, #tpu.memory_space<vmem_shared>>
      %dma_wait3A_109 = arith.constant 0 : i32
      %dma_wait3A_110 = tpu.memref_slice %arg10[%add3A_19, %dma_wait3A_109] : memref<10240x128xf32, #tpu.memory_space<vmem_shared>> -> memref<64x128xf32, #tpu.memory_space<vmem_shared>>
      %dma_wait3A_111 = arith.constant 0 : i32
      %dma_wait3A_112 = arith.constant 0 : i32
      %dma_wait3A_113 = tpu.memref_slice %arg8[%dma_wait3A_111, %dma_wait3A_112] : memref<128x128xf32, #tpu.memory_space<vmem>> -> memref<64x128xf32, #tpu.memory_space<vmem>>
      tpu.wait_dma2 semaphore(%run_scoped3A : memref<!tpu.dma_semaphore, #tpu.memory_space<semaphore_mem>>) src(%dma_wait3A_113 : memref<64x128xf32, #tpu.memory_space<vmem>>) dst(%dma_wait3A_110 : memref<64x128xf32, #tpu.memory_space<vmem_shared>>)
      tpu.yield
    }) : () -> ()
    %mul3A_20 = arith.constant 640 : i32
    %mul3A_21 = arith.muli %arg1, %mul3A_20 : i32
    %add3A_22 = arith.constant 192 : i32
    %add3A_23 = arith.addi %mul3A_21, %add3A_22 : i32
    "tpu.region"() ({
      %run_scoped3A = tpu.sem_alloc : memref<!tpu.dma_semaphore, #tpu.memory_space<semaphore_mem>>
      %dma_start3A = arith.constant 0 : i32
      %dma_start3A_96 = arith.constant 0 : i32
      %dma_start3A_97 = tpu.memref_slice %arg8[%dma_start3A, %dma_start3A_96] : memref<128x128xf32, #tpu.memory_space<vmem>> -> memref<64x128xf32, #tpu.memory_space<vmem>>
      %dma_start3A_98 = arith.constant 0 : i32
      %dma_start3A_99 = tpu.memref_slice %arg10[%add3A_23, %dma_start3A_98] : memref<10240x128xf32, #tpu.memory_space<vmem_shared>> -> memref<64x128xf32, #tpu.memory_space<vmem_shared>>
      %dma_start3A_100 = arith.constant 0 : i32
      %dma_start3A_101 = tpu.memref_slice %arg10[%add3A_23, %dma_start3A_100] : memref<10240x128xf32, #tpu.memory_space<vmem_shared>> -> memref<64x128xf32, #tpu.memory_space<vmem_shared>>
      %dma_start3A_102 = arith.constant 0 : i32
      %dma_start3A_103 = arith.constant 0 : i32
      %dma_start3A_104 = tpu.memref_slice %arg8[%dma_start3A_102, %dma_start3A_103] : memref<128x128xf32, #tpu.memory_space<vmem>> -> memref<64x128xf32, #tpu.memory_space<vmem>>
      tpu.enqueue_dma source(%dma_start3A_104 : memref<64x128xf32, #tpu.memory_space<vmem>>) target(%dma_start3A_101 : memref<64x128xf32, #tpu.memory_space<vmem_shared>>) target_semaphore(%run_scoped3A : memref<!tpu.dma_semaphore, #tpu.memory_space<semaphore_mem>>)
      %dma_wait3A = arith.constant 0 : i32
      %dma_wait3A_105 = arith.constant 0 : i32
      %dma_wait3A_106 = tpu.memref_slice %arg8[%dma_wait3A, %dma_wait3A_105] : memref<128x128xf32, #tpu.memory_space<vmem>> -> memref<64x128xf32, #tpu.memory_space<vmem>>
      %dma_wait3A_107 = arith.constant 0 : i32
      %dma_wait3A_108 = tpu.memref_slice %arg10[%add3A_23, %dma_wait3A_107] : memref<10240x128xf32, #tpu.memory_space<vmem_shared>> -> memref<64x128xf32, #tpu.memory_space<vmem_shared>>
      %dma_wait3A_109 = arith.constant 0 : i32
      %dma_wait3A_110 = tpu.memref_slice %arg10[%add3A_23, %dma_wait3A_109] : memref<10240x128xf32, #tpu.memory_space<vmem_shared>> -> memref<64x128xf32, #tpu.memory_space<vmem_shared>>
      %dma_wait3A_111 = arith.constant 0 : i32
      %dma_wait3A_112 = arith.constant 0 : i32
      %dma_wait3A_113 = tpu.memref_slice %arg8[%dma_wait3A_111, %dma_wait3A_112] : memref<128x128xf32, #tpu.memory_space<vmem>> -> memref<64x128xf32, #tpu.memory_space<vmem>>
      tpu.wait_dma2 semaphore(%run_scoped3A : memref<!tpu.dma_semaphore, #tpu.memory_space<semaphore_mem>>) src(%dma_wait3A_113 : memref<64x128xf32, #tpu.memory_space<vmem>>) dst(%dma_wait3A_110 : memref<64x128xf32, #tpu.memory_space<vmem_shared>>)
      tpu.yield
    }) : () -> ()
    %mul3A_24 = arith.constant 640 : i32
    %mul3A_25 = arith.muli %arg1, %mul3A_24 : i32
    %add3A_26 = arith.constant 256 : i32
    %add3A_27 = arith.addi %mul3A_25, %add3A_26 : i32
    "tpu.region"() ({
      %run_scoped3A = tpu.sem_alloc : memref<!tpu.dma_semaphore, #tpu.memory_space<semaphore_mem>>
      %dma_start3A = arith.constant 0 : i32
      %dma_start3A_96 = arith.constant 0 : i32
      %dma_start3A_97 = tpu.memref_slice %arg8[%dma_start3A, %dma_start3A_96] : memref<128x128xf32, #tpu.memory_space<vmem>> -> memref<64x128xf32, #tpu.memory_space<vmem>>
      %dma_start3A_98 = arith.constant 0 : i32
      %dma_start3A_99 = tpu.memref_slice %arg10[%add3A_27, %dma_start3A_98] : memref<10240x128xf32, #tpu.memory_space<vmem_shared>> -> memref<64x128xf32, #tpu.memory_space<vmem_shared>>
      %dma_start3A_100 = arith.constant 0 : i32
      %dma_start3A_101 = tpu.memref_slice %arg10[%add3A_27, %dma_start3A_100] : memref<10240x128xf32, #tpu.memory_space<vmem_shared>> -> memref<64x128xf32, #tpu.memory_space<vmem_shared>>
      %dma_start3A_102 = arith.constant 0 : i32
      %dma_start3A_103 = arith.constant 0 : i32
      %dma_start3A_104 = tpu.memref_slice %arg8[%dma_start3A_102, %dma_start3A_103] : memref<128x128xf32, #tpu.memory_space<vmem>> -> memref<64x128xf32, #tpu.memory_space<vmem>>
      tpu.enqueue_dma source(%dma_start3A_104 : memref<64x128xf32, #tpu.memory_space<vmem>>) target(%dma_start3A_101 : memref<64x128xf32, #tpu.memory_space<vmem_shared>>) target_semaphore(%run_scoped3A : memref<!tpu.dma_semaphore, #tpu.memory_space<semaphore_mem>>)
      %dma_wait3A = arith.constant 0 : i32
      %dma_wait3A_105 = arith.constant 0 : i32
      %dma_wait3A_106 = tpu.memref_slice %arg8[%dma_wait3A, %dma_wait3A_105] : memref<128x128xf32, #tpu.memory_space<vmem>> -> memref<64x128xf32, #tpu.memory_space<vmem>>
      %dma_wait3A_107 = arith.constant 0 : i32
      %dma_wait3A_108 = tpu.memref_slice %arg10[%add3A_27, %dma_wait3A_107] : memref<10240x128xf32, #tpu.memory_space<vmem_shared>> -> memref<64x128xf32, #tpu.memory_space<vmem_shared>>
      %dma_wait3A_109 = arith.constant 0 : i32
      %dma_wait3A_110 = tpu.memref_slice %arg10[%add3A_27, %dma_wait3A_109] : memref<10240x128xf32, #tpu.memory_space<vmem_shared>> -> memref<64x128xf32, #tpu.memory_space<vmem_shared>>
      %dma_wait3A_111 = arith.constant 0 : i32
      %dma_wait3A_112 = arith.constant 0 : i32
      %dma_wait3A_113 = tpu.memref_slice %arg8[%dma_wait3A_111, %dma_wait3A_112] : memref<128x128xf32, #tpu.memory_space<vmem>> -> memref<64x128xf32, #tpu.memory_space<vmem>>
      tpu.wait_dma2 semaphore(%run_scoped3A : memref<!tpu.dma_semaphore, #tpu.memory_space<semaphore_mem>>) src(%dma_wait3A_113 : memref<64x128xf32, #tpu.memory_space<vmem>>) dst(%dma_wait3A_110 : memref<64x128xf32, #tpu.memory_space<vmem_shared>>)
      tpu.yield
    }) : () -> ()
    %mul3A_28 = arith.constant 640 : i32
    %mul3A_29 = arith.muli %arg1, %mul3A_28 : i32
    %add3A_30 = arith.constant 320 : i32
    %add3A_31 = arith.addi %mul3A_29, %add3A_30 : i32
    "tpu.region"() ({
      %run_scoped3A = tpu.sem_alloc : memref<!tpu.dma_semaphore, #tpu.memory_space<semaphore_mem>>
      %dma_start3A = arith.constant 0 : i32
      %dma_start3A_96 = arith.constant 0 : i32
      %dma_start3A_97 = tpu.memref_slice %arg8[%dma_start3A, %dma_start3A_96] : memref<128x128xf32, #tpu.memory_space<vmem>> -> memref<64x128xf32, #tpu.memory_space<vmem>>
      %dma_start3A_98 = arith.constant 0 : i32
      %dma_start3A_99 = tpu.memref_slice %arg10[%add3A_31, %dma_start3A_98] : memref<10240x128xf32, #tpu.memory_space<vmem_shared>> -> memref<64x128xf32, #tpu.memory_space<vmem_shared>>
      %dma_start3A_100 = arith.constant 0 : i32
      %dma_start3A_101 = tpu.memref_slice %arg10[%add3A_31, %dma_start3A_100] : memref<10240x128xf32, #tpu.memory_space<vmem_shared>> -> memref<64x128xf32, #tpu.memory_space<vmem_shared>>
      %dma_start3A_102 = arith.constant 0 : i32
      %dma_start3A_103 = arith.constant 0 : i32
      %dma_start3A_104 = tpu.memref_slice %arg8[%dma_start3A_102, %dma_start3A_103] : memref<128x128xf32, #tpu.memory_space<vmem>> -> memref<64x128xf32, #tpu.memory_space<vmem>>
      tpu.enqueue_dma source(%dma_start3A_104 : memref<64x128xf32, #tpu.memory_space<vmem>>) target(%dma_start3A_101 : memref<64x128xf32, #tpu.memory_space<vmem_shared>>) target_semaphore(%run_scoped3A : memref<!tpu.dma_semaphore, #tpu.memory_space<semaphore_mem>>)
      %dma_wait3A = arith.constant 0 : i32
      %dma_wait3A_105 = arith.constant 0 : i32
      %dma_wait3A_106 = tpu.memref_slice %arg8[%dma_wait3A, %dma_wait3A_105] : memref<128x128xf32, #tpu.memory_space<vmem>> -> memref<64x128xf32, #tpu.memory_space<vmem>>
      %dma_wait3A_107 = arith.constant 0 : i32
      %dma_wait3A_108 = tpu.memref_slice %arg10[%add3A_31, %dma_wait3A_107] : memref<10240x128xf32, #tpu.memory_space<vmem_shared>> -> memref<64x128xf32, #tpu.memory_space<vmem_shared>>
      %dma_wait3A_109 = arith.constant 0 : i32
      %dma_wait3A_110 = tpu.memref_slice %arg10[%add3A_31, %dma_wait3A_109] : memref<10240x128xf32, #tpu.memory_space<vmem_shared>> -> memref<64x128xf32, #tpu.memory_space<vmem_shared>>
      %dma_wait3A_111 = arith.constant 0 : i32
      %dma_wait3A_112 = arith.constant 0 : i32
      %dma_wait3A_113 = tpu.memref_slice %arg8[%dma_wait3A_111, %dma_wait3A_112] : memref<128x128xf32, #tpu.memory_space<vmem>> -> memref<64x128xf32, #tpu.memory_space<vmem>>
      tpu.wait_dma2 semaphore(%run_scoped3A : memref<!tpu.dma_semaphore, #tpu.memory_space<semaphore_mem>>) src(%dma_wait3A_113 : memref<64x128xf32, #tpu.memory_space<vmem>>) dst(%dma_wait3A_110 : memref<64x128xf32, #tpu.memory_space<vmem_shared>>)
      tpu.yield
    }) : () -> ()
    %mul3A_32 = arith.constant 640 : i32
    %mul3A_33 = arith.muli %arg1, %mul3A_32 : i32
    %add3A_34 = arith.constant 384 : i32
    %add3A_35 = arith.addi %mul3A_33, %add3A_34 : i32
    "tpu.region"() ({
      %run_scoped3A = tpu.sem_alloc : memref<!tpu.dma_semaphore, #tpu.memory_space<semaphore_mem>>
      %dma_start3A = arith.constant 0 : i32
      %dma_start3A_96 = arith.constant 0 : i32
      %dma_start3A_97 = tpu.memref_slice %arg8[%dma_start3A, %dma_start3A_96] : memref<128x128xf32, #tpu.memory_space<vmem>> -> memref<64x128xf32, #tpu.memory_space<vmem>>
      %dma_start3A_98 = arith.constant 0 : i32
      %dma_start3A_99 = tpu.memref_slice %arg10[%add3A_35, %dma_start3A_98] : memref<10240x128xf32, #tpu.memory_space<vmem_shared>> -> memref<64x128xf32, #tpu.memory_space<vmem_shared>>
      %dma_start3A_100 = arith.constant 0 : i32
      %dma_start3A_101 = tpu.memref_slice %arg10[%add3A_35, %dma_start3A_100] : memref<10240x128xf32, #tpu.memory_space<vmem_shared>> -> memref<64x128xf32, #tpu.memory_space<vmem_shared>>
      %dma_start3A_102 = arith.constant 0 : i32
      %dma_start3A_103 = arith.constant 0 : i32
      %dma_start3A_104 = tpu.memref_slice %arg8[%dma_start3A_102, %dma_start3A_103] : memref<128x128xf32, #tpu.memory_space<vmem>> -> memref<64x128xf32, #tpu.memory_space<vmem>>
      tpu.enqueue_dma source(%dma_start3A_104 : memref<64x128xf32, #tpu.memory_space<vmem>>) target(%dma_start3A_101 : memref<64x128xf32, #tpu.memory_space<vmem_shared>>) target_semaphore(%run_scoped3A : memref<!tpu.dma_semaphore, #tpu.memory_space<semaphore_mem>>)
      %dma_wait3A = arith.constant 0 : i32
      %dma_wait3A_105 = arith.constant 0 : i32
      %dma_wait3A_106 = tpu.memref_slice %arg8[%dma_wait3A, %dma_wait3A_105] : memref<128x128xf32, #tpu.memory_space<vmem>> -> memref<64x128xf32, #tpu.memory_space<vmem>>
      %dma_wait3A_107 = arith.constant 0 : i32
      %dma_wait3A_108 = tpu.memref_slice %arg10[%add3A_35, %dma_wait3A_107] : memref<10240x128xf32, #tpu.memory_space<vmem_shared>> -> memref<64x128xf32, #tpu.memory_space<vmem_shared>>
      %dma_wait3A_109 = arith.constant 0 : i32
      %dma_wait3A_110 = tpu.memref_slice %arg10[%add3A_35, %dma_wait3A_109] : memref<10240x128xf32, #tpu.memory_space<vmem_shared>> -> memref<64x128xf32, #tpu.memory_space<vmem_shared>>
      %dma_wait3A_111 = arith.constant 0 : i32
      %dma_wait3A_112 = arith.constant 0 : i32
      %dma_wait3A_113 = tpu.memref_slice %arg8[%dma_wait3A_111, %dma_wait3A_112] : memref<128x128xf32, #tpu.memory_space<vmem>> -> memref<64x128xf32, #tpu.memory_space<vmem>>
      tpu.wait_dma2 semaphore(%run_scoped3A : memref<!tpu.dma_semaphore, #tpu.memory_space<semaphore_mem>>) src(%dma_wait3A_113 : memref<64x128xf32, #tpu.memory_space<vmem>>) dst(%dma_wait3A_110 : memref<64x128xf32, #tpu.memory_space<vmem_shared>>)
      tpu.yield
    }) : () -> ()
    %mul3A_36 = arith.constant 640 : i32
    %mul3A_37 = arith.muli %arg1, %mul3A_36 : i32
    %add3A_38 = arith.constant 448 : i32
    %add3A_39 = arith.addi %mul3A_37, %add3A_38 : i32
    "tpu.region"() ({
      %run_scoped3A = tpu.sem_alloc : memref<!tpu.dma_semaphore, #tpu.memory_space<semaphore_mem>>
      %dma_start3A = arith.constant 0 : i32
      %dma_start3A_96 = arith.constant 0 : i32
      %dma_start3A_97 = tpu.memref_slice %arg8[%dma_start3A, %dma_start3A_96] : memref<128x128xf32, #tpu.memory_space<vmem>> -> memref<64x128xf32, #tpu.memory_space<vmem>>
      %dma_start3A_98 = arith.constant 0 : i32
      %dma_start3A_99 = tpu.memref_slice %arg10[%add3A_39, %dma_start3A_98] : memref<10240x128xf32, #tpu.memory_space<vmem_shared>> -> memref<64x128xf32, #tpu.memory_space<vmem_shared>>
      %dma_start3A_100 = arith.constant 0 : i32
      %dma_start3A_101 = tpu.memref_slice %arg10[%add3A_39, %dma_start3A_100] : memref<10240x128xf32, #tpu.memory_space<vmem_shared>> -> memref<64x128xf32, #tpu.memory_space<vmem_shared>>
      %dma_start3A_102 = arith.constant 0 : i32
      %dma_start3A_103 = arith.constant 0 : i32
      %dma_start3A_104 = tpu.memref_slice %arg8[%dma_start3A_102, %dma_start3A_103] : memref<128x128xf32, #tpu.memory_space<vmem>> -> memref<64x128xf32, #tpu.memory_space<vmem>>
      tpu.enqueue_dma source(%dma_start3A_104 : memref<64x128xf32, #tpu.memory_space<vmem>>) target(%dma_start3A_101 : memref<64x128xf32, #tpu.memory_space<vmem_shared>>) target_semaphore(%run_scoped3A : memref<!tpu.dma_semaphore, #tpu.memory_space<semaphore_mem>>)
      %dma_wait3A = arith.constant 0 : i32
      %dma_wait3A_105 = arith.constant 0 : i32
      %dma_wait3A_106 = tpu.memref_slice %arg8[%dma_wait3A, %dma_wait3A_105] : memref<128x128xf32, #tpu.memory_space<vmem>> -> memref<64x128xf32, #tpu.memory_space<vmem>>
      %dma_wait3A_107 = arith.constant 0 : i32
      %dma_wait3A_108 = tpu.memref_slice %arg10[%add3A_39, %dma_wait3A_107] : memref<10240x128xf32, #tpu.memory_space<vmem_shared>> -> memref<64x128xf32, #tpu.memory_space<vmem_shared>>
      %dma_wait3A_109 = arith.constant 0 : i32
      %dma_wait3A_110 = tpu.memref_slice %arg10[%add3A_39, %dma_wait3A_109] : memref<10240x128xf32, #tpu.memory_space<vmem_shared>> -> memref<64x128xf32, #tpu.memory_space<vmem_shared>>
      %dma_wait3A_111 = arith.constant 0 : i32
      %dma_wait3A_112 = arith.constant 0 : i32
      %dma_wait3A_113 = tpu.memref_slice %arg8[%dma_wait3A_111, %dma_wait3A_112] : memref<128x128xf32, #tpu.memory_space<vmem>> -> memref<64x128xf32, #tpu.memory_space<vmem>>
      tpu.wait_dma2 semaphore(%run_scoped3A : memref<!tpu.dma_semaphore, #tpu.memory_space<semaphore_mem>>) src(%dma_wait3A_113 : memref<64x128xf32, #tpu.memory_space<vmem>>) dst(%dma_wait3A_110 : memref<64x128xf32, #tpu.memory_space<vmem_shared>>)
      tpu.yield
    }) : () -> ()
    %mul3A_40 = arith.constant 640 : i32
    %mul3A_41 = arith.muli %arg1, %mul3A_40 : i32
    %add3A_42 = arith.constant 512 : i32
    %add3A_43 = arith.addi %mul3A_41, %add3A_42 : i32
    "tpu.region"() ({
      %run_scoped3A = tpu.sem_alloc : memref<!tpu.dma_semaphore, #tpu.memory_space<semaphore_mem>>
      %dma_start3A = arith.constant 0 : i32
      %dma_start3A_96 = arith.constant 0 : i32
      %dma_start3A_97 = tpu.memref_slice %arg8[%dma_start3A, %dma_start3A_96] : memref<128x128xf32, #tpu.memory_space<vmem>> -> memref<64x128xf32, #tpu.memory_space<vmem>>
      %dma_start3A_98 = arith.constant 0 : i32
      %dma_start3A_99 = tpu.memref_slice %arg10[%add3A_43, %dma_start3A_98] : memref<10240x128xf32, #tpu.memory_space<vmem_shared>> -> memref<64x128xf32, #tpu.memory_space<vmem_shared>>
      %dma_start3A_100 = arith.constant 0 : i32
      %dma_start3A_101 = tpu.memref_slice %arg10[%add3A_43, %dma_start3A_100] : memref<10240x128xf32, #tpu.memory_space<vmem_shared>> -> memref<64x128xf32, #tpu.memory_space<vmem_shared>>
      %dma_start3A_102 = arith.constant 0 : i32
      %dma_start3A_103 = arith.constant 0 : i32
      %dma_start3A_104 = tpu.memref_slice %arg8[%dma_start3A_102, %dma_start3A_103] : memref<128x128xf32, #tpu.memory_space<vmem>> -> memref<64x128xf32, #tpu.memory_space<vmem>>
      tpu.enqueue_dma source(%dma_start3A_104 : memref<64x128xf32, #tpu.memory_space<vmem>>) target(%dma_start3A_101 : memref<64x128xf32, #tpu.memory_space<vmem_shared>>) target_semaphore(%run_scoped3A : memref<!tpu.dma_semaphore, #tpu.memory_space<semaphore_mem>>)
      %dma_wait3A = arith.constant 0 : i32
      %dma_wait3A_105 = arith.constant 0 : i32
      %dma_wait3A_106 = tpu.memref_slice %arg8[%dma_wait3A, %dma_wait3A_105] : memref<128x128xf32, #tpu.memory_space<vmem>> -> memref<64x128xf32, #tpu.memory_space<vmem>>
      %dma_wait3A_107 = arith.constant 0 : i32
      %dma_wait3A_108 = tpu.memref_slice %arg10[%add3A_43, %dma_wait3A_107] : memref<10240x128xf32, #tpu.memory_space<vmem_shared>> -> memref<64x128xf32, #tpu.memory_space<vmem_shared>>
      %dma_wait3A_109 = arith.constant 0 : i32
      %dma_wait3A_110 = tpu.memref_slice %arg10[%add3A_43, %dma_wait3A_109] : memref<10240x128xf32, #tpu.memory_space<vmem_shared>> -> memref<64x128xf32, #tpu.memory_space<vmem_shared>>
      %dma_wait3A_111 = arith.constant 0 : i32
      %dma_wait3A_112 = arith.constant 0 : i32
      %dma_wait3A_113 = tpu.memref_slice %arg8[%dma_wait3A_111, %dma_wait3A_112] : memref<128x128xf32, #tpu.memory_space<vmem>> -> memref<64x128xf32, #tpu.memory_space<vmem>>
      tpu.wait_dma2 semaphore(%run_scoped3A : memref<!tpu.dma_semaphore, #tpu.memory_space<semaphore_mem>>) src(%dma_wait3A_113 : memref<64x128xf32, #tpu.memory_space<vmem>>) dst(%dma_wait3A_110 : memref<64x128xf32, #tpu.memory_space<vmem_shared>>)
      tpu.yield
    }) : () -> ()
    %mul3A_44 = arith.constant 640 : i32
    %mul3A_45 = arith.muli %arg1, %mul3A_44 : i32
    %add3A_46 = arith.constant 576 : i32
    %add3A_47 = arith.addi %mul3A_45, %add3A_46 : i32
    "tpu.region"() ({
      %run_scoped3A = tpu.sem_alloc : memref<!tpu.dma_semaphore, #tpu.memory_space<semaphore_mem>>
      %dma_start3A = arith.constant 0 : i32
      %dma_start3A_96 = arith.constant 0 : i32
      %dma_start3A_97 = tpu.memref_slice %arg8[%dma_start3A, %dma_start3A_96] : memref<128x128xf32, #tpu.memory_space<vmem>> -> memref<64x128xf32, #tpu.memory_space<vmem>>
      %dma_start3A_98 = arith.constant 0 : i32
      %dma_start3A_99 = tpu.memref_slice %arg10[%add3A_47, %dma_start3A_98] : memref<10240x128xf32, #tpu.memory_space<vmem_shared>> -> memref<64x128xf32, #tpu.memory_space<vmem_shared>>
      %dma_start3A_100 = arith.constant 0 : i32
      %dma_start3A_101 = tpu.memref_slice %arg10[%add3A_47, %dma_start3A_100] : memref<10240x128xf32, #tpu.memory_space<vmem_shared>> -> memref<64x128xf32, #tpu.memory_space<vmem_shared>>
      %dma_start3A_102 = arith.constant 0 : i32
      %dma_start3A_103 = arith.constant 0 : i32
      %dma_start3A_104 = tpu.memref_slice %arg8[%dma_start3A_102, %dma_start3A_103] : memref<128x128xf32, #tpu.memory_space<vmem>> -> memref<64x128xf32, #tpu.memory_space<vmem>>
      tpu.enqueue_dma source(%dma_start3A_104 : memref<64x128xf32, #tpu.memory_space<vmem>>) target(%dma_start3A_101 : memref<64x128xf32, #tpu.memory_space<vmem_shared>>) target_semaphore(%run_scoped3A : memref<!tpu.dma_semaphore, #tpu.memory_space<semaphore_mem>>)
      %dma_wait3A = arith.constant 0 : i32
      %dma_wait3A_105 = arith.constant 0 : i32
      %dma_wait3A_106 = tpu.memref_slice %arg8[%dma_wait3A, %dma_wait3A_105] : memref<128x128xf32, #tpu.memory_space<vmem>> -> memref<64x128xf32, #tpu.memory_space<vmem>>
      %dma_wait3A_107 = arith.constant 0 : i32
      %dma_wait3A_108 = tpu.memref_slice %arg10[%add3A_47, %dma_wait3A_107] : memref<10240x128xf32, #tpu.memory_space<vmem_shared>> -> memref<64x128xf32, #tpu.memory_space<vmem_shared>>
      %dma_wait3A_109 = arith.constant 0 : i32
      %dma_wait3A_110 = tpu.memref_slice %arg10[%add3A_47, %dma_wait3A_109] : memref<10240x128xf32, #tpu.memory_space<vmem_shared>> -> memref<64x128xf32, #tpu.memory_space<vmem_shared>>
      %dma_wait3A_111 = arith.constant 0 : i32
      %dma_wait3A_112 = arith.constant 0 : i32
      %dma_wait3A_113 = tpu.memref_slice %arg8[%dma_wait3A_111, %dma_wait3A_112] : memref<128x128xf32, #tpu.memory_space<vmem>> -> memref<64x128xf32, #tpu.memory_space<vmem>>
      tpu.wait_dma2 semaphore(%run_scoped3A : memref<!tpu.dma_semaphore, #tpu.memory_space<semaphore_mem>>) src(%dma_wait3A_113 : memref<64x128xf32, #tpu.memory_space<vmem>>) dst(%dma_wait3A_110 : memref<64x128xf32, #tpu.memory_space<vmem_shared>>)
      tpu.yield
    }) : () -> ()
    %barrier3A = arith.constant 0 : index
    tpu.barrier barrier_id(%barrier3A)
    "tpu.region"() ({
      %run_scoped3A = tpu.sem_alloc : memref<!tpu.dma_semaphore, #tpu.memory_space<semaphore_mem>>
      %dma_start3A = arith.constant 0 : i32
      %dma_start3A_96 = arith.constant 0 : i32
      %dma_start3A_97 = tpu.memref_slice %arg3[%add3A, %dma_start3A, %dma_start3A_96] : memref<32x80x128xi32, #tpu.memory_space<hbm>> -> memref<1x80x128xi32, #tpu.memory_space<hbm>>
      %dma_start3A_98 = tpu.memref_squeeze %dma_start3A_97 : memref<1x80x128xi32, #tpu.memory_space<hbm>> -> memref<80x128xi32, #tpu.memory_space<hbm>>
      %dma_start3A_99 = arith.constant 0 : i32
      %dma_start3A_100 = arith.constant 0 : i32
      %dma_start3A_101 = tpu.memref_slice %arg3[%add3A, %dma_start3A_99, %dma_start3A_100] : memref<32x80x128xi32, #tpu.memory_space<hbm>> -> memref<1x80x128xi32, #tpu.memory_space<hbm>>
      %dma_start3A_102 = tpu.memref_squeeze %dma_start3A_101 : memref<1x80x128xi32, #tpu.memory_space<hbm>> -> memref<80x128xi32, #tpu.memory_space<hbm>>
      tpu.enqueue_dma source(%dma_start3A_102 : memref<80x128xi32, #tpu.memory_space<hbm>>) target(%arg6 : memref<80x128xi32, #tpu.memory_space<vmem>>) target_semaphore(%run_scoped3A : memref<!tpu.dma_semaphore, #tpu.memory_space<semaphore_mem>>)
      %dma_wait3A = arith.constant 0 : i32
      %dma_wait3A_103 = arith.constant 0 : i32
      %dma_wait3A_104 = tpu.memref_slice %arg3[%add3A, %dma_wait3A, %dma_wait3A_103] : memref<32x80x128xi32, #tpu.memory_space<hbm>> -> memref<1x80x128xi32, #tpu.memory_space<hbm>>
      %dma_wait3A_105 = tpu.memref_squeeze %dma_wait3A_104 : memref<1x80x128xi32, #tpu.memory_space<hbm>> -> memref<80x128xi32, #tpu.memory_space<hbm>>
      %dma_wait3A_106 = arith.constant 0 : i32
      %dma_wait3A_107 = arith.constant 0 : i32
      %dma_wait3A_108 = tpu.memref_slice %arg3[%add3A, %dma_wait3A_106, %dma_wait3A_107] : memref<32x80x128xi32, #tpu.memory_space<hbm>> -> memref<1x80x128xi32, #tpu.memory_space<hbm>>
      %dma_wait3A_109 = tpu.memref_squeeze %dma_wait3A_108 : memref<1x80x128xi32, #tpu.memory_space<hbm>> -> memref<80x128xi32, #tpu.memory_space<hbm>>
      tpu.wait_dma2 semaphore(%run_scoped3A : memref<!tpu.dma_semaphore, #tpu.memory_space<semaphore_mem>>) src(%dma_wait3A_109 : memref<80x128xi32, #tpu.memory_space<hbm>>) dst(%arg6 : memref<80x128xi32, #tpu.memory_space<vmem>>)
      tpu.yield
    }) : () -> ()
    "tpu.region"() ({
      %run_scoped3A = tpu.sem_alloc : memref<!tpu.dma_semaphore, #tpu.memory_space<semaphore_mem>>
      %dma_start3A = arith.constant 0 : i32
      %dma_start3A_96 = arith.constant 0 : i32
      %dma_start3A_97 = tpu.memref_slice %arg4[%arg1, %dma_start3A, %dma_start3A_96] : memref<16x160x64xi32, #tpu.memory_space<hbm>> -> memref<1x160x64xi32, #tpu.memory_space<hbm>>
      %dma_start3A_98 = tpu.memref_squeeze %dma_start3A_97 : memref<1x160x64xi32, #tpu.memory_space<hbm>> -> memref<160x64xi32, #tpu.memory_space<hbm>>
      %dma_start3A_99 = arith.constant 0 : i32
      %dma_start3A_100 = arith.constant 0 : i32
      %dma_start3A_101 = tpu.memref_slice %arg4[%arg1, %dma_start3A_99, %dma_start3A_100] : memref<16x160x64xi32, #tpu.memory_space<hbm>> -> memref<1x160x64xi32, #tpu.memory_space<hbm>>
      %dma_start3A_102 = tpu.memref_squeeze %dma_start3A_101 : memref<1x160x64xi32, #tpu.memory_space<hbm>> -> memref<160x64xi32, #tpu.memory_space<hbm>>
      tpu.enqueue_dma source(%dma_start3A_102 : memref<160x64xi32, #tpu.memory_space<hbm>>) target(%arg7 : memref<160x64xi32, #tpu.memory_space<vmem>>) target_semaphore(%run_scoped3A : memref<!tpu.dma_semaphore, #tpu.memory_space<semaphore_mem>>)
      %dma_wait3A = arith.constant 0 : i32
      %dma_wait3A_103 = arith.constant 0 : i32
      %dma_wait3A_104 = tpu.memref_slice %arg4[%arg1, %dma_wait3A, %dma_wait3A_103] : memref<16x160x64xi32, #tpu.memory_space<hbm>> -> memref<1x160x64xi32, #tpu.memory_space<hbm>>
      %dma_wait3A_105 = tpu.memref_squeeze %dma_wait3A_104 : memref<1x160x64xi32, #tpu.memory_space<hbm>> -> memref<160x64xi32, #tpu.memory_space<hbm>>
      %dma_wait3A_106 = arith.constant 0 : i32
      %dma_wait3A_107 = arith.constant 0 : i32
      %dma_wait3A_108 = tpu.memref_slice %arg4[%arg1, %dma_wait3A_106, %dma_wait3A_107] : memref<16x160x64xi32, #tpu.memory_space<hbm>> -> memref<1x160x64xi32, #tpu.memory_space<hbm>>
      %dma_wait3A_109 = tpu.memref_squeeze %dma_wait3A_108 : memref<1x160x64xi32, #tpu.memory_space<hbm>> -> memref<160x64xi32, #tpu.memory_space<hbm>>
      tpu.wait_dma2 semaphore(%run_scoped3A : memref<!tpu.dma_semaphore, #tpu.memory_space<semaphore_mem>>) src(%dma_wait3A_109 : memref<160x64xi32, #tpu.memory_space<hbm>>) dst(%arg7 : memref<160x64xi32, #tpu.memory_space<vmem>>)
      tpu.yield
    }) : () -> ()
    %scan3A_48 = arith.constant 0 : i32
    %scan3A_49 = arith.constant 0 : i32
    %scan3A_50 = arith.constant 80 : i32
    %scan3A_51 = arith.addi %scan3A_49, %scan3A_50 : i32
    %scan3A_52 = arith.constant 1 : i32
    %scan3A_53 = scf.for %scan3A_96 = %scan3A_49 to %scan3A_51 step %scan3A_52 iter_args(%scan3A_97 = %scan3A_48) -> (i32)  : i32 {
      %dma_start3A = arith.constant 0 : i32
      %dma_start3A_98 = tpu.memref_slice %arg6[%scan3A_96, %dma_start3A] : memref<80x128xi32, #tpu.memory_space<vmem>> -> memref<1x128xi32, #tpu.memory_space<vmem>>
      %dma_start3A_99 = tpu.memref_squeeze %dma_start3A_98 : memref<1x128xi32, #tpu.memory_space<vmem>> -> memref<128xi32, #tpu.memory_space<vmem>>
      %dma_start3A_100 = arith.constant 0 : i32
      %dma_start3A_101 = arith.constant 0 : i32
      %dma_start3A_102 = tpu.memref_slice %arg2[%dma_start3A_100, %dma_start3A_101] : memref<20480x128xf32, #tpu.memory_space<hbm>> -> memref<20480x128xf32, #tpu.memory_space<hbm>>
      tpu.enqueue_indirect_dma source(%dma_start3A_102 : memref<20480x128xf32, #tpu.memory_space<hbm>>) target(%arg8 : memref<128x128xf32, #tpu.memory_space<vmem>>) offsets(%dma_start3A_99 : memref<128xi32, #tpu.memory_space<vmem>>) semaphore(%arg11 : memref<!tpu.dma_semaphore, #tpu.memory_space<semaphore_mem>>)
      %dma_wait3A = arith.constant 0 : i32
      %dma_wait3A_103 = tpu.memref_slice %arg6[%scan3A_96, %dma_wait3A] : memref<80x128xi32, #tpu.memory_space<vmem>> -> memref<1x128xi32, #tpu.memory_space<vmem>>
      %dma_wait3A_104 = tpu.memref_squeeze %dma_wait3A_103 : memref<1x128xi32, #tpu.memory_space<vmem>> -> memref<128xi32, #tpu.memory_space<vmem>>
      %dma_wait3A_105 = arith.constant 0 : i32
      %dma_wait3A_106 = arith.constant 0 : i32
      %dma_wait3A_107 = tpu.memref_slice %arg2[%dma_wait3A_105, %dma_wait3A_106] : memref<20480x128xf32, #tpu.memory_space<hbm>> -> memref<20480x128xf32, #tpu.memory_space<hbm>>
      tpu.wait_indirect_dma semaphore(%arg11 : memref<!tpu.dma_semaphore, #tpu.memory_space<semaphore_mem>>) src(%dma_wait3A_107 : memref<20480x128xf32, #tpu.memory_space<hbm>>) dst(%arg8 : memref<128x128xf32, #tpu.memory_space<vmem>>)
      %mul3A_108 = arith.constant 2 : i32
      %mul3A_109 = arith.muli %mul3A_108, %scan3A_96 : i32
      %add3A_110 = arith.constant 0 : i32
      %add3A_111 = arith.addi %mul3A_109, %add3A_110 : i32
      "tpu.region"() ({
        %run_scoped3A = tpu.sem_alloc : memref<!tpu.dma_semaphore, #tpu.memory_space<semaphore_mem>>
        %dma_start3A_117 = arith.constant 0 : i32
        %dma_start3A_118 = arith.constant 0 : i32
        %dma_start3A_119 = tpu.memref_slice %arg8[%dma_start3A_117, %dma_start3A_118] : memref<128x128xf32, #tpu.memory_space<vmem>> -> memref<64x128xf32, #tpu.memory_space<vmem>>
        %dma_start3A_120 = arith.constant 0 : i32
        %dma_start3A_121 = tpu.memref_slice %arg7[%add3A_111, %dma_start3A_120] : memref<160x64xi32, #tpu.memory_space<vmem>> -> memref<1x64xi32, #tpu.memory_space<vmem>>
        %dma_start3A_122 = tpu.memref_squeeze %dma_start3A_121 : memref<1x64xi32, #tpu.memory_space<vmem>> -> memref<64xi32, #tpu.memory_space<vmem>>
        %dma_start3A_123 = arith.constant 0 : i32
        %dma_start3A_124 = arith.constant 0 : i32
        %dma_start3A_125 = tpu.memref_slice %arg10[%dma_start3A_123, %dma_start3A_124] : memref<10240x128xf32, #tpu.memory_space<vmem_shared>> -> memref<10240x128xf32, #tpu.memory_space<vmem_shared>>
        tpu.enqueue_indirect_dma source(%dma_start3A_119 : memref<64x128xf32, #tpu.memory_space<vmem>>) target(%dma_start3A_125 : memref<10240x128xf32, #tpu.memory_space<vmem_shared>>) offsets(%dma_start3A_122 : memref<64xi32, #tpu.memory_space<vmem>>) semaphore(%run_scoped3A : memref<!tpu.dma_semaphore, #tpu.memory_space<semaphore_mem>>) {add = true}
        %dma_wait3A_126 = arith.constant 0 : i32
        %dma_wait3A_127 = arith.constant 0 : i32
        %dma_wait3A_128 = tpu.memref_slice %arg8[%dma_wait3A_126, %dma_wait3A_127] : memref<128x128xf32, #tpu.memory_space<vmem>> -> memref<64x128xf32, #tpu.memory_space<vmem>>
        %dma_wait3A_129 = arith.constant 0 : i32
        %dma_wait3A_130 = tpu.memref_slice %arg7[%add3A_111, %dma_wait3A_129] : memref<160x64xi32, #tpu.memory_space<vmem>> -> memref<1x64xi32, #tpu.memory_space<vmem>>
        %dma_wait3A_131 = tpu.memref_squeeze %dma_wait3A_130 : memref<1x64xi32, #tpu.memory_space<vmem>> -> memref<64xi32, #tpu.memory_space<vmem>>
        %dma_wait3A_132 = arith.constant 0 : i32
        %dma_wait3A_133 = arith.constant 0 : i32
        %dma_wait3A_134 = tpu.memref_slice %arg10[%dma_wait3A_132, %dma_wait3A_133] : memref<10240x128xf32, #tpu.memory_space<vmem_shared>> -> memref<10240x128xf32, #tpu.memory_space<vmem_shared>>
        tpu.wait_indirect_dma semaphore(%run_scoped3A : memref<!tpu.dma_semaphore, #tpu.memory_space<semaphore_mem>>) src(%dma_wait3A_128 : memref<64x128xf32, #tpu.memory_space<vmem>>) dst(%dma_wait3A_134 : memref<10240x128xf32, #tpu.memory_space<vmem_shared>>)
        tpu.yield
      }) : () -> ()
      %mul3A_112 = arith.constant 2 : i32
      %mul3A_113 = arith.muli %mul3A_112, %scan3A_96 : i32
      %add3A_114 = arith.constant 1 : i32
      %add3A_115 = arith.addi %mul3A_113, %add3A_114 : i32
      "tpu.region"() ({
        %run_scoped3A = tpu.sem_alloc : memref<!tpu.dma_semaphore, #tpu.memory_space<semaphore_mem>>
        %dma_start3A_117 = arith.constant 64 : i32
        %dma_start3A_118 = arith.constant 0 : i32
        %dma_start3A_119 = tpu.memref_slice %arg8[%dma_start3A_117, %dma_start3A_118] : memref<128x128xf32, #tpu.memory_space<vmem>> -> memref<64x128xf32, #tpu.memory_space<vmem>>
        %dma_start3A_120 = arith.constant 0 : i32
        %dma_start3A_121 = tpu.memref_slice %arg7[%add3A_115, %dma_start3A_120] : memref<160x64xi32, #tpu.memory_space<vmem>> -> memref<1x64xi32, #tpu.memory_space<vmem>>
        %dma_start3A_122 = tpu.memref_squeeze %dma_start3A_121 : memref<1x64xi32, #tpu.memory_space<vmem>> -> memref<64xi32, #tpu.memory_space<vmem>>
        %dma_start3A_123 = arith.constant 0 : i32
        %dma_start3A_124 = arith.constant 0 : i32
        %dma_start3A_125 = tpu.memref_slice %arg10[%dma_start3A_123, %dma_start3A_124] : memref<10240x128xf32, #tpu.memory_space<vmem_shared>> -> memref<10240x128xf32, #tpu.memory_space<vmem_shared>>
        tpu.enqueue_indirect_dma source(%dma_start3A_119 : memref<64x128xf32, #tpu.memory_space<vmem>>) target(%dma_start3A_125 : memref<10240x128xf32, #tpu.memory_space<vmem_shared>>) offsets(%dma_start3A_122 : memref<64xi32, #tpu.memory_space<vmem>>) semaphore(%run_scoped3A : memref<!tpu.dma_semaphore, #tpu.memory_space<semaphore_mem>>) {add = true}
        %dma_wait3A_126 = arith.constant 64 : i32
        %dma_wait3A_127 = arith.constant 0 : i32
        %dma_wait3A_128 = tpu.memref_slice %arg8[%dma_wait3A_126, %dma_wait3A_127] : memref<128x128xf32, #tpu.memory_space<vmem>> -> memref<64x128xf32, #tpu.memory_space<vmem>>
        %dma_wait3A_129 = arith.constant 0 : i32
        %dma_wait3A_130 = tpu.memref_slice %arg7[%add3A_115, %dma_wait3A_129] : memref<160x64xi32, #tpu.memory_space<vmem>> -> memref<1x64xi32, #tpu.memory_space<vmem>>
        %dma_wait3A_131 = tpu.memref_squeeze %dma_wait3A_130 : memref<1x64xi32, #tpu.memory_space<vmem>> -> memref<64xi32, #tpu.memory_space<vmem>>
        %dma_wait3A_132 = arith.constant 0 : i32
        %dma_wait3A_133 = arith.constant 0 : i32
        %dma_wait3A_134 = tpu.memref_slice %arg10[%dma_wait3A_132, %dma_wait3A_133] : memref<10240x128xf32, #tpu.memory_space<vmem_shared>> -> memref<10240x128xf32, #tpu.memory_space<vmem_shared>>
        tpu.wait_indirect_dma semaphore(%run_scoped3A : memref<!tpu.dma_semaphore, #tpu.memory_space<semaphore_mem>>) src(%dma_wait3A_128 : memref<64x128xf32, #tpu.memory_space<vmem>>) dst(%dma_wait3A_134 : memref<10240x128xf32, #tpu.memory_space<vmem_shared>>)
        tpu.yield
      }) : () -> ()
      %scan3A_116 = arith.constant 0 : i32
      scf.yield %scan3A_116 : i32
    }
    %scan3A_54 = arith.constant 80 : i32
    %barrier3A_55 = arith.constant 0 : index
    tpu.barrier barrier_id(%barrier3A_55)
    %mul3A_56 = arith.constant 640 : i32
    %mul3A_57 = arith.muli %arg1, %mul3A_56 : i32
    %add3A_58 = arith.constant 0 : i32
    %add3A_59 = arith.addi %mul3A_57, %add3A_58 : i32
    "tpu.region"() ({
      %run_scoped3A = tpu.sem_alloc : memref<!tpu.dma_semaphore, #tpu.memory_space<semaphore_mem>>
      %dma_start3A = arith.constant 0 : i32
      %dma_start3A_96 = tpu.memref_slice %arg5[%arg0, %add3A_59, %dma_start3A] : memref<2x10240x128xf32, #tpu.memory_space<hbm>> -> memref<1x64x128xf32, #tpu.memory_space<hbm>>
      %dma_start3A_97 = tpu.memref_squeeze %dma_start3A_96 : memref<1x64x128xf32, #tpu.memory_space<hbm>> -> memref<64x128xf32, #tpu.memory_space<hbm>>
      %dma_start3A_98 = arith.constant 0 : i32
      %dma_start3A_99 = tpu.memref_slice %arg10[%add3A_59, %dma_start3A_98] : memref<10240x128xf32, #tpu.memory_space<vmem_shared>> -> memref<64x128xf32, #tpu.memory_space<vmem_shared>>
      tpu.enqueue_dma source(%dma_start3A_99 : memref<64x128xf32, #tpu.memory_space<vmem_shared>>) target(%dma_start3A_97 : memref<64x128xf32, #tpu.memory_space<hbm>>) target_semaphore(%run_scoped3A : memref<!tpu.dma_semaphore, #tpu.memory_space<semaphore_mem>>)
      %dma_wait3A = arith.constant 0 : i32
      %dma_wait3A_100 = tpu.memref_slice %arg5[%arg0, %add3A_59, %dma_wait3A] : memref<2x10240x128xf32, #tpu.memory_space<hbm>> -> memref<1x64x128xf32, #tpu.memory_space<hbm>>
      %dma_wait3A_101 = tpu.memref_squeeze %dma_wait3A_100 : memref<1x64x128xf32, #tpu.memory_space<hbm>> -> memref<64x128xf32, #tpu.memory_space<hbm>>
      %dma_wait3A_102 = arith.constant 0 : i32
      %dma_wait3A_103 = tpu.memref_slice %arg10[%add3A_59, %dma_wait3A_102] : memref<10240x128xf32, #tpu.memory_space<vmem_shared>> -> memref<64x128xf32, #tpu.memory_space<vmem_shared>>
      tpu.wait_dma2 semaphore(%run_scoped3A : memref<!tpu.dma_semaphore, #tpu.memory_space<semaphore_mem>>) src(%dma_wait3A_103 : memref<64x128xf32, #tpu.memory_space<vmem_shared>>) dst(%dma_wait3A_101 : memref<64x128xf32, #tpu.memory_space<hbm>>)
      tpu.yield
    }) : () -> ()
    %mul3A_60 = arith.constant 640 : i32
    %mul3A_61 = arith.muli %arg1, %mul3A_60 : i32
    %add3A_62 = arith.constant 64 : i32
    %add3A_63 = arith.addi %mul3A_61, %add3A_62 : i32
    "tpu.region"() ({
      %run_scoped3A = tpu.sem_alloc : memref<!tpu.dma_semaphore, #tpu.memory_space<semaphore_mem>>
      %dma_start3A = arith.constant 0 : i32
      %dma_start3A_96 = tpu.memref_slice %arg5[%arg0, %add3A_63, %dma_start3A] : memref<2x10240x128xf32, #tpu.memory_space<hbm>> -> memref<1x64x128xf32, #tpu.memory_space<hbm>>
      %dma_start3A_97 = tpu.memref_squeeze %dma_start3A_96 : memref<1x64x128xf32, #tpu.memory_space<hbm>> -> memref<64x128xf32, #tpu.memory_space<hbm>>
      %dma_start3A_98 = arith.constant 0 : i32
      %dma_start3A_99 = tpu.memref_slice %arg10[%add3A_63, %dma_start3A_98] : memref<10240x128xf32, #tpu.memory_space<vmem_shared>> -> memref<64x128xf32, #tpu.memory_space<vmem_shared>>
      tpu.enqueue_dma source(%dma_start3A_99 : memref<64x128xf32, #tpu.memory_space<vmem_shared>>) target(%dma_start3A_97 : memref<64x128xf32, #tpu.memory_space<hbm>>) target_semaphore(%run_scoped3A : memref<!tpu.dma_semaphore, #tpu.memory_space<semaphore_mem>>)
      %dma_wait3A = arith.constant 0 : i32
      %dma_wait3A_100 = tpu.memref_slice %arg5[%arg0, %add3A_63, %dma_wait3A] : memref<2x10240x128xf32, #tpu.memory_space<hbm>> -> memref<1x64x128xf32, #tpu.memory_space<hbm>>
      %dma_wait3A_101 = tpu.memref_squeeze %dma_wait3A_100 : memref<1x64x128xf32, #tpu.memory_space<hbm>> -> memref<64x128xf32, #tpu.memory_space<hbm>>
      %dma_wait3A_102 = arith.constant 0 : i32
      %dma_wait3A_103 = tpu.memref_slice %arg10[%add3A_63, %dma_wait3A_102] : memref<10240x128xf32, #tpu.memory_space<vmem_shared>> -> memref<64x128xf32, #tpu.memory_space<vmem_shared>>
      tpu.wait_dma2 semaphore(%run_scoped3A : memref<!tpu.dma_semaphore, #tpu.memory_space<semaphore_mem>>) src(%dma_wait3A_103 : memref<64x128xf32, #tpu.memory_space<vmem_shared>>) dst(%dma_wait3A_101 : memref<64x128xf32, #tpu.memory_space<hbm>>)
      tpu.yield
    }) : () -> ()
    %mul3A_64 = arith.constant 640 : i32
    %mul3A_65 = arith.muli %arg1, %mul3A_64 : i32
    %add3A_66 = arith.constant 128 : i32
    %add3A_67 = arith.addi %mul3A_65, %add3A_66 : i32
    "tpu.region"() ({
      %run_scoped3A = tpu.sem_alloc : memref<!tpu.dma_semaphore, #tpu.memory_space<semaphore_mem>>
      %dma_start3A = arith.constant 0 : i32
      %dma_start3A_96 = tpu.memref_slice %arg5[%arg0, %add3A_67, %dma_start3A] : memref<2x10240x128xf32, #tpu.memory_space<hbm>> -> memref<1x64x128xf32, #tpu.memory_space<hbm>>
      %dma_start3A_97 = tpu.memref_squeeze %dma_start3A_96 : memref<1x64x128xf32, #tpu.memory_space<hbm>> -> memref<64x128xf32, #tpu.memory_space<hbm>>
      %dma_start3A_98 = arith.constant 0 : i32
      %dma_start3A_99 = tpu.memref_slice %arg10[%add3A_67, %dma_start3A_98] : memref<10240x128xf32, #tpu.memory_space<vmem_shared>> -> memref<64x128xf32, #tpu.memory_space<vmem_shared>>
      tpu.enqueue_dma source(%dma_start3A_99 : memref<64x128xf32, #tpu.memory_space<vmem_shared>>) target(%dma_start3A_97 : memref<64x128xf32, #tpu.memory_space<hbm>>) target_semaphore(%run_scoped3A : memref<!tpu.dma_semaphore, #tpu.memory_space<semaphore_mem>>)
      %dma_wait3A = arith.constant 0 : i32
      %dma_wait3A_100 = tpu.memref_slice %arg5[%arg0, %add3A_67, %dma_wait3A] : memref<2x10240x128xf32, #tpu.memory_space<hbm>> -> memref<1x64x128xf32, #tpu.memory_space<hbm>>
      %dma_wait3A_101 = tpu.memref_squeeze %dma_wait3A_100 : memref<1x64x128xf32, #tpu.memory_space<hbm>> -> memref<64x128xf32, #tpu.memory_space<hbm>>
      %dma_wait3A_102 = arith.constant 0 : i32
      %dma_wait3A_103 = tpu.memref_slice %arg10[%add3A_67, %dma_wait3A_102] : memref<10240x128xf32, #tpu.memory_space<vmem_shared>> -> memref<64x128xf32, #tpu.memory_space<vmem_shared>>
      tpu.wait_dma2 semaphore(%run_scoped3A : memref<!tpu.dma_semaphore, #tpu.memory_space<semaphore_mem>>) src(%dma_wait3A_103 : memref<64x128xf32, #tpu.memory_space<vmem_shared>>) dst(%dma_wait3A_101 : memref<64x128xf32, #tpu.memory_space<hbm>>)
      tpu.yield
    }) : () -> ()
    %mul3A_68 = arith.constant 640 : i32
    %mul3A_69 = arith.muli %arg1, %mul3A_68 : i32
    %add3A_70 = arith.constant 192 : i32
    %add3A_71 = arith.addi %mul3A_69, %add3A_70 : i32
    "tpu.region"() ({
      %run_scoped3A = tpu.sem_alloc : memref<!tpu.dma_semaphore, #tpu.memory_space<semaphore_mem>>
      %dma_start3A = arith.constant 0 : i32
      %dma_start3A_96 = tpu.memref_slice %arg5[%arg0, %add3A_71, %dma_start3A] : memref<2x10240x128xf32, #tpu.memory_space<hbm>> -> memref<1x64x128xf32, #tpu.memory_space<hbm>>
      %dma_start3A_97 = tpu.memref_squeeze %dma_start3A_96 : memref<1x64x128xf32, #tpu.memory_space<hbm>> -> memref<64x128xf32, #tpu.memory_space<hbm>>
      %dma_start3A_98 = arith.constant 0 : i32
      %dma_start3A_99 = tpu.memref_slice %arg10[%add3A_71, %dma_start3A_98] : memref<10240x128xf32, #tpu.memory_space<vmem_shared>> -> memref<64x128xf32, #tpu.memory_space<vmem_shared>>
      tpu.enqueue_dma source(%dma_start3A_99 : memref<64x128xf32, #tpu.memory_space<vmem_shared>>) target(%dma_start3A_97 : memref<64x128xf32, #tpu.memory_space<hbm>>) target_semaphore(%run_scoped3A : memref<!tpu.dma_semaphore, #tpu.memory_space<semaphore_mem>>)
      %dma_wait3A = arith.constant 0 : i32
      %dma_wait3A_100 = tpu.memref_slice %arg5[%arg0, %add3A_71, %dma_wait3A] : memref<2x10240x128xf32, #tpu.memory_space<hbm>> -> memref<1x64x128xf32, #tpu.memory_space<hbm>>
      %dma_wait3A_101 = tpu.memref_squeeze %dma_wait3A_100 : memref<1x64x128xf32, #tpu.memory_space<hbm>> -> memref<64x128xf32, #tpu.memory_space<hbm>>
      %dma_wait3A_102 = arith.constant 0 : i32
      %dma_wait3A_103 = tpu.memref_slice %arg10[%add3A_71, %dma_wait3A_102] : memref<10240x128xf32, #tpu.memory_space<vmem_shared>> -> memref<64x128xf32, #tpu.memory_space<vmem_shared>>
      tpu.wait_dma2 semaphore(%run_scoped3A : memref<!tpu.dma_semaphore, #tpu.memory_space<semaphore_mem>>) src(%dma_wait3A_103 : memref<64x128xf32, #tpu.memory_space<vmem_shared>>) dst(%dma_wait3A_101 : memref<64x128xf32, #tpu.memory_space<hbm>>)
      tpu.yield
    }) : () -> ()
    %mul3A_72 = arith.constant 640 : i32
    %mul3A_73 = arith.muli %arg1, %mul3A_72 : i32
    %add3A_74 = arith.constant 256 : i32
    %add3A_75 = arith.addi %mul3A_73, %add3A_74 : i32
    "tpu.region"() ({
      %run_scoped3A = tpu.sem_alloc : memref<!tpu.dma_semaphore, #tpu.memory_space<semaphore_mem>>
      %dma_start3A = arith.constant 0 : i32
      %dma_start3A_96 = tpu.memref_slice %arg5[%arg0, %add3A_75, %dma_start3A] : memref<2x10240x128xf32, #tpu.memory_space<hbm>> -> memref<1x64x128xf32, #tpu.memory_space<hbm>>
      %dma_start3A_97 = tpu.memref_squeeze %dma_start3A_96 : memref<1x64x128xf32, #tpu.memory_space<hbm>> -> memref<64x128xf32, #tpu.memory_space<hbm>>
      %dma_start3A_98 = arith.constant 0 : i32
      %dma_start3A_99 = tpu.memref_slice %arg10[%add3A_75, %dma_start3A_98] : memref<10240x128xf32, #tpu.memory_space<vmem_shared>> -> memref<64x128xf32, #tpu.memory_space<vmem_shared>>
      tpu.enqueue_dma source(%dma_start3A_99 : memref<64x128xf32, #tpu.memory_space<vmem_shared>>) target(%dma_start3A_97 : memref<64x128xf32, #tpu.memory_space<hbm>>) target_semaphore(%run_scoped3A : memref<!tpu.dma_semaphore, #tpu.memory_space<semaphore_mem>>)
      %dma_wait3A = arith.constant 0 : i32
      %dma_wait3A_100 = tpu.memref_slice %arg5[%arg0, %add3A_75, %dma_wait3A] : memref<2x10240x128xf32, #tpu.memory_space<hbm>> -> memref<1x64x128xf32, #tpu.memory_space<hbm>>
      %dma_wait3A_101 = tpu.memref_squeeze %dma_wait3A_100 : memref<1x64x128xf32, #tpu.memory_space<hbm>> -> memref<64x128xf32, #tpu.memory_space<hbm>>
      %dma_wait3A_102 = arith.constant 0 : i32
      %dma_wait3A_103 = tpu.memref_slice %arg10[%add3A_75, %dma_wait3A_102] : memref<10240x128xf32, #tpu.memory_space<vmem_shared>> -> memref<64x128xf32, #tpu.memory_space<vmem_shared>>
      tpu.wait_dma2 semaphore(%run_scoped3A : memref<!tpu.dma_semaphore, #tpu.memory_space<semaphore_mem>>) src(%dma_wait3A_103 : memref<64x128xf32, #tpu.memory_space<vmem_shared>>) dst(%dma_wait3A_101 : memref<64x128xf32, #tpu.memory_space<hbm>>)
      tpu.yield
    }) : () -> ()
    %mul3A_76 = arith.constant 640 : i32
    %mul3A_77 = arith.muli %arg1, %mul3A_76 : i32
    %add3A_78 = arith.constant 320 : i32
    %add3A_79 = arith.addi %mul3A_77, %add3A_78 : i32
    "tpu.region"() ({
      %run_scoped3A = tpu.sem_alloc : memref<!tpu.dma_semaphore, #tpu.memory_space<semaphore_mem>>
      %dma_start3A = arith.constant 0 : i32
      %dma_start3A_96 = tpu.memref_slice %arg5[%arg0, %add3A_79, %dma_start3A] : memref<2x10240x128xf32, #tpu.memory_space<hbm>> -> memref<1x64x128xf32, #tpu.memory_space<hbm>>
      %dma_start3A_97 = tpu.memref_squeeze %dma_start3A_96 : memref<1x64x128xf32, #tpu.memory_space<hbm>> -> memref<64x128xf32, #tpu.memory_space<hbm>>
      %dma_start3A_98 = arith.constant 0 : i32
      %dma_start3A_99 = tpu.memref_slice %arg10[%add3A_79, %dma_start3A_98] : memref<10240x128xf32, #tpu.memory_space<vmem_shared>> -> memref<64x128xf32, #tpu.memory_space<vmem_shared>>
      tpu.enqueue_dma source(%dma_start3A_99 : memref<64x128xf32, #tpu.memory_space<vmem_shared>>) target(%dma_start3A_97 : memref<64x128xf32, #tpu.memory_space<hbm>>) target_semaphore(%run_scoped3A : memref<!tpu.dma_semaphore, #tpu.memory_space<semaphore_mem>>)
      %dma_wait3A = arith.constant 0 : i32
      %dma_wait3A_100 = tpu.memref_slice %arg5[%arg0, %add3A_79, %dma_wait3A] : memref<2x10240x128xf32, #tpu.memory_space<hbm>> -> memref<1x64x128xf32, #tpu.memory_space<hbm>>
      %dma_wait3A_101 = tpu.memref_squeeze %dma_wait3A_100 : memref<1x64x128xf32, #tpu.memory_space<hbm>> -> memref<64x128xf32, #tpu.memory_space<hbm>>
      %dma_wait3A_102 = arith.constant 0 : i32
      %dma_wait3A_103 = tpu.memref_slice %arg10[%add3A_79, %dma_wait3A_102] : memref<10240x128xf32, #tpu.memory_space<vmem_shared>> -> memref<64x128xf32, #tpu.memory_space<vmem_shared>>
      tpu.wait_dma2 semaphore(%run_scoped3A : memref<!tpu.dma_semaphore, #tpu.memory_space<semaphore_mem>>) src(%dma_wait3A_103 : memref<64x128xf32, #tpu.memory_space<vmem_shared>>) dst(%dma_wait3A_101 : memref<64x128xf32, #tpu.memory_space<hbm>>)
      tpu.yield
    }) : () -> ()
    %mul3A_80 = arith.constant 640 : i32
    %mul3A_81 = arith.muli %arg1, %mul3A_80 : i32
    %add3A_82 = arith.constant 384 : i32
    %add3A_83 = arith.addi %mul3A_81, %add3A_82 : i32
    "tpu.region"() ({
      %run_scoped3A = tpu.sem_alloc : memref<!tpu.dma_semaphore, #tpu.memory_space<semaphore_mem>>
      %dma_start3A = arith.constant 0 : i32
      %dma_start3A_96 = tpu.memref_slice %arg5[%arg0, %add3A_83, %dma_start3A] : memref<2x10240x128xf32, #tpu.memory_space<hbm>> -> memref<1x64x128xf32, #tpu.memory_space<hbm>>
      %dma_start3A_97 = tpu.memref_squeeze %dma_start3A_96 : memref<1x64x128xf32, #tpu.memory_space<hbm>> -> memref<64x128xf32, #tpu.memory_space<hbm>>
      %dma_start3A_98 = arith.constant 0 : i32
      %dma_start3A_99 = tpu.memref_slice %arg10[%add3A_83, %dma_start3A_98] : memref<10240x128xf32, #tpu.memory_space<vmem_shared>> -> memref<64x128xf32, #tpu.memory_space<vmem_shared>>
      tpu.enqueue_dma source(%dma_start3A_99 : memref<64x128xf32, #tpu.memory_space<vmem_shared>>) target(%dma_start3A_97 : memref<64x128xf32, #tpu.memory_space<hbm>>) target_semaphore(%run_scoped3A : memref<!tpu.dma_semaphore, #tpu.memory_space<semaphore_mem>>)
      %dma_wait3A = arith.constant 0 : i32
      %dma_wait3A_100 = tpu.memref_slice %arg5[%arg0, %add3A_83, %dma_wait3A] : memref<2x10240x128xf32, #tpu.memory_space<hbm>> -> memref<1x64x128xf32, #tpu.memory_space<hbm>>
      %dma_wait3A_101 = tpu.memref_squeeze %dma_wait3A_100 : memref<1x64x128xf32, #tpu.memory_space<hbm>> -> memref<64x128xf32, #tpu.memory_space<hbm>>
      %dma_wait3A_102 = arith.constant 0 : i32
      %dma_wait3A_103 = tpu.memref_slice %arg10[%add3A_83, %dma_wait3A_102] : memref<10240x128xf32, #tpu.memory_space<vmem_shared>> -> memref<64x128xf32, #tpu.memory_space<vmem_shared>>
      tpu.wait_dma2 semaphore(%run_scoped3A : memref<!tpu.dma_semaphore, #tpu.memory_space<semaphore_mem>>) src(%dma_wait3A_103 : memref<64x128xf32, #tpu.memory_space<vmem_shared>>) dst(%dma_wait3A_101 : memref<64x128xf32, #tpu.memory_space<hbm>>)
      tpu.yield
    }) : () -> ()
    %mul3A_84 = arith.constant 640 : i32
    %mul3A_85 = arith.muli %arg1, %mul3A_84 : i32
    %add3A_86 = arith.constant 448 : i32
    %add3A_87 = arith.addi %mul3A_85, %add3A_86 : i32
    "tpu.region"() ({
      %run_scoped3A = tpu.sem_alloc : memref<!tpu.dma_semaphore, #tpu.memory_space<semaphore_mem>>
      %dma_start3A = arith.constant 0 : i32
      %dma_start3A_96 = tpu.memref_slice %arg5[%arg0, %add3A_87, %dma_start3A] : memref<2x10240x128xf32, #tpu.memory_space<hbm>> -> memref<1x64x128xf32, #tpu.memory_space<hbm>>
      %dma_start3A_97 = tpu.memref_squeeze %dma_start3A_96 : memref<1x64x128xf32, #tpu.memory_space<hbm>> -> memref<64x128xf32, #tpu.memory_space<hbm>>
      %dma_start3A_98 = arith.constant 0 : i32
      %dma_start3A_99 = tpu.memref_slice %arg10[%add3A_87, %dma_start3A_98] : memref<10240x128xf32, #tpu.memory_space<vmem_shared>> -> memref<64x128xf32, #tpu.memory_space<vmem_shared>>
      tpu.enqueue_dma source(%dma_start3A_99 : memref<64x128xf32, #tpu.memory_space<vmem_shared>>) target(%dma_start3A_97 : memref<64x128xf32, #tpu.memory_space<hbm>>) target_semaphore(%run_scoped3A : memref<!tpu.dma_semaphore, #tpu.memory_space<semaphore_mem>>)
      %dma_wait3A = arith.constant 0 : i32
      %dma_wait3A_100 = tpu.memref_slice %arg5[%arg0, %add3A_87, %dma_wait3A] : memref<2x10240x128xf32, #tpu.memory_space<hbm>> -> memref<1x64x128xf32, #tpu.memory_space<hbm>>
      %dma_wait3A_101 = tpu.memref_squeeze %dma_wait3A_100 : memref<1x64x128xf32, #tpu.memory_space<hbm>> -> memref<64x128xf32, #tpu.memory_space<hbm>>
      %dma_wait3A_102 = arith.constant 0 : i32
      %dma_wait3A_103 = tpu.memref_slice %arg10[%add3A_87, %dma_wait3A_102] : memref<10240x128xf32, #tpu.memory_space<vmem_shared>> -> memref<64x128xf32, #tpu.memory_space<vmem_shared>>
      tpu.wait_dma2 semaphore(%run_scoped3A : memref<!tpu.dma_semaphore, #tpu.memory_space<semaphore_mem>>) src(%dma_wait3A_103 : memref<64x128xf32, #tpu.memory_space<vmem_shared>>) dst(%dma_wait3A_101 : memref<64x128xf32, #tpu.memory_space<hbm>>)
      tpu.yield
    }) : () -> ()
    %mul3A_88 = arith.constant 640 : i32
    %mul3A_89 = arith.muli %arg1, %mul3A_88 : i32
    %add3A_90 = arith.constant 512 : i32
    %add3A_91 = arith.addi %mul3A_89, %add3A_90 : i32
    "tpu.region"() ({
      %run_scoped3A = tpu.sem_alloc : memref<!tpu.dma_semaphore, #tpu.memory_space<semaphore_mem>>
      %dma_start3A = arith.constant 0 : i32
      %dma_start3A_96 = tpu.memref_slice %arg5[%arg0, %add3A_91, %dma_start3A] : memref<2x10240x128xf32, #tpu.memory_space<hbm>> -> memref<1x64x128xf32, #tpu.memory_space<hbm>>
      %dma_start3A_97 = tpu.memref_squeeze %dma_start3A_96 : memref<1x64x128xf32, #tpu.memory_space<hbm>> -> memref<64x128xf32, #tpu.memory_space<hbm>>
      %dma_start3A_98 = arith.constant 0 : i32
      %dma_start3A_99 = tpu.memref_slice %arg10[%add3A_91, %dma_start3A_98] : memref<10240x128xf32, #tpu.memory_space<vmem_shared>> -> memref<64x128xf32, #tpu.memory_space<vmem_shared>>
      tpu.enqueue_dma source(%dma_start3A_99 : memref<64x128xf32, #tpu.memory_space<vmem_shared>>) target(%dma_start3A_97 : memref<64x128xf32, #tpu.memory_space<hbm>>) target_semaphore(%run_scoped3A : memref<!tpu.dma_semaphore, #tpu.memory_space<semaphore_mem>>)
      %dma_wait3A = arith.constant 0 : i32
      %dma_wait3A_100 = tpu.memref_slice %arg5[%arg0, %add3A_91, %dma_wait3A] : memref<2x10240x128xf32, #tpu.memory_space<hbm>> -> memref<1x64x128xf32, #tpu.memory_space<hbm>>
      %dma_wait3A_101 = tpu.memref_squeeze %dma_wait3A_100 : memref<1x64x128xf32, #tpu.memory_space<hbm>> -> memref<64x128xf32, #tpu.memory_space<hbm>>
      %dma_wait3A_102 = arith.constant 0 : i32
      %dma_wait3A_103 = tpu.memref_slice %arg10[%add3A_91, %dma_wait3A_102] : memref<10240x128xf32, #tpu.memory_space<vmem_shared>> -> memref<64x128xf32, #tpu.memory_space<vmem_shared>>
      tpu.wait_dma2 semaphore(%run_scoped3A : memref<!tpu.dma_semaphore, #tpu.memory_space<semaphore_mem>>) src(%dma_wait3A_103 : memref<64x128xf32, #tpu.memory_space<vmem_shared>>) dst(%dma_wait3A_101 : memref<64x128xf32, #tpu.memory_space<hbm>>)
      tpu.yield
    }) : () -> ()
    %mul3A_92 = arith.constant 640 : i32
    %mul3A_93 = arith.muli %arg1, %mul3A_92 : i32
    %add3A_94 = arith.constant 576 : i32
    %add3A_95 = arith.addi %mul3A_93, %add3A_94 : i32
    "tpu.region"() ({
      %run_scoped3A = tpu.sem_alloc : memref<!tpu.dma_semaphore, #tpu.memory_space<semaphore_mem>>
      %dma_start3A = arith.constant 0 : i32
      %dma_start3A_96 = tpu.memref_slice %arg5[%arg0, %add3A_95, %dma_start3A] : memref<2x10240x128xf32, #tpu.memory_space<hbm>> -> memref<1x64x128xf32, #tpu.memory_space<hbm>>
      %dma_start3A_97 = tpu.memref_squeeze %dma_start3A_96 : memref<1x64x128xf32, #tpu.memory_space<hbm>> -> memref<64x128xf32, #tpu.memory_space<hbm>>
      %dma_start3A_98 = arith.constant 0 : i32
      %dma_start3A_99 = tpu.memref_slice %arg10[%add3A_95, %dma_start3A_98] : memref<10240x128xf32, #tpu.memory_space<vmem_shared>> -> memref<64x128xf32, #tpu.memory_space<vmem_shared>>
      tpu.enqueue_dma source(%dma_start3A_99 : memref<64x128xf32, #tpu.memory_space<vmem_shared>>) target(%dma_start3A_97 : memref<64x128xf32, #tpu.memory_space<hbm>>) target_semaphore(%run_scoped3A : memref<!tpu.dma_semaphore, #tpu.memory_space<semaphore_mem>>)
      %dma_wait3A = arith.constant 0 : i32
      %dma_wait3A_100 = tpu.memref_slice %arg5[%arg0, %add3A_95, %dma_wait3A] : memref<2x10240x128xf32, #tpu.memory_space<hbm>> -> memref<1x64x128xf32, #tpu.memory_space<hbm>>
      %dma_wait3A_101 = tpu.memref_squeeze %dma_wait3A_100 : memref<1x64x128xf32, #tpu.memory_space<hbm>> -> memref<64x128xf32, #tpu.memory_space<hbm>>
      %dma_wait3A_102 = arith.constant 0 : i32
      %dma_wait3A_103 = tpu.memref_slice %arg10[%add3A_95, %dma_wait3A_102] : memref<10240x128xf32, #tpu.memory_space<vmem_shared>> -> memref<64x128xf32, #tpu.memory_space<vmem_shared>>
      tpu.wait_dma2 semaphore(%run_scoped3A : memref<!tpu.dma_semaphore, #tpu.memory_space<semaphore_mem>>) src(%dma_wait3A_103 : memref<64x128xf32, #tpu.memory_space<vmem_shared>>) dst(%dma_wait3A_101 : memref<64x128xf32, #tpu.memory_space<hbm>>)
      tpu.yield
    }) : () -> ()
    return
  }
}

#map = affine_map<(d0, d1) -> (0, 0)>
#map1 = affine_map<(d0, d1) -> (0, 0, 0)>
module attributes {stable_mosaic.version = 14 : i64} {
  func.func @_prop_sc(%arg0: i32, %arg1: i32, %arg2: memref<20480x128xf32, #tpu.memory_space<hbm>>, %arg3: memref<32x80x128xi32, #tpu.memory_space<hbm>>, %arg4: memref<16x160x64xi32, #tpu.memory_space<hbm>>, %arg5: memref<2x10240x128xf32, #tpu.memory_space<hbm>>, %arg6: memref<80x128xi32, #tpu.memory_space<vmem>>, %arg7: memref<160x64xi32, #tpu.memory_space<vmem>>, %arg8: memref<128x128xf32, #tpu.memory_space<vmem>>, %arg9: memref<128x128xf32, #tpu.memory_space<vmem>>, %arg10: memref<10240x128xf32, #tpu.memory_space<vmem_shared>>, %arg11: memref<!tpu.dma_semaphore, #tpu.memory_space<semaphore_mem>>, %arg12: memref<!tpu.dma_semaphore, #tpu.memory_space<semaphore_mem>>) attributes {dimension_semantics = [#tpu.dimension_semantics<core_parallel>, #tpu.dimension_semantics<subcore_parallel>], iteration_bounds = array<i64: 2, 16>, scalar_prefetch = 0 : i64, scratch_operands = 7 : i64, tpu.core_type = #tpu.core_type<sc_vector_subcore>, window_params = [{transform_indices = #map}, {transform_indices = #map1}, {transform_indices = #map1}, {transform_indices = #map1}]} {
    %mul3A = arith.constant 16 : i32
    %mul3A_0 = arith.muli %arg0, %mul3A : i32
    %add3A = arith.addi %mul3A_0, %arg1 : i32
    %broadcast_in_dim3A = arith.constant 0.000000e+00 : f32
    %broadcast_in_dim3A_1 = vector.broadcast %broadcast_in_dim3A : f32 to vector<16xf32>
    %scan3A = arith.constant 0 : i32
    %scan3A_2 = arith.constant 0 : i32
    %scan3A_3 = arith.constant 64 : i32
    %scan3A_4 = arith.addi %scan3A_2, %scan3A_3 : i32
    %scan3A_5 = arith.constant 1 : i32
    %scan3A_6 = scf.for %scan3A_96 = %scan3A_2 to %scan3A_4 step %scan3A_5 iter_args(%scan3A_97 = %scan3A) -> (i32)  : i32 {
      %swap3A = arith.index_cast %scan3A_96 : i32 to index
      %swap3A_98 = arith.constant 0 : index
      %swap3A_99 = tpu.vector_load %arg8[%swap3A, %swap3A_98] {strides = array<i32>} : memref<128x128xf32, #tpu.memory_space<vmem>>, vector<1x16xf32>,
      %swap3A_100 = vector.shape_cast %swap3A_99 : vector<1x16xf32> to vector<16xf32>
      %swap3A_101 = vector.shape_cast %broadcast_in_dim3A_1 : vector<16xf32> to vector<1x16xf32>
      tpu.vector_store %arg8[%swap3A, %swap3A_98], %swap3A_101 {strides = array<i32>} : memref<128x128xf32, #tpu.memory_space<vmem>>, vector<1x16xf32>,
      %swap3A_102 = arith.index_cast %scan3A_96 : i32 to index
      %swap3A_103 = arith.constant 16 : index
      %swap3A_104 = tpu.vector_load %arg8[%swap3A_102, %swap3A_103] {strides = array<i32>} : memref<128x128xf32, #tpu.memory_space<vmem>>, vector<1x16xf32>,
      %swap3A_105 = vector.shape_cast %swap3A_104 : vector<1x16xf32> to vector<16xf32>
      %swap3A_106 = vector.shape_cast %broadcast_in_dim3A_1 : vector<16xf32> to vector<1x16xf32>
      tpu.vector_store %arg8[%swap3A_102, %swap3A_103], %swap3A_106 {strides = array<i32>} : memref<128x128xf32, #tpu.memory_space<vmem>>, vector<1x16xf32>,
      %swap3A_107 = arith.index_cast %scan3A_96 : i32 to index
      %swap3A_108 = arith.constant 32 : index
      %swap3A_109 = tpu.vector_load %arg8[%swap3A_107, %swap3A_108] {strides = array<i32>} : memref<128x128xf32, #tpu.memory_space<vmem>>, vector<1x16xf32>,
      %swap3A_110 = vector.shape_cast %swap3A_109 : vector<1x16xf32> to vector<16xf32>
      %swap3A_111 = vector.shape_cast %broadcast_in_dim3A_1 : vector<16xf32> to vector<1x16xf32>
      tpu.vector_store %arg8[%swap3A_107, %swap3A_108], %swap3A_111 {strides = array<i32>} : memref<128x128xf32, #tpu.memory_space<vmem>>, vector<1x16xf32>,
      %swap3A_112 = arith.index_cast %scan3A_96 : i32 to index
      %swap3A_113 = arith.constant 48 : index
      %swap3A_114 = tpu.vector_load %arg8[%swap3A_112, %swap3A_113] {strides = array<i32>} : memref<128x128xf32, #tpu.memory_space<vmem>>, vector<1x16xf32>,
      %swap3A_115 = vector.shape_cast %swap3A_114 : vector<1x16xf32> to vector<16xf32>
      %swap3A_116 = vector.shape_cast %broadcast_in_dim3A_1 : vector<16xf32> to vector<1x16xf32>
      tpu.vector_store %arg8[%swap3A_112, %swap3A_113], %swap3A_116 {strides = array<i32>} : memref<128x128xf32, #tpu.memory_space<vmem>>, vector<1x16xf32>,
      %swap3A_117 = arith.index_cast %scan3A_96 : i32 to index
      %swap3A_118 = arith.constant 64 : index
      %swap3A_119 = tpu.vector_load %arg8[%swap3A_117, %swap3A_118] {strides = array<i32>} : memref<128x128xf32, #tpu.memory_space<vmem>>, vector<1x16xf32>,
      %swap3A_120 = vector.shape_cast %swap3A_119 : vector<1x16xf32> to vector<16xf32>
      %swap3A_121 = vector.shape_cast %broadcast_in_dim3A_1 : vector<16xf32> to vector<1x16xf32>
      tpu.vector_store %arg8[%swap3A_117, %swap3A_118], %swap3A_121 {strides = array<i32>} : memref<128x128xf32, #tpu.memory_space<vmem>>, vector<1x16xf32>,
      %swap3A_122 = arith.index_cast %scan3A_96 : i32 to index
      %swap3A_123 = arith.constant 80 : index
      %swap3A_124 = tpu.vector_load %arg8[%swap3A_122, %swap3A_123] {strides = array<i32>} : memref<128x128xf32, #tpu.memory_space<vmem>>, vector<1x16xf32>,
      %swap3A_125 = vector.shape_cast %swap3A_124 : vector<1x16xf32> to vector<16xf32>
      %swap3A_126 = vector.shape_cast %broadcast_in_dim3A_1 : vector<16xf32> to vector<1x16xf32>
      tpu.vector_store %arg8[%swap3A_122, %swap3A_123], %swap3A_126 {strides = array<i32>} : memref<128x128xf32, #tpu.memory_space<vmem>>, vector<1x16xf32>,
      %swap3A_127 = arith.index_cast %scan3A_96 : i32 to index
      %swap3A_128 = arith.constant 96 : index
      %swap3A_129 = tpu.vector_load %arg8[%swap3A_127, %swap3A_128] {strides = array<i32>} : memref<128x128xf32, #tpu.memory_space<vmem>>, vector<1x16xf32>,
      %swap3A_130 = vector.shape_cast %swap3A_129 : vector<1x16xf32> to vector<16xf32>
      %swap3A_131 = vector.shape_cast %broadcast_in_dim3A_1 : vector<16xf32> to vector<1x16xf32>
      tpu.vector_store %arg8[%swap3A_127, %swap3A_128], %swap3A_131 {strides = array<i32>} : memref<128x128xf32, #tpu.memory_space<vmem>>, vector<1x16xf32>,
      %swap3A_132 = arith.index_cast %scan3A_96 : i32 to index
      %swap3A_133 = arith.constant 112 : index
      %swap3A_134 = tpu.vector_load %arg8[%swap3A_132, %swap3A_133] {strides = array<i32>} : memref<128x128xf32, #tpu.memory_space<vmem>>, vector<1x16xf32>,
      %swap3A_135 = vector.shape_cast %swap3A_134 : vector<1x16xf32> to vector<16xf32>
      %swap3A_136 = vector.shape_cast %broadcast_in_dim3A_1 : vector<16xf32> to vector<1x16xf32>
      tpu.vector_store %arg8[%swap3A_132, %swap3A_133], %swap3A_136 {strides = array<i32>} : memref<128x128xf32, #tpu.memory_space<vmem>>, vector<1x16xf32>,
      %scan3A_137 = arith.constant 0 : i32
      scf.yield %scan3A_137 : i32
    }
    %scan3A_7 = arith.constant 64 : i32
    %mul3A_8 = arith.constant 640 : i32
    %mul3A_9 = arith.muli %arg1, %mul3A_8 : i32
    %add3A_10 = arith.constant 0 : i32
    %add3A_11 = arith.addi %mul3A_9, %add3A_10 : i32
    "tpu.region"() ({
      %run_scoped3A = tpu.sem_alloc : memref<!tpu.dma_semaphore, #tpu.memory_space<semaphore_mem>>
      %dma_start3A = arith.constant 0 : i32
      %dma_start3A_96 = arith.constant 0 : i32
      %dma_start3A_97 = tpu.memref_slice %arg8[%dma_start3A, %dma_start3A_96] : memref<128x128xf32, #tpu.memory_space<vmem>> -> memref<64x128xf32, #tpu.memory_space<vmem>>
      %dma_start3A_98 = arith.constant 0 : i32
      %dma_start3A_99 = tpu.memref_slice %arg10[%add3A_11, %dma_start3A_98] : memref<10240x128xf32, #tpu.memory_space<vmem_shared>> -> memref<64x128xf32, #tpu.memory_space<vmem_shared>>
      %dma_start3A_100 = arith.constant 0 : i32
      %dma_start3A_101 = tpu.memref_slice %arg10[%add3A_11, %dma_start3A_100] : memref<10240x128xf32, #tpu.memory_space<vmem_shared>> -> memref<64x128xf32, #tpu.memory_space<vmem_shared>>
      %dma_start3A_102 = arith.constant 0 : i32
      %dma_start3A_103 = arith.constant 0 : i32
      %dma_start3A_104 = tpu.memref_slice %arg8[%dma_start3A_102, %dma_start3A_103] : memref<128x128xf32, #tpu.memory_space<vmem>> -> memref<64x128xf32, #tpu.memory_space<vmem>>
      tpu.enqueue_dma source(%dma_start3A_104 : memref<64x128xf32, #tpu.memory_space<vmem>>) target(%dma_start3A_101 : memref<64x128xf32, #tpu.memory_space<vmem_shared>>) target_semaphore(%run_scoped3A : memref<!tpu.dma_semaphore, #tpu.memory_space<semaphore_mem>>)
      %dma_wait3A = arith.constant 0 : i32
      %dma_wait3A_105 = arith.constant 0 : i32
      %dma_wait3A_106 = tpu.memref_slice %arg8[%dma_wait3A, %dma_wait3A_105] : memref<128x128xf32, #tpu.memory_space<vmem>> -> memref<64x128xf32, #tpu.memory_space<vmem>>
      %dma_wait3A_107 = arith.constant 0 : i32
      %dma_wait3A_108 = tpu.memref_slice %arg10[%add3A_11, %dma_wait3A_107] : memref<10240x128xf32, #tpu.memory_space<vmem_shared>> -> memref<64x128xf32, #tpu.memory_space<vmem_shared>>
      %dma_wait3A_109 = arith.constant 0 : i32
      %dma_wait3A_110 = tpu.memref_slice %arg10[%add3A_11, %dma_wait3A_109] : memref<10240x128xf32, #tpu.memory_space<vmem_shared>> -> memref<64x128xf32, #tpu.memory_space<vmem_shared>>
      %dma_wait3A_111 = arith.constant 0 : i32
      %dma_wait3A_112 = arith.constant 0 : i32
      %dma_wait3A_113 = tpu.memref_slice %arg8[%dma_wait3A_111, %dma_wait3A_112] : memref<128x128xf32, #tpu.memory_space<vmem>> -> memref<64x128xf32, #tpu.memory_space<vmem>>
      tpu.wait_dma2 semaphore(%run_scoped3A : memref<!tpu.dma_semaphore, #tpu.memory_space<semaphore_mem>>) src(%dma_wait3A_113 : memref<64x128xf32, #tpu.memory_space<vmem>>) dst(%dma_wait3A_110 : memref<64x128xf32, #tpu.memory_space<vmem_shared>>)
      tpu.yield
    }) : () -> ()
    %mul3A_12 = arith.constant 640 : i32
    %mul3A_13 = arith.muli %arg1, %mul3A_12 : i32
    %add3A_14 = arith.constant 64 : i32
    %add3A_15 = arith.addi %mul3A_13, %add3A_14 : i32
    "tpu.region"() ({
      %run_scoped3A = tpu.sem_alloc : memref<!tpu.dma_semaphore, #tpu.memory_space<semaphore_mem>>
      %dma_start3A = arith.constant 0 : i32
      %dma_start3A_96 = arith.constant 0 : i32
      %dma_start3A_97 = tpu.memref_slice %arg8[%dma_start3A, %dma_start3A_96] : memref<128x128xf32, #tpu.memory_space<vmem>> -> memref<64x128xf32, #tpu.memory_space<vmem>>
      %dma_start3A_98 = arith.constant 0 : i32
      %dma_start3A_99 = tpu.memref_slice %arg10[%add3A_15, %dma_start3A_98] : memref<10240x128xf32, #tpu.memory_space<vmem_shared>> -> memref<64x128xf32, #tpu.memory_space<vmem_shared>>
      %dma_start3A_100 = arith.constant 0 : i32
      %dma_start3A_101 = tpu.memref_slice %arg10[%add3A_15, %dma_start3A_100] : memref<10240x128xf32, #tpu.memory_space<vmem_shared>> -> memref<64x128xf32, #tpu.memory_space<vmem_shared>>
      %dma_start3A_102 = arith.constant 0 : i32
      %dma_start3A_103 = arith.constant 0 : i32
      %dma_start3A_104 = tpu.memref_slice %arg8[%dma_start3A_102, %dma_start3A_103] : memref<128x128xf32, #tpu.memory_space<vmem>> -> memref<64x128xf32, #tpu.memory_space<vmem>>
      tpu.enqueue_dma source(%dma_start3A_104 : memref<64x128xf32, #tpu.memory_space<vmem>>) target(%dma_start3A_101 : memref<64x128xf32, #tpu.memory_space<vmem_shared>>) target_semaphore(%run_scoped3A : memref<!tpu.dma_semaphore, #tpu.memory_space<semaphore_mem>>)
      %dma_wait3A = arith.constant 0 : i32
      %dma_wait3A_105 = arith.constant 0 : i32
      %dma_wait3A_106 = tpu.memref_slice %arg8[%dma_wait3A, %dma_wait3A_105] : memref<128x128xf32, #tpu.memory_space<vmem>> -> memref<64x128xf32, #tpu.memory_space<vmem>>
      %dma_wait3A_107 = arith.constant 0 : i32
      %dma_wait3A_108 = tpu.memref_slice %arg10[%add3A_15, %dma_wait3A_107] : memref<10240x128xf32, #tpu.memory_space<vmem_shared>> -> memref<64x128xf32, #tpu.memory_space<vmem_shared>>
      %dma_wait3A_109 = arith.constant 0 : i32
      %dma_wait3A_110 = tpu.memref_slice %arg10[%add3A_15, %dma_wait3A_109] : memref<10240x128xf32, #tpu.memory_space<vmem_shared>> -> memref<64x128xf32, #tpu.memory_space<vmem_shared>>
      %dma_wait3A_111 = arith.constant 0 : i32
      %dma_wait3A_112 = arith.constant 0 : i32
      %dma_wait3A_113 = tpu.memref_slice %arg8[%dma_wait3A_111, %dma_wait3A_112] : memref<128x128xf32, #tpu.memory_space<vmem>> -> memref<64x128xf32, #tpu.memory_space<vmem>>
      tpu.wait_dma2 semaphore(%run_scoped3A : memref<!tpu.dma_semaphore, #tpu.memory_space<semaphore_mem>>) src(%dma_wait3A_113 : memref<64x128xf32, #tpu.memory_space<vmem>>) dst(%dma_wait3A_110 : memref<64x128xf32, #tpu.memory_space<vmem_shared>>)
      tpu.yield
    }) : () -> ()
    %mul3A_16 = arith.constant 640 : i32
    %mul3A_17 = arith.muli %arg1, %mul3A_16 : i32
    %add3A_18 = arith.constant 128 : i32
    %add3A_19 = arith.addi %mul3A_17, %add3A_18 : i32
    "tpu.region"() ({
      %run_scoped3A = tpu.sem_alloc : memref<!tpu.dma_semaphore, #tpu.memory_space<semaphore_mem>>
      %dma_start3A = arith.constant 0 : i32
      %dma_start3A_96 = arith.constant 0 : i32
      %dma_start3A_97 = tpu.memref_slice %arg8[%dma_start3A, %dma_start3A_96] : memref<128x128xf32, #tpu.memory_space<vmem>> -> memref<64x128xf32, #tpu.memory_space<vmem>>
      %dma_start3A_98 = arith.constant 0 : i32
      %dma_start3A_99 = tpu.memref_slice %arg10[%add3A_19, %dma_start3A_98] : memref<10240x128xf32, #tpu.memory_space<vmem_shared>> -> memref<64x128xf32, #tpu.memory_space<vmem_shared>>
      %dma_start3A_100 = arith.constant 0 : i32
      %dma_start3A_101 = tpu.memref_slice %arg10[%add3A_19, %dma_start3A_100] : memref<10240x128xf32, #tpu.memory_space<vmem_shared>> -> memref<64x128xf32, #tpu.memory_space<vmem_shared>>
      %dma_start3A_102 = arith.constant 0 : i32
      %dma_start3A_103 = arith.constant 0 : i32
      %dma_start3A_104 = tpu.memref_slice %arg8[%dma_start3A_102, %dma_start3A_103] : memref<128x128xf32, #tpu.memory_space<vmem>> -> memref<64x128xf32, #tpu.memory_space<vmem>>
      tpu.enqueue_dma source(%dma_start3A_104 : memref<64x128xf32, #tpu.memory_space<vmem>>) target(%dma_start3A_101 : memref<64x128xf32, #tpu.memory_space<vmem_shared>>) target_semaphore(%run_scoped3A : memref<!tpu.dma_semaphore, #tpu.memory_space<semaphore_mem>>)
      %dma_wait3A = arith.constant 0 : i32
      %dma_wait3A_105 = arith.constant 0 : i32
      %dma_wait3A_106 = tpu.memref_slice %arg8[%dma_wait3A, %dma_wait3A_105] : memref<128x128xf32, #tpu.memory_space<vmem>> -> memref<64x128xf32, #tpu.memory_space<vmem>>
      %dma_wait3A_107 = arith.constant 0 : i32
      %dma_wait3A_108 = tpu.memref_slice %arg10[%add3A_19, %dma_wait3A_107] : memref<10240x128xf32, #tpu.memory_space<vmem_shared>> -> memref<64x128xf32, #tpu.memory_space<vmem_shared>>
      %dma_wait3A_109 = arith.constant 0 : i32
      %dma_wait3A_110 = tpu.memref_slice %arg10[%add3A_19, %dma_wait3A_109] : memref<10240x128xf32, #tpu.memory_space<vmem_shared>> -> memref<64x128xf32, #tpu.memory_space<vmem_shared>>
      %dma_wait3A_111 = arith.constant 0 : i32
      %dma_wait3A_112 = arith.constant 0 : i32
      %dma_wait3A_113 = tpu.memref_slice %arg8[%dma_wait3A_111, %dma_wait3A_112] : memref<128x128xf32, #tpu.memory_space<vmem>> -> memref<64x128xf32, #tpu.memory_space<vmem>>
      tpu.wait_dma2 semaphore(%run_scoped3A : memref<!tpu.dma_semaphore, #tpu.memory_space<semaphore_mem>>) src(%dma_wait3A_113 : memref<64x128xf32, #tpu.memory_space<vmem>>) dst(%dma_wait3A_110 : memref<64x128xf32, #tpu.memory_space<vmem_shared>>)
      tpu.yield
    }) : () -> ()
    %mul3A_20 = arith.constant 640 : i32
    %mul3A_21 = arith.muli %arg1, %mul3A_20 : i32
    %add3A_22 = arith.constant 192 : i32
    %add3A_23 = arith.addi %mul3A_21, %add3A_22 : i32
    "tpu.region"() ({
      %run_scoped3A = tpu.sem_alloc : memref<!tpu.dma_semaphore, #tpu.memory_space<semaphore_mem>>
      %dma_start3A = arith.constant 0 : i32
      %dma_start3A_96 = arith.constant 0 : i32
      %dma_start3A_97 = tpu.memref_slice %arg8[%dma_start3A, %dma_start3A_96] : memref<128x128xf32, #tpu.memory_space<vmem>> -> memref<64x128xf32, #tpu.memory_space<vmem>>
      %dma_start3A_98 = arith.constant 0 : i32
      %dma_start3A_99 = tpu.memref_slice %arg10[%add3A_23, %dma_start3A_98] : memref<10240x128xf32, #tpu.memory_space<vmem_shared>> -> memref<64x128xf32, #tpu.memory_space<vmem_shared>>
      %dma_start3A_100 = arith.constant 0 : i32
      %dma_start3A_101 = tpu.memref_slice %arg10[%add3A_23, %dma_start3A_100] : memref<10240x128xf32, #tpu.memory_space<vmem_shared>> -> memref<64x128xf32, #tpu.memory_space<vmem_shared>>
      %dma_start3A_102 = arith.constant 0 : i32
      %dma_start3A_103 = arith.constant 0 : i32
      %dma_start3A_104 = tpu.memref_slice %arg8[%dma_start3A_102, %dma_start3A_103] : memref<128x128xf32, #tpu.memory_space<vmem>> -> memref<64x128xf32, #tpu.memory_space<vmem>>
      tpu.enqueue_dma source(%dma_start3A_104 : memref<64x128xf32, #tpu.memory_space<vmem>>) target(%dma_start3A_101 : memref<64x128xf32, #tpu.memory_space<vmem_shared>>) target_semaphore(%run_scoped3A : memref<!tpu.dma_semaphore, #tpu.memory_space<semaphore_mem>>)
      %dma_wait3A = arith.constant 0 : i32
      %dma_wait3A_105 = arith.constant 0 : i32
      %dma_wait3A_106 = tpu.memref_slice %arg8[%dma_wait3A, %dma_wait3A_105] : memref<128x128xf32, #tpu.memory_space<vmem>> -> memref<64x128xf32, #tpu.memory_space<vmem>>
      %dma_wait3A_107 = arith.constant 0 : i32
      %dma_wait3A_108 = tpu.memref_slice %arg10[%add3A_23, %dma_wait3A_107] : memref<10240x128xf32, #tpu.memory_space<vmem_shared>> -> memref<64x128xf32, #tpu.memory_space<vmem_shared>>
      %dma_wait3A_109 = arith.constant 0 : i32
      %dma_wait3A_110 = tpu.memref_slice %arg10[%add3A_23, %dma_wait3A_109] : memref<10240x128xf32, #tpu.memory_space<vmem_shared>> -> memref<64x128xf32, #tpu.memory_space<vmem_shared>>
      %dma_wait3A_111 = arith.constant 0 : i32
      %dma_wait3A_112 = arith.constant 0 : i32
      %dma_wait3A_113 = tpu.memref_slice %arg8[%dma_wait3A_111, %dma_wait3A_112] : memref<128x128xf32, #tpu.memory_space<vmem>> -> memref<64x128xf32, #tpu.memory_space<vmem>>
      tpu.wait_dma2 semaphore(%run_scoped3A : memref<!tpu.dma_semaphore, #tpu.memory_space<semaphore_mem>>) src(%dma_wait3A_113 : memref<64x128xf32, #tpu.memory_space<vmem>>) dst(%dma_wait3A_110 : memref<64x128xf32, #tpu.memory_space<vmem_shared>>)
      tpu.yield
    }) : () -> ()
    %mul3A_24 = arith.constant 640 : i32
    %mul3A_25 = arith.muli %arg1, %mul3A_24 : i32
    %add3A_26 = arith.constant 256 : i32
    %add3A_27 = arith.addi %mul3A_25, %add3A_26 : i32
    "tpu.region"() ({
      %run_scoped3A = tpu.sem_alloc : memref<!tpu.dma_semaphore, #tpu.memory_space<semaphore_mem>>
      %dma_start3A = arith.constant 0 : i32
      %dma_start3A_96 = arith.constant 0 : i32
      %dma_start3A_97 = tpu.memref_slice %arg8[%dma_start3A, %dma_start3A_96] : memref<128x128xf32, #tpu.memory_space<vmem>> -> memref<64x128xf32, #tpu.memory_space<vmem>>
      %dma_start3A_98 = arith.constant 0 : i32
      %dma_start3A_99 = tpu.memref_slice %arg10[%add3A_27, %dma_start3A_98] : memref<10240x128xf32, #tpu.memory_space<vmem_shared>> -> memref<64x128xf32, #tpu.memory_space<vmem_shared>>
      %dma_start3A_100 = arith.constant 0 : i32
      %dma_start3A_101 = tpu.memref_slice %arg10[%add3A_27, %dma_start3A_100] : memref<10240x128xf32, #tpu.memory_space<vmem_shared>> -> memref<64x128xf32, #tpu.memory_space<vmem_shared>>
      %dma_start3A_102 = arith.constant 0 : i32
      %dma_start3A_103 = arith.constant 0 : i32
      %dma_start3A_104 = tpu.memref_slice %arg8[%dma_start3A_102, %dma_start3A_103] : memref<128x128xf32, #tpu.memory_space<vmem>> -> memref<64x128xf32, #tpu.memory_space<vmem>>
      tpu.enqueue_dma source(%dma_start3A_104 : memref<64x128xf32, #tpu.memory_space<vmem>>) target(%dma_start3A_101 : memref<64x128xf32, #tpu.memory_space<vmem_shared>>) target_semaphore(%run_scoped3A : memref<!tpu.dma_semaphore, #tpu.memory_space<semaphore_mem>>)
      %dma_wait3A = arith.constant 0 : i32
      %dma_wait3A_105 = arith.constant 0 : i32
      %dma_wait3A_106 = tpu.memref_slice %arg8[%dma_wait3A, %dma_wait3A_105] : memref<128x128xf32, #tpu.memory_space<vmem>> -> memref<64x128xf32, #tpu.memory_space<vmem>>
      %dma_wait3A_107 = arith.constant 0 : i32
      %dma_wait3A_108 = tpu.memref_slice %arg10[%add3A_27, %dma_wait3A_107] : memref<10240x128xf32, #tpu.memory_space<vmem_shared>> -> memref<64x128xf32, #tpu.memory_space<vmem_shared>>
      %dma_wait3A_109 = arith.constant 0 : i32
      %dma_wait3A_110 = tpu.memref_slice %arg10[%add3A_27, %dma_wait3A_109] : memref<10240x128xf32, #tpu.memory_space<vmem_shared>> -> memref<64x128xf32, #tpu.memory_space<vmem_shared>>
      %dma_wait3A_111 = arith.constant 0 : i32
      %dma_wait3A_112 = arith.constant 0 : i32
      %dma_wait3A_113 = tpu.memref_slice %arg8[%dma_wait3A_111, %dma_wait3A_112] : memref<128x128xf32, #tpu.memory_space<vmem>> -> memref<64x128xf32, #tpu.memory_space<vmem>>
      tpu.wait_dma2 semaphore(%run_scoped3A : memref<!tpu.dma_semaphore, #tpu.memory_space<semaphore_mem>>) src(%dma_wait3A_113 : memref<64x128xf32, #tpu.memory_space<vmem>>) dst(%dma_wait3A_110 : memref<64x128xf32, #tpu.memory_space<vmem_shared>>)
      tpu.yield
    }) : () -> ()
    %mul3A_28 = arith.constant 640 : i32
    %mul3A_29 = arith.muli %arg1, %mul3A_28 : i32
    %add3A_30 = arith.constant 320 : i32
    %add3A_31 = arith.addi %mul3A_29, %add3A_30 : i32
    "tpu.region"() ({
      %run_scoped3A = tpu.sem_alloc : memref<!tpu.dma_semaphore, #tpu.memory_space<semaphore_mem>>
      %dma_start3A = arith.constant 0 : i32
      %dma_start3A_96 = arith.constant 0 : i32
      %dma_start3A_97 = tpu.memref_slice %arg8[%dma_start3A, %dma_start3A_96] : memref<128x128xf32, #tpu.memory_space<vmem>> -> memref<64x128xf32, #tpu.memory_space<vmem>>
      %dma_start3A_98 = arith.constant 0 : i32
      %dma_start3A_99 = tpu.memref_slice %arg10[%add3A_31, %dma_start3A_98] : memref<10240x128xf32, #tpu.memory_space<vmem_shared>> -> memref<64x128xf32, #tpu.memory_space<vmem_shared>>
      %dma_start3A_100 = arith.constant 0 : i32
      %dma_start3A_101 = tpu.memref_slice %arg10[%add3A_31, %dma_start3A_100] : memref<10240x128xf32, #tpu.memory_space<vmem_shared>> -> memref<64x128xf32, #tpu.memory_space<vmem_shared>>
      %dma_start3A_102 = arith.constant 0 : i32
      %dma_start3A_103 = arith.constant 0 : i32
      %dma_start3A_104 = tpu.memref_slice %arg8[%dma_start3A_102, %dma_start3A_103] : memref<128x128xf32, #tpu.memory_space<vmem>> -> memref<64x128xf32, #tpu.memory_space<vmem>>
      tpu.enqueue_dma source(%dma_start3A_104 : memref<64x128xf32, #tpu.memory_space<vmem>>) target(%dma_start3A_101 : memref<64x128xf32, #tpu.memory_space<vmem_shared>>) target_semaphore(%run_scoped3A : memref<!tpu.dma_semaphore, #tpu.memory_space<semaphore_mem>>)
      %dma_wait3A = arith.constant 0 : i32
      %dma_wait3A_105 = arith.constant 0 : i32
      %dma_wait3A_106 = tpu.memref_slice %arg8[%dma_wait3A, %dma_wait3A_105] : memref<128x128xf32, #tpu.memory_space<vmem>> -> memref<64x128xf32, #tpu.memory_space<vmem>>
      %dma_wait3A_107 = arith.constant 0 : i32
      %dma_wait3A_108 = tpu.memref_slice %arg10[%add3A_31, %dma_wait3A_107] : memref<10240x128xf32, #tpu.memory_space<vmem_shared>> -> memref<64x128xf32, #tpu.memory_space<vmem_shared>>
      %dma_wait3A_109 = arith.constant 0 : i32
      %dma_wait3A_110 = tpu.memref_slice %arg10[%add3A_31, %dma_wait3A_109] : memref<10240x128xf32, #tpu.memory_space<vmem_shared>> -> memref<64x128xf32, #tpu.memory_space<vmem_shared>>
      %dma_wait3A_111 = arith.constant 0 : i32
      %dma_wait3A_112 = arith.constant 0 : i32
      %dma_wait3A_113 = tpu.memref_slice %arg8[%dma_wait3A_111, %dma_wait3A_112] : memref<128x128xf32, #tpu.memory_space<vmem>> -> memref<64x128xf32, #tpu.memory_space<vmem>>
      tpu.wait_dma2 semaphore(%run_scoped3A : memref<!tpu.dma_semaphore, #tpu.memory_space<semaphore_mem>>) src(%dma_wait3A_113 : memref<64x128xf32, #tpu.memory_space<vmem>>) dst(%dma_wait3A_110 : memref<64x128xf32, #tpu.memory_space<vmem_shared>>)
      tpu.yield
    }) : () -> ()
    %mul3A_32 = arith.constant 640 : i32
    %mul3A_33 = arith.muli %arg1, %mul3A_32 : i32
    %add3A_34 = arith.constant 384 : i32
    %add3A_35 = arith.addi %mul3A_33, %add3A_34 : i32
    "tpu.region"() ({
      %run_scoped3A = tpu.sem_alloc : memref<!tpu.dma_semaphore, #tpu.memory_space<semaphore_mem>>
      %dma_start3A = arith.constant 0 : i32
      %dma_start3A_96 = arith.constant 0 : i32
      %dma_start3A_97 = tpu.memref_slice %arg8[%dma_start3A, %dma_start3A_96] : memref<128x128xf32, #tpu.memory_space<vmem>> -> memref<64x128xf32, #tpu.memory_space<vmem>>
      %dma_start3A_98 = arith.constant 0 : i32
      %dma_start3A_99 = tpu.memref_slice %arg10[%add3A_35, %dma_start3A_98] : memref<10240x128xf32, #tpu.memory_space<vmem_shared>> -> memref<64x128xf32, #tpu.memory_space<vmem_shared>>
      %dma_start3A_100 = arith.constant 0 : i32
      %dma_start3A_101 = tpu.memref_slice %arg10[%add3A_35, %dma_start3A_100] : memref<10240x128xf32, #tpu.memory_space<vmem_shared>> -> memref<64x128xf32, #tpu.memory_space<vmem_shared>>
      %dma_start3A_102 = arith.constant 0 : i32
      %dma_start3A_103 = arith.constant 0 : i32
      %dma_start3A_104 = tpu.memref_slice %arg8[%dma_start3A_102, %dma_start3A_103] : memref<128x128xf32, #tpu.memory_space<vmem>> -> memref<64x128xf32, #tpu.memory_space<vmem>>
      tpu.enqueue_dma source(%dma_start3A_104 : memref<64x128xf32, #tpu.memory_space<vmem>>) target(%dma_start3A_101 : memref<64x128xf32, #tpu.memory_space<vmem_shared>>) target_semaphore(%run_scoped3A : memref<!tpu.dma_semaphore, #tpu.memory_space<semaphore_mem>>)
      %dma_wait3A = arith.constant 0 : i32
      %dma_wait3A_105 = arith.constant 0 : i32
      %dma_wait3A_106 = tpu.memref_slice %arg8[%dma_wait3A, %dma_wait3A_105] : memref<128x128xf32, #tpu.memory_space<vmem>> -> memref<64x128xf32, #tpu.memory_space<vmem>>
      %dma_wait3A_107 = arith.constant 0 : i32
      %dma_wait3A_108 = tpu.memref_slice %arg10[%add3A_35, %dma_wait3A_107] : memref<10240x128xf32, #tpu.memory_space<vmem_shared>> -> memref<64x128xf32, #tpu.memory_space<vmem_shared>>
      %dma_wait3A_109 = arith.constant 0 : i32
      %dma_wait3A_110 = tpu.memref_slice %arg10[%add3A_35, %dma_wait3A_109] : memref<10240x128xf32, #tpu.memory_space<vmem_shared>> -> memref<64x128xf32, #tpu.memory_space<vmem_shared>>
      %dma_wait3A_111 = arith.constant 0 : i32
      %dma_wait3A_112 = arith.constant 0 : i32
      %dma_wait3A_113 = tpu.memref_slice %arg8[%dma_wait3A_111, %dma_wait3A_112] : memref<128x128xf32, #tpu.memory_space<vmem>> -> memref<64x128xf32, #tpu.memory_space<vmem>>
      tpu.wait_dma2 semaphore(%run_scoped3A : memref<!tpu.dma_semaphore, #tpu.memory_space<semaphore_mem>>) src(%dma_wait3A_113 : memref<64x128xf32, #tpu.memory_space<vmem>>) dst(%dma_wait3A_110 : memref<64x128xf32, #tpu.memory_space<vmem_shared>>)
      tpu.yield
    }) : () -> ()
    %mul3A_36 = arith.constant 640 : i32
    %mul3A_37 = arith.muli %arg1, %mul3A_36 : i32
    %add3A_38 = arith.constant 448 : i32
    %add3A_39 = arith.addi %mul3A_37, %add3A_38 : i32
    "tpu.region"() ({
      %run_scoped3A = tpu.sem_alloc : memref<!tpu.dma_semaphore, #tpu.memory_space<semaphore_mem>>
      %dma_start3A = arith.constant 0 : i32
      %dma_start3A_96 = arith.constant 0 : i32
      %dma_start3A_97 = tpu.memref_slice %arg8[%dma_start3A, %dma_start3A_96] : memref<128x128xf32, #tpu.memory_space<vmem>> -> memref<64x128xf32, #tpu.memory_space<vmem>>
      %dma_start3A_98 = arith.constant 0 : i32
      %dma_start3A_99 = tpu.memref_slice %arg10[%add3A_39, %dma_start3A_98] : memref<10240x128xf32, #tpu.memory_space<vmem_shared>> -> memref<64x128xf32, #tpu.memory_space<vmem_shared>>
      %dma_start3A_100 = arith.constant 0 : i32
      %dma_start3A_101 = tpu.memref_slice %arg10[%add3A_39, %dma_start3A_100] : memref<10240x128xf32, #tpu.memory_space<vmem_shared>> -> memref<64x128xf32, #tpu.memory_space<vmem_shared>>
      %dma_start3A_102 = arith.constant 0 : i32
      %dma_start3A_103 = arith.constant 0 : i32
      %dma_start3A_104 = tpu.memref_slice %arg8[%dma_start3A_102, %dma_start3A_103] : memref<128x128xf32, #tpu.memory_space<vmem>> -> memref<64x128xf32, #tpu.memory_space<vmem>>
      tpu.enqueue_dma source(%dma_start3A_104 : memref<64x128xf32, #tpu.memory_space<vmem>>) target(%dma_start3A_101 : memref<64x128xf32, #tpu.memory_space<vmem_shared>>) target_semaphore(%run_scoped3A : memref<!tpu.dma_semaphore, #tpu.memory_space<semaphore_mem>>)
      %dma_wait3A = arith.constant 0 : i32
      %dma_wait3A_105 = arith.constant 0 : i32
      %dma_wait3A_106 = tpu.memref_slice %arg8[%dma_wait3A, %dma_wait3A_105] : memref<128x128xf32, #tpu.memory_space<vmem>> -> memref<64x128xf32, #tpu.memory_space<vmem>>
      %dma_wait3A_107 = arith.constant 0 : i32
      %dma_wait3A_108 = tpu.memref_slice %arg10[%add3A_39, %dma_wait3A_107] : memref<10240x128xf32, #tpu.memory_space<vmem_shared>> -> memref<64x128xf32, #tpu.memory_space<vmem_shared>>
      %dma_wait3A_109 = arith.constant 0 : i32
      %dma_wait3A_110 = tpu.memref_slice %arg10[%add3A_39, %dma_wait3A_109] : memref<10240x128xf32, #tpu.memory_space<vmem_shared>> -> memref<64x128xf32, #tpu.memory_space<vmem_shared>>
      %dma_wait3A_111 = arith.constant 0 : i32
      %dma_wait3A_112 = arith.constant 0 : i32
      %dma_wait3A_113 = tpu.memref_slice %arg8[%dma_wait3A_111, %dma_wait3A_112] : memref<128x128xf32, #tpu.memory_space<vmem>> -> memref<64x128xf32, #tpu.memory_space<vmem>>
      tpu.wait_dma2 semaphore(%run_scoped3A : memref<!tpu.dma_semaphore, #tpu.memory_space<semaphore_mem>>) src(%dma_wait3A_113 : memref<64x128xf32, #tpu.memory_space<vmem>>) dst(%dma_wait3A_110 : memref<64x128xf32, #tpu.memory_space<vmem_shared>>)
      tpu.yield
    }) : () -> ()
    %mul3A_40 = arith.constant 640 : i32
    %mul3A_41 = arith.muli %arg1, %mul3A_40 : i32
    %add3A_42 = arith.constant 512 : i32
    %add3A_43 = arith.addi %mul3A_41, %add3A_42 : i32
    "tpu.region"() ({
      %run_scoped3A = tpu.sem_alloc : memref<!tpu.dma_semaphore, #tpu.memory_space<semaphore_mem>>
      %dma_start3A = arith.constant 0 : i32
      %dma_start3A_96 = arith.constant 0 : i32
      %dma_start3A_97 = tpu.memref_slice %arg8[%dma_start3A, %dma_start3A_96] : memref<128x128xf32, #tpu.memory_space<vmem>> -> memref<64x128xf32, #tpu.memory_space<vmem>>
      %dma_start3A_98 = arith.constant 0 : i32
      %dma_start3A_99 = tpu.memref_slice %arg10[%add3A_43, %dma_start3A_98] : memref<10240x128xf32, #tpu.memory_space<vmem_shared>> -> memref<64x128xf32, #tpu.memory_space<vmem_shared>>
      %dma_start3A_100 = arith.constant 0 : i32
      %dma_start3A_101 = tpu.memref_slice %arg10[%add3A_43, %dma_start3A_100] : memref<10240x128xf32, #tpu.memory_space<vmem_shared>> -> memref<64x128xf32, #tpu.memory_space<vmem_shared>>
      %dma_start3A_102 = arith.constant 0 : i32
      %dma_start3A_103 = arith.constant 0 : i32
      %dma_start3A_104 = tpu.memref_slice %arg8[%dma_start3A_102, %dma_start3A_103] : memref<128x128xf32, #tpu.memory_space<vmem>> -> memref<64x128xf32, #tpu.memory_space<vmem>>
      tpu.enqueue_dma source(%dma_start3A_104 : memref<64x128xf32, #tpu.memory_space<vmem>>) target(%dma_start3A_101 : memref<64x128xf32, #tpu.memory_space<vmem_shared>>) target_semaphore(%run_scoped3A : memref<!tpu.dma_semaphore, #tpu.memory_space<semaphore_mem>>)
      %dma_wait3A = arith.constant 0 : i32
      %dma_wait3A_105 = arith.constant 0 : i32
      %dma_wait3A_106 = tpu.memref_slice %arg8[%dma_wait3A, %dma_wait3A_105] : memref<128x128xf32, #tpu.memory_space<vmem>> -> memref<64x128xf32, #tpu.memory_space<vmem>>
      %dma_wait3A_107 = arith.constant 0 : i32
      %dma_wait3A_108 = tpu.memref_slice %arg10[%add3A_43, %dma_wait3A_107] : memref<10240x128xf32, #tpu.memory_space<vmem_shared>> -> memref<64x128xf32, #tpu.memory_space<vmem_shared>>
      %dma_wait3A_109 = arith.constant 0 : i32
      %dma_wait3A_110 = tpu.memref_slice %arg10[%add3A_43, %dma_wait3A_109] : memref<10240x128xf32, #tpu.memory_space<vmem_shared>> -> memref<64x128xf32, #tpu.memory_space<vmem_shared>>
      %dma_wait3A_111 = arith.constant 0 : i32
      %dma_wait3A_112 = arith.constant 0 : i32
      %dma_wait3A_113 = tpu.memref_slice %arg8[%dma_wait3A_111, %dma_wait3A_112] : memref<128x128xf32, #tpu.memory_space<vmem>> -> memref<64x128xf32, #tpu.memory_space<vmem>>
      tpu.wait_dma2 semaphore(%run_scoped3A : memref<!tpu.dma_semaphore, #tpu.memory_space<semaphore_mem>>) src(%dma_wait3A_113 : memref<64x128xf32, #tpu.memory_space<vmem>>) dst(%dma_wait3A_110 : memref<64x128xf32, #tpu.memory_space<vmem_shared>>)
      tpu.yield
    }) : () -> ()
    %mul3A_44 = arith.constant 640 : i32
    %mul3A_45 = arith.muli %arg1, %mul3A_44 : i32
    %add3A_46 = arith.constant 576 : i32
    %add3A_47 = arith.addi %mul3A_45, %add3A_46 : i32
    "tpu.region"() ({
      %run_scoped3A = tpu.sem_alloc : memref<!tpu.dma_semaphore, #tpu.memory_space<semaphore_mem>>
      %dma_start3A = arith.constant 0 : i32
      %dma_start3A_96 = arith.constant 0 : i32
      %dma_start3A_97 = tpu.memref_slice %arg8[%dma_start3A, %dma_start3A_96] : memref<128x128xf32, #tpu.memory_space<vmem>> -> memref<64x128xf32, #tpu.memory_space<vmem>>
      %dma_start3A_98 = arith.constant 0 : i32
      %dma_start3A_99 = tpu.memref_slice %arg10[%add3A_47, %dma_start3A_98] : memref<10240x128xf32, #tpu.memory_space<vmem_shared>> -> memref<64x128xf32, #tpu.memory_space<vmem_shared>>
      %dma_start3A_100 = arith.constant 0 : i32
      %dma_start3A_101 = tpu.memref_slice %arg10[%add3A_47, %dma_start3A_100] : memref<10240x128xf32, #tpu.memory_space<vmem_shared>> -> memref<64x128xf32, #tpu.memory_space<vmem_shared>>
      %dma_start3A_102 = arith.constant 0 : i32
      %dma_start3A_103 = arith.constant 0 : i32
      %dma_start3A_104 = tpu.memref_slice %arg8[%dma_start3A_102, %dma_start3A_103] : memref<128x128xf32, #tpu.memory_space<vmem>> -> memref<64x128xf32, #tpu.memory_space<vmem>>
      tpu.enqueue_dma source(%dma_start3A_104 : memref<64x128xf32, #tpu.memory_space<vmem>>) target(%dma_start3A_101 : memref<64x128xf32, #tpu.memory_space<vmem_shared>>) target_semaphore(%run_scoped3A : memref<!tpu.dma_semaphore, #tpu.memory_space<semaphore_mem>>)
      %dma_wait3A = arith.constant 0 : i32
      %dma_wait3A_105 = arith.constant 0 : i32
      %dma_wait3A_106 = tpu.memref_slice %arg8[%dma_wait3A, %dma_wait3A_105] : memref<128x128xf32, #tpu.memory_space<vmem>> -> memref<64x128xf32, #tpu.memory_space<vmem>>
      %dma_wait3A_107 = arith.constant 0 : i32
      %dma_wait3A_108 = tpu.memref_slice %arg10[%add3A_47, %dma_wait3A_107] : memref<10240x128xf32, #tpu.memory_space<vmem_shared>> -> memref<64x128xf32, #tpu.memory_space<vmem_shared>>
      %dma_wait3A_109 = arith.constant 0 : i32
      %dma_wait3A_110 = tpu.memref_slice %arg10[%add3A_47, %dma_wait3A_109] : memref<10240x128xf32, #tpu.memory_space<vmem_shared>> -> memref<64x128xf32, #tpu.memory_space<vmem_shared>>
      %dma_wait3A_111 = arith.constant 0 : i32
      %dma_wait3A_112 = arith.constant 0 : i32
      %dma_wait3A_113 = tpu.memref_slice %arg8[%dma_wait3A_111, %dma_wait3A_112] : memref<128x128xf32, #tpu.memory_space<vmem>> -> memref<64x128xf32, #tpu.memory_space<vmem>>
      tpu.wait_dma2 semaphore(%run_scoped3A : memref<!tpu.dma_semaphore, #tpu.memory_space<semaphore_mem>>) src(%dma_wait3A_113 : memref<64x128xf32, #tpu.memory_space<vmem>>) dst(%dma_wait3A_110 : memref<64x128xf32, #tpu.memory_space<vmem_shared>>)
      tpu.yield
    }) : () -> ()
    %barrier3A = arith.constant 0 : index
    tpu.barrier barrier_id(%barrier3A)
    "tpu.region"() ({
      %run_scoped3A = tpu.sem_alloc : memref<!tpu.dma_semaphore, #tpu.memory_space<semaphore_mem>>
      %dma_start3A = arith.constant 0 : i32
      %dma_start3A_96 = arith.constant 0 : i32
      %dma_start3A_97 = tpu.memref_slice %arg3[%add3A, %dma_start3A, %dma_start3A_96] : memref<32x80x128xi32, #tpu.memory_space<hbm>> -> memref<1x80x128xi32, #tpu.memory_space<hbm>>
      %dma_start3A_98 = tpu.memref_squeeze %dma_start3A_97 : memref<1x80x128xi32, #tpu.memory_space<hbm>> -> memref<80x128xi32, #tpu.memory_space<hbm>>
      %dma_start3A_99 = arith.constant 0 : i32
      %dma_start3A_100 = arith.constant 0 : i32
      %dma_start3A_101 = tpu.memref_slice %arg3[%add3A, %dma_start3A_99, %dma_start3A_100] : memref<32x80x128xi32, #tpu.memory_space<hbm>> -> memref<1x80x128xi32, #tpu.memory_space<hbm>>
      %dma_start3A_102 = tpu.memref_squeeze %dma_start3A_101 : memref<1x80x128xi32, #tpu.memory_space<hbm>> -> memref<80x128xi32, #tpu.memory_space<hbm>>
      tpu.enqueue_dma source(%dma_start3A_102 : memref<80x128xi32, #tpu.memory_space<hbm>>) target(%arg6 : memref<80x128xi32, #tpu.memory_space<vmem>>) target_semaphore(%run_scoped3A : memref<!tpu.dma_semaphore, #tpu.memory_space<semaphore_mem>>)
      %dma_wait3A = arith.constant 0 : i32
      %dma_wait3A_103 = arith.constant 0 : i32
      %dma_wait3A_104 = tpu.memref_slice %arg3[%add3A, %dma_wait3A, %dma_wait3A_103] : memref<32x80x128xi32, #tpu.memory_space<hbm>> -> memref<1x80x128xi32, #tpu.memory_space<hbm>>
      %dma_wait3A_105 = tpu.memref_squeeze %dma_wait3A_104 : memref<1x80x128xi32, #tpu.memory_space<hbm>> -> memref<80x128xi32, #tpu.memory_space<hbm>>
      %dma_wait3A_106 = arith.constant 0 : i32
      %dma_wait3A_107 = arith.constant 0 : i32
      %dma_wait3A_108 = tpu.memref_slice %arg3[%add3A, %dma_wait3A_106, %dma_wait3A_107] : memref<32x80x128xi32, #tpu.memory_space<hbm>> -> memref<1x80x128xi32, #tpu.memory_space<hbm>>
      %dma_wait3A_109 = tpu.memref_squeeze %dma_wait3A_108 : memref<1x80x128xi32, #tpu.memory_space<hbm>> -> memref<80x128xi32, #tpu.memory_space<hbm>>
      tpu.wait_dma2 semaphore(%run_scoped3A : memref<!tpu.dma_semaphore, #tpu.memory_space<semaphore_mem>>) src(%dma_wait3A_109 : memref<80x128xi32, #tpu.memory_space<hbm>>) dst(%arg6 : memref<80x128xi32, #tpu.memory_space<vmem>>)
      tpu.yield
    }) : () -> ()
    "tpu.region"() ({
      %run_scoped3A = tpu.sem_alloc : memref<!tpu.dma_semaphore, #tpu.memory_space<semaphore_mem>>
      %dma_start3A = arith.constant 0 : i32
      %dma_start3A_96 = arith.constant 0 : i32
      %dma_start3A_97 = tpu.memref_slice %arg4[%arg1, %dma_start3A, %dma_start3A_96] : memref<16x160x64xi32, #tpu.memory_space<hbm>> -> memref<1x160x64xi32, #tpu.memory_space<hbm>>
      %dma_start3A_98 = tpu.memref_squeeze %dma_start3A_97 : memref<1x160x64xi32, #tpu.memory_space<hbm>> -> memref<160x64xi32, #tpu.memory_space<hbm>>
      %dma_start3A_99 = arith.constant 0 : i32
      %dma_start3A_100 = arith.constant 0 : i32
      %dma_start3A_101 = tpu.memref_slice %arg4[%arg1, %dma_start3A_99, %dma_start3A_100] : memref<16x160x64xi32, #tpu.memory_space<hbm>> -> memref<1x160x64xi32, #tpu.memory_space<hbm>>
      %dma_start3A_102 = tpu.memref_squeeze %dma_start3A_101 : memref<1x160x64xi32, #tpu.memory_space<hbm>> -> memref<160x64xi32, #tpu.memory_space<hbm>>
      tpu.enqueue_dma source(%dma_start3A_102 : memref<160x64xi32, #tpu.memory_space<hbm>>) target(%arg7 : memref<160x64xi32, #tpu.memory_space<vmem>>) target_semaphore(%run_scoped3A : memref<!tpu.dma_semaphore, #tpu.memory_space<semaphore_mem>>)
      %dma_wait3A = arith.constant 0 : i32
      %dma_wait3A_103 = arith.constant 0 : i32
      %dma_wait3A_104 = tpu.memref_slice %arg4[%arg1, %dma_wait3A, %dma_wait3A_103] : memref<16x160x64xi32, #tpu.memory_space<hbm>> -> memref<1x160x64xi32, #tpu.memory_space<hbm>>
      %dma_wait3A_105 = tpu.memref_squeeze %dma_wait3A_104 : memref<1x160x64xi32, #tpu.memory_space<hbm>> -> memref<160x64xi32, #tpu.memory_space<hbm>>
      %dma_wait3A_106 = arith.constant 0 : i32
      %dma_wait3A_107 = arith.constant 0 : i32
      %dma_wait3A_108 = tpu.memref_slice %arg4[%arg1, %dma_wait3A_106, %dma_wait3A_107] : memref<16x160x64xi32, #tpu.memory_space<hbm>> -> memref<1x160x64xi32, #tpu.memory_space<hbm>>
      %dma_wait3A_109 = tpu.memref_squeeze %dma_wait3A_108 : memref<1x160x64xi32, #tpu.memory_space<hbm>> -> memref<160x64xi32, #tpu.memory_space<hbm>>
      tpu.wait_dma2 semaphore(%run_scoped3A : memref<!tpu.dma_semaphore, #tpu.memory_space<semaphore_mem>>) src(%dma_wait3A_109 : memref<160x64xi32, #tpu.memory_space<hbm>>) dst(%arg7 : memref<160x64xi32, #tpu.memory_space<vmem>>)
      tpu.yield
    }) : () -> ()
    %scan3A_48 = arith.constant 0 : i32
    %scan3A_49 = arith.constant 0 : i32
    %scan3A_50 = arith.constant 80 : i32
    %scan3A_51 = arith.addi %scan3A_49, %scan3A_50 : i32
    %scan3A_52 = arith.constant 1 : i32
    %scan3A_53 = scf.for %scan3A_96 = %scan3A_49 to %scan3A_51 step %scan3A_52 iter_args(%scan3A_97 = %scan3A_48) -> (i32)  : i32 {
      %dma_start3A = arith.constant 0 : i32
      %dma_start3A_98 = tpu.memref_slice %arg6[%scan3A_96, %dma_start3A] : memref<80x128xi32, #tpu.memory_space<vmem>> -> memref<1x128xi32, #tpu.memory_space<vmem>>
      %dma_start3A_99 = tpu.memref_squeeze %dma_start3A_98 : memref<1x128xi32, #tpu.memory_space<vmem>> -> memref<128xi32, #tpu.memory_space<vmem>>
      %dma_start3A_100 = arith.constant 0 : i32
      %dma_start3A_101 = arith.constant 0 : i32
      %dma_start3A_102 = tpu.memref_slice %arg2[%dma_start3A_100, %dma_start3A_101] : memref<20480x128xf32, #tpu.memory_space<hbm>> -> memref<20480x128xf32, #tpu.memory_space<hbm>>
      tpu.enqueue_indirect_dma source(%dma_start3A_102 : memref<20480x128xf32, #tpu.memory_space<hbm>>) target(%arg8 : memref<128x128xf32, #tpu.memory_space<vmem>>) offsets(%dma_start3A_99 : memref<128xi32, #tpu.memory_space<vmem>>) semaphore(%arg11 : memref<!tpu.dma_semaphore, #tpu.memory_space<semaphore_mem>>)
      %dma_wait3A = arith.constant 0 : i32
      %dma_wait3A_103 = tpu.memref_slice %arg6[%scan3A_96, %dma_wait3A] : memref<80x128xi32, #tpu.memory_space<vmem>> -> memref<1x128xi32, #tpu.memory_space<vmem>>
      %dma_wait3A_104 = tpu.memref_squeeze %dma_wait3A_103 : memref<1x128xi32, #tpu.memory_space<vmem>> -> memref<128xi32, #tpu.memory_space<vmem>>
      %dma_wait3A_105 = arith.constant 0 : i32
      %dma_wait3A_106 = arith.constant 0 : i32
      %dma_wait3A_107 = tpu.memref_slice %arg2[%dma_wait3A_105, %dma_wait3A_106] : memref<20480x128xf32, #tpu.memory_space<hbm>> -> memref<20480x128xf32, #tpu.memory_space<hbm>>
      tpu.wait_indirect_dma semaphore(%arg11 : memref<!tpu.dma_semaphore, #tpu.memory_space<semaphore_mem>>) src(%dma_wait3A_107 : memref<20480x128xf32, #tpu.memory_space<hbm>>) dst(%arg8 : memref<128x128xf32, #tpu.memory_space<vmem>>)
      %mul3A_108 = arith.constant 2 : i32
      %mul3A_109 = arith.muli %mul3A_108, %scan3A_96 : i32
      %add3A_110 = arith.constant 0 : i32
      %add3A_111 = arith.addi %mul3A_109, %add3A_110 : i32
      "tpu.region"() ({
        %run_scoped3A = tpu.sem_alloc : memref<!tpu.dma_semaphore, #tpu.memory_space<semaphore_mem>>
        %dma_start3A_117 = arith.constant 0 : i32
        %dma_start3A_118 = arith.constant 0 : i32
        %dma_start3A_119 = tpu.memref_slice %arg8[%dma_start3A_117, %dma_start3A_118] : memref<128x128xf32, #tpu.memory_space<vmem>> -> memref<64x128xf32, #tpu.memory_space<vmem>>
        %dma_start3A_120 = arith.constant 0 : i32
        %dma_start3A_121 = tpu.memref_slice %arg7[%add3A_111, %dma_start3A_120] : memref<160x64xi32, #tpu.memory_space<vmem>> -> memref<1x64xi32, #tpu.memory_space<vmem>>
        %dma_start3A_122 = tpu.memref_squeeze %dma_start3A_121 : memref<1x64xi32, #tpu.memory_space<vmem>> -> memref<64xi32, #tpu.memory_space<vmem>>
        %dma_start3A_123 = arith.constant 0 : i32
        %dma_start3A_124 = arith.constant 0 : i32
        %dma_start3A_125 = tpu.memref_slice %arg10[%dma_start3A_123, %dma_start3A_124] : memref<10240x128xf32, #tpu.memory_space<vmem_shared>> -> memref<10240x128xf32, #tpu.memory_space<vmem_shared>>
        tpu.enqueue_indirect_dma source(%dma_start3A_119 : memref<64x128xf32, #tpu.memory_space<vmem>>) target(%dma_start3A_125 : memref<10240x128xf32, #tpu.memory_space<vmem_shared>>) offsets(%dma_start3A_122 : memref<64xi32, #tpu.memory_space<vmem>>) semaphore(%run_scoped3A : memref<!tpu.dma_semaphore, #tpu.memory_space<semaphore_mem>>) {add = true}
        %dma_wait3A_126 = arith.constant 0 : i32
        %dma_wait3A_127 = arith.constant 0 : i32
        %dma_wait3A_128 = tpu.memref_slice %arg8[%dma_wait3A_126, %dma_wait3A_127] : memref<128x128xf32, #tpu.memory_space<vmem>> -> memref<64x128xf32, #tpu.memory_space<vmem>>
        %dma_wait3A_129 = arith.constant 0 : i32
        %dma_wait3A_130 = tpu.memref_slice %arg7[%add3A_111, %dma_wait3A_129] : memref<160x64xi32, #tpu.memory_space<vmem>> -> memref<1x64xi32, #tpu.memory_space<vmem>>
        %dma_wait3A_131 = tpu.memref_squeeze %dma_wait3A_130 : memref<1x64xi32, #tpu.memory_space<vmem>> -> memref<64xi32, #tpu.memory_space<vmem>>
        %dma_wait3A_132 = arith.constant 0 : i32
        %dma_wait3A_133 = arith.constant 0 : i32
        %dma_wait3A_134 = tpu.memref_slice %arg10[%dma_wait3A_132, %dma_wait3A_133] : memref<10240x128xf32, #tpu.memory_space<vmem_shared>> -> memref<10240x128xf32, #tpu.memory_space<vmem_shared>>
        tpu.wait_indirect_dma semaphore(%run_scoped3A : memref<!tpu.dma_semaphore, #tpu.memory_space<semaphore_mem>>) src(%dma_wait3A_128 : memref<64x128xf32, #tpu.memory_space<vmem>>) dst(%dma_wait3A_134 : memref<10240x128xf32, #tpu.memory_space<vmem_shared>>)
        tpu.yield
      }) : () -> ()
      %mul3A_112 = arith.constant 2 : i32
      %mul3A_113 = arith.muli %mul3A_112, %scan3A_96 : i32
      %add3A_114 = arith.constant 1 : i32
      %add3A_115 = arith.addi %mul3A_113, %add3A_114 : i32
      "tpu.region"() ({
        %run_scoped3A = tpu.sem_alloc : memref<!tpu.dma_semaphore, #tpu.memory_space<semaphore_mem>>
        %dma_start3A_117 = arith.constant 64 : i32
        %dma_start3A_118 = arith.constant 0 : i32
        %dma_start3A_119 = tpu.memref_slice %arg8[%dma_start3A_117, %dma_start3A_118] : memref<128x128xf32, #tpu.memory_space<vmem>> -> memref<64x128xf32, #tpu.memory_space<vmem>>
        %dma_start3A_120 = arith.constant 0 : i32
        %dma_start3A_121 = tpu.memref_slice %arg7[%add3A_115, %dma_start3A_120] : memref<160x64xi32, #tpu.memory_space<vmem>> -> memref<1x64xi32, #tpu.memory_space<vmem>>
        %dma_start3A_122 = tpu.memref_squeeze %dma_start3A_121 : memref<1x64xi32, #tpu.memory_space<vmem>> -> memref<64xi32, #tpu.memory_space<vmem>>
        %dma_start3A_123 = arith.constant 0 : i32
        %dma_start3A_124 = arith.constant 0 : i32
        %dma_start3A_125 = tpu.memref_slice %arg10[%dma_start3A_123, %dma_start3A_124] : memref<10240x128xf32, #tpu.memory_space<vmem_shared>> -> memref<10240x128xf32, #tpu.memory_space<vmem_shared>>
        tpu.enqueue_indirect_dma source(%dma_start3A_119 : memref<64x128xf32, #tpu.memory_space<vmem>>) target(%dma_start3A_125 : memref<10240x128xf32, #tpu.memory_space<vmem_shared>>) offsets(%dma_start3A_122 : memref<64xi32, #tpu.memory_space<vmem>>) semaphore(%run_scoped3A : memref<!tpu.dma_semaphore, #tpu.memory_space<semaphore_mem>>) {add = true}
        %dma_wait3A_126 = arith.constant 64 : i32
        %dma_wait3A_127 = arith.constant 0 : i32
        %dma_wait3A_128 = tpu.memref_slice %arg8[%dma_wait3A_126, %dma_wait3A_127] : memref<128x128xf32, #tpu.memory_space<vmem>> -> memref<64x128xf32, #tpu.memory_space<vmem>>
        %dma_wait3A_129 = arith.constant 0 : i32
        %dma_wait3A_130 = tpu.memref_slice %arg7[%add3A_115, %dma_wait3A_129] : memref<160x64xi32, #tpu.memory_space<vmem>> -> memref<1x64xi32, #tpu.memory_space<vmem>>
        %dma_wait3A_131 = tpu.memref_squeeze %dma_wait3A_130 : memref<1x64xi32, #tpu.memory_space<vmem>> -> memref<64xi32, #tpu.memory_space<vmem>>
        %dma_wait3A_132 = arith.constant 0 : i32
        %dma_wait3A_133 = arith.constant 0 : i32
        %dma_wait3A_134 = tpu.memref_slice %arg10[%dma_wait3A_132, %dma_wait3A_133] : memref<10240x128xf32, #tpu.memory_space<vmem_shared>> -> memref<10240x128xf32, #tpu.memory_space<vmem_shared>>
        tpu.wait_indirect_dma semaphore(%run_scoped3A : memref<!tpu.dma_semaphore, #tpu.memory_space<semaphore_mem>>) src(%dma_wait3A_128 : memref<64x128xf32, #tpu.memory_space<vmem>>) dst(%dma_wait3A_134 : memref<10240x128xf32, #tpu.memory_space<vmem_shared>>)
        tpu.yield
      }) : () -> ()
      %scan3A_116 = arith.constant 0 : i32
      scf.yield %scan3A_116 : i32
    }
    %scan3A_54 = arith.constant 80 : i32
    %barrier3A_55 = arith.constant 0 : index
    tpu.barrier barrier_id(%barrier3A_55)
    %mul3A_56 = arith.constant 640 : i32
    %mul3A_57 = arith.muli %arg1, %mul3A_56 : i32
    %add3A_58 = arith.constant 0 : i32
    %add3A_59 = arith.addi %mul3A_57, %add3A_58 : i32
    "tpu.region"() ({
      %run_scoped3A = tpu.sem_alloc : memref<!tpu.dma_semaphore, #tpu.memory_space<semaphore_mem>>
      %dma_start3A = arith.constant 0 : i32
      %dma_start3A_96 = tpu.memref_slice %arg5[%arg0, %add3A_59, %dma_start3A] : memref<2x10240x128xf32, #tpu.memory_space<hbm>> -> memref<1x64x128xf32, #tpu.memory_space<hbm>>
      %dma_start3A_97 = tpu.memref_squeeze %dma_start3A_96 : memref<1x64x128xf32, #tpu.memory_space<hbm>> -> memref<64x128xf32, #tpu.memory_space<hbm>>
      %dma_start3A_98 = arith.constant 0 : i32
      %dma_start3A_99 = tpu.memref_slice %arg10[%add3A_59, %dma_start3A_98] : memref<10240x128xf32, #tpu.memory_space<vmem_shared>> -> memref<64x128xf32, #tpu.memory_space<vmem_shared>>
      tpu.enqueue_dma source(%dma_start3A_99 : memref<64x128xf32, #tpu.memory_space<vmem_shared>>) target(%dma_start3A_97 : memref<64x128xf32, #tpu.memory_space<hbm>>) target_semaphore(%run_scoped3A : memref<!tpu.dma_semaphore, #tpu.memory_space<semaphore_mem>>)
      %dma_wait3A = arith.constant 0 : i32
      %dma_wait3A_100 = tpu.memref_slice %arg5[%arg0, %add3A_59, %dma_wait3A] : memref<2x10240x128xf32, #tpu.memory_space<hbm>> -> memref<1x64x128xf32, #tpu.memory_space<hbm>>
      %dma_wait3A_101 = tpu.memref_squeeze %dma_wait3A_100 : memref<1x64x128xf32, #tpu.memory_space<hbm>> -> memref<64x128xf32, #tpu.memory_space<hbm>>
      %dma_wait3A_102 = arith.constant 0 : i32
      %dma_wait3A_103 = tpu.memref_slice %arg10[%add3A_59, %dma_wait3A_102] : memref<10240x128xf32, #tpu.memory_space<vmem_shared>> -> memref<64x128xf32, #tpu.memory_space<vmem_shared>>
      tpu.wait_dma2 semaphore(%run_scoped3A : memref<!tpu.dma_semaphore, #tpu.memory_space<semaphore_mem>>) src(%dma_wait3A_103 : memref<64x128xf32, #tpu.memory_space<vmem_shared>>) dst(%dma_wait3A_101 : memref<64x128xf32, #tpu.memory_space<hbm>>)
      tpu.yield
    }) : () -> ()
    %mul3A_60 = arith.constant 640 : i32
    %mul3A_61 = arith.muli %arg1, %mul3A_60 : i32
    %add3A_62 = arith.constant 64 : i32
    %add3A_63 = arith.addi %mul3A_61, %add3A_62 : i32
    "tpu.region"() ({
      %run_scoped3A = tpu.sem_alloc : memref<!tpu.dma_semaphore, #tpu.memory_space<semaphore_mem>>
      %dma_start3A = arith.constant 0 : i32
      %dma_start3A_96 = tpu.memref_slice %arg5[%arg0, %add3A_63, %dma_start3A] : memref<2x10240x128xf32, #tpu.memory_space<hbm>> -> memref<1x64x128xf32, #tpu.memory_space<hbm>>
      %dma_start3A_97 = tpu.memref_squeeze %dma_start3A_96 : memref<1x64x128xf32, #tpu.memory_space<hbm>> -> memref<64x128xf32, #tpu.memory_space<hbm>>
      %dma_start3A_98 = arith.constant 0 : i32
      %dma_start3A_99 = tpu.memref_slice %arg10[%add3A_63, %dma_start3A_98] : memref<10240x128xf32, #tpu.memory_space<vmem_shared>> -> memref<64x128xf32, #tpu.memory_space<vmem_shared>>
      tpu.enqueue_dma source(%dma_start3A_99 : memref<64x128xf32, #tpu.memory_space<vmem_shared>>) target(%dma_start3A_97 : memref<64x128xf32, #tpu.memory_space<hbm>>) target_semaphore(%run_scoped3A : memref<!tpu.dma_semaphore, #tpu.memory_space<semaphore_mem>>)
      %dma_wait3A = arith.constant 0 : i32
      %dma_wait3A_100 = tpu.memref_slice %arg5[%arg0, %add3A_63, %dma_wait3A] : memref<2x10240x128xf32, #tpu.memory_space<hbm>> -> memref<1x64x128xf32, #tpu.memory_space<hbm>>
      %dma_wait3A_101 = tpu.memref_squeeze %dma_wait3A_100 : memref<1x64x128xf32, #tpu.memory_space<hbm>> -> memref<64x128xf32, #tpu.memory_space<hbm>>
      %dma_wait3A_102 = arith.constant 0 : i32
      %dma_wait3A_103 = tpu.memref_slice %arg10[%add3A_63, %dma_wait3A_102] : memref<10240x128xf32, #tpu.memory_space<vmem_shared>> -> memref<64x128xf32, #tpu.memory_space<vmem_shared>>
      tpu.wait_dma2 semaphore(%run_scoped3A : memref<!tpu.dma_semaphore, #tpu.memory_space<semaphore_mem>>) src(%dma_wait3A_103 : memref<64x128xf32, #tpu.memory_space<vmem_shared>>) dst(%dma_wait3A_101 : memref<64x128xf32, #tpu.memory_space<hbm>>)
      tpu.yield
    }) : () -> ()
    %mul3A_64 = arith.constant 640 : i32
    %mul3A_65 = arith.muli %arg1, %mul3A_64 : i32
    %add3A_66 = arith.constant 128 : i32
    %add3A_67 = arith.addi %mul3A_65, %add3A_66 : i32
    "tpu.region"() ({
      %run_scoped3A = tpu.sem_alloc : memref<!tpu.dma_semaphore, #tpu.memory_space<semaphore_mem>>
      %dma_start3A = arith.constant 0 : i32
      %dma_start3A_96 = tpu.memref_slice %arg5[%arg0, %add3A_67, %dma_start3A] : memref<2x10240x128xf32, #tpu.memory_space<hbm>> -> memref<1x64x128xf32, #tpu.memory_space<hbm>>
      %dma_start3A_97 = tpu.memref_squeeze %dma_start3A_96 : memref<1x64x128xf32, #tpu.memory_space<hbm>> -> memref<64x128xf32, #tpu.memory_space<hbm>>
      %dma_start3A_98 = arith.constant 0 : i32
      %dma_start3A_99 = tpu.memref_slice %arg10[%add3A_67, %dma_start3A_98] : memref<10240x128xf32, #tpu.memory_space<vmem_shared>> -> memref<64x128xf32, #tpu.memory_space<vmem_shared>>
      tpu.enqueue_dma source(%dma_start3A_99 : memref<64x128xf32, #tpu.memory_space<vmem_shared>>) target(%dma_start3A_97 : memref<64x128xf32, #tpu.memory_space<hbm>>) target_semaphore(%run_scoped3A : memref<!tpu.dma_semaphore, #tpu.memory_space<semaphore_mem>>)
      %dma_wait3A = arith.constant 0 : i32
      %dma_wait3A_100 = tpu.memref_slice %arg5[%arg0, %add3A_67, %dma_wait3A] : memref<2x10240x128xf32, #tpu.memory_space<hbm>> -> memref<1x64x128xf32, #tpu.memory_space<hbm>>
      %dma_wait3A_101 = tpu.memref_squeeze %dma_wait3A_100 : memref<1x64x128xf32, #tpu.memory_space<hbm>> -> memref<64x128xf32, #tpu.memory_space<hbm>>
      %dma_wait3A_102 = arith.constant 0 : i32
      %dma_wait3A_103 = tpu.memref_slice %arg10[%add3A_67, %dma_wait3A_102] : memref<10240x128xf32, #tpu.memory_space<vmem_shared>> -> memref<64x128xf32, #tpu.memory_space<vmem_shared>>
      tpu.wait_dma2 semaphore(%run_scoped3A : memref<!tpu.dma_semaphore, #tpu.memory_space<semaphore_mem>>) src(%dma_wait3A_103 : memref<64x128xf32, #tpu.memory_space<vmem_shared>>) dst(%dma_wait3A_101 : memref<64x128xf32, #tpu.memory_space<hbm>>)
      tpu.yield
    }) : () -> ()
    %mul3A_68 = arith.constant 640 : i32
    %mul3A_69 = arith.muli %arg1, %mul3A_68 : i32
    %add3A_70 = arith.constant 192 : i32
    %add3A_71 = arith.addi %mul3A_69, %add3A_70 : i32
    "tpu.region"() ({
      %run_scoped3A = tpu.sem_alloc : memref<!tpu.dma_semaphore, #tpu.memory_space<semaphore_mem>>
      %dma_start3A = arith.constant 0 : i32
      %dma_start3A_96 = tpu.memref_slice %arg5[%arg0, %add3A_71, %dma_start3A] : memref<2x10240x128xf32, #tpu.memory_space<hbm>> -> memref<1x64x128xf32, #tpu.memory_space<hbm>>
      %dma_start3A_97 = tpu.memref_squeeze %dma_start3A_96 : memref<1x64x128xf32, #tpu.memory_space<hbm>> -> memref<64x128xf32, #tpu.memory_space<hbm>>
      %dma_start3A_98 = arith.constant 0 : i32
      %dma_start3A_99 = tpu.memref_slice %arg10[%add3A_71, %dma_start3A_98] : memref<10240x128xf32, #tpu.memory_space<vmem_shared>> -> memref<64x128xf32, #tpu.memory_space<vmem_shared>>
      tpu.enqueue_dma source(%dma_start3A_99 : memref<64x128xf32, #tpu.memory_space<vmem_shared>>) target(%dma_start3A_97 : memref<64x128xf32, #tpu.memory_space<hbm>>) target_semaphore(%run_scoped3A : memref<!tpu.dma_semaphore, #tpu.memory_space<semaphore_mem>>)
      %dma_wait3A = arith.constant 0 : i32
      %dma_wait3A_100 = tpu.memref_slice %arg5[%arg0, %add3A_71, %dma_wait3A] : memref<2x10240x128xf32, #tpu.memory_space<hbm>> -> memref<1x64x128xf32, #tpu.memory_space<hbm>>
      %dma_wait3A_101 = tpu.memref_squeeze %dma_wait3A_100 : memref<1x64x128xf32, #tpu.memory_space<hbm>> -> memref<64x128xf32, #tpu.memory_space<hbm>>
      %dma_wait3A_102 = arith.constant 0 : i32
      %dma_wait3A_103 = tpu.memref_slice %arg10[%add3A_71, %dma_wait3A_102] : memref<10240x128xf32, #tpu.memory_space<vmem_shared>> -> memref<64x128xf32, #tpu.memory_space<vmem_shared>>
      tpu.wait_dma2 semaphore(%run_scoped3A : memref<!tpu.dma_semaphore, #tpu.memory_space<semaphore_mem>>) src(%dma_wait3A_103 : memref<64x128xf32, #tpu.memory_space<vmem_shared>>) dst(%dma_wait3A_101 : memref<64x128xf32, #tpu.memory_space<hbm>>)
      tpu.yield
    }) : () -> ()
    %mul3A_72 = arith.constant 640 : i32
    %mul3A_73 = arith.muli %arg1, %mul3A_72 : i32
    %add3A_74 = arith.constant 256 : i32
    %add3A_75 = arith.addi %mul3A_73, %add3A_74 : i32
    "tpu.region"() ({
      %run_scoped3A = tpu.sem_alloc : memref<!tpu.dma_semaphore, #tpu.memory_space<semaphore_mem>>
      %dma_start3A = arith.constant 0 : i32
      %dma_start3A_96 = tpu.memref_slice %arg5[%arg0, %add3A_75, %dma_start3A] : memref<2x10240x128xf32, #tpu.memory_space<hbm>> -> memref<1x64x128xf32, #tpu.memory_space<hbm>>
      %dma_start3A_97 = tpu.memref_squeeze %dma_start3A_96 : memref<1x64x128xf32, #tpu.memory_space<hbm>> -> memref<64x128xf32, #tpu.memory_space<hbm>>
      %dma_start3A_98 = arith.constant 0 : i32
      %dma_start3A_99 = tpu.memref_slice %arg10[%add3A_75, %dma_start3A_98] : memref<10240x128xf32, #tpu.memory_space<vmem_shared>> -> memref<64x128xf32, #tpu.memory_space<vmem_shared>>
      tpu.enqueue_dma source(%dma_start3A_99 : memref<64x128xf32, #tpu.memory_space<vmem_shared>>) target(%dma_start3A_97 : memref<64x128xf32, #tpu.memory_space<hbm>>) target_semaphore(%run_scoped3A : memref<!tpu.dma_semaphore, #tpu.memory_space<semaphore_mem>>)
      %dma_wait3A = arith.constant 0 : i32
      %dma_wait3A_100 = tpu.memref_slice %arg5[%arg0, %add3A_75, %dma_wait3A] : memref<2x10240x128xf32, #tpu.memory_space<hbm>> -> memref<1x64x128xf32, #tpu.memory_space<hbm>>
      %dma_wait3A_101 = tpu.memref_squeeze %dma_wait3A_100 : memref<1x64x128xf32, #tpu.memory_space<hbm>> -> memref<64x128xf32, #tpu.memory_space<hbm>>
      %dma_wait3A_102 = arith.constant 0 : i32
      %dma_wait3A_103 = tpu.memref_slice %arg10[%add3A_75, %dma_wait3A_102] : memref<10240x128xf32, #tpu.memory_space<vmem_shared>> -> memref<64x128xf32, #tpu.memory_space<vmem_shared>>
      tpu.wait_dma2 semaphore(%run_scoped3A : memref<!tpu.dma_semaphore, #tpu.memory_space<semaphore_mem>>) src(%dma_wait3A_103 : memref<64x128xf32, #tpu.memory_space<vmem_shared>>) dst(%dma_wait3A_101 : memref<64x128xf32, #tpu.memory_space<hbm>>)
      tpu.yield
    }) : () -> ()
    %mul3A_76 = arith.constant 640 : i32
    %mul3A_77 = arith.muli %arg1, %mul3A_76 : i32
    %add3A_78 = arith.constant 320 : i32
    %add3A_79 = arith.addi %mul3A_77, %add3A_78 : i32
    "tpu.region"() ({
      %run_scoped3A = tpu.sem_alloc : memref<!tpu.dma_semaphore, #tpu.memory_space<semaphore_mem>>
      %dma_start3A = arith.constant 0 : i32
      %dma_start3A_96 = tpu.memref_slice %arg5[%arg0, %add3A_79, %dma_start3A] : memref<2x10240x128xf32, #tpu.memory_space<hbm>> -> memref<1x64x128xf32, #tpu.memory_space<hbm>>
      %dma_start3A_97 = tpu.memref_squeeze %dma_start3A_96 : memref<1x64x128xf32, #tpu.memory_space<hbm>> -> memref<64x128xf32, #tpu.memory_space<hbm>>
      %dma_start3A_98 = arith.constant 0 : i32
      %dma_start3A_99 = tpu.memref_slice %arg10[%add3A_79, %dma_start3A_98] : memref<10240x128xf32, #tpu.memory_space<vmem_shared>> -> memref<64x128xf32, #tpu.memory_space<vmem_shared>>
      tpu.enqueue_dma source(%dma_start3A_99 : memref<64x128xf32, #tpu.memory_space<vmem_shared>>) target(%dma_start3A_97 : memref<64x128xf32, #tpu.memory_space<hbm>>) target_semaphore(%run_scoped3A : memref<!tpu.dma_semaphore, #tpu.memory_space<semaphore_mem>>)
      %dma_wait3A = arith.constant 0 : i32
      %dma_wait3A_100 = tpu.memref_slice %arg5[%arg0, %add3A_79, %dma_wait3A] : memref<2x10240x128xf32, #tpu.memory_space<hbm>> -> memref<1x64x128xf32, #tpu.memory_space<hbm>>
      %dma_wait3A_101 = tpu.memref_squeeze %dma_wait3A_100 : memref<1x64x128xf32, #tpu.memory_space<hbm>> -> memref<64x128xf32, #tpu.memory_space<hbm>>
      %dma_wait3A_102 = arith.constant 0 : i32
      %dma_wait3A_103 = tpu.memref_slice %arg10[%add3A_79, %dma_wait3A_102] : memref<10240x128xf32, #tpu.memory_space<vmem_shared>> -> memref<64x128xf32, #tpu.memory_space<vmem_shared>>
      tpu.wait_dma2 semaphore(%run_scoped3A : memref<!tpu.dma_semaphore, #tpu.memory_space<semaphore_mem>>) src(%dma_wait3A_103 : memref<64x128xf32, #tpu.memory_space<vmem_shared>>) dst(%dma_wait3A_101 : memref<64x128xf32, #tpu.memory_space<hbm>>)
      tpu.yield
    }) : () -> ()
    %mul3A_80 = arith.constant 640 : i32
    %mul3A_81 = arith.muli %arg1, %mul3A_80 : i32
    %add3A_82 = arith.constant 384 : i32
    %add3A_83 = arith.addi %mul3A_81, %add3A_82 : i32
    "tpu.region"() ({
      %run_scoped3A = tpu.sem_alloc : memref<!tpu.dma_semaphore, #tpu.memory_space<semaphore_mem>>
      %dma_start3A = arith.constant 0 : i32
      %dma_start3A_96 = tpu.memref_slice %arg5[%arg0, %add3A_83, %dma_start3A] : memref<2x10240x128xf32, #tpu.memory_space<hbm>> -> memref<1x64x128xf32, #tpu.memory_space<hbm>>
      %dma_start3A_97 = tpu.memref_squeeze %dma_start3A_96 : memref<1x64x128xf32, #tpu.memory_space<hbm>> -> memref<64x128xf32, #tpu.memory_space<hbm>>
      %dma_start3A_98 = arith.constant 0 : i32
      %dma_start3A_99 = tpu.memref_slice %arg10[%add3A_83, %dma_start3A_98] : memref<10240x128xf32, #tpu.memory_space<vmem_shared>> -> memref<64x128xf32, #tpu.memory_space<vmem_shared>>
      tpu.enqueue_dma source(%dma_start3A_99 : memref<64x128xf32, #tpu.memory_space<vmem_shared>>) target(%dma_start3A_97 : memref<64x128xf32, #tpu.memory_space<hbm>>) target_semaphore(%run_scoped3A : memref<!tpu.dma_semaphore, #tpu.memory_space<semaphore_mem>>)
      %dma_wait3A = arith.constant 0 : i32
      %dma_wait3A_100 = tpu.memref_slice %arg5[%arg0, %add3A_83, %dma_wait3A] : memref<2x10240x128xf32, #tpu.memory_space<hbm>> -> memref<1x64x128xf32, #tpu.memory_space<hbm>>
      %dma_wait3A_101 = tpu.memref_squeeze %dma_wait3A_100 : memref<1x64x128xf32, #tpu.memory_space<hbm>> -> memref<64x128xf32, #tpu.memory_space<hbm>>
      %dma_wait3A_102 = arith.constant 0 : i32
      %dma_wait3A_103 = tpu.memref_slice %arg10[%add3A_83, %dma_wait3A_102] : memref<10240x128xf32, #tpu.memory_space<vmem_shared>> -> memref<64x128xf32, #tpu.memory_space<vmem_shared>>
      tpu.wait_dma2 semaphore(%run_scoped3A : memref<!tpu.dma_semaphore, #tpu.memory_space<semaphore_mem>>) src(%dma_wait3A_103 : memref<64x128xf32, #tpu.memory_space<vmem_shared>>) dst(%dma_wait3A_101 : memref<64x128xf32, #tpu.memory_space<hbm>>)
      tpu.yield
    }) : () -> ()
    %mul3A_84 = arith.constant 640 : i32
    %mul3A_85 = arith.muli %arg1, %mul3A_84 : i32
    %add3A_86 = arith.constant 448 : i32
    %add3A_87 = arith.addi %mul3A_85, %add3A_86 : i32
    "tpu.region"() ({
      %run_scoped3A = tpu.sem_alloc : memref<!tpu.dma_semaphore, #tpu.memory_space<semaphore_mem>>
      %dma_start3A = arith.constant 0 : i32
      %dma_start3A_96 = tpu.memref_slice %arg5[%arg0, %add3A_87, %dma_start3A] : memref<2x10240x128xf32, #tpu.memory_space<hbm>> -> memref<1x64x128xf32, #tpu.memory_space<hbm>>
      %dma_start3A_97 = tpu.memref_squeeze %dma_start3A_96 : memref<1x64x128xf32, #tpu.memory_space<hbm>> -> memref<64x128xf32, #tpu.memory_space<hbm>>
      %dma_start3A_98 = arith.constant 0 : i32
      %dma_start3A_99 = tpu.memref_slice %arg10[%add3A_87, %dma_start3A_98] : memref<10240x128xf32, #tpu.memory_space<vmem_shared>> -> memref<64x128xf32, #tpu.memory_space<vmem_shared>>
      tpu.enqueue_dma source(%dma_start3A_99 : memref<64x128xf32, #tpu.memory_space<vmem_shared>>) target(%dma_start3A_97 : memref<64x128xf32, #tpu.memory_space<hbm>>) target_semaphore(%run_scoped3A : memref<!tpu.dma_semaphore, #tpu.memory_space<semaphore_mem>>)
      %dma_wait3A = arith.constant 0 : i32
      %dma_wait3A_100 = tpu.memref_slice %arg5[%arg0, %add3A_87, %dma_wait3A] : memref<2x10240x128xf32, #tpu.memory_space<hbm>> -> memref<1x64x128xf32, #tpu.memory_space<hbm>>
      %dma_wait3A_101 = tpu.memref_squeeze %dma_wait3A_100 : memref<1x64x128xf32, #tpu.memory_space<hbm>> -> memref<64x128xf32, #tpu.memory_space<hbm>>
      %dma_wait3A_102 = arith.constant 0 : i32
      %dma_wait3A_103 = tpu.memref_slice %arg10[%add3A_87, %dma_wait3A_102] : memref<10240x128xf32, #tpu.memory_space<vmem_shared>> -> memref<64x128xf32, #tpu.memory_space<vmem_shared>>
      tpu.wait_dma2 semaphore(%run_scoped3A : memref<!tpu.dma_semaphore, #tpu.memory_space<semaphore_mem>>) src(%dma_wait3A_103 : memref<64x128xf32, #tpu.memory_space<vmem_shared>>) dst(%dma_wait3A_101 : memref<64x128xf32, #tpu.memory_space<hbm>>)
      tpu.yield
    }) : () -> ()
    %mul3A_88 = arith.constant 640 : i32
    %mul3A_89 = arith.muli %arg1, %mul3A_88 : i32
    %add3A_90 = arith.constant 512 : i32
    %add3A_91 = arith.addi %mul3A_89, %add3A_90 : i32
    "tpu.region"() ({
      %run_scoped3A = tpu.sem_alloc : memref<!tpu.dma_semaphore, #tpu.memory_space<semaphore_mem>>
      %dma_start3A = arith.constant 0 : i32
      %dma_start3A_96 = tpu.memref_slice %arg5[%arg0, %add3A_91, %dma_start3A] : memref<2x10240x128xf32, #tpu.memory_space<hbm>> -> memref<1x64x128xf32, #tpu.memory_space<hbm>>
      %dma_start3A_97 = tpu.memref_squeeze %dma_start3A_96 : memref<1x64x128xf32, #tpu.memory_space<hbm>> -> memref<64x128xf32, #tpu.memory_space<hbm>>
      %dma_start3A_98 = arith.constant 0 : i32
      %dma_start3A_99 = tpu.memref_slice %arg10[%add3A_91, %dma_start3A_98] : memref<10240x128xf32, #tpu.memory_space<vmem_shared>> -> memref<64x128xf32, #tpu.memory_space<vmem_shared>>
      tpu.enqueue_dma source(%dma_start3A_99 : memref<64x128xf32, #tpu.memory_space<vmem_shared>>) target(%dma_start3A_97 : memref<64x128xf32, #tpu.memory_space<hbm>>) target_semaphore(%run_scoped3A : memref<!tpu.dma_semaphore, #tpu.memory_space<semaphore_mem>>)
      %dma_wait3A = arith.constant 0 : i32
      %dma_wait3A_100 = tpu.memref_slice %arg5[%arg0, %add3A_91, %dma_wait3A] : memref<2x10240x128xf32, #tpu.memory_space<hbm>> -> memref<1x64x128xf32, #tpu.memory_space<hbm>>
      %dma_wait3A_101 = tpu.memref_squeeze %dma_wait3A_100 : memref<1x64x128xf32, #tpu.memory_space<hbm>> -> memref<64x128xf32, #tpu.memory_space<hbm>>
      %dma_wait3A_102 = arith.constant 0 : i32
      %dma_wait3A_103 = tpu.memref_slice %arg10[%add3A_91, %dma_wait3A_102] : memref<10240x128xf32, #tpu.memory_space<vmem_shared>> -> memref<64x128xf32, #tpu.memory_space<vmem_shared>>
      tpu.wait_dma2 semaphore(%run_scoped3A : memref<!tpu.dma_semaphore, #tpu.memory_space<semaphore_mem>>) src(%dma_wait3A_103 : memref<64x128xf32, #tpu.memory_space<vmem_shared>>) dst(%dma_wait3A_101 : memref<64x128xf32, #tpu.memory_space<hbm>>)
      tpu.yield
    }) : () -> ()
    %mul3A_92 = arith.constant 640 : i32
    %mul3A_93 = arith.muli %arg1, %mul3A_92 : i32
    %add3A_94 = arith.constant 576 : i32
    %add3A_95 = arith.addi %mul3A_93, %add3A_94 : i32
    "tpu.region"() ({
      %run_scoped3A = tpu.sem_alloc : memref<!tpu.dma_semaphore, #tpu.memory_space<semaphore_mem>>
      %dma_start3A = arith.constant 0 : i32
      %dma_start3A_96 = tpu.memref_slice %arg5[%arg0, %add3A_95, %dma_start3A] : memref<2x10240x128xf32, #tpu.memory_space<hbm>> -> memref<1x64x128xf32, #tpu.memory_space<hbm>>
      %dma_start3A_97 = tpu.memref_squeeze %dma_start3A_96 : memref<1x64x128xf32, #tpu.memory_space<hbm>> -> memref<64x128xf32, #tpu.memory_space<hbm>>
      %dma_start3A_98 = arith.constant 0 : i32
      %dma_start3A_99 = tpu.memref_slice %arg10[%add3A_95, %dma_start3A_98] : memref<10240x128xf32, #tpu.memory_space<vmem_shared>> -> memref<64x128xf32, #tpu.memory_space<vmem_shared>>
      tpu.enqueue_dma source(%dma_start3A_99 : memref<64x128xf32, #tpu.memory_space<vmem_shared>>) target(%dma_start3A_97 : memref<64x128xf32, #tpu.memory_space<hbm>>) target_semaphore(%run_scoped3A : memref<!tpu.dma_semaphore, #tpu.memory_space<semaphore_mem>>)
      %dma_wait3A = arith.constant 0 : i32
      %dma_wait3A_100 = tpu.memref_slice %arg5[%arg0, %add3A_95, %dma_wait3A] : memref<2x10240x128xf32, #tpu.memory_space<hbm>> -> memref<1x64x128xf32, #tpu.memory_space<hbm>>
      %dma_wait3A_101 = tpu.memref_squeeze %dma_wait3A_100 : memref<1x64x128xf32, #tpu.memory_space<hbm>> -> memref<64x128xf32, #tpu.memory_space<hbm>>
      %dma_wait3A_102 = arith.constant 0 : i32
      %dma_wait3A_103 = tpu.memref_slice %arg10[%add3A_95, %dma_wait3A_102] : memref<10240x128xf32, #tpu.memory_space<vmem_shared>> -> memref<64x128xf32, #tpu.memory_space<vmem_shared>>
      tpu.wait_dma2 semaphore(%run_scoped3A : memref<!tpu.dma_semaphore, #tpu.memory_space<semaphore_mem>>) src(%dma_wait3A_103 : memref<64x128xf32, #tpu.memory_space<vmem_shared>>) dst(%dma_wait3A_101 : memref<64x128xf32, #tpu.memory_space<hbm>>)
      tpu.yield
    }) : () -> ()
    return
  }
}

#map = affine_map<(d0, d1) -> (0, 0)>
#map1 = affine_map<(d0, d1) -> (0, 0, 0)>
module attributes {stable_mosaic.version = 14 : i64} {
  func.func @_prop_sc(%arg0: i32, %arg1: i32, %arg2: memref<20480x128xf32, #tpu.memory_space<hbm>>, %arg3: memref<32x80x128xi32, #tpu.memory_space<hbm>>, %arg4: memref<16x160x64xi32, #tpu.memory_space<hbm>>, %arg5: memref<2x10240x128xf32, #tpu.memory_space<hbm>>, %arg6: memref<80x128xi32, #tpu.memory_space<vmem>>, %arg7: memref<160x64xi32, #tpu.memory_space<vmem>>, %arg8: memref<128x128xf32, #tpu.memory_space<vmem>>, %arg9: memref<128x128xf32, #tpu.memory_space<vmem>>, %arg10: memref<10240x128xf32, #tpu.memory_space<vmem_shared>>, %arg11: memref<!tpu.dma_semaphore, #tpu.memory_space<semaphore_mem>>, %arg12: memref<!tpu.dma_semaphore, #tpu.memory_space<semaphore_mem>>) attributes {dimension_semantics = [#tpu.dimension_semantics<core_parallel>, #tpu.dimension_semantics<subcore_parallel>], iteration_bounds = array<i64: 2, 16>, scalar_prefetch = 0 : i64, scratch_operands = 7 : i64, tpu.core_type = #tpu.core_type<sc_vector_subcore>, window_params = [{transform_indices = #map}, {transform_indices = #map1}, {transform_indices = #map1}, {transform_indices = #map1}]} {
    %mul3A = arith.constant 16 : i32
    %mul3A_0 = arith.muli %arg0, %mul3A : i32
    %add3A = arith.addi %mul3A_0, %arg1 : i32
    %broadcast_in_dim3A = arith.constant 0.000000e+00 : f32
    %broadcast_in_dim3A_1 = vector.broadcast %broadcast_in_dim3A : f32 to vector<16xf32>
    %scan3A = arith.constant 0 : i32
    %scan3A_2 = arith.constant 0 : i32
    %scan3A_3 = arith.constant 64 : i32
    %scan3A_4 = arith.addi %scan3A_2, %scan3A_3 : i32
    %scan3A_5 = arith.constant 1 : i32
    %scan3A_6 = scf.for %scan3A_96 = %scan3A_2 to %scan3A_4 step %scan3A_5 iter_args(%scan3A_97 = %scan3A) -> (i32)  : i32 {
      %swap3A = arith.index_cast %scan3A_96 : i32 to index
      %swap3A_98 = arith.constant 0 : index
      %swap3A_99 = tpu.vector_load %arg8[%swap3A, %swap3A_98] {strides = array<i32>} : memref<128x128xf32, #tpu.memory_space<vmem>>, vector<1x16xf32>,
      %swap3A_100 = vector.shape_cast %swap3A_99 : vector<1x16xf32> to vector<16xf32>
      %swap3A_101 = vector.shape_cast %broadcast_in_dim3A_1 : vector<16xf32> to vector<1x16xf32>
      tpu.vector_store %arg8[%swap3A, %swap3A_98], %swap3A_101 {strides = array<i32>} : memref<128x128xf32, #tpu.memory_space<vmem>>, vector<1x16xf32>,
      %swap3A_102 = arith.index_cast %scan3A_96 : i32 to index
      %swap3A_103 = arith.constant 16 : index
      %swap3A_104 = tpu.vector_load %arg8[%swap3A_102, %swap3A_103] {strides = array<i32>} : memref<128x128xf32, #tpu.memory_space<vmem>>, vector<1x16xf32>,
      %swap3A_105 = vector.shape_cast %swap3A_104 : vector<1x16xf32> to vector<16xf32>
      %swap3A_106 = vector.shape_cast %broadcast_in_dim3A_1 : vector<16xf32> to vector<1x16xf32>
      tpu.vector_store %arg8[%swap3A_102, %swap3A_103], %swap3A_106 {strides = array<i32>} : memref<128x128xf32, #tpu.memory_space<vmem>>, vector<1x16xf32>,
      %swap3A_107 = arith.index_cast %scan3A_96 : i32 to index
      %swap3A_108 = arith.constant 32 : index
      %swap3A_109 = tpu.vector_load %arg8[%swap3A_107, %swap3A_108] {strides = array<i32>} : memref<128x128xf32, #tpu.memory_space<vmem>>, vector<1x16xf32>,
      %swap3A_110 = vector.shape_cast %swap3A_109 : vector<1x16xf32> to vector<16xf32>
      %swap3A_111 = vector.shape_cast %broadcast_in_dim3A_1 : vector<16xf32> to vector<1x16xf32>
      tpu.vector_store %arg8[%swap3A_107, %swap3A_108], %swap3A_111 {strides = array<i32>} : memref<128x128xf32, #tpu.memory_space<vmem>>, vector<1x16xf32>,
      %swap3A_112 = arith.index_cast %scan3A_96 : i32 to index
      %swap3A_113 = arith.constant 48 : index
      %swap3A_114 = tpu.vector_load %arg8[%swap3A_112, %swap3A_113] {strides = array<i32>} : memref<128x128xf32, #tpu.memory_space<vmem>>, vector<1x16xf32>,
      %swap3A_115 = vector.shape_cast %swap3A_114 : vector<1x16xf32> to vector<16xf32>
      %swap3A_116 = vector.shape_cast %broadcast_in_dim3A_1 : vector<16xf32> to vector<1x16xf32>
      tpu.vector_store %arg8[%swap3A_112, %swap3A_113], %swap3A_116 {strides = array<i32>} : memref<128x128xf32, #tpu.memory_space<vmem>>, vector<1x16xf32>,
      %swap3A_117 = arith.index_cast %scan3A_96 : i32 to index
      %swap3A_118 = arith.constant 64 : index
      %swap3A_119 = tpu.vector_load %arg8[%swap3A_117, %swap3A_118] {strides = array<i32>} : memref<128x128xf32, #tpu.memory_space<vmem>>, vector<1x16xf32>,
      %swap3A_120 = vector.shape_cast %swap3A_119 : vector<1x16xf32> to vector<16xf32>
      %swap3A_121 = vector.shape_cast %broadcast_in_dim3A_1 : vector<16xf32> to vector<1x16xf32>
      tpu.vector_store %arg8[%swap3A_117, %swap3A_118], %swap3A_121 {strides = array<i32>} : memref<128x128xf32, #tpu.memory_space<vmem>>, vector<1x16xf32>,
      %swap3A_122 = arith.index_cast %scan3A_96 : i32 to index
      %swap3A_123 = arith.constant 80 : index
      %swap3A_124 = tpu.vector_load %arg8[%swap3A_122, %swap3A_123] {strides = array<i32>} : memref<128x128xf32, #tpu.memory_space<vmem>>, vector<1x16xf32>,
      %swap3A_125 = vector.shape_cast %swap3A_124 : vector<1x16xf32> to vector<16xf32>
      %swap3A_126 = vector.shape_cast %broadcast_in_dim3A_1 : vector<16xf32> to vector<1x16xf32>
      tpu.vector_store %arg8[%swap3A_122, %swap3A_123], %swap3A_126 {strides = array<i32>} : memref<128x128xf32, #tpu.memory_space<vmem>>, vector<1x16xf32>,
      %swap3A_127 = arith.index_cast %scan3A_96 : i32 to index
      %swap3A_128 = arith.constant 96 : index
      %swap3A_129 = tpu.vector_load %arg8[%swap3A_127, %swap3A_128] {strides = array<i32>} : memref<128x128xf32, #tpu.memory_space<vmem>>, vector<1x16xf32>,
      %swap3A_130 = vector.shape_cast %swap3A_129 : vector<1x16xf32> to vector<16xf32>
      %swap3A_131 = vector.shape_cast %broadcast_in_dim3A_1 : vector<16xf32> to vector<1x16xf32>
      tpu.vector_store %arg8[%swap3A_127, %swap3A_128], %swap3A_131 {strides = array<i32>} : memref<128x128xf32, #tpu.memory_space<vmem>>, vector<1x16xf32>,
      %swap3A_132 = arith.index_cast %scan3A_96 : i32 to index
      %swap3A_133 = arith.constant 112 : index
      %swap3A_134 = tpu.vector_load %arg8[%swap3A_132, %swap3A_133] {strides = array<i32>} : memref<128x128xf32, #tpu.memory_space<vmem>>, vector<1x16xf32>,
      %swap3A_135 = vector.shape_cast %swap3A_134 : vector<1x16xf32> to vector<16xf32>
      %swap3A_136 = vector.shape_cast %broadcast_in_dim3A_1 : vector<16xf32> to vector<1x16xf32>
      tpu.vector_store %arg8[%swap3A_132, %swap3A_133], %swap3A_136 {strides = array<i32>} : memref<128x128xf32, #tpu.memory_space<vmem>>, vector<1x16xf32>,
      %scan3A_137 = arith.constant 0 : i32
      scf.yield %scan3A_137 : i32
    }
    %scan3A_7 = arith.constant 64 : i32
    %mul3A_8 = arith.constant 640 : i32
    %mul3A_9 = arith.muli %arg1, %mul3A_8 : i32
    %add3A_10 = arith.constant 0 : i32
    %add3A_11 = arith.addi %mul3A_9, %add3A_10 : i32
    "tpu.region"() ({
      %run_scoped3A = tpu.sem_alloc : memref<!tpu.dma_semaphore, #tpu.memory_space<semaphore_mem>>
      %dma_start3A = arith.constant 0 : i32
      %dma_start3A_96 = arith.constant 0 : i32
      %dma_start3A_97 = tpu.memref_slice %arg8[%dma_start3A, %dma_start3A_96] : memref<128x128xf32, #tpu.memory_space<vmem>> -> memref<64x128xf32, #tpu.memory_space<vmem>>
      %dma_start3A_98 = arith.constant 0 : i32
      %dma_start3A_99 = tpu.memref_slice %arg10[%add3A_11, %dma_start3A_98] : memref<10240x128xf32, #tpu.memory_space<vmem_shared>> -> memref<64x128xf32, #tpu.memory_space<vmem_shared>>
      %dma_start3A_100 = arith.constant 0 : i32
      %dma_start3A_101 = tpu.memref_slice %arg10[%add3A_11, %dma_start3A_100] : memref<10240x128xf32, #tpu.memory_space<vmem_shared>> -> memref<64x128xf32, #tpu.memory_space<vmem_shared>>
      %dma_start3A_102 = arith.constant 0 : i32
      %dma_start3A_103 = arith.constant 0 : i32
      %dma_start3A_104 = tpu.memref_slice %arg8[%dma_start3A_102, %dma_start3A_103] : memref<128x128xf32, #tpu.memory_space<vmem>> -> memref<64x128xf32, #tpu.memory_space<vmem>>
      tpu.enqueue_dma source(%dma_start3A_104 : memref<64x128xf32, #tpu.memory_space<vmem>>) target(%dma_start3A_101 : memref<64x128xf32, #tpu.memory_space<vmem_shared>>) target_semaphore(%run_scoped3A : memref<!tpu.dma_semaphore, #tpu.memory_space<semaphore_mem>>)
      %dma_wait3A = arith.constant 0 : i32
      %dma_wait3A_105 = arith.constant 0 : i32
      %dma_wait3A_106 = tpu.memref_slice %arg8[%dma_wait3A, %dma_wait3A_105] : memref<128x128xf32, #tpu.memory_space<vmem>> -> memref<64x128xf32, #tpu.memory_space<vmem>>
      %dma_wait3A_107 = arith.constant 0 : i32
      %dma_wait3A_108 = tpu.memref_slice %arg10[%add3A_11, %dma_wait3A_107] : memref<10240x128xf32, #tpu.memory_space<vmem_shared>> -> memref<64x128xf32, #tpu.memory_space<vmem_shared>>
      %dma_wait3A_109 = arith.constant 0 : i32
      %dma_wait3A_110 = tpu.memref_slice %arg10[%add3A_11, %dma_wait3A_109] : memref<10240x128xf32, #tpu.memory_space<vmem_shared>> -> memref<64x128xf32, #tpu.memory_space<vmem_shared>>
      %dma_wait3A_111 = arith.constant 0 : i32
      %dma_wait3A_112 = arith.constant 0 : i32
      %dma_wait3A_113 = tpu.memref_slice %arg8[%dma_wait3A_111, %dma_wait3A_112] : memref<128x128xf32, #tpu.memory_space<vmem>> -> memref<64x128xf32, #tpu.memory_space<vmem>>
      tpu.wait_dma2 semaphore(%run_scoped3A : memref<!tpu.dma_semaphore, #tpu.memory_space<semaphore_mem>>) src(%dma_wait3A_113 : memref<64x128xf32, #tpu.memory_space<vmem>>) dst(%dma_wait3A_110 : memref<64x128xf32, #tpu.memory_space<vmem_shared>>)
      tpu.yield
    }) : () -> ()
    %mul3A_12 = arith.constant 640 : i32
    %mul3A_13 = arith.muli %arg1, %mul3A_12 : i32
    %add3A_14 = arith.constant 64 : i32
    %add3A_15 = arith.addi %mul3A_13, %add3A_14 : i32
    "tpu.region"() ({
      %run_scoped3A = tpu.sem_alloc : memref<!tpu.dma_semaphore, #tpu.memory_space<semaphore_mem>>
      %dma_start3A = arith.constant 0 : i32
      %dma_start3A_96 = arith.constant 0 : i32
      %dma_start3A_97 = tpu.memref_slice %arg8[%dma_start3A, %dma_start3A_96] : memref<128x128xf32, #tpu.memory_space<vmem>> -> memref<64x128xf32, #tpu.memory_space<vmem>>
      %dma_start3A_98 = arith.constant 0 : i32
      %dma_start3A_99 = tpu.memref_slice %arg10[%add3A_15, %dma_start3A_98] : memref<10240x128xf32, #tpu.memory_space<vmem_shared>> -> memref<64x128xf32, #tpu.memory_space<vmem_shared>>
      %dma_start3A_100 = arith.constant 0 : i32
      %dma_start3A_101 = tpu.memref_slice %arg10[%add3A_15, %dma_start3A_100] : memref<10240x128xf32, #tpu.memory_space<vmem_shared>> -> memref<64x128xf32, #tpu.memory_space<vmem_shared>>
      %dma_start3A_102 = arith.constant 0 : i32
      %dma_start3A_103 = arith.constant 0 : i32
      %dma_start3A_104 = tpu.memref_slice %arg8[%dma_start3A_102, %dma_start3A_103] : memref<128x128xf32, #tpu.memory_space<vmem>> -> memref<64x128xf32, #tpu.memory_space<vmem>>
      tpu.enqueue_dma source(%dma_start3A_104 : memref<64x128xf32, #tpu.memory_space<vmem>>) target(%dma_start3A_101 : memref<64x128xf32, #tpu.memory_space<vmem_shared>>) target_semaphore(%run_scoped3A : memref<!tpu.dma_semaphore, #tpu.memory_space<semaphore_mem>>)
      %dma_wait3A = arith.constant 0 : i32
      %dma_wait3A_105 = arith.constant 0 : i32
      %dma_wait3A_106 = tpu.memref_slice %arg8[%dma_wait3A, %dma_wait3A_105] : memref<128x128xf32, #tpu.memory_space<vmem>> -> memref<64x128xf32, #tpu.memory_space<vmem>>
      %dma_wait3A_107 = arith.constant 0 : i32
      %dma_wait3A_108 = tpu.memref_slice %arg10[%add3A_15, %dma_wait3A_107] : memref<10240x128xf32, #tpu.memory_space<vmem_shared>> -> memref<64x128xf32, #tpu.memory_space<vmem_shared>>
      %dma_wait3A_109 = arith.constant 0 : i32
      %dma_wait3A_110 = tpu.memref_slice %arg10[%add3A_15, %dma_wait3A_109] : memref<10240x128xf32, #tpu.memory_space<vmem_shared>> -> memref<64x128xf32, #tpu.memory_space<vmem_shared>>
      %dma_wait3A_111 = arith.constant 0 : i32
      %dma_wait3A_112 = arith.constant 0 : i32
      %dma_wait3A_113 = tpu.memref_slice %arg8[%dma_wait3A_111, %dma_wait3A_112] : memref<128x128xf32, #tpu.memory_space<vmem>> -> memref<64x128xf32, #tpu.memory_space<vmem>>
      tpu.wait_dma2 semaphore(%run_scoped3A : memref<!tpu.dma_semaphore, #tpu.memory_space<semaphore_mem>>) src(%dma_wait3A_113 : memref<64x128xf32, #tpu.memory_space<vmem>>) dst(%dma_wait3A_110 : memref<64x128xf32, #tpu.memory_space<vmem_shared>>)
      tpu.yield
    }) : () -> ()
    %mul3A_16 = arith.constant 640 : i32
    %mul3A_17 = arith.muli %arg1, %mul3A_16 : i32
    %add3A_18 = arith.constant 128 : i32
    %add3A_19 = arith.addi %mul3A_17, %add3A_18 : i32
    "tpu.region"() ({
      %run_scoped3A = tpu.sem_alloc : memref<!tpu.dma_semaphore, #tpu.memory_space<semaphore_mem>>
      %dma_start3A = arith.constant 0 : i32
      %dma_start3A_96 = arith.constant 0 : i32
      %dma_start3A_97 = tpu.memref_slice %arg8[%dma_start3A, %dma_start3A_96] : memref<128x128xf32, #tpu.memory_space<vmem>> -> memref<64x128xf32, #tpu.memory_space<vmem>>
      %dma_start3A_98 = arith.constant 0 : i32
      %dma_start3A_99 = tpu.memref_slice %arg10[%add3A_19, %dma_start3A_98] : memref<10240x128xf32, #tpu.memory_space<vmem_shared>> -> memref<64x128xf32, #tpu.memory_space<vmem_shared>>
      %dma_start3A_100 = arith.constant 0 : i32
      %dma_start3A_101 = tpu.memref_slice %arg10[%add3A_19, %dma_start3A_100] : memref<10240x128xf32, #tpu.memory_space<vmem_shared>> -> memref<64x128xf32, #tpu.memory_space<vmem_shared>>
      %dma_start3A_102 = arith.constant 0 : i32
      %dma_start3A_103 = arith.constant 0 : i32
      %dma_start3A_104 = tpu.memref_slice %arg8[%dma_start3A_102, %dma_start3A_103] : memref<128x128xf32, #tpu.memory_space<vmem>> -> memref<64x128xf32, #tpu.memory_space<vmem>>
      tpu.enqueue_dma source(%dma_start3A_104 : memref<64x128xf32, #tpu.memory_space<vmem>>) target(%dma_start3A_101 : memref<64x128xf32, #tpu.memory_space<vmem_shared>>) target_semaphore(%run_scoped3A : memref<!tpu.dma_semaphore, #tpu.memory_space<semaphore_mem>>)
      %dma_wait3A = arith.constant 0 : i32
      %dma_wait3A_105 = arith.constant 0 : i32
      %dma_wait3A_106 = tpu.memref_slice %arg8[%dma_wait3A, %dma_wait3A_105] : memref<128x128xf32, #tpu.memory_space<vmem>> -> memref<64x128xf32, #tpu.memory_space<vmem>>
      %dma_wait3A_107 = arith.constant 0 : i32
      %dma_wait3A_108 = tpu.memref_slice %arg10[%add3A_19, %dma_wait3A_107] : memref<10240x128xf32, #tpu.memory_space<vmem_shared>> -> memref<64x128xf32, #tpu.memory_space<vmem_shared>>
      %dma_wait3A_109 = arith.constant 0 : i32
      %dma_wait3A_110 = tpu.memref_slice %arg10[%add3A_19, %dma_wait3A_109] : memref<10240x128xf32, #tpu.memory_space<vmem_shared>> -> memref<64x128xf32, #tpu.memory_space<vmem_shared>>
      %dma_wait3A_111 = arith.constant 0 : i32
      %dma_wait3A_112 = arith.constant 0 : i32
      %dma_wait3A_113 = tpu.memref_slice %arg8[%dma_wait3A_111, %dma_wait3A_112] : memref<128x128xf32, #tpu.memory_space<vmem>> -> memref<64x128xf32, #tpu.memory_space<vmem>>
      tpu.wait_dma2 semaphore(%run_scoped3A : memref<!tpu.dma_semaphore, #tpu.memory_space<semaphore_mem>>) src(%dma_wait3A_113 : memref<64x128xf32, #tpu.memory_space<vmem>>) dst(%dma_wait3A_110 : memref<64x128xf32, #tpu.memory_space<vmem_shared>>)
      tpu.yield
    }) : () -> ()
    %mul3A_20 = arith.constant 640 : i32
    %mul3A_21 = arith.muli %arg1, %mul3A_20 : i32
    %add3A_22 = arith.constant 192 : i32
    %add3A_23 = arith.addi %mul3A_21, %add3A_22 : i32
    "tpu.region"() ({
      %run_scoped3A = tpu.sem_alloc : memref<!tpu.dma_semaphore, #tpu.memory_space<semaphore_mem>>
      %dma_start3A = arith.constant 0 : i32
      %dma_start3A_96 = arith.constant 0 : i32
      %dma_start3A_97 = tpu.memref_slice %arg8[%dma_start3A, %dma_start3A_96] : memref<128x128xf32, #tpu.memory_space<vmem>> -> memref<64x128xf32, #tpu.memory_space<vmem>>
      %dma_start3A_98 = arith.constant 0 : i32
      %dma_start3A_99 = tpu.memref_slice %arg10[%add3A_23, %dma_start3A_98] : memref<10240x128xf32, #tpu.memory_space<vmem_shared>> -> memref<64x128xf32, #tpu.memory_space<vmem_shared>>
      %dma_start3A_100 = arith.constant 0 : i32
      %dma_start3A_101 = tpu.memref_slice %arg10[%add3A_23, %dma_start3A_100] : memref<10240x128xf32, #tpu.memory_space<vmem_shared>> -> memref<64x128xf32, #tpu.memory_space<vmem_shared>>
      %dma_start3A_102 = arith.constant 0 : i32
      %dma_start3A_103 = arith.constant 0 : i32
      %dma_start3A_104 = tpu.memref_slice %arg8[%dma_start3A_102, %dma_start3A_103] : memref<128x128xf32, #tpu.memory_space<vmem>> -> memref<64x128xf32, #tpu.memory_space<vmem>>
      tpu.enqueue_dma source(%dma_start3A_104 : memref<64x128xf32, #tpu.memory_space<vmem>>) target(%dma_start3A_101 : memref<64x128xf32, #tpu.memory_space<vmem_shared>>) target_semaphore(%run_scoped3A : memref<!tpu.dma_semaphore, #tpu.memory_space<semaphore_mem>>)
      %dma_wait3A = arith.constant 0 : i32
      %dma_wait3A_105 = arith.constant 0 : i32
      %dma_wait3A_106 = tpu.memref_slice %arg8[%dma_wait3A, %dma_wait3A_105] : memref<128x128xf32, #tpu.memory_space<vmem>> -> memref<64x128xf32, #tpu.memory_space<vmem>>
      %dma_wait3A_107 = arith.constant 0 : i32
      %dma_wait3A_108 = tpu.memref_slice %arg10[%add3A_23, %dma_wait3A_107] : memref<10240x128xf32, #tpu.memory_space<vmem_shared>> -> memref<64x128xf32, #tpu.memory_space<vmem_shared>>
      %dma_wait3A_109 = arith.constant 0 : i32
      %dma_wait3A_110 = tpu.memref_slice %arg10[%add3A_23, %dma_wait3A_109] : memref<10240x128xf32, #tpu.memory_space<vmem_shared>> -> memref<64x128xf32, #tpu.memory_space<vmem_shared>>
      %dma_wait3A_111 = arith.constant 0 : i32
      %dma_wait3A_112 = arith.constant 0 : i32
      %dma_wait3A_113 = tpu.memref_slice %arg8[%dma_wait3A_111, %dma_wait3A_112] : memref<128x128xf32, #tpu.memory_space<vmem>> -> memref<64x128xf32, #tpu.memory_space<vmem>>
      tpu.wait_dma2 semaphore(%run_scoped3A : memref<!tpu.dma_semaphore, #tpu.memory_space<semaphore_mem>>) src(%dma_wait3A_113 : memref<64x128xf32, #tpu.memory_space<vmem>>) dst(%dma_wait3A_110 : memref<64x128xf32, #tpu.memory_space<vmem_shared>>)
      tpu.yield
    }) : () -> ()
    %mul3A_24 = arith.constant 640 : i32
    %mul3A_25 = arith.muli %arg1, %mul3A_24 : i32
    %add3A_26 = arith.constant 256 : i32
    %add3A_27 = arith.addi %mul3A_25, %add3A_26 : i32
    "tpu.region"() ({
      %run_scoped3A = tpu.sem_alloc : memref<!tpu.dma_semaphore, #tpu.memory_space<semaphore_mem>>
      %dma_start3A = arith.constant 0 : i32
      %dma_start3A_96 = arith.constant 0 : i32
      %dma_start3A_97 = tpu.memref_slice %arg8[%dma_start3A, %dma_start3A_96] : memref<128x128xf32, #tpu.memory_space<vmem>> -> memref<64x128xf32, #tpu.memory_space<vmem>>
      %dma_start3A_98 = arith.constant 0 : i32
      %dma_start3A_99 = tpu.memref_slice %arg10[%add3A_27, %dma_start3A_98] : memref<10240x128xf32, #tpu.memory_space<vmem_shared>> -> memref<64x128xf32, #tpu.memory_space<vmem_shared>>
      %dma_start3A_100 = arith.constant 0 : i32
      %dma_start3A_101 = tpu.memref_slice %arg10[%add3A_27, %dma_start3A_100] : memref<10240x128xf32, #tpu.memory_space<vmem_shared>> -> memref<64x128xf32, #tpu.memory_space<vmem_shared>>
      %dma_start3A_102 = arith.constant 0 : i32
      %dma_start3A_103 = arith.constant 0 : i32
      %dma_start3A_104 = tpu.memref_slice %arg8[%dma_start3A_102, %dma_start3A_103] : memref<128x128xf32, #tpu.memory_space<vmem>> -> memref<64x128xf32, #tpu.memory_space<vmem>>
      tpu.enqueue_dma source(%dma_start3A_104 : memref<64x128xf32, #tpu.memory_space<vmem>>) target(%dma_start3A_101 : memref<64x128xf32, #tpu.memory_space<vmem_shared>>) target_semaphore(%run_scoped3A : memref<!tpu.dma_semaphore, #tpu.memory_space<semaphore_mem>>)
      %dma_wait3A = arith.constant 0 : i32
      %dma_wait3A_105 = arith.constant 0 : i32
      %dma_wait3A_106 = tpu.memref_slice %arg8[%dma_wait3A, %dma_wait3A_105] : memref<128x128xf32, #tpu.memory_space<vmem>> -> memref<64x128xf32, #tpu.memory_space<vmem>>
      %dma_wait3A_107 = arith.constant 0 : i32
      %dma_wait3A_108 = tpu.memref_slice %arg10[%add3A_27, %dma_wait3A_107] : memref<10240x128xf32, #tpu.memory_space<vmem_shared>> -> memref<64x128xf32, #tpu.memory_space<vmem_shared>>
      %dma_wait3A_109 = arith.constant 0 : i32
      %dma_wait3A_110 = tpu.memref_slice %arg10[%add3A_27, %dma_wait3A_109] : memref<10240x128xf32, #tpu.memory_space<vmem_shared>> -> memref<64x128xf32, #tpu.memory_space<vmem_shared>>
      %dma_wait3A_111 = arith.constant 0 : i32
      %dma_wait3A_112 = arith.constant 0 : i32
      %dma_wait3A_113 = tpu.memref_slice %arg8[%dma_wait3A_111, %dma_wait3A_112] : memref<128x128xf32, #tpu.memory_space<vmem>> -> memref<64x128xf32, #tpu.memory_space<vmem>>
      tpu.wait_dma2 semaphore(%run_scoped3A : memref<!tpu.dma_semaphore, #tpu.memory_space<semaphore_mem>>) src(%dma_wait3A_113 : memref<64x128xf32, #tpu.memory_space<vmem>>) dst(%dma_wait3A_110 : memref<64x128xf32, #tpu.memory_space<vmem_shared>>)
      tpu.yield
    }) : () -> ()
    %mul3A_28 = arith.constant 640 : i32
    %mul3A_29 = arith.muli %arg1, %mul3A_28 : i32
    %add3A_30 = arith.constant 320 : i32
    %add3A_31 = arith.addi %mul3A_29, %add3A_30 : i32
    "tpu.region"() ({
      %run_scoped3A = tpu.sem_alloc : memref<!tpu.dma_semaphore, #tpu.memory_space<semaphore_mem>>
      %dma_start3A = arith.constant 0 : i32
      %dma_start3A_96 = arith.constant 0 : i32
      %dma_start3A_97 = tpu.memref_slice %arg8[%dma_start3A, %dma_start3A_96] : memref<128x128xf32, #tpu.memory_space<vmem>> -> memref<64x128xf32, #tpu.memory_space<vmem>>
      %dma_start3A_98 = arith.constant 0 : i32
      %dma_start3A_99 = tpu.memref_slice %arg10[%add3A_31, %dma_start3A_98] : memref<10240x128xf32, #tpu.memory_space<vmem_shared>> -> memref<64x128xf32, #tpu.memory_space<vmem_shared>>
      %dma_start3A_100 = arith.constant 0 : i32
      %dma_start3A_101 = tpu.memref_slice %arg10[%add3A_31, %dma_start3A_100] : memref<10240x128xf32, #tpu.memory_space<vmem_shared>> -> memref<64x128xf32, #tpu.memory_space<vmem_shared>>
      %dma_start3A_102 = arith.constant 0 : i32
      %dma_start3A_103 = arith.constant 0 : i32
      %dma_start3A_104 = tpu.memref_slice %arg8[%dma_start3A_102, %dma_start3A_103] : memref<128x128xf32, #tpu.memory_space<vmem>> -> memref<64x128xf32, #tpu.memory_space<vmem>>
      tpu.enqueue_dma source(%dma_start3A_104 : memref<64x128xf32, #tpu.memory_space<vmem>>) target(%dma_start3A_101 : memref<64x128xf32, #tpu.memory_space<vmem_shared>>) target_semaphore(%run_scoped3A : memref<!tpu.dma_semaphore, #tpu.memory_space<semaphore_mem>>)
      %dma_wait3A = arith.constant 0 : i32
      %dma_wait3A_105 = arith.constant 0 : i32
      %dma_wait3A_106 = tpu.memref_slice %arg8[%dma_wait3A, %dma_wait3A_105] : memref<128x128xf32, #tpu.memory_space<vmem>> -> memref<64x128xf32, #tpu.memory_space<vmem>>
      %dma_wait3A_107 = arith.constant 0 : i32
      %dma_wait3A_108 = tpu.memref_slice %arg10[%add3A_31, %dma_wait3A_107] : memref<10240x128xf32, #tpu.memory_space<vmem_shared>> -> memref<64x128xf32, #tpu.memory_space<vmem_shared>>
      %dma_wait3A_109 = arith.constant 0 : i32
      %dma_wait3A_110 = tpu.memref_slice %arg10[%add3A_31, %dma_wait3A_109] : memref<10240x128xf32, #tpu.memory_space<vmem_shared>> -> memref<64x128xf32, #tpu.memory_space<vmem_shared>>
      %dma_wait3A_111 = arith.constant 0 : i32
      %dma_wait3A_112 = arith.constant 0 : i32
      %dma_wait3A_113 = tpu.memref_slice %arg8[%dma_wait3A_111, %dma_wait3A_112] : memref<128x128xf32, #tpu.memory_space<vmem>> -> memref<64x128xf32, #tpu.memory_space<vmem>>
      tpu.wait_dma2 semaphore(%run_scoped3A : memref<!tpu.dma_semaphore, #tpu.memory_space<semaphore_mem>>) src(%dma_wait3A_113 : memref<64x128xf32, #tpu.memory_space<vmem>>) dst(%dma_wait3A_110 : memref<64x128xf32, #tpu.memory_space<vmem_shared>>)
      tpu.yield
    }) : () -> ()
    %mul3A_32 = arith.constant 640 : i32
    %mul3A_33 = arith.muli %arg1, %mul3A_32 : i32
    %add3A_34 = arith.constant 384 : i32
    %add3A_35 = arith.addi %mul3A_33, %add3A_34 : i32
    "tpu.region"() ({
      %run_scoped3A = tpu.sem_alloc : memref<!tpu.dma_semaphore, #tpu.memory_space<semaphore_mem>>
      %dma_start3A = arith.constant 0 : i32
      %dma_start3A_96 = arith.constant 0 : i32
      %dma_start3A_97 = tpu.memref_slice %arg8[%dma_start3A, %dma_start3A_96] : memref<128x128xf32, #tpu.memory_space<vmem>> -> memref<64x128xf32, #tpu.memory_space<vmem>>
      %dma_start3A_98 = arith.constant 0 : i32
      %dma_start3A_99 = tpu.memref_slice %arg10[%add3A_35, %dma_start3A_98] : memref<10240x128xf32, #tpu.memory_space<vmem_shared>> -> memref<64x128xf32, #tpu.memory_space<vmem_shared>>
      %dma_start3A_100 = arith.constant 0 : i32
      %dma_start3A_101 = tpu.memref_slice %arg10[%add3A_35, %dma_start3A_100] : memref<10240x128xf32, #tpu.memory_space<vmem_shared>> -> memref<64x128xf32, #tpu.memory_space<vmem_shared>>
      %dma_start3A_102 = arith.constant 0 : i32
      %dma_start3A_103 = arith.constant 0 : i32
      %dma_start3A_104 = tpu.memref_slice %arg8[%dma_start3A_102, %dma_start3A_103] : memref<128x128xf32, #tpu.memory_space<vmem>> -> memref<64x128xf32, #tpu.memory_space<vmem>>
      tpu.enqueue_dma source(%dma_start3A_104 : memref<64x128xf32, #tpu.memory_space<vmem>>) target(%dma_start3A_101 : memref<64x128xf32, #tpu.memory_space<vmem_shared>>) target_semaphore(%run_scoped3A : memref<!tpu.dma_semaphore, #tpu.memory_space<semaphore_mem>>)
      %dma_wait3A = arith.constant 0 : i32
      %dma_wait3A_105 = arith.constant 0 : i32
      %dma_wait3A_106 = tpu.memref_slice %arg8[%dma_wait3A, %dma_wait3A_105] : memref<128x128xf32, #tpu.memory_space<vmem>> -> memref<64x128xf32, #tpu.memory_space<vmem>>
      %dma_wait3A_107 = arith.constant 0 : i32
      %dma_wait3A_108 = tpu.memref_slice %arg10[%add3A_35, %dma_wait3A_107] : memref<10240x128xf32, #tpu.memory_space<vmem_shared>> -> memref<64x128xf32, #tpu.memory_space<vmem_shared>>
      %dma_wait3A_109 = arith.constant 0 : i32
      %dma_wait3A_110 = tpu.memref_slice %arg10[%add3A_35, %dma_wait3A_109] : memref<10240x128xf32, #tpu.memory_space<vmem_shared>> -> memref<64x128xf32, #tpu.memory_space<vmem_shared>>
      %dma_wait3A_111 = arith.constant 0 : i32
      %dma_wait3A_112 = arith.constant 0 : i32
      %dma_wait3A_113 = tpu.memref_slice %arg8[%dma_wait3A_111, %dma_wait3A_112] : memref<128x128xf32, #tpu.memory_space<vmem>> -> memref<64x128xf32, #tpu.memory_space<vmem>>
      tpu.wait_dma2 semaphore(%run_scoped3A : memref<!tpu.dma_semaphore, #tpu.memory_space<semaphore_mem>>) src(%dma_wait3A_113 : memref<64x128xf32, #tpu.memory_space<vmem>>) dst(%dma_wait3A_110 : memref<64x128xf32, #tpu.memory_space<vmem_shared>>)
      tpu.yield
    }) : () -> ()
    %mul3A_36 = arith.constant 640 : i32
    %mul3A_37 = arith.muli %arg1, %mul3A_36 : i32
    %add3A_38 = arith.constant 448 : i32
    %add3A_39 = arith.addi %mul3A_37, %add3A_38 : i32
    "tpu.region"() ({
      %run_scoped3A = tpu.sem_alloc : memref<!tpu.dma_semaphore, #tpu.memory_space<semaphore_mem>>
      %dma_start3A = arith.constant 0 : i32
      %dma_start3A_96 = arith.constant 0 : i32
      %dma_start3A_97 = tpu.memref_slice %arg8[%dma_start3A, %dma_start3A_96] : memref<128x128xf32, #tpu.memory_space<vmem>> -> memref<64x128xf32, #tpu.memory_space<vmem>>
      %dma_start3A_98 = arith.constant 0 : i32
      %dma_start3A_99 = tpu.memref_slice %arg10[%add3A_39, %dma_start3A_98] : memref<10240x128xf32, #tpu.memory_space<vmem_shared>> -> memref<64x128xf32, #tpu.memory_space<vmem_shared>>
      %dma_start3A_100 = arith.constant 0 : i32
      %dma_start3A_101 = tpu.memref_slice %arg10[%add3A_39, %dma_start3A_100] : memref<10240x128xf32, #tpu.memory_space<vmem_shared>> -> memref<64x128xf32, #tpu.memory_space<vmem_shared>>
      %dma_start3A_102 = arith.constant 0 : i32
      %dma_start3A_103 = arith.constant 0 : i32
      %dma_start3A_104 = tpu.memref_slice %arg8[%dma_start3A_102, %dma_start3A_103] : memref<128x128xf32, #tpu.memory_space<vmem>> -> memref<64x128xf32, #tpu.memory_space<vmem>>
      tpu.enqueue_dma source(%dma_start3A_104 : memref<64x128xf32, #tpu.memory_space<vmem>>) target(%dma_start3A_101 : memref<64x128xf32, #tpu.memory_space<vmem_shared>>) target_semaphore(%run_scoped3A : memref<!tpu.dma_semaphore, #tpu.memory_space<semaphore_mem>>)
      %dma_wait3A = arith.constant 0 : i32
      %dma_wait3A_105 = arith.constant 0 : i32
      %dma_wait3A_106 = tpu.memref_slice %arg8[%dma_wait3A, %dma_wait3A_105] : memref<128x128xf32, #tpu.memory_space<vmem>> -> memref<64x128xf32, #tpu.memory_space<vmem>>
      %dma_wait3A_107 = arith.constant 0 : i32
      %dma_wait3A_108 = tpu.memref_slice %arg10[%add3A_39, %dma_wait3A_107] : memref<10240x128xf32, #tpu.memory_space<vmem_shared>> -> memref<64x128xf32, #tpu.memory_space<vmem_shared>>
      %dma_wait3A_109 = arith.constant 0 : i32
      %dma_wait3A_110 = tpu.memref_slice %arg10[%add3A_39, %dma_wait3A_109] : memref<10240x128xf32, #tpu.memory_space<vmem_shared>> -> memref<64x128xf32, #tpu.memory_space<vmem_shared>>
      %dma_wait3A_111 = arith.constant 0 : i32
      %dma_wait3A_112 = arith.constant 0 : i32
      %dma_wait3A_113 = tpu.memref_slice %arg8[%dma_wait3A_111, %dma_wait3A_112] : memref<128x128xf32, #tpu.memory_space<vmem>> -> memref<64x128xf32, #tpu.memory_space<vmem>>
      tpu.wait_dma2 semaphore(%run_scoped3A : memref<!tpu.dma_semaphore, #tpu.memory_space<semaphore_mem>>) src(%dma_wait3A_113 : memref<64x128xf32, #tpu.memory_space<vmem>>) dst(%dma_wait3A_110 : memref<64x128xf32, #tpu.memory_space<vmem_shared>>)
      tpu.yield
    }) : () -> ()
    %mul3A_40 = arith.constant 640 : i32
    %mul3A_41 = arith.muli %arg1, %mul3A_40 : i32
    %add3A_42 = arith.constant 512 : i32
    %add3A_43 = arith.addi %mul3A_41, %add3A_42 : i32
    "tpu.region"() ({
      %run_scoped3A = tpu.sem_alloc : memref<!tpu.dma_semaphore, #tpu.memory_space<semaphore_mem>>
      %dma_start3A = arith.constant 0 : i32
      %dma_start3A_96 = arith.constant 0 : i32
      %dma_start3A_97 = tpu.memref_slice %arg8[%dma_start3A, %dma_start3A_96] : memref<128x128xf32, #tpu.memory_space<vmem>> -> memref<64x128xf32, #tpu.memory_space<vmem>>
      %dma_start3A_98 = arith.constant 0 : i32
      %dma_start3A_99 = tpu.memref_slice %arg10[%add3A_43, %dma_start3A_98] : memref<10240x128xf32, #tpu.memory_space<vmem_shared>> -> memref<64x128xf32, #tpu.memory_space<vmem_shared>>
      %dma_start3A_100 = arith.constant 0 : i32
      %dma_start3A_101 = tpu.memref_slice %arg10[%add3A_43, %dma_start3A_100] : memref<10240x128xf32, #tpu.memory_space<vmem_shared>> -> memref<64x128xf32, #tpu.memory_space<vmem_shared>>
      %dma_start3A_102 = arith.constant 0 : i32
      %dma_start3A_103 = arith.constant 0 : i32
      %dma_start3A_104 = tpu.memref_slice %arg8[%dma_start3A_102, %dma_start3A_103] : memref<128x128xf32, #tpu.memory_space<vmem>> -> memref<64x128xf32, #tpu.memory_space<vmem>>
      tpu.enqueue_dma source(%dma_start3A_104 : memref<64x128xf32, #tpu.memory_space<vmem>>) target(%dma_start3A_101 : memref<64x128xf32, #tpu.memory_space<vmem_shared>>) target_semaphore(%run_scoped3A : memref<!tpu.dma_semaphore, #tpu.memory_space<semaphore_mem>>)
      %dma_wait3A = arith.constant 0 : i32
      %dma_wait3A_105 = arith.constant 0 : i32
      %dma_wait3A_106 = tpu.memref_slice %arg8[%dma_wait3A, %dma_wait3A_105] : memref<128x128xf32, #tpu.memory_space<vmem>> -> memref<64x128xf32, #tpu.memory_space<vmem>>
      %dma_wait3A_107 = arith.constant 0 : i32
      %dma_wait3A_108 = tpu.memref_slice %arg10[%add3A_43, %dma_wait3A_107] : memref<10240x128xf32, #tpu.memory_space<vmem_shared>> -> memref<64x128xf32, #tpu.memory_space<vmem_shared>>
      %dma_wait3A_109 = arith.constant 0 : i32
      %dma_wait3A_110 = tpu.memref_slice %arg10[%add3A_43, %dma_wait3A_109] : memref<10240x128xf32, #tpu.memory_space<vmem_shared>> -> memref<64x128xf32, #tpu.memory_space<vmem_shared>>
      %dma_wait3A_111 = arith.constant 0 : i32
      %dma_wait3A_112 = arith.constant 0 : i32
      %dma_wait3A_113 = tpu.memref_slice %arg8[%dma_wait3A_111, %dma_wait3A_112] : memref<128x128xf32, #tpu.memory_space<vmem>> -> memref<64x128xf32, #tpu.memory_space<vmem>>
      tpu.wait_dma2 semaphore(%run_scoped3A : memref<!tpu.dma_semaphore, #tpu.memory_space<semaphore_mem>>) src(%dma_wait3A_113 : memref<64x128xf32, #tpu.memory_space<vmem>>) dst(%dma_wait3A_110 : memref<64x128xf32, #tpu.memory_space<vmem_shared>>)
      tpu.yield
    }) : () -> ()
    %mul3A_44 = arith.constant 640 : i32
    %mul3A_45 = arith.muli %arg1, %mul3A_44 : i32
    %add3A_46 = arith.constant 576 : i32
    %add3A_47 = arith.addi %mul3A_45, %add3A_46 : i32
    "tpu.region"() ({
      %run_scoped3A = tpu.sem_alloc : memref<!tpu.dma_semaphore, #tpu.memory_space<semaphore_mem>>
      %dma_start3A = arith.constant 0 : i32
      %dma_start3A_96 = arith.constant 0 : i32
      %dma_start3A_97 = tpu.memref_slice %arg8[%dma_start3A, %dma_start3A_96] : memref<128x128xf32, #tpu.memory_space<vmem>> -> memref<64x128xf32, #tpu.memory_space<vmem>>
      %dma_start3A_98 = arith.constant 0 : i32
      %dma_start3A_99 = tpu.memref_slice %arg10[%add3A_47, %dma_start3A_98] : memref<10240x128xf32, #tpu.memory_space<vmem_shared>> -> memref<64x128xf32, #tpu.memory_space<vmem_shared>>
      %dma_start3A_100 = arith.constant 0 : i32
      %dma_start3A_101 = tpu.memref_slice %arg10[%add3A_47, %dma_start3A_100] : memref<10240x128xf32, #tpu.memory_space<vmem_shared>> -> memref<64x128xf32, #tpu.memory_space<vmem_shared>>
      %dma_start3A_102 = arith.constant 0 : i32
      %dma_start3A_103 = arith.constant 0 : i32
      %dma_start3A_104 = tpu.memref_slice %arg8[%dma_start3A_102, %dma_start3A_103] : memref<128x128xf32, #tpu.memory_space<vmem>> -> memref<64x128xf32, #tpu.memory_space<vmem>>
      tpu.enqueue_dma source(%dma_start3A_104 : memref<64x128xf32, #tpu.memory_space<vmem>>) target(%dma_start3A_101 : memref<64x128xf32, #tpu.memory_space<vmem_shared>>) target_semaphore(%run_scoped3A : memref<!tpu.dma_semaphore, #tpu.memory_space<semaphore_mem>>)
      %dma_wait3A = arith.constant 0 : i32
      %dma_wait3A_105 = arith.constant 0 : i32
      %dma_wait3A_106 = tpu.memref_slice %arg8[%dma_wait3A, %dma_wait3A_105] : memref<128x128xf32, #tpu.memory_space<vmem>> -> memref<64x128xf32, #tpu.memory_space<vmem>>
      %dma_wait3A_107 = arith.constant 0 : i32
      %dma_wait3A_108 = tpu.memref_slice %arg10[%add3A_47, %dma_wait3A_107] : memref<10240x128xf32, #tpu.memory_space<vmem_shared>> -> memref<64x128xf32, #tpu.memory_space<vmem_shared>>
      %dma_wait3A_109 = arith.constant 0 : i32
      %dma_wait3A_110 = tpu.memref_slice %arg10[%add3A_47, %dma_wait3A_109] : memref<10240x128xf32, #tpu.memory_space<vmem_shared>> -> memref<64x128xf32, #tpu.memory_space<vmem_shared>>
      %dma_wait3A_111 = arith.constant 0 : i32
      %dma_wait3A_112 = arith.constant 0 : i32
      %dma_wait3A_113 = tpu.memref_slice %arg8[%dma_wait3A_111, %dma_wait3A_112] : memref<128x128xf32, #tpu.memory_space<vmem>> -> memref<64x128xf32, #tpu.memory_space<vmem>>
      tpu.wait_dma2 semaphore(%run_scoped3A : memref<!tpu.dma_semaphore, #tpu.memory_space<semaphore_mem>>) src(%dma_wait3A_113 : memref<64x128xf32, #tpu.memory_space<vmem>>) dst(%dma_wait3A_110 : memref<64x128xf32, #tpu.memory_space<vmem_shared>>)
      tpu.yield
    }) : () -> ()
    %barrier3A = arith.constant 0 : index
    tpu.barrier barrier_id(%barrier3A)
    "tpu.region"() ({
      %run_scoped3A = tpu.sem_alloc : memref<!tpu.dma_semaphore, #tpu.memory_space<semaphore_mem>>
      %dma_start3A = arith.constant 0 : i32
      %dma_start3A_96 = arith.constant 0 : i32
      %dma_start3A_97 = tpu.memref_slice %arg3[%add3A, %dma_start3A, %dma_start3A_96] : memref<32x80x128xi32, #tpu.memory_space<hbm>> -> memref<1x80x128xi32, #tpu.memory_space<hbm>>
      %dma_start3A_98 = tpu.memref_squeeze %dma_start3A_97 : memref<1x80x128xi32, #tpu.memory_space<hbm>> -> memref<80x128xi32, #tpu.memory_space<hbm>>
      %dma_start3A_99 = arith.constant 0 : i32
      %dma_start3A_100 = arith.constant 0 : i32
      %dma_start3A_101 = tpu.memref_slice %arg3[%add3A, %dma_start3A_99, %dma_start3A_100] : memref<32x80x128xi32, #tpu.memory_space<hbm>> -> memref<1x80x128xi32, #tpu.memory_space<hbm>>
      %dma_start3A_102 = tpu.memref_squeeze %dma_start3A_101 : memref<1x80x128xi32, #tpu.memory_space<hbm>> -> memref<80x128xi32, #tpu.memory_space<hbm>>
      tpu.enqueue_dma source(%dma_start3A_102 : memref<80x128xi32, #tpu.memory_space<hbm>>) target(%arg6 : memref<80x128xi32, #tpu.memory_space<vmem>>) target_semaphore(%run_scoped3A : memref<!tpu.dma_semaphore, #tpu.memory_space<semaphore_mem>>)
      %dma_wait3A = arith.constant 0 : i32
      %dma_wait3A_103 = arith.constant 0 : i32
      %dma_wait3A_104 = tpu.memref_slice %arg3[%add3A, %dma_wait3A, %dma_wait3A_103] : memref<32x80x128xi32, #tpu.memory_space<hbm>> -> memref<1x80x128xi32, #tpu.memory_space<hbm>>
      %dma_wait3A_105 = tpu.memref_squeeze %dma_wait3A_104 : memref<1x80x128xi32, #tpu.memory_space<hbm>> -> memref<80x128xi32, #tpu.memory_space<hbm>>
      %dma_wait3A_106 = arith.constant 0 : i32
      %dma_wait3A_107 = arith.constant 0 : i32
      %dma_wait3A_108 = tpu.memref_slice %arg3[%add3A, %dma_wait3A_106, %dma_wait3A_107] : memref<32x80x128xi32, #tpu.memory_space<hbm>> -> memref<1x80x128xi32, #tpu.memory_space<hbm>>
      %dma_wait3A_109 = tpu.memref_squeeze %dma_wait3A_108 : memref<1x80x128xi32, #tpu.memory_space<hbm>> -> memref<80x128xi32, #tpu.memory_space<hbm>>
      tpu.wait_dma2 semaphore(%run_scoped3A : memref<!tpu.dma_semaphore, #tpu.memory_space<semaphore_mem>>) src(%dma_wait3A_109 : memref<80x128xi32, #tpu.memory_space<hbm>>) dst(%arg6 : memref<80x128xi32, #tpu.memory_space<vmem>>)
      tpu.yield
    }) : () -> ()
    "tpu.region"() ({
      %run_scoped3A = tpu.sem_alloc : memref<!tpu.dma_semaphore, #tpu.memory_space<semaphore_mem>>
      %dma_start3A = arith.constant 0 : i32
      %dma_start3A_96 = arith.constant 0 : i32
      %dma_start3A_97 = tpu.memref_slice %arg4[%arg1, %dma_start3A, %dma_start3A_96] : memref<16x160x64xi32, #tpu.memory_space<hbm>> -> memref<1x160x64xi32, #tpu.memory_space<hbm>>
      %dma_start3A_98 = tpu.memref_squeeze %dma_start3A_97 : memref<1x160x64xi32, #tpu.memory_space<hbm>> -> memref<160x64xi32, #tpu.memory_space<hbm>>
      %dma_start3A_99 = arith.constant 0 : i32
      %dma_start3A_100 = arith.constant 0 : i32
      %dma_start3A_101 = tpu.memref_slice %arg4[%arg1, %dma_start3A_99, %dma_start3A_100] : memref<16x160x64xi32, #tpu.memory_space<hbm>> -> memref<1x160x64xi32, #tpu.memory_space<hbm>>
      %dma_start3A_102 = tpu.memref_squeeze %dma_start3A_101 : memref<1x160x64xi32, #tpu.memory_space<hbm>> -> memref<160x64xi32, #tpu.memory_space<hbm>>
      tpu.enqueue_dma source(%dma_start3A_102 : memref<160x64xi32, #tpu.memory_space<hbm>>) target(%arg7 : memref<160x64xi32, #tpu.memory_space<vmem>>) target_semaphore(%run_scoped3A : memref<!tpu.dma_semaphore, #tpu.memory_space<semaphore_mem>>)
      %dma_wait3A = arith.constant 0 : i32
      %dma_wait3A_103 = arith.constant 0 : i32
      %dma_wait3A_104 = tpu.memref_slice %arg4[%arg1, %dma_wait3A, %dma_wait3A_103] : memref<16x160x64xi32, #tpu.memory_space<hbm>> -> memref<1x160x64xi32, #tpu.memory_space<hbm>>
      %dma_wait3A_105 = tpu.memref_squeeze %dma_wait3A_104 : memref<1x160x64xi32, #tpu.memory_space<hbm>> -> memref<160x64xi32, #tpu.memory_space<hbm>>
      %dma_wait3A_106 = arith.constant 0 : i32
      %dma_wait3A_107 = arith.constant 0 : i32
      %dma_wait3A_108 = tpu.memref_slice %arg4[%arg1, %dma_wait3A_106, %dma_wait3A_107] : memref<16x160x64xi32, #tpu.memory_space<hbm>> -> memref<1x160x64xi32, #tpu.memory_space<hbm>>
      %dma_wait3A_109 = tpu.memref_squeeze %dma_wait3A_108 : memref<1x160x64xi32, #tpu.memory_space<hbm>> -> memref<160x64xi32, #tpu.memory_space<hbm>>
      tpu.wait_dma2 semaphore(%run_scoped3A : memref<!tpu.dma_semaphore, #tpu.memory_space<semaphore_mem>>) src(%dma_wait3A_109 : memref<160x64xi32, #tpu.memory_space<hbm>>) dst(%arg7 : memref<160x64xi32, #tpu.memory_space<vmem>>)
      tpu.yield
    }) : () -> ()
    %scan3A_48 = arith.constant 0 : i32
    %scan3A_49 = arith.constant 0 : i32
    %scan3A_50 = arith.constant 80 : i32
    %scan3A_51 = arith.addi %scan3A_49, %scan3A_50 : i32
    %scan3A_52 = arith.constant 1 : i32
    %scan3A_53 = scf.for %scan3A_96 = %scan3A_49 to %scan3A_51 step %scan3A_52 iter_args(%scan3A_97 = %scan3A_48) -> (i32)  : i32 {
      %dma_start3A = arith.constant 0 : i32
      %dma_start3A_98 = tpu.memref_slice %arg6[%scan3A_96, %dma_start3A] : memref<80x128xi32, #tpu.memory_space<vmem>> -> memref<1x128xi32, #tpu.memory_space<vmem>>
      %dma_start3A_99 = tpu.memref_squeeze %dma_start3A_98 : memref<1x128xi32, #tpu.memory_space<vmem>> -> memref<128xi32, #tpu.memory_space<vmem>>
      %dma_start3A_100 = arith.constant 0 : i32
      %dma_start3A_101 = arith.constant 0 : i32
      %dma_start3A_102 = tpu.memref_slice %arg2[%dma_start3A_100, %dma_start3A_101] : memref<20480x128xf32, #tpu.memory_space<hbm>> -> memref<20480x128xf32, #tpu.memory_space<hbm>>
      tpu.enqueue_indirect_dma source(%dma_start3A_102 : memref<20480x128xf32, #tpu.memory_space<hbm>>) target(%arg8 : memref<128x128xf32, #tpu.memory_space<vmem>>) offsets(%dma_start3A_99 : memref<128xi32, #tpu.memory_space<vmem>>) semaphore(%arg11 : memref<!tpu.dma_semaphore, #tpu.memory_space<semaphore_mem>>)
      %dma_wait3A = arith.constant 0 : i32
      %dma_wait3A_103 = tpu.memref_slice %arg6[%scan3A_96, %dma_wait3A] : memref<80x128xi32, #tpu.memory_space<vmem>> -> memref<1x128xi32, #tpu.memory_space<vmem>>
      %dma_wait3A_104 = tpu.memref_squeeze %dma_wait3A_103 : memref<1x128xi32, #tpu.memory_space<vmem>> -> memref<128xi32, #tpu.memory_space<vmem>>
      %dma_wait3A_105 = arith.constant 0 : i32
      %dma_wait3A_106 = arith.constant 0 : i32
      %dma_wait3A_107 = tpu.memref_slice %arg2[%dma_wait3A_105, %dma_wait3A_106] : memref<20480x128xf32, #tpu.memory_space<hbm>> -> memref<20480x128xf32, #tpu.memory_space<hbm>>
      tpu.wait_indirect_dma semaphore(%arg11 : memref<!tpu.dma_semaphore, #tpu.memory_space<semaphore_mem>>) src(%dma_wait3A_107 : memref<20480x128xf32, #tpu.memory_space<hbm>>) dst(%arg8 : memref<128x128xf32, #tpu.memory_space<vmem>>)
      %mul3A_108 = arith.constant 2 : i32
      %mul3A_109 = arith.muli %mul3A_108, %scan3A_96 : i32
      %add3A_110 = arith.constant 0 : i32
      %add3A_111 = arith.addi %mul3A_109, %add3A_110 : i32
      "tpu.region"() ({
        %run_scoped3A = tpu.sem_alloc : memref<!tpu.dma_semaphore, #tpu.memory_space<semaphore_mem>>
        %dma_start3A_117 = arith.constant 0 : i32
        %dma_start3A_118 = arith.constant 0 : i32
        %dma_start3A_119 = tpu.memref_slice %arg8[%dma_start3A_117, %dma_start3A_118] : memref<128x128xf32, #tpu.memory_space<vmem>> -> memref<64x128xf32, #tpu.memory_space<vmem>>
        %dma_start3A_120 = arith.constant 0 : i32
        %dma_start3A_121 = tpu.memref_slice %arg7[%add3A_111, %dma_start3A_120] : memref<160x64xi32, #tpu.memory_space<vmem>> -> memref<1x64xi32, #tpu.memory_space<vmem>>
        %dma_start3A_122 = tpu.memref_squeeze %dma_start3A_121 : memref<1x64xi32, #tpu.memory_space<vmem>> -> memref<64xi32, #tpu.memory_space<vmem>>
        %dma_start3A_123 = arith.constant 0 : i32
        %dma_start3A_124 = arith.constant 0 : i32
        %dma_start3A_125 = tpu.memref_slice %arg10[%dma_start3A_123, %dma_start3A_124] : memref<10240x128xf32, #tpu.memory_space<vmem_shared>> -> memref<10240x128xf32, #tpu.memory_space<vmem_shared>>
        tpu.enqueue_indirect_dma source(%dma_start3A_119 : memref<64x128xf32, #tpu.memory_space<vmem>>) target(%dma_start3A_125 : memref<10240x128xf32, #tpu.memory_space<vmem_shared>>) offsets(%dma_start3A_122 : memref<64xi32, #tpu.memory_space<vmem>>) semaphore(%run_scoped3A : memref<!tpu.dma_semaphore, #tpu.memory_space<semaphore_mem>>) {add = true}
        %dma_wait3A_126 = arith.constant 0 : i32
        %dma_wait3A_127 = arith.constant 0 : i32
        %dma_wait3A_128 = tpu.memref_slice %arg8[%dma_wait3A_126, %dma_wait3A_127] : memref<128x128xf32, #tpu.memory_space<vmem>> -> memref<64x128xf32, #tpu.memory_space<vmem>>
        %dma_wait3A_129 = arith.constant 0 : i32
        %dma_wait3A_130 = tpu.memref_slice %arg7[%add3A_111, %dma_wait3A_129] : memref<160x64xi32, #tpu.memory_space<vmem>> -> memref<1x64xi32, #tpu.memory_space<vmem>>
        %dma_wait3A_131 = tpu.memref_squeeze %dma_wait3A_130 : memref<1x64xi32, #tpu.memory_space<vmem>> -> memref<64xi32, #tpu.memory_space<vmem>>
        %dma_wait3A_132 = arith.constant 0 : i32
        %dma_wait3A_133 = arith.constant 0 : i32
        %dma_wait3A_134 = tpu.memref_slice %arg10[%dma_wait3A_132, %dma_wait3A_133] : memref<10240x128xf32, #tpu.memory_space<vmem_shared>> -> memref<10240x128xf32, #tpu.memory_space<vmem_shared>>
        tpu.wait_indirect_dma semaphore(%run_scoped3A : memref<!tpu.dma_semaphore, #tpu.memory_space<semaphore_mem>>) src(%dma_wait3A_128 : memref<64x128xf32, #tpu.memory_space<vmem>>) dst(%dma_wait3A_134 : memref<10240x128xf32, #tpu.memory_space<vmem_shared>>)
        tpu.yield
      }) : () -> ()
      %mul3A_112 = arith.constant 2 : i32
      %mul3A_113 = arith.muli %mul3A_112, %scan3A_96 : i32
      %add3A_114 = arith.constant 1 : i32
      %add3A_115 = arith.addi %mul3A_113, %add3A_114 : i32
      "tpu.region"() ({
        %run_scoped3A = tpu.sem_alloc : memref<!tpu.dma_semaphore, #tpu.memory_space<semaphore_mem>>
        %dma_start3A_117 = arith.constant 64 : i32
        %dma_start3A_118 = arith.constant 0 : i32
        %dma_start3A_119 = tpu.memref_slice %arg8[%dma_start3A_117, %dma_start3A_118] : memref<128x128xf32, #tpu.memory_space<vmem>> -> memref<64x128xf32, #tpu.memory_space<vmem>>
        %dma_start3A_120 = arith.constant 0 : i32
        %dma_start3A_121 = tpu.memref_slice %arg7[%add3A_115, %dma_start3A_120] : memref<160x64xi32, #tpu.memory_space<vmem>> -> memref<1x64xi32, #tpu.memory_space<vmem>>
        %dma_start3A_122 = tpu.memref_squeeze %dma_start3A_121 : memref<1x64xi32, #tpu.memory_space<vmem>> -> memref<64xi32, #tpu.memory_space<vmem>>
        %dma_start3A_123 = arith.constant 0 : i32
        %dma_start3A_124 = arith.constant 0 : i32
        %dma_start3A_125 = tpu.memref_slice %arg10[%dma_start3A_123, %dma_start3A_124] : memref<10240x128xf32, #tpu.memory_space<vmem_shared>> -> memref<10240x128xf32, #tpu.memory_space<vmem_shared>>
        tpu.enqueue_indirect_dma source(%dma_start3A_119 : memref<64x128xf32, #tpu.memory_space<vmem>>) target(%dma_start3A_125 : memref<10240x128xf32, #tpu.memory_space<vmem_shared>>) offsets(%dma_start3A_122 : memref<64xi32, #tpu.memory_space<vmem>>) semaphore(%run_scoped3A : memref<!tpu.dma_semaphore, #tpu.memory_space<semaphore_mem>>) {add = true}
        %dma_wait3A_126 = arith.constant 64 : i32
        %dma_wait3A_127 = arith.constant 0 : i32
        %dma_wait3A_128 = tpu.memref_slice %arg8[%dma_wait3A_126, %dma_wait3A_127] : memref<128x128xf32, #tpu.memory_space<vmem>> -> memref<64x128xf32, #tpu.memory_space<vmem>>
        %dma_wait3A_129 = arith.constant 0 : i32
        %dma_wait3A_130 = tpu.memref_slice %arg7[%add3A_115, %dma_wait3A_129] : memref<160x64xi32, #tpu.memory_space<vmem>> -> memref<1x64xi32, #tpu.memory_space<vmem>>
        %dma_wait3A_131 = tpu.memref_squeeze %dma_wait3A_130 : memref<1x64xi32, #tpu.memory_space<vmem>> -> memref<64xi32, #tpu.memory_space<vmem>>
        %dma_wait3A_132 = arith.constant 0 : i32
        %dma_wait3A_133 = arith.constant 0 : i32
        %dma_wait3A_134 = tpu.memref_slice %arg10[%dma_wait3A_132, %dma_wait3A_133] : memref<10240x128xf32, #tpu.memory_space<vmem_shared>> -> memref<10240x128xf32, #tpu.memory_space<vmem_shared>>
        tpu.wait_indirect_dma semaphore(%run_scoped3A : memref<!tpu.dma_semaphore, #tpu.memory_space<semaphore_mem>>) src(%dma_wait3A_128 : memref<64x128xf32, #tpu.memory_space<vmem>>) dst(%dma_wait3A_134 : memref<10240x128xf32, #tpu.memory_space<vmem_shared>>)
        tpu.yield
      }) : () -> ()
      %scan3A_116 = arith.constant 0 : i32
      scf.yield %scan3A_116 : i32
    }
    %scan3A_54 = arith.constant 80 : i32
    %barrier3A_55 = arith.constant 0 : index
    tpu.barrier barrier_id(%barrier3A_55)
    %mul3A_56 = arith.constant 640 : i32
    %mul3A_57 = arith.muli %arg1, %mul3A_56 : i32
    %add3A_58 = arith.constant 0 : i32
    %add3A_59 = arith.addi %mul3A_57, %add3A_58 : i32
    "tpu.region"() ({
      %run_scoped3A = tpu.sem_alloc : memref<!tpu.dma_semaphore, #tpu.memory_space<semaphore_mem>>
      %dma_start3A = arith.constant 0 : i32
      %dma_start3A_96 = tpu.memref_slice %arg5[%arg0, %add3A_59, %dma_start3A] : memref<2x10240x128xf32, #tpu.memory_space<hbm>> -> memref<1x64x128xf32, #tpu.memory_space<hbm>>
      %dma_start3A_97 = tpu.memref_squeeze %dma_start3A_96 : memref<1x64x128xf32, #tpu.memory_space<hbm>> -> memref<64x128xf32, #tpu.memory_space<hbm>>
      %dma_start3A_98 = arith.constant 0 : i32
      %dma_start3A_99 = tpu.memref_slice %arg10[%add3A_59, %dma_start3A_98] : memref<10240x128xf32, #tpu.memory_space<vmem_shared>> -> memref<64x128xf32, #tpu.memory_space<vmem_shared>>
      tpu.enqueue_dma source(%dma_start3A_99 : memref<64x128xf32, #tpu.memory_space<vmem_shared>>) target(%dma_start3A_97 : memref<64x128xf32, #tpu.memory_space<hbm>>) target_semaphore(%run_scoped3A : memref<!tpu.dma_semaphore, #tpu.memory_space<semaphore_mem>>)
      %dma_wait3A = arith.constant 0 : i32
      %dma_wait3A_100 = tpu.memref_slice %arg5[%arg0, %add3A_59, %dma_wait3A] : memref<2x10240x128xf32, #tpu.memory_space<hbm>> -> memref<1x64x128xf32, #tpu.memory_space<hbm>>
      %dma_wait3A_101 = tpu.memref_squeeze %dma_wait3A_100 : memref<1x64x128xf32, #tpu.memory_space<hbm>> -> memref<64x128xf32, #tpu.memory_space<hbm>>
      %dma_wait3A_102 = arith.constant 0 : i32
      %dma_wait3A_103 = tpu.memref_slice %arg10[%add3A_59, %dma_wait3A_102] : memref<10240x128xf32, #tpu.memory_space<vmem_shared>> -> memref<64x128xf32, #tpu.memory_space<vmem_shared>>
      tpu.wait_dma2 semaphore(%run_scoped3A : memref<!tpu.dma_semaphore, #tpu.memory_space<semaphore_mem>>) src(%dma_wait3A_103 : memref<64x128xf32, #tpu.memory_space<vmem_shared>>) dst(%dma_wait3A_101 : memref<64x128xf32, #tpu.memory_space<hbm>>)
      tpu.yield
    }) : () -> ()
    %mul3A_60 = arith.constant 640 : i32
    %mul3A_61 = arith.muli %arg1, %mul3A_60 : i32
    %add3A_62 = arith.constant 64 : i32
    %add3A_63 = arith.addi %mul3A_61, %add3A_62 : i32
    "tpu.region"() ({
      %run_scoped3A = tpu.sem_alloc : memref<!tpu.dma_semaphore, #tpu.memory_space<semaphore_mem>>
      %dma_start3A = arith.constant 0 : i32
      %dma_start3A_96 = tpu.memref_slice %arg5[%arg0, %add3A_63, %dma_start3A] : memref<2x10240x128xf32, #tpu.memory_space<hbm>> -> memref<1x64x128xf32, #tpu.memory_space<hbm>>
      %dma_start3A_97 = tpu.memref_squeeze %dma_start3A_96 : memref<1x64x128xf32, #tpu.memory_space<hbm>> -> memref<64x128xf32, #tpu.memory_space<hbm>>
      %dma_start3A_98 = arith.constant 0 : i32
      %dma_start3A_99 = tpu.memref_slice %arg10[%add3A_63, %dma_start3A_98] : memref<10240x128xf32, #tpu.memory_space<vmem_shared>> -> memref<64x128xf32, #tpu.memory_space<vmem_shared>>
      tpu.enqueue_dma source(%dma_start3A_99 : memref<64x128xf32, #tpu.memory_space<vmem_shared>>) target(%dma_start3A_97 : memref<64x128xf32, #tpu.memory_space<hbm>>) target_semaphore(%run_scoped3A : memref<!tpu.dma_semaphore, #tpu.memory_space<semaphore_mem>>)
      %dma_wait3A = arith.constant 0 : i32
      %dma_wait3A_100 = tpu.memref_slice %arg5[%arg0, %add3A_63, %dma_wait3A] : memref<2x10240x128xf32, #tpu.memory_space<hbm>> -> memref<1x64x128xf32, #tpu.memory_space<hbm>>
      %dma_wait3A_101 = tpu.memref_squeeze %dma_wait3A_100 : memref<1x64x128xf32, #tpu.memory_space<hbm>> -> memref<64x128xf32, #tpu.memory_space<hbm>>
      %dma_wait3A_102 = arith.constant 0 : i32
      %dma_wait3A_103 = tpu.memref_slice %arg10[%add3A_63, %dma_wait3A_102] : memref<10240x128xf32, #tpu.memory_space<vmem_shared>> -> memref<64x128xf32, #tpu.memory_space<vmem_shared>>
      tpu.wait_dma2 semaphore(%run_scoped3A : memref<!tpu.dma_semaphore, #tpu.memory_space<semaphore_mem>>) src(%dma_wait3A_103 : memref<64x128xf32, #tpu.memory_space<vmem_shared>>) dst(%dma_wait3A_101 : memref<64x128xf32, #tpu.memory_space<hbm>>)
      tpu.yield
    }) : () -> ()
    %mul3A_64 = arith.constant 640 : i32
    %mul3A_65 = arith.muli %arg1, %mul3A_64 : i32
    %add3A_66 = arith.constant 128 : i32
    %add3A_67 = arith.addi %mul3A_65, %add3A_66 : i32
    "tpu.region"() ({
      %run_scoped3A = tpu.sem_alloc : memref<!tpu.dma_semaphore, #tpu.memory_space<semaphore_mem>>
      %dma_start3A = arith.constant 0 : i32
      %dma_start3A_96 = tpu.memref_slice %arg5[%arg0, %add3A_67, %dma_start3A] : memref<2x10240x128xf32, #tpu.memory_space<hbm>> -> memref<1x64x128xf32, #tpu.memory_space<hbm>>
      %dma_start3A_97 = tpu.memref_squeeze %dma_start3A_96 : memref<1x64x128xf32, #tpu.memory_space<hbm>> -> memref<64x128xf32, #tpu.memory_space<hbm>>
      %dma_start3A_98 = arith.constant 0 : i32
      %dma_start3A_99 = tpu.memref_slice %arg10[%add3A_67, %dma_start3A_98] : memref<10240x128xf32, #tpu.memory_space<vmem_shared>> -> memref<64x128xf32, #tpu.memory_space<vmem_shared>>
      tpu.enqueue_dma source(%dma_start3A_99 : memref<64x128xf32, #tpu.memory_space<vmem_shared>>) target(%dma_start3A_97 : memref<64x128xf32, #tpu.memory_space<hbm>>) target_semaphore(%run_scoped3A : memref<!tpu.dma_semaphore, #tpu.memory_space<semaphore_mem>>)
      %dma_wait3A = arith.constant 0 : i32
      %dma_wait3A_100 = tpu.memref_slice %arg5[%arg0, %add3A_67, %dma_wait3A] : memref<2x10240x128xf32, #tpu.memory_space<hbm>> -> memref<1x64x128xf32, #tpu.memory_space<hbm>>
      %dma_wait3A_101 = tpu.memref_squeeze %dma_wait3A_100 : memref<1x64x128xf32, #tpu.memory_space<hbm>> -> memref<64x128xf32, #tpu.memory_space<hbm>>
      %dma_wait3A_102 = arith.constant 0 : i32
      %dma_wait3A_103 = tpu.memref_slice %arg10[%add3A_67, %dma_wait3A_102] : memref<10240x128xf32, #tpu.memory_space<vmem_shared>> -> memref<64x128xf32, #tpu.memory_space<vmem_shared>>
      tpu.wait_dma2 semaphore(%run_scoped3A : memref<!tpu.dma_semaphore, #tpu.memory_space<semaphore_mem>>) src(%dma_wait3A_103 : memref<64x128xf32, #tpu.memory_space<vmem_shared>>) dst(%dma_wait3A_101 : memref<64x128xf32, #tpu.memory_space<hbm>>)
      tpu.yield
    }) : () -> ()
    %mul3A_68 = arith.constant 640 : i32
    %mul3A_69 = arith.muli %arg1, %mul3A_68 : i32
    %add3A_70 = arith.constant 192 : i32
    %add3A_71 = arith.addi %mul3A_69, %add3A_70 : i32
    "tpu.region"() ({
      %run_scoped3A = tpu.sem_alloc : memref<!tpu.dma_semaphore, #tpu.memory_space<semaphore_mem>>
      %dma_start3A = arith.constant 0 : i32
      %dma_start3A_96 = tpu.memref_slice %arg5[%arg0, %add3A_71, %dma_start3A] : memref<2x10240x128xf32, #tpu.memory_space<hbm>> -> memref<1x64x128xf32, #tpu.memory_space<hbm>>
      %dma_start3A_97 = tpu.memref_squeeze %dma_start3A_96 : memref<1x64x128xf32, #tpu.memory_space<hbm>> -> memref<64x128xf32, #tpu.memory_space<hbm>>
      %dma_start3A_98 = arith.constant 0 : i32
      %dma_start3A_99 = tpu.memref_slice %arg10[%add3A_71, %dma_start3A_98] : memref<10240x128xf32, #tpu.memory_space<vmem_shared>> -> memref<64x128xf32, #tpu.memory_space<vmem_shared>>
      tpu.enqueue_dma source(%dma_start3A_99 : memref<64x128xf32, #tpu.memory_space<vmem_shared>>) target(%dma_start3A_97 : memref<64x128xf32, #tpu.memory_space<hbm>>) target_semaphore(%run_scoped3A : memref<!tpu.dma_semaphore, #tpu.memory_space<semaphore_mem>>)
      %dma_wait3A = arith.constant 0 : i32
      %dma_wait3A_100 = tpu.memref_slice %arg5[%arg0, %add3A_71, %dma_wait3A] : memref<2x10240x128xf32, #tpu.memory_space<hbm>> -> memref<1x64x128xf32, #tpu.memory_space<hbm>>
      %dma_wait3A_101 = tpu.memref_squeeze %dma_wait3A_100 : memref<1x64x128xf32, #tpu.memory_space<hbm>> -> memref<64x128xf32, #tpu.memory_space<hbm>>
      %dma_wait3A_102 = arith.constant 0 : i32
      %dma_wait3A_103 = tpu.memref_slice %arg10[%add3A_71, %dma_wait3A_102] : memref<10240x128xf32, #tpu.memory_space<vmem_shared>> -> memref<64x128xf32, #tpu.memory_space<vmem_shared>>
      tpu.wait_dma2 semaphore(%run_scoped3A : memref<!tpu.dma_semaphore, #tpu.memory_space<semaphore_mem>>) src(%dma_wait3A_103 : memref<64x128xf32, #tpu.memory_space<vmem_shared>>) dst(%dma_wait3A_101 : memref<64x128xf32, #tpu.memory_space<hbm>>)
      tpu.yield
    }) : () -> ()
    %mul3A_72 = arith.constant 640 : i32
    %mul3A_73 = arith.muli %arg1, %mul3A_72 : i32
    %add3A_74 = arith.constant 256 : i32
    %add3A_75 = arith.addi %mul3A_73, %add3A_74 : i32
    "tpu.region"() ({
      %run_scoped3A = tpu.sem_alloc : memref<!tpu.dma_semaphore, #tpu.memory_space<semaphore_mem>>
      %dma_start3A = arith.constant 0 : i32
      %dma_start3A_96 = tpu.memref_slice %arg5[%arg0, %add3A_75, %dma_start3A] : memref<2x10240x128xf32, #tpu.memory_space<hbm>> -> memref<1x64x128xf32, #tpu.memory_space<hbm>>
      %dma_start3A_97 = tpu.memref_squeeze %dma_start3A_96 : memref<1x64x128xf32, #tpu.memory_space<hbm>> -> memref<64x128xf32, #tpu.memory_space<hbm>>
      %dma_start3A_98 = arith.constant 0 : i32
      %dma_start3A_99 = tpu.memref_slice %arg10[%add3A_75, %dma_start3A_98] : memref<10240x128xf32, #tpu.memory_space<vmem_shared>> -> memref<64x128xf32, #tpu.memory_space<vmem_shared>>
      tpu.enqueue_dma source(%dma_start3A_99 : memref<64x128xf32, #tpu.memory_space<vmem_shared>>) target(%dma_start3A_97 : memref<64x128xf32, #tpu.memory_space<hbm>>) target_semaphore(%run_scoped3A : memref<!tpu.dma_semaphore, #tpu.memory_space<semaphore_mem>>)
      %dma_wait3A = arith.constant 0 : i32
      %dma_wait3A_100 = tpu.memref_slice %arg5[%arg0, %add3A_75, %dma_wait3A] : memref<2x10240x128xf32, #tpu.memory_space<hbm>> -> memref<1x64x128xf32, #tpu.memory_space<hbm>>
      %dma_wait3A_101 = tpu.memref_squeeze %dma_wait3A_100 : memref<1x64x128xf32, #tpu.memory_space<hbm>> -> memref<64x128xf32, #tpu.memory_space<hbm>>
      %dma_wait3A_102 = arith.constant 0 : i32
      %dma_wait3A_103 = tpu.memref_slice %arg10[%add3A_75, %dma_wait3A_102] : memref<10240x128xf32, #tpu.memory_space<vmem_shared>> -> memref<64x128xf32, #tpu.memory_space<vmem_shared>>
      tpu.wait_dma2 semaphore(%run_scoped3A : memref<!tpu.dma_semaphore, #tpu.memory_space<semaphore_mem>>) src(%dma_wait3A_103 : memref<64x128xf32, #tpu.memory_space<vmem_shared>>) dst(%dma_wait3A_101 : memref<64x128xf32, #tpu.memory_space<hbm>>)
      tpu.yield
    }) : () -> ()
    %mul3A_76 = arith.constant 640 : i32
    %mul3A_77 = arith.muli %arg1, %mul3A_76 : i32
    %add3A_78 = arith.constant 320 : i32
    %add3A_79 = arith.addi %mul3A_77, %add3A_78 : i32
    "tpu.region"() ({
      %run_scoped3A = tpu.sem_alloc : memref<!tpu.dma_semaphore, #tpu.memory_space<semaphore_mem>>
      %dma_start3A = arith.constant 0 : i32
      %dma_start3A_96 = tpu.memref_slice %arg5[%arg0, %add3A_79, %dma_start3A] : memref<2x10240x128xf32, #tpu.memory_space<hbm>> -> memref<1x64x128xf32, #tpu.memory_space<hbm>>
      %dma_start3A_97 = tpu.memref_squeeze %dma_start3A_96 : memref<1x64x128xf32, #tpu.memory_space<hbm>> -> memref<64x128xf32, #tpu.memory_space<hbm>>
      %dma_start3A_98 = arith.constant 0 : i32
      %dma_start3A_99 = tpu.memref_slice %arg10[%add3A_79, %dma_start3A_98] : memref<10240x128xf32, #tpu.memory_space<vmem_shared>> -> memref<64x128xf32, #tpu.memory_space<vmem_shared>>
      tpu.enqueue_dma source(%dma_start3A_99 : memref<64x128xf32, #tpu.memory_space<vmem_shared>>) target(%dma_start3A_97 : memref<64x128xf32, #tpu.memory_space<hbm>>) target_semaphore(%run_scoped3A : memref<!tpu.dma_semaphore, #tpu.memory_space<semaphore_mem>>)
      %dma_wait3A = arith.constant 0 : i32
      %dma_wait3A_100 = tpu.memref_slice %arg5[%arg0, %add3A_79, %dma_wait3A] : memref<2x10240x128xf32, #tpu.memory_space<hbm>> -> memref<1x64x128xf32, #tpu.memory_space<hbm>>
      %dma_wait3A_101 = tpu.memref_squeeze %dma_wait3A_100 : memref<1x64x128xf32, #tpu.memory_space<hbm>> -> memref<64x128xf32, #tpu.memory_space<hbm>>
      %dma_wait3A_102 = arith.constant 0 : i32
      %dma_wait3A_103 = tpu.memref_slice %arg10[%add3A_79, %dma_wait3A_102] : memref<10240x128xf32, #tpu.memory_space<vmem_shared>> -> memref<64x128xf32, #tpu.memory_space<vmem_shared>>
      tpu.wait_dma2 semaphore(%run_scoped3A : memref<!tpu.dma_semaphore, #tpu.memory_space<semaphore_mem>>) src(%dma_wait3A_103 : memref<64x128xf32, #tpu.memory_space<vmem_shared>>) dst(%dma_wait3A_101 : memref<64x128xf32, #tpu.memory_space<hbm>>)
      tpu.yield
    }) : () -> ()
    %mul3A_80 = arith.constant 640 : i32
    %mul3A_81 = arith.muli %arg1, %mul3A_80 : i32
    %add3A_82 = arith.constant 384 : i32
    %add3A_83 = arith.addi %mul3A_81, %add3A_82 : i32
    "tpu.region"() ({
      %run_scoped3A = tpu.sem_alloc : memref<!tpu.dma_semaphore, #tpu.memory_space<semaphore_mem>>
      %dma_start3A = arith.constant 0 : i32
      %dma_start3A_96 = tpu.memref_slice %arg5[%arg0, %add3A_83, %dma_start3A] : memref<2x10240x128xf32, #tpu.memory_space<hbm>> -> memref<1x64x128xf32, #tpu.memory_space<hbm>>
      %dma_start3A_97 = tpu.memref_squeeze %dma_start3A_96 : memref<1x64x128xf32, #tpu.memory_space<hbm>> -> memref<64x128xf32, #tpu.memory_space<hbm>>
      %dma_start3A_98 = arith.constant 0 : i32
      %dma_start3A_99 = tpu.memref_slice %arg10[%add3A_83, %dma_start3A_98] : memref<10240x128xf32, #tpu.memory_space<vmem_shared>> -> memref<64x128xf32, #tpu.memory_space<vmem_shared>>
      tpu.enqueue_dma source(%dma_start3A_99 : memref<64x128xf32, #tpu.memory_space<vmem_shared>>) target(%dma_start3A_97 : memref<64x128xf32, #tpu.memory_space<hbm>>) target_semaphore(%run_scoped3A : memref<!tpu.dma_semaphore, #tpu.memory_space<semaphore_mem>>)
      %dma_wait3A = arith.constant 0 : i32
      %dma_wait3A_100 = tpu.memref_slice %arg5[%arg0, %add3A_83, %dma_wait3A] : memref<2x10240x128xf32, #tpu.memory_space<hbm>> -> memref<1x64x128xf32, #tpu.memory_space<hbm>>
      %dma_wait3A_101 = tpu.memref_squeeze %dma_wait3A_100 : memref<1x64x128xf32, #tpu.memory_space<hbm>> -> memref<64x128xf32, #tpu.memory_space<hbm>>
      %dma_wait3A_102 = arith.constant 0 : i32
      %dma_wait3A_103 = tpu.memref_slice %arg10[%add3A_83, %dma_wait3A_102] : memref<10240x128xf32, #tpu.memory_space<vmem_shared>> -> memref<64x128xf32, #tpu.memory_space<vmem_shared>>
      tpu.wait_dma2 semaphore(%run_scoped3A : memref<!tpu.dma_semaphore, #tpu.memory_space<semaphore_mem>>) src(%dma_wait3A_103 : memref<64x128xf32, #tpu.memory_space<vmem_shared>>) dst(%dma_wait3A_101 : memref<64x128xf32, #tpu.memory_space<hbm>>)
      tpu.yield
    }) : () -> ()
    %mul3A_84 = arith.constant 640 : i32
    %mul3A_85 = arith.muli %arg1, %mul3A_84 : i32
    %add3A_86 = arith.constant 448 : i32
    %add3A_87 = arith.addi %mul3A_85, %add3A_86 : i32
    "tpu.region"() ({
      %run_scoped3A = tpu.sem_alloc : memref<!tpu.dma_semaphore, #tpu.memory_space<semaphore_mem>>
      %dma_start3A = arith.constant 0 : i32
      %dma_start3A_96 = tpu.memref_slice %arg5[%arg0, %add3A_87, %dma_start3A] : memref<2x10240x128xf32, #tpu.memory_space<hbm>> -> memref<1x64x128xf32, #tpu.memory_space<hbm>>
      %dma_start3A_97 = tpu.memref_squeeze %dma_start3A_96 : memref<1x64x128xf32, #tpu.memory_space<hbm>> -> memref<64x128xf32, #tpu.memory_space<hbm>>
      %dma_start3A_98 = arith.constant 0 : i32
      %dma_start3A_99 = tpu.memref_slice %arg10[%add3A_87, %dma_start3A_98] : memref<10240x128xf32, #tpu.memory_space<vmem_shared>> -> memref<64x128xf32, #tpu.memory_space<vmem_shared>>
      tpu.enqueue_dma source(%dma_start3A_99 : memref<64x128xf32, #tpu.memory_space<vmem_shared>>) target(%dma_start3A_97 : memref<64x128xf32, #tpu.memory_space<hbm>>) target_semaphore(%run_scoped3A : memref<!tpu.dma_semaphore, #tpu.memory_space<semaphore_mem>>)
      %dma_wait3A = arith.constant 0 : i32
      %dma_wait3A_100 = tpu.memref_slice %arg5[%arg0, %add3A_87, %dma_wait3A] : memref<2x10240x128xf32, #tpu.memory_space<hbm>> -> memref<1x64x128xf32, #tpu.memory_space<hbm>>
      %dma_wait3A_101 = tpu.memref_squeeze %dma_wait3A_100 : memref<1x64x128xf32, #tpu.memory_space<hbm>> -> memref<64x128xf32, #tpu.memory_space<hbm>>
      %dma_wait3A_102 = arith.constant 0 : i32
      %dma_wait3A_103 = tpu.memref_slice %arg10[%add3A_87, %dma_wait3A_102] : memref<10240x128xf32, #tpu.memory_space<vmem_shared>> -> memref<64x128xf32, #tpu.memory_space<vmem_shared>>
      tpu.wait_dma2 semaphore(%run_scoped3A : memref<!tpu.dma_semaphore, #tpu.memory_space<semaphore_mem>>) src(%dma_wait3A_103 : memref<64x128xf32, #tpu.memory_space<vmem_shared>>) dst(%dma_wait3A_101 : memref<64x128xf32, #tpu.memory_space<hbm>>)
      tpu.yield
    }) : () -> ()
    %mul3A_88 = arith.constant 640 : i32
    %mul3A_89 = arith.muli %arg1, %mul3A_88 : i32
    %add3A_90 = arith.constant 512 : i32
    %add3A_91 = arith.addi %mul3A_89, %add3A_90 : i32
    "tpu.region"() ({
      %run_scoped3A = tpu.sem_alloc : memref<!tpu.dma_semaphore, #tpu.memory_space<semaphore_mem>>
      %dma_start3A = arith.constant 0 : i32
      %dma_start3A_96 = tpu.memref_slice %arg5[%arg0, %add3A_91, %dma_start3A] : memref<2x10240x128xf32, #tpu.memory_space<hbm>> -> memref<1x64x128xf32, #tpu.memory_space<hbm>>
      %dma_start3A_97 = tpu.memref_squeeze %dma_start3A_96 : memref<1x64x128xf32, #tpu.memory_space<hbm>> -> memref<64x128xf32, #tpu.memory_space<hbm>>
      %dma_start3A_98 = arith.constant 0 : i32
      %dma_start3A_99 = tpu.memref_slice %arg10[%add3A_91, %dma_start3A_98] : memref<10240x128xf32, #tpu.memory_space<vmem_shared>> -> memref<64x128xf32, #tpu.memory_space<vmem_shared>>
      tpu.enqueue_dma source(%dma_start3A_99 : memref<64x128xf32, #tpu.memory_space<vmem_shared>>) target(%dma_start3A_97 : memref<64x128xf32, #tpu.memory_space<hbm>>) target_semaphore(%run_scoped3A : memref<!tpu.dma_semaphore, #tpu.memory_space<semaphore_mem>>)
      %dma_wait3A = arith.constant 0 : i32
      %dma_wait3A_100 = tpu.memref_slice %arg5[%arg0, %add3A_91, %dma_wait3A] : memref<2x10240x128xf32, #tpu.memory_space<hbm>> -> memref<1x64x128xf32, #tpu.memory_space<hbm>>
      %dma_wait3A_101 = tpu.memref_squeeze %dma_wait3A_100 : memref<1x64x128xf32, #tpu.memory_space<hbm>> -> memref<64x128xf32, #tpu.memory_space<hbm>>
      %dma_wait3A_102 = arith.constant 0 : i32
      %dma_wait3A_103 = tpu.memref_slice %arg10[%add3A_91, %dma_wait3A_102] : memref<10240x128xf32, #tpu.memory_space<vmem_shared>> -> memref<64x128xf32, #tpu.memory_space<vmem_shared>>
      tpu.wait_dma2 semaphore(%run_scoped3A : memref<!tpu.dma_semaphore, #tpu.memory_space<semaphore_mem>>) src(%dma_wait3A_103 : memref<64x128xf32, #tpu.memory_space<vmem_shared>>) dst(%dma_wait3A_101 : memref<64x128xf32, #tpu.memory_space<hbm>>)
      tpu.yield
    }) : () -> ()
    %mul3A_92 = arith.constant 640 : i32
    %mul3A_93 = arith.muli %arg1, %mul3A_92 : i32
    %add3A_94 = arith.constant 576 : i32
    %add3A_95 = arith.addi %mul3A_93, %add3A_94 : i32
    "tpu.region"() ({
      %run_scoped3A = tpu.sem_alloc : memref<!tpu.dma_semaphore, #tpu.memory_space<semaphore_mem>>
      %dma_start3A = arith.constant 0 : i32
      %dma_start3A_96 = tpu.memref_slice %arg5[%arg0, %add3A_95, %dma_start3A] : memref<2x10240x128xf32, #tpu.memory_space<hbm>> -> memref<1x64x128xf32, #tpu.memory_space<hbm>>
      %dma_start3A_97 = tpu.memref_squeeze %dma_start3A_96 : memref<1x64x128xf32, #tpu.memory_space<hbm>> -> memref<64x128xf32, #tpu.memory_space<hbm>>
      %dma_start3A_98 = arith.constant 0 : i32
      %dma_start3A_99 = tpu.memref_slice %arg10[%add3A_95, %dma_start3A_98] : memref<10240x128xf32, #tpu.memory_space<vmem_shared>> -> memref<64x128xf32, #tpu.memory_space<vmem_shared>>
      tpu.enqueue_dma source(%dma_start3A_99 : memref<64x128xf32, #tpu.memory_space<vmem_shared>>) target(%dma_start3A_97 : memref<64x128xf32, #tpu.memory_space<hbm>>) target_semaphore(%run_scoped3A : memref<!tpu.dma_semaphore, #tpu.memory_space<semaphore_mem>>)
      %dma_wait3A = arith.constant 0 : i32
      %dma_wait3A_100 = tpu.memref_slice %arg5[%arg0, %add3A_95, %dma_wait3A] : memref<2x10240x128xf32, #tpu.memory_space<hbm>> -> memref<1x64x128xf32, #tpu.memory_space<hbm>>
      %dma_wait3A_101 = tpu.memref_squeeze %dma_wait3A_100 : memref<1x64x128xf32, #tpu.memory_space<hbm>> -> memref<64x128xf32, #tpu.memory_space<hbm>>
      %dma_wait3A_102 = arith.constant 0 : i32
      %dma_wait3A_103 = tpu.memref_slice %arg10[%add3A_95, %dma_wait3A_102] : memref<10240x128xf32, #tpu.memory_space<vmem_shared>> -> memref<64x128xf32, #tpu.memory_space<vmem_shared>>
      tpu.wait_dma2 semaphore(%run_scoped3A : memref<!tpu.dma_semaphore, #tpu.memory_space<semaphore_mem>>) src(%dma_wait3A_103 : memref<64x128xf32, #tpu.memory_space<vmem_shared>>) dst(%dma_wait3A_101 : memref<64x128xf32, #tpu.memory_space<hbm>>)
      tpu.yield
    }) : () -> ()
    return
  }
}

#map = affine_map<(d0, d1) -> (0, 0)>
#map1 = affine_map<(d0, d1) -> (0, 0, 0)>
module attributes {stable_mosaic.version = 14 : i64} {
  func.func @_prop_sc(%arg0: i32, %arg1: i32, %arg2: memref<20480x128xf32, #tpu.memory_space<hbm>>, %arg3: memref<32x80x128xi32, #tpu.memory_space<hbm>>, %arg4: memref<16x160x64xi32, #tpu.memory_space<hbm>>, %arg5: memref<2x10240x128xf32, #tpu.memory_space<hbm>>, %arg6: memref<80x128xi32, #tpu.memory_space<vmem>>, %arg7: memref<160x64xi32, #tpu.memory_space<vmem>>, %arg8: memref<128x128xf32, #tpu.memory_space<vmem>>, %arg9: memref<128x128xf32, #tpu.memory_space<vmem>>, %arg10: memref<10240x128xf32, #tpu.memory_space<vmem_shared>>, %arg11: memref<!tpu.dma_semaphore, #tpu.memory_space<semaphore_mem>>, %arg12: memref<!tpu.dma_semaphore, #tpu.memory_space<semaphore_mem>>) attributes {dimension_semantics = [#tpu.dimension_semantics<core_parallel>, #tpu.dimension_semantics<subcore_parallel>], iteration_bounds = array<i64: 2, 16>, scalar_prefetch = 0 : i64, scratch_operands = 7 : i64, tpu.core_type = #tpu.core_type<sc_vector_subcore>, window_params = [{transform_indices = #map}, {transform_indices = #map1}, {transform_indices = #map1}, {transform_indices = #map1}]} {
    %mul3A = arith.constant 16 : i32
    %mul3A_0 = arith.muli %arg0, %mul3A : i32
    %add3A = arith.addi %mul3A_0, %arg1 : i32
    %broadcast_in_dim3A = arith.constant 0.000000e+00 : f32
    %broadcast_in_dim3A_1 = vector.broadcast %broadcast_in_dim3A : f32 to vector<16xf32>
    %scan3A = arith.constant 0 : i32
    %scan3A_2 = arith.constant 0 : i32
    %scan3A_3 = arith.constant 64 : i32
    %scan3A_4 = arith.addi %scan3A_2, %scan3A_3 : i32
    %scan3A_5 = arith.constant 1 : i32
    %scan3A_6 = scf.for %scan3A_96 = %scan3A_2 to %scan3A_4 step %scan3A_5 iter_args(%scan3A_97 = %scan3A) -> (i32)  : i32 {
      %swap3A = arith.index_cast %scan3A_96 : i32 to index
      %swap3A_98 = arith.constant 0 : index
      %swap3A_99 = tpu.vector_load %arg8[%swap3A, %swap3A_98] {strides = array<i32>} : memref<128x128xf32, #tpu.memory_space<vmem>>, vector<1x16xf32>,
      %swap3A_100 = vector.shape_cast %swap3A_99 : vector<1x16xf32> to vector<16xf32>
      %swap3A_101 = vector.shape_cast %broadcast_in_dim3A_1 : vector<16xf32> to vector<1x16xf32>
      tpu.vector_store %arg8[%swap3A, %swap3A_98], %swap3A_101 {strides = array<i32>} : memref<128x128xf32, #tpu.memory_space<vmem>>, vector<1x16xf32>,
      %swap3A_102 = arith.index_cast %scan3A_96 : i32 to index
      %swap3A_103 = arith.constant 16 : index
      %swap3A_104 = tpu.vector_load %arg8[%swap3A_102, %swap3A_103] {strides = array<i32>} : memref<128x128xf32, #tpu.memory_space<vmem>>, vector<1x16xf32>,
      %swap3A_105 = vector.shape_cast %swap3A_104 : vector<1x16xf32> to vector<16xf32>
      %swap3A_106 = vector.shape_cast %broadcast_in_dim3A_1 : vector<16xf32> to vector<1x16xf32>
      tpu.vector_store %arg8[%swap3A_102, %swap3A_103], %swap3A_106 {strides = array<i32>} : memref<128x128xf32, #tpu.memory_space<vmem>>, vector<1x16xf32>,
      %swap3A_107 = arith.index_cast %scan3A_96 : i32 to index
      %swap3A_108 = arith.constant 32 : index
      %swap3A_109 = tpu.vector_load %arg8[%swap3A_107, %swap3A_108] {strides = array<i32>} : memref<128x128xf32, #tpu.memory_space<vmem>>, vector<1x16xf32>,
      %swap3A_110 = vector.shape_cast %swap3A_109 : vector<1x16xf32> to vector<16xf32>
      %swap3A_111 = vector.shape_cast %broadcast_in_dim3A_1 : vector<16xf32> to vector<1x16xf32>
      tpu.vector_store %arg8[%swap3A_107, %swap3A_108], %swap3A_111 {strides = array<i32>} : memref<128x128xf32, #tpu.memory_space<vmem>>, vector<1x16xf32>,
      %swap3A_112 = arith.index_cast %scan3A_96 : i32 to index
      %swap3A_113 = arith.constant 48 : index
      %swap3A_114 = tpu.vector_load %arg8[%swap3A_112, %swap3A_113] {strides = array<i32>} : memref<128x128xf32, #tpu.memory_space<vmem>>, vector<1x16xf32>,
      %swap3A_115 = vector.shape_cast %swap3A_114 : vector<1x16xf32> to vector<16xf32>
      %swap3A_116 = vector.shape_cast %broadcast_in_dim3A_1 : vector<16xf32> to vector<1x16xf32>
      tpu.vector_store %arg8[%swap3A_112, %swap3A_113], %swap3A_116 {strides = array<i32>} : memref<128x128xf32, #tpu.memory_space<vmem>>, vector<1x16xf32>,
      %swap3A_117 = arith.index_cast %scan3A_96 : i32 to index
      %swap3A_118 = arith.constant 64 : index
      %swap3A_119 = tpu.vector_load %arg8[%swap3A_117, %swap3A_118] {strides = array<i32>} : memref<128x128xf32, #tpu.memory_space<vmem>>, vector<1x16xf32>,
      %swap3A_120 = vector.shape_cast %swap3A_119 : vector<1x16xf32> to vector<16xf32>
      %swap3A_121 = vector.shape_cast %broadcast_in_dim3A_1 : vector<16xf32> to vector<1x16xf32>
      tpu.vector_store %arg8[%swap3A_117, %swap3A_118], %swap3A_121 {strides = array<i32>} : memref<128x128xf32, #tpu.memory_space<vmem>>, vector<1x16xf32>,
      %swap3A_122 = arith.index_cast %scan3A_96 : i32 to index
      %swap3A_123 = arith.constant 80 : index
      %swap3A_124 = tpu.vector_load %arg8[%swap3A_122, %swap3A_123] {strides = array<i32>} : memref<128x128xf32, #tpu.memory_space<vmem>>, vector<1x16xf32>,
      %swap3A_125 = vector.shape_cast %swap3A_124 : vector<1x16xf32> to vector<16xf32>
      %swap3A_126 = vector.shape_cast %broadcast_in_dim3A_1 : vector<16xf32> to vector<1x16xf32>
      tpu.vector_store %arg8[%swap3A_122, %swap3A_123], %swap3A_126 {strides = array<i32>} : memref<128x128xf32, #tpu.memory_space<vmem>>, vector<1x16xf32>,
      %swap3A_127 = arith.index_cast %scan3A_96 : i32 to index
      %swap3A_128 = arith.constant 96 : index
      %swap3A_129 = tpu.vector_load %arg8[%swap3A_127, %swap3A_128] {strides = array<i32>} : memref<128x128xf32, #tpu.memory_space<vmem>>, vector<1x16xf32>,
      %swap3A_130 = vector.shape_cast %swap3A_129 : vector<1x16xf32> to vector<16xf32>
      %swap3A_131 = vector.shape_cast %broadcast_in_dim3A_1 : vector<16xf32> to vector<1x16xf32>
      tpu.vector_store %arg8[%swap3A_127, %swap3A_128], %swap3A_131 {strides = array<i32>} : memref<128x128xf32, #tpu.memory_space<vmem>>, vector<1x16xf32>,
      %swap3A_132 = arith.index_cast %scan3A_96 : i32 to index
      %swap3A_133 = arith.constant 112 : index
      %swap3A_134 = tpu.vector_load %arg8[%swap3A_132, %swap3A_133] {strides = array<i32>} : memref<128x128xf32, #tpu.memory_space<vmem>>, vector<1x16xf32>,
      %swap3A_135 = vector.shape_cast %swap3A_134 : vector<1x16xf32> to vector<16xf32>
      %swap3A_136 = vector.shape_cast %broadcast_in_dim3A_1 : vector<16xf32> to vector<1x16xf32>
      tpu.vector_store %arg8[%swap3A_132, %swap3A_133], %swap3A_136 {strides = array<i32>} : memref<128x128xf32, #tpu.memory_space<vmem>>, vector<1x16xf32>,
      %scan3A_137 = arith.constant 0 : i32
      scf.yield %scan3A_137 : i32
    }
    %scan3A_7 = arith.constant 64 : i32
    %mul3A_8 = arith.constant 640 : i32
    %mul3A_9 = arith.muli %arg1, %mul3A_8 : i32
    %add3A_10 = arith.constant 0 : i32
    %add3A_11 = arith.addi %mul3A_9, %add3A_10 : i32
    "tpu.region"() ({
      %run_scoped3A = tpu.sem_alloc : memref<!tpu.dma_semaphore, #tpu.memory_space<semaphore_mem>>
      %dma_start3A = arith.constant 0 : i32
      %dma_start3A_96 = arith.constant 0 : i32
      %dma_start3A_97 = tpu.memref_slice %arg8[%dma_start3A, %dma_start3A_96] : memref<128x128xf32, #tpu.memory_space<vmem>> -> memref<64x128xf32, #tpu.memory_space<vmem>>
      %dma_start3A_98 = arith.constant 0 : i32
      %dma_start3A_99 = tpu.memref_slice %arg10[%add3A_11, %dma_start3A_98] : memref<10240x128xf32, #tpu.memory_space<vmem_shared>> -> memref<64x128xf32, #tpu.memory_space<vmem_shared>>
      %dma_start3A_100 = arith.constant 0 : i32
      %dma_start3A_101 = tpu.memref_slice %arg10[%add3A_11, %dma_start3A_100] : memref<10240x128xf32, #tpu.memory_space<vmem_shared>> -> memref<64x128xf32, #tpu.memory_space<vmem_shared>>
      %dma_start3A_102 = arith.constant 0 : i32
      %dma_start3A_103 = arith.constant 0 : i32
      %dma_start3A_104 = tpu.memref_slice %arg8[%dma_start3A_102, %dma_start3A_103] : memref<128x128xf32, #tpu.memory_space<vmem>> -> memref<64x128xf32, #tpu.memory_space<vmem>>
      tpu.enqueue_dma source(%dma_start3A_104 : memref<64x128xf32, #tpu.memory_space<vmem>>) target(%dma_start3A_101 : memref<64x128xf32, #tpu.memory_space<vmem_shared>>) target_semaphore(%run_scoped3A : memref<!tpu.dma_semaphore, #tpu.memory_space<semaphore_mem>>)
      %dma_wait3A = arith.constant 0 : i32
      %dma_wait3A_105 = arith.constant 0 : i32
      %dma_wait3A_106 = tpu.memref_slice %arg8[%dma_wait3A, %dma_wait3A_105] : memref<128x128xf32, #tpu.memory_space<vmem>> -> memref<64x128xf32, #tpu.memory_space<vmem>>
      %dma_wait3A_107 = arith.constant 0 : i32
      %dma_wait3A_108 = tpu.memref_slice %arg10[%add3A_11, %dma_wait3A_107] : memref<10240x128xf32, #tpu.memory_space<vmem_shared>> -> memref<64x128xf32, #tpu.memory_space<vmem_shared>>
      %dma_wait3A_109 = arith.constant 0 : i32
      %dma_wait3A_110 = tpu.memref_slice %arg10[%add3A_11, %dma_wait3A_109] : memref<10240x128xf32, #tpu.memory_space<vmem_shared>> -> memref<64x128xf32, #tpu.memory_space<vmem_shared>>
      %dma_wait3A_111 = arith.constant 0 : i32
      %dma_wait3A_112 = arith.constant 0 : i32
      %dma_wait3A_113 = tpu.memref_slice %arg8[%dma_wait3A_111, %dma_wait3A_112] : memref<128x128xf32, #tpu.memory_space<vmem>> -> memref<64x128xf32, #tpu.memory_space<vmem>>
      tpu.wait_dma2 semaphore(%run_scoped3A : memref<!tpu.dma_semaphore, #tpu.memory_space<semaphore_mem>>) src(%dma_wait3A_113 : memref<64x128xf32, #tpu.memory_space<vmem>>) dst(%dma_wait3A_110 : memref<64x128xf32, #tpu.memory_space<vmem_shared>>)
      tpu.yield
    }) : () -> ()
    %mul3A_12 = arith.constant 640 : i32
    %mul3A_13 = arith.muli %arg1, %mul3A_12 : i32
    %add3A_14 = arith.constant 64 : i32
    %add3A_15 = arith.addi %mul3A_13, %add3A_14 : i32
    "tpu.region"() ({
      %run_scoped3A = tpu.sem_alloc : memref<!tpu.dma_semaphore, #tpu.memory_space<semaphore_mem>>
      %dma_start3A = arith.constant 0 : i32
      %dma_start3A_96 = arith.constant 0 : i32
      %dma_start3A_97 = tpu.memref_slice %arg8[%dma_start3A, %dma_start3A_96] : memref<128x128xf32, #tpu.memory_space<vmem>> -> memref<64x128xf32, #tpu.memory_space<vmem>>
      %dma_start3A_98 = arith.constant 0 : i32
      %dma_start3A_99 = tpu.memref_slice %arg10[%add3A_15, %dma_start3A_98] : memref<10240x128xf32, #tpu.memory_space<vmem_shared>> -> memref<64x128xf32, #tpu.memory_space<vmem_shared>>
      %dma_start3A_100 = arith.constant 0 : i32
      %dma_start3A_101 = tpu.memref_slice %arg10[%add3A_15, %dma_start3A_100] : memref<10240x128xf32, #tpu.memory_space<vmem_shared>> -> memref<64x128xf32, #tpu.memory_space<vmem_shared>>
      %dma_start3A_102 = arith.constant 0 : i32
      %dma_start3A_103 = arith.constant 0 : i32
      %dma_start3A_104 = tpu.memref_slice %arg8[%dma_start3A_102, %dma_start3A_103] : memref<128x128xf32, #tpu.memory_space<vmem>> -> memref<64x128xf32, #tpu.memory_space<vmem>>
      tpu.enqueue_dma source(%dma_start3A_104 : memref<64x128xf32, #tpu.memory_space<vmem>>) target(%dma_start3A_101 : memref<64x128xf32, #tpu.memory_space<vmem_shared>>) target_semaphore(%run_scoped3A : memref<!tpu.dma_semaphore, #tpu.memory_space<semaphore_mem>>)
      %dma_wait3A = arith.constant 0 : i32
      %dma_wait3A_105 = arith.constant 0 : i32
      %dma_wait3A_106 = tpu.memref_slice %arg8[%dma_wait3A, %dma_wait3A_105] : memref<128x128xf32, #tpu.memory_space<vmem>> -> memref<64x128xf32, #tpu.memory_space<vmem>>
      %dma_wait3A_107 = arith.constant 0 : i32
      %dma_wait3A_108 = tpu.memref_slice %arg10[%add3A_15, %dma_wait3A_107] : memref<10240x128xf32, #tpu.memory_space<vmem_shared>> -> memref<64x128xf32, #tpu.memory_space<vmem_shared>>
      %dma_wait3A_109 = arith.constant 0 : i32
      %dma_wait3A_110 = tpu.memref_slice %arg10[%add3A_15, %dma_wait3A_109] : memref<10240x128xf32, #tpu.memory_space<vmem_shared>> -> memref<64x128xf32, #tpu.memory_space<vmem_shared>>
      %dma_wait3A_111 = arith.constant 0 : i32
      %dma_wait3A_112 = arith.constant 0 : i32
      %dma_wait3A_113 = tpu.memref_slice %arg8[%dma_wait3A_111, %dma_wait3A_112] : memref<128x128xf32, #tpu.memory_space<vmem>> -> memref<64x128xf32, #tpu.memory_space<vmem>>
      tpu.wait_dma2 semaphore(%run_scoped3A : memref<!tpu.dma_semaphore, #tpu.memory_space<semaphore_mem>>) src(%dma_wait3A_113 : memref<64x128xf32, #tpu.memory_space<vmem>>) dst(%dma_wait3A_110 : memref<64x128xf32, #tpu.memory_space<vmem_shared>>)
      tpu.yield
    }) : () -> ()
    %mul3A_16 = arith.constant 640 : i32
    %mul3A_17 = arith.muli %arg1, %mul3A_16 : i32
    %add3A_18 = arith.constant 128 : i32
    %add3A_19 = arith.addi %mul3A_17, %add3A_18 : i32
    "tpu.region"() ({
      %run_scoped3A = tpu.sem_alloc : memref<!tpu.dma_semaphore, #tpu.memory_space<semaphore_mem>>
      %dma_start3A = arith.constant 0 : i32
      %dma_start3A_96 = arith.constant 0 : i32
      %dma_start3A_97 = tpu.memref_slice %arg8[%dma_start3A, %dma_start3A_96] : memref<128x128xf32, #tpu.memory_space<vmem>> -> memref<64x128xf32, #tpu.memory_space<vmem>>
      %dma_start3A_98 = arith.constant 0 : i32
      %dma_start3A_99 = tpu.memref_slice %arg10[%add3A_19, %dma_start3A_98] : memref<10240x128xf32, #tpu.memory_space<vmem_shared>> -> memref<64x128xf32, #tpu.memory_space<vmem_shared>>
      %dma_start3A_100 = arith.constant 0 : i32
      %dma_start3A_101 = tpu.memref_slice %arg10[%add3A_19, %dma_start3A_100] : memref<10240x128xf32, #tpu.memory_space<vmem_shared>> -> memref<64x128xf32, #tpu.memory_space<vmem_shared>>
      %dma_start3A_102 = arith.constant 0 : i32
      %dma_start3A_103 = arith.constant 0 : i32
      %dma_start3A_104 = tpu.memref_slice %arg8[%dma_start3A_102, %dma_start3A_103] : memref<128x128xf32, #tpu.memory_space<vmem>> -> memref<64x128xf32, #tpu.memory_space<vmem>>
      tpu.enqueue_dma source(%dma_start3A_104 : memref<64x128xf32, #tpu.memory_space<vmem>>) target(%dma_start3A_101 : memref<64x128xf32, #tpu.memory_space<vmem_shared>>) target_semaphore(%run_scoped3A : memref<!tpu.dma_semaphore, #tpu.memory_space<semaphore_mem>>)
      %dma_wait3A = arith.constant 0 : i32
      %dma_wait3A_105 = arith.constant 0 : i32
      %dma_wait3A_106 = tpu.memref_slice %arg8[%dma_wait3A, %dma_wait3A_105] : memref<128x128xf32, #tpu.memory_space<vmem>> -> memref<64x128xf32, #tpu.memory_space<vmem>>
      %dma_wait3A_107 = arith.constant 0 : i32
      %dma_wait3A_108 = tpu.memref_slice %arg10[%add3A_19, %dma_wait3A_107] : memref<10240x128xf32, #tpu.memory_space<vmem_shared>> -> memref<64x128xf32, #tpu.memory_space<vmem_shared>>
      %dma_wait3A_109 = arith.constant 0 : i32
      %dma_wait3A_110 = tpu.memref_slice %arg10[%add3A_19, %dma_wait3A_109] : memref<10240x128xf32, #tpu.memory_space<vmem_shared>> -> memref<64x128xf32, #tpu.memory_space<vmem_shared>>
      %dma_wait3A_111 = arith.constant 0 : i32
      %dma_wait3A_112 = arith.constant 0 : i32
      %dma_wait3A_113 = tpu.memref_slice %arg8[%dma_wait3A_111, %dma_wait3A_112] : memref<128x128xf32, #tpu.memory_space<vmem>> -> memref<64x128xf32, #tpu.memory_space<vmem>>
      tpu.wait_dma2 semaphore(%run_scoped3A : memref<!tpu.dma_semaphore, #tpu.memory_space<semaphore_mem>>) src(%dma_wait3A_113 : memref<64x128xf32, #tpu.memory_space<vmem>>) dst(%dma_wait3A_110 : memref<64x128xf32, #tpu.memory_space<vmem_shared>>)
      tpu.yield
    }) : () -> ()
    %mul3A_20 = arith.constant 640 : i32
    %mul3A_21 = arith.muli %arg1, %mul3A_20 : i32
    %add3A_22 = arith.constant 192 : i32
    %add3A_23 = arith.addi %mul3A_21, %add3A_22 : i32
    "tpu.region"() ({
      %run_scoped3A = tpu.sem_alloc : memref<!tpu.dma_semaphore, #tpu.memory_space<semaphore_mem>>
      %dma_start3A = arith.constant 0 : i32
      %dma_start3A_96 = arith.constant 0 : i32
      %dma_start3A_97 = tpu.memref_slice %arg8[%dma_start3A, %dma_start3A_96] : memref<128x128xf32, #tpu.memory_space<vmem>> -> memref<64x128xf32, #tpu.memory_space<vmem>>
      %dma_start3A_98 = arith.constant 0 : i32
      %dma_start3A_99 = tpu.memref_slice %arg10[%add3A_23, %dma_start3A_98] : memref<10240x128xf32, #tpu.memory_space<vmem_shared>> -> memref<64x128xf32, #tpu.memory_space<vmem_shared>>
      %dma_start3A_100 = arith.constant 0 : i32
      %dma_start3A_101 = tpu.memref_slice %arg10[%add3A_23, %dma_start3A_100] : memref<10240x128xf32, #tpu.memory_space<vmem_shared>> -> memref<64x128xf32, #tpu.memory_space<vmem_shared>>
      %dma_start3A_102 = arith.constant 0 : i32
      %dma_start3A_103 = arith.constant 0 : i32
      %dma_start3A_104 = tpu.memref_slice %arg8[%dma_start3A_102, %dma_start3A_103] : memref<128x128xf32, #tpu.memory_space<vmem>> -> memref<64x128xf32, #tpu.memory_space<vmem>>
      tpu.enqueue_dma source(%dma_start3A_104 : memref<64x128xf32, #tpu.memory_space<vmem>>) target(%dma_start3A_101 : memref<64x128xf32, #tpu.memory_space<vmem_shared>>) target_semaphore(%run_scoped3A : memref<!tpu.dma_semaphore, #tpu.memory_space<semaphore_mem>>)
      %dma_wait3A = arith.constant 0 : i32
      %dma_wait3A_105 = arith.constant 0 : i32
      %dma_wait3A_106 = tpu.memref_slice %arg8[%dma_wait3A, %dma_wait3A_105] : memref<128x128xf32, #tpu.memory_space<vmem>> -> memref<64x128xf32, #tpu.memory_space<vmem>>
      %dma_wait3A_107 = arith.constant 0 : i32
      %dma_wait3A_108 = tpu.memref_slice %arg10[%add3A_23, %dma_wait3A_107] : memref<10240x128xf32, #tpu.memory_space<vmem_shared>> -> memref<64x128xf32, #tpu.memory_space<vmem_shared>>
      %dma_wait3A_109 = arith.constant 0 : i32
      %dma_wait3A_110 = tpu.memref_slice %arg10[%add3A_23, %dma_wait3A_109] : memref<10240x128xf32, #tpu.memory_space<vmem_shared>> -> memref<64x128xf32, #tpu.memory_space<vmem_shared>>
      %dma_wait3A_111 = arith.constant 0 : i32
      %dma_wait3A_112 = arith.constant 0 : i32
      %dma_wait3A_113 = tpu.memref_slice %arg8[%dma_wait3A_111, %dma_wait3A_112] : memref<128x128xf32, #tpu.memory_space<vmem>> -> memref<64x128xf32, #tpu.memory_space<vmem>>
      tpu.wait_dma2 semaphore(%run_scoped3A : memref<!tpu.dma_semaphore, #tpu.memory_space<semaphore_mem>>) src(%dma_wait3A_113 : memref<64x128xf32, #tpu.memory_space<vmem>>) dst(%dma_wait3A_110 : memref<64x128xf32, #tpu.memory_space<vmem_shared>>)
      tpu.yield
    }) : () -> ()
    %mul3A_24 = arith.constant 640 : i32
    %mul3A_25 = arith.muli %arg1, %mul3A_24 : i32
    %add3A_26 = arith.constant 256 : i32
    %add3A_27 = arith.addi %mul3A_25, %add3A_26 : i32
    "tpu.region"() ({
      %run_scoped3A = tpu.sem_alloc : memref<!tpu.dma_semaphore, #tpu.memory_space<semaphore_mem>>
      %dma_start3A = arith.constant 0 : i32
      %dma_start3A_96 = arith.constant 0 : i32
      %dma_start3A_97 = tpu.memref_slice %arg8[%dma_start3A, %dma_start3A_96] : memref<128x128xf32, #tpu.memory_space<vmem>> -> memref<64x128xf32, #tpu.memory_space<vmem>>
      %dma_start3A_98 = arith.constant 0 : i32
      %dma_start3A_99 = tpu.memref_slice %arg10[%add3A_27, %dma_start3A_98] : memref<10240x128xf32, #tpu.memory_space<vmem_shared>> -> memref<64x128xf32, #tpu.memory_space<vmem_shared>>
      %dma_start3A_100 = arith.constant 0 : i32
      %dma_start3A_101 = tpu.memref_slice %arg10[%add3A_27, %dma_start3A_100] : memref<10240x128xf32, #tpu.memory_space<vmem_shared>> -> memref<64x128xf32, #tpu.memory_space<vmem_shared>>
      %dma_start3A_102 = arith.constant 0 : i32
      %dma_start3A_103 = arith.constant 0 : i32
      %dma_start3A_104 = tpu.memref_slice %arg8[%dma_start3A_102, %dma_start3A_103] : memref<128x128xf32, #tpu.memory_space<vmem>> -> memref<64x128xf32, #tpu.memory_space<vmem>>
      tpu.enqueue_dma source(%dma_start3A_104 : memref<64x128xf32, #tpu.memory_space<vmem>>) target(%dma_start3A_101 : memref<64x128xf32, #tpu.memory_space<vmem_shared>>) target_semaphore(%run_scoped3A : memref<!tpu.dma_semaphore, #tpu.memory_space<semaphore_mem>>)
      %dma_wait3A = arith.constant 0 : i32
      %dma_wait3A_105 = arith.constant 0 : i32
      %dma_wait3A_106 = tpu.memref_slice %arg8[%dma_wait3A, %dma_wait3A_105] : memref<128x128xf32, #tpu.memory_space<vmem>> -> memref<64x128xf32, #tpu.memory_space<vmem>>
      %dma_wait3A_107 = arith.constant 0 : i32
      %dma_wait3A_108 = tpu.memref_slice %arg10[%add3A_27, %dma_wait3A_107] : memref<10240x128xf32, #tpu.memory_space<vmem_shared>> -> memref<64x128xf32, #tpu.memory_space<vmem_shared>>
      %dma_wait3A_109 = arith.constant 0 : i32
      %dma_wait3A_110 = tpu.memref_slice %arg10[%add3A_27, %dma_wait3A_109] : memref<10240x128xf32, #tpu.memory_space<vmem_shared>> -> memref<64x128xf32, #tpu.memory_space<vmem_shared>>
      %dma_wait3A_111 = arith.constant 0 : i32
      %dma_wait3A_112 = arith.constant 0 : i32
      %dma_wait3A_113 = tpu.memref_slice %arg8[%dma_wait3A_111, %dma_wait3A_112] : memref<128x128xf32, #tpu.memory_space<vmem>> -> memref<64x128xf32, #tpu.memory_space<vmem>>
      tpu.wait_dma2 semaphore(%run_scoped3A : memref<!tpu.dma_semaphore, #tpu.memory_space<semaphore_mem>>) src(%dma_wait3A_113 : memref<64x128xf32, #tpu.memory_space<vmem>>) dst(%dma_wait3A_110 : memref<64x128xf32, #tpu.memory_space<vmem_shared>>)
      tpu.yield
    }) : () -> ()
    %mul3A_28 = arith.constant 640 : i32
    %mul3A_29 = arith.muli %arg1, %mul3A_28 : i32
    %add3A_30 = arith.constant 320 : i32
    %add3A_31 = arith.addi %mul3A_29, %add3A_30 : i32
    "tpu.region"() ({
      %run_scoped3A = tpu.sem_alloc : memref<!tpu.dma_semaphore, #tpu.memory_space<semaphore_mem>>
      %dma_start3A = arith.constant 0 : i32
      %dma_start3A_96 = arith.constant 0 : i32
      %dma_start3A_97 = tpu.memref_slice %arg8[%dma_start3A, %dma_start3A_96] : memref<128x128xf32, #tpu.memory_space<vmem>> -> memref<64x128xf32, #tpu.memory_space<vmem>>
      %dma_start3A_98 = arith.constant 0 : i32
      %dma_start3A_99 = tpu.memref_slice %arg10[%add3A_31, %dma_start3A_98] : memref<10240x128xf32, #tpu.memory_space<vmem_shared>> -> memref<64x128xf32, #tpu.memory_space<vmem_shared>>
      %dma_start3A_100 = arith.constant 0 : i32
      %dma_start3A_101 = tpu.memref_slice %arg10[%add3A_31, %dma_start3A_100] : memref<10240x128xf32, #tpu.memory_space<vmem_shared>> -> memref<64x128xf32, #tpu.memory_space<vmem_shared>>
      %dma_start3A_102 = arith.constant 0 : i32
      %dma_start3A_103 = arith.constant 0 : i32
      %dma_start3A_104 = tpu.memref_slice %arg8[%dma_start3A_102, %dma_start3A_103] : memref<128x128xf32, #tpu.memory_space<vmem>> -> memref<64x128xf32, #tpu.memory_space<vmem>>
      tpu.enqueue_dma source(%dma_start3A_104 : memref<64x128xf32, #tpu.memory_space<vmem>>) target(%dma_start3A_101 : memref<64x128xf32, #tpu.memory_space<vmem_shared>>) target_semaphore(%run_scoped3A : memref<!tpu.dma_semaphore, #tpu.memory_space<semaphore_mem>>)
      %dma_wait3A = arith.constant 0 : i32
      %dma_wait3A_105 = arith.constant 0 : i32
      %dma_wait3A_106 = tpu.memref_slice %arg8[%dma_wait3A, %dma_wait3A_105] : memref<128x128xf32, #tpu.memory_space<vmem>> -> memref<64x128xf32, #tpu.memory_space<vmem>>
      %dma_wait3A_107 = arith.constant 0 : i32
      %dma_wait3A_108 = tpu.memref_slice %arg10[%add3A_31, %dma_wait3A_107] : memref<10240x128xf32, #tpu.memory_space<vmem_shared>> -> memref<64x128xf32, #tpu.memory_space<vmem_shared>>
      %dma_wait3A_109 = arith.constant 0 : i32
      %dma_wait3A_110 = tpu.memref_slice %arg10[%add3A_31, %dma_wait3A_109] : memref<10240x128xf32, #tpu.memory_space<vmem_shared>> -> memref<64x128xf32, #tpu.memory_space<vmem_shared>>
      %dma_wait3A_111 = arith.constant 0 : i32
      %dma_wait3A_112 = arith.constant 0 : i32
      %dma_wait3A_113 = tpu.memref_slice %arg8[%dma_wait3A_111, %dma_wait3A_112] : memref<128x128xf32, #tpu.memory_space<vmem>> -> memref<64x128xf32, #tpu.memory_space<vmem>>
      tpu.wait_dma2 semaphore(%run_scoped3A : memref<!tpu.dma_semaphore, #tpu.memory_space<semaphore_mem>>) src(%dma_wait3A_113 : memref<64x128xf32, #tpu.memory_space<vmem>>) dst(%dma_wait3A_110 : memref<64x128xf32, #tpu.memory_space<vmem_shared>>)
      tpu.yield
    }) : () -> ()
    %mul3A_32 = arith.constant 640 : i32
    %mul3A_33 = arith.muli %arg1, %mul3A_32 : i32
    %add3A_34 = arith.constant 384 : i32
    %add3A_35 = arith.addi %mul3A_33, %add3A_34 : i32
    "tpu.region"() ({
      %run_scoped3A = tpu.sem_alloc : memref<!tpu.dma_semaphore, #tpu.memory_space<semaphore_mem>>
      %dma_start3A = arith.constant 0 : i32
      %dma_start3A_96 = arith.constant 0 : i32
      %dma_start3A_97 = tpu.memref_slice %arg8[%dma_start3A, %dma_start3A_96] : memref<128x128xf32, #tpu.memory_space<vmem>> -> memref<64x128xf32, #tpu.memory_space<vmem>>
      %dma_start3A_98 = arith.constant 0 : i32
      %dma_start3A_99 = tpu.memref_slice %arg10[%add3A_35, %dma_start3A_98] : memref<10240x128xf32, #tpu.memory_space<vmem_shared>> -> memref<64x128xf32, #tpu.memory_space<vmem_shared>>
      %dma_start3A_100 = arith.constant 0 : i32
      %dma_start3A_101 = tpu.memref_slice %arg10[%add3A_35, %dma_start3A_100] : memref<10240x128xf32, #tpu.memory_space<vmem_shared>> -> memref<64x128xf32, #tpu.memory_space<vmem_shared>>
      %dma_start3A_102 = arith.constant 0 : i32
      %dma_start3A_103 = arith.constant 0 : i32
      %dma_start3A_104 = tpu.memref_slice %arg8[%dma_start3A_102, %dma_start3A_103] : memref<128x128xf32, #tpu.memory_space<vmem>> -> memref<64x128xf32, #tpu.memory_space<vmem>>
      tpu.enqueue_dma source(%dma_start3A_104 : memref<64x128xf32, #tpu.memory_space<vmem>>) target(%dma_start3A_101 : memref<64x128xf32, #tpu.memory_space<vmem_shared>>) target_semaphore(%run_scoped3A : memref<!tpu.dma_semaphore, #tpu.memory_space<semaphore_mem>>)
      %dma_wait3A = arith.constant 0 : i32
      %dma_wait3A_105 = arith.constant 0 : i32
      %dma_wait3A_106 = tpu.memref_slice %arg8[%dma_wait3A, %dma_wait3A_105] : memref<128x128xf32, #tpu.memory_space<vmem>> -> memref<64x128xf32, #tpu.memory_space<vmem>>
      %dma_wait3A_107 = arith.constant 0 : i32
      %dma_wait3A_108 = tpu.memref_slice %arg10[%add3A_35, %dma_wait3A_107] : memref<10240x128xf32, #tpu.memory_space<vmem_shared>> -> memref<64x128xf32, #tpu.memory_space<vmem_shared>>
      %dma_wait3A_109 = arith.constant 0 : i32
      %dma_wait3A_110 = tpu.memref_slice %arg10[%add3A_35, %dma_wait3A_109] : memref<10240x128xf32, #tpu.memory_space<vmem_shared>> -> memref<64x128xf32, #tpu.memory_space<vmem_shared>>
      %dma_wait3A_111 = arith.constant 0 : i32
      %dma_wait3A_112 = arith.constant 0 : i32
      %dma_wait3A_113 = tpu.memref_slice %arg8[%dma_wait3A_111, %dma_wait3A_112] : memref<128x128xf32, #tpu.memory_space<vmem>> -> memref<64x128xf32, #tpu.memory_space<vmem>>
      tpu.wait_dma2 semaphore(%run_scoped3A : memref<!tpu.dma_semaphore, #tpu.memory_space<semaphore_mem>>) src(%dma_wait3A_113 : memref<64x128xf32, #tpu.memory_space<vmem>>) dst(%dma_wait3A_110 : memref<64x128xf32, #tpu.memory_space<vmem_shared>>)
      tpu.yield
    }) : () -> ()
    %mul3A_36 = arith.constant 640 : i32
    %mul3A_37 = arith.muli %arg1, %mul3A_36 : i32
    %add3A_38 = arith.constant 448 : i32
    %add3A_39 = arith.addi %mul3A_37, %add3A_38 : i32
    "tpu.region"() ({
      %run_scoped3A = tpu.sem_alloc : memref<!tpu.dma_semaphore, #tpu.memory_space<semaphore_mem>>
      %dma_start3A = arith.constant 0 : i32
      %dma_start3A_96 = arith.constant 0 : i32
      %dma_start3A_97 = tpu.memref_slice %arg8[%dma_start3A, %dma_start3A_96] : memref<128x128xf32, #tpu.memory_space<vmem>> -> memref<64x128xf32, #tpu.memory_space<vmem>>
      %dma_start3A_98 = arith.constant 0 : i32
      %dma_start3A_99 = tpu.memref_slice %arg10[%add3A_39, %dma_start3A_98] : memref<10240x128xf32, #tpu.memory_space<vmem_shared>> -> memref<64x128xf32, #tpu.memory_space<vmem_shared>>
      %dma_start3A_100 = arith.constant 0 : i32
      %dma_start3A_101 = tpu.memref_slice %arg10[%add3A_39, %dma_start3A_100] : memref<10240x128xf32, #tpu.memory_space<vmem_shared>> -> memref<64x128xf32, #tpu.memory_space<vmem_shared>>
      %dma_start3A_102 = arith.constant 0 : i32
      %dma_start3A_103 = arith.constant 0 : i32
      %dma_start3A_104 = tpu.memref_slice %arg8[%dma_start3A_102, %dma_start3A_103] : memref<128x128xf32, #tpu.memory_space<vmem>> -> memref<64x128xf32, #tpu.memory_space<vmem>>
      tpu.enqueue_dma source(%dma_start3A_104 : memref<64x128xf32, #tpu.memory_space<vmem>>) target(%dma_start3A_101 : memref<64x128xf32, #tpu.memory_space<vmem_shared>>) target_semaphore(%run_scoped3A : memref<!tpu.dma_semaphore, #tpu.memory_space<semaphore_mem>>)
      %dma_wait3A = arith.constant 0 : i32
      %dma_wait3A_105 = arith.constant 0 : i32
      %dma_wait3A_106 = tpu.memref_slice %arg8[%dma_wait3A, %dma_wait3A_105] : memref<128x128xf32, #tpu.memory_space<vmem>> -> memref<64x128xf32, #tpu.memory_space<vmem>>
      %dma_wait3A_107 = arith.constant 0 : i32
      %dma_wait3A_108 = tpu.memref_slice %arg10[%add3A_39, %dma_wait3A_107] : memref<10240x128xf32, #tpu.memory_space<vmem_shared>> -> memref<64x128xf32, #tpu.memory_space<vmem_shared>>
      %dma_wait3A_109 = arith.constant 0 : i32
      %dma_wait3A_110 = tpu.memref_slice %arg10[%add3A_39, %dma_wait3A_109] : memref<10240x128xf32, #tpu.memory_space<vmem_shared>> -> memref<64x128xf32, #tpu.memory_space<vmem_shared>>
      %dma_wait3A_111 = arith.constant 0 : i32
      %dma_wait3A_112 = arith.constant 0 : i32
      %dma_wait3A_113 = tpu.memref_slice %arg8[%dma_wait3A_111, %dma_wait3A_112] : memref<128x128xf32, #tpu.memory_space<vmem>> -> memref<64x128xf32, #tpu.memory_space<vmem>>
      tpu.wait_dma2 semaphore(%run_scoped3A : memref<!tpu.dma_semaphore, #tpu.memory_space<semaphore_mem>>) src(%dma_wait3A_113 : memref<64x128xf32, #tpu.memory_space<vmem>>) dst(%dma_wait3A_110 : memref<64x128xf32, #tpu.memory_space<vmem_shared>>)
      tpu.yield
    }) : () -> ()
    %mul3A_40 = arith.constant 640 : i32
    %mul3A_41 = arith.muli %arg1, %mul3A_40 : i32
    %add3A_42 = arith.constant 512 : i32
    %add3A_43 = arith.addi %mul3A_41, %add3A_42 : i32
    "tpu.region"() ({
      %run_scoped3A = tpu.sem_alloc : memref<!tpu.dma_semaphore, #tpu.memory_space<semaphore_mem>>
      %dma_start3A = arith.constant 0 : i32
      %dma_start3A_96 = arith.constant 0 : i32
      %dma_start3A_97 = tpu.memref_slice %arg8[%dma_start3A, %dma_start3A_96] : memref<128x128xf32, #tpu.memory_space<vmem>> -> memref<64x128xf32, #tpu.memory_space<vmem>>
      %dma_start3A_98 = arith.constant 0 : i32
      %dma_start3A_99 = tpu.memref_slice %arg10[%add3A_43, %dma_start3A_98] : memref<10240x128xf32, #tpu.memory_space<vmem_shared>> -> memref<64x128xf32, #tpu.memory_space<vmem_shared>>
      %dma_start3A_100 = arith.constant 0 : i32
      %dma_start3A_101 = tpu.memref_slice %arg10[%add3A_43, %dma_start3A_100] : memref<10240x128xf32, #tpu.memory_space<vmem_shared>> -> memref<64x128xf32, #tpu.memory_space<vmem_shared>>
      %dma_start3A_102 = arith.constant 0 : i32
      %dma_start3A_103 = arith.constant 0 : i32
      %dma_start3A_104 = tpu.memref_slice %arg8[%dma_start3A_102, %dma_start3A_103] : memref<128x128xf32, #tpu.memory_space<vmem>> -> memref<64x128xf32, #tpu.memory_space<vmem>>
      tpu.enqueue_dma source(%dma_start3A_104 : memref<64x128xf32, #tpu.memory_space<vmem>>) target(%dma_start3A_101 : memref<64x128xf32, #tpu.memory_space<vmem_shared>>) target_semaphore(%run_scoped3A : memref<!tpu.dma_semaphore, #tpu.memory_space<semaphore_mem>>)
      %dma_wait3A = arith.constant 0 : i32
      %dma_wait3A_105 = arith.constant 0 : i32
      %dma_wait3A_106 = tpu.memref_slice %arg8[%dma_wait3A, %dma_wait3A_105] : memref<128x128xf32, #tpu.memory_space<vmem>> -> memref<64x128xf32, #tpu.memory_space<vmem>>
      %dma_wait3A_107 = arith.constant 0 : i32
      %dma_wait3A_108 = tpu.memref_slice %arg10[%add3A_43, %dma_wait3A_107] : memref<10240x128xf32, #tpu.memory_space<vmem_shared>> -> memref<64x128xf32, #tpu.memory_space<vmem_shared>>
      %dma_wait3A_109 = arith.constant 0 : i32
      %dma_wait3A_110 = tpu.memref_slice %arg10[%add3A_43, %dma_wait3A_109] : memref<10240x128xf32, #tpu.memory_space<vmem_shared>> -> memref<64x128xf32, #tpu.memory_space<vmem_shared>>
      %dma_wait3A_111 = arith.constant 0 : i32
      %dma_wait3A_112 = arith.constant 0 : i32
      %dma_wait3A_113 = tpu.memref_slice %arg8[%dma_wait3A_111, %dma_wait3A_112] : memref<128x128xf32, #tpu.memory_space<vmem>> -> memref<64x128xf32, #tpu.memory_space<vmem>>
      tpu.wait_dma2 semaphore(%run_scoped3A : memref<!tpu.dma_semaphore, #tpu.memory_space<semaphore_mem>>) src(%dma_wait3A_113 : memref<64x128xf32, #tpu.memory_space<vmem>>) dst(%dma_wait3A_110 : memref<64x128xf32, #tpu.memory_space<vmem_shared>>)
      tpu.yield
    }) : () -> ()
    %mul3A_44 = arith.constant 640 : i32
    %mul3A_45 = arith.muli %arg1, %mul3A_44 : i32
    %add3A_46 = arith.constant 576 : i32
    %add3A_47 = arith.addi %mul3A_45, %add3A_46 : i32
    "tpu.region"() ({
      %run_scoped3A = tpu.sem_alloc : memref<!tpu.dma_semaphore, #tpu.memory_space<semaphore_mem>>
      %dma_start3A = arith.constant 0 : i32
      %dma_start3A_96 = arith.constant 0 : i32
      %dma_start3A_97 = tpu.memref_slice %arg8[%dma_start3A, %dma_start3A_96] : memref<128x128xf32, #tpu.memory_space<vmem>> -> memref<64x128xf32, #tpu.memory_space<vmem>>
      %dma_start3A_98 = arith.constant 0 : i32
      %dma_start3A_99 = tpu.memref_slice %arg10[%add3A_47, %dma_start3A_98] : memref<10240x128xf32, #tpu.memory_space<vmem_shared>> -> memref<64x128xf32, #tpu.memory_space<vmem_shared>>
      %dma_start3A_100 = arith.constant 0 : i32
      %dma_start3A_101 = tpu.memref_slice %arg10[%add3A_47, %dma_start3A_100] : memref<10240x128xf32, #tpu.memory_space<vmem_shared>> -> memref<64x128xf32, #tpu.memory_space<vmem_shared>>
      %dma_start3A_102 = arith.constant 0 : i32
      %dma_start3A_103 = arith.constant 0 : i32
      %dma_start3A_104 = tpu.memref_slice %arg8[%dma_start3A_102, %dma_start3A_103] : memref<128x128xf32, #tpu.memory_space<vmem>> -> memref<64x128xf32, #tpu.memory_space<vmem>>
      tpu.enqueue_dma source(%dma_start3A_104 : memref<64x128xf32, #tpu.memory_space<vmem>>) target(%dma_start3A_101 : memref<64x128xf32, #tpu.memory_space<vmem_shared>>) target_semaphore(%run_scoped3A : memref<!tpu.dma_semaphore, #tpu.memory_space<semaphore_mem>>)
      %dma_wait3A = arith.constant 0 : i32
      %dma_wait3A_105 = arith.constant 0 : i32
      %dma_wait3A_106 = tpu.memref_slice %arg8[%dma_wait3A, %dma_wait3A_105] : memref<128x128xf32, #tpu.memory_space<vmem>> -> memref<64x128xf32, #tpu.memory_space<vmem>>
      %dma_wait3A_107 = arith.constant 0 : i32
      %dma_wait3A_108 = tpu.memref_slice %arg10[%add3A_47, %dma_wait3A_107] : memref<10240x128xf32, #tpu.memory_space<vmem_shared>> -> memref<64x128xf32, #tpu.memory_space<vmem_shared>>
      %dma_wait3A_109 = arith.constant 0 : i32
      %dma_wait3A_110 = tpu.memref_slice %arg10[%add3A_47, %dma_wait3A_109] : memref<10240x128xf32, #tpu.memory_space<vmem_shared>> -> memref<64x128xf32, #tpu.memory_space<vmem_shared>>
      %dma_wait3A_111 = arith.constant 0 : i32
      %dma_wait3A_112 = arith.constant 0 : i32
      %dma_wait3A_113 = tpu.memref_slice %arg8[%dma_wait3A_111, %dma_wait3A_112] : memref<128x128xf32, #tpu.memory_space<vmem>> -> memref<64x128xf32, #tpu.memory_space<vmem>>
      tpu.wait_dma2 semaphore(%run_scoped3A : memref<!tpu.dma_semaphore, #tpu.memory_space<semaphore_mem>>) src(%dma_wait3A_113 : memref<64x128xf32, #tpu.memory_space<vmem>>) dst(%dma_wait3A_110 : memref<64x128xf32, #tpu.memory_space<vmem_shared>>)
      tpu.yield
    }) : () -> ()
    %barrier3A = arith.constant 0 : index
    tpu.barrier barrier_id(%barrier3A)
    "tpu.region"() ({
      %run_scoped3A = tpu.sem_alloc : memref<!tpu.dma_semaphore, #tpu.memory_space<semaphore_mem>>
      %dma_start3A = arith.constant 0 : i32
      %dma_start3A_96 = arith.constant 0 : i32
      %dma_start3A_97 = tpu.memref_slice %arg3[%add3A, %dma_start3A, %dma_start3A_96] : memref<32x80x128xi32, #tpu.memory_space<hbm>> -> memref<1x80x128xi32, #tpu.memory_space<hbm>>
      %dma_start3A_98 = tpu.memref_squeeze %dma_start3A_97 : memref<1x80x128xi32, #tpu.memory_space<hbm>> -> memref<80x128xi32, #tpu.memory_space<hbm>>
      %dma_start3A_99 = arith.constant 0 : i32
      %dma_start3A_100 = arith.constant 0 : i32
      %dma_start3A_101 = tpu.memref_slice %arg3[%add3A, %dma_start3A_99, %dma_start3A_100] : memref<32x80x128xi32, #tpu.memory_space<hbm>> -> memref<1x80x128xi32, #tpu.memory_space<hbm>>
      %dma_start3A_102 = tpu.memref_squeeze %dma_start3A_101 : memref<1x80x128xi32, #tpu.memory_space<hbm>> -> memref<80x128xi32, #tpu.memory_space<hbm>>
      tpu.enqueue_dma source(%dma_start3A_102 : memref<80x128xi32, #tpu.memory_space<hbm>>) target(%arg6 : memref<80x128xi32, #tpu.memory_space<vmem>>) target_semaphore(%run_scoped3A : memref<!tpu.dma_semaphore, #tpu.memory_space<semaphore_mem>>)
      %dma_wait3A = arith.constant 0 : i32
      %dma_wait3A_103 = arith.constant 0 : i32
      %dma_wait3A_104 = tpu.memref_slice %arg3[%add3A, %dma_wait3A, %dma_wait3A_103] : memref<32x80x128xi32, #tpu.memory_space<hbm>> -> memref<1x80x128xi32, #tpu.memory_space<hbm>>
      %dma_wait3A_105 = tpu.memref_squeeze %dma_wait3A_104 : memref<1x80x128xi32, #tpu.memory_space<hbm>> -> memref<80x128xi32, #tpu.memory_space<hbm>>
      %dma_wait3A_106 = arith.constant 0 : i32
      %dma_wait3A_107 = arith.constant 0 : i32
      %dma_wait3A_108 = tpu.memref_slice %arg3[%add3A, %dma_wait3A_106, %dma_wait3A_107] : memref<32x80x128xi32, #tpu.memory_space<hbm>> -> memref<1x80x128xi32, #tpu.memory_space<hbm>>
      %dma_wait3A_109 = tpu.memref_squeeze %dma_wait3A_108 : memref<1x80x128xi32, #tpu.memory_space<hbm>> -> memref<80x128xi32, #tpu.memory_space<hbm>>
      tpu.wait_dma2 semaphore(%run_scoped3A : memref<!tpu.dma_semaphore, #tpu.memory_space<semaphore_mem>>) src(%dma_wait3A_109 : memref<80x128xi32, #tpu.memory_space<hbm>>) dst(%arg6 : memref<80x128xi32, #tpu.memory_space<vmem>>)
      tpu.yield
    }) : () -> ()
    "tpu.region"() ({
      %run_scoped3A = tpu.sem_alloc : memref<!tpu.dma_semaphore, #tpu.memory_space<semaphore_mem>>
      %dma_start3A = arith.constant 0 : i32
      %dma_start3A_96 = arith.constant 0 : i32
      %dma_start3A_97 = tpu.memref_slice %arg4[%arg1, %dma_start3A, %dma_start3A_96] : memref<16x160x64xi32, #tpu.memory_space<hbm>> -> memref<1x160x64xi32, #tpu.memory_space<hbm>>
      %dma_start3A_98 = tpu.memref_squeeze %dma_start3A_97 : memref<1x160x64xi32, #tpu.memory_space<hbm>> -> memref<160x64xi32, #tpu.memory_space<hbm>>
      %dma_start3A_99 = arith.constant 0 : i32
      %dma_start3A_100 = arith.constant 0 : i32
      %dma_start3A_101 = tpu.memref_slice %arg4[%arg1, %dma_start3A_99, %dma_start3A_100] : memref<16x160x64xi32, #tpu.memory_space<hbm>> -> memref<1x160x64xi32, #tpu.memory_space<hbm>>
      %dma_start3A_102 = tpu.memref_squeeze %dma_start3A_101 : memref<1x160x64xi32, #tpu.memory_space<hbm>> -> memref<160x64xi32, #tpu.memory_space<hbm>>
      tpu.enqueue_dma source(%dma_start3A_102 : memref<160x64xi32, #tpu.memory_space<hbm>>) target(%arg7 : memref<160x64xi32, #tpu.memory_space<vmem>>) target_semaphore(%run_scoped3A : memref<!tpu.dma_semaphore, #tpu.memory_space<semaphore_mem>>)
      %dma_wait3A = arith.constant 0 : i32
      %dma_wait3A_103 = arith.constant 0 : i32
      %dma_wait3A_104 = tpu.memref_slice %arg4[%arg1, %dma_wait3A, %dma_wait3A_103] : memref<16x160x64xi32, #tpu.memory_space<hbm>> -> memref<1x160x64xi32, #tpu.memory_space<hbm>>
      %dma_wait3A_105 = tpu.memref_squeeze %dma_wait3A_104 : memref<1x160x64xi32, #tpu.memory_space<hbm>> -> memref<160x64xi32, #tpu.memory_space<hbm>>
      %dma_wait3A_106 = arith.constant 0 : i32
      %dma_wait3A_107 = arith.constant 0 : i32
      %dma_wait3A_108 = tpu.memref_slice %arg4[%arg1, %dma_wait3A_106, %dma_wait3A_107] : memref<16x160x64xi32, #tpu.memory_space<hbm>> -> memref<1x160x64xi32, #tpu.memory_space<hbm>>
      %dma_wait3A_109 = tpu.memref_squeeze %dma_wait3A_108 : memref<1x160x64xi32, #tpu.memory_space<hbm>> -> memref<160x64xi32, #tpu.memory_space<hbm>>
      tpu.wait_dma2 semaphore(%run_scoped3A : memref<!tpu.dma_semaphore, #tpu.memory_space<semaphore_mem>>) src(%dma_wait3A_109 : memref<160x64xi32, #tpu.memory_space<hbm>>) dst(%arg7 : memref<160x64xi32, #tpu.memory_space<vmem>>)
      tpu.yield
    }) : () -> ()
    %scan3A_48 = arith.constant 0 : i32
    %scan3A_49 = arith.constant 0 : i32
    %scan3A_50 = arith.constant 80 : i32
    %scan3A_51 = arith.addi %scan3A_49, %scan3A_50 : i32
    %scan3A_52 = arith.constant 1 : i32
    %scan3A_53 = scf.for %scan3A_96 = %scan3A_49 to %scan3A_51 step %scan3A_52 iter_args(%scan3A_97 = %scan3A_48) -> (i32)  : i32 {
      %dma_start3A = arith.constant 0 : i32
      %dma_start3A_98 = tpu.memref_slice %arg6[%scan3A_96, %dma_start3A] : memref<80x128xi32, #tpu.memory_space<vmem>> -> memref<1x128xi32, #tpu.memory_space<vmem>>
      %dma_start3A_99 = tpu.memref_squeeze %dma_start3A_98 : memref<1x128xi32, #tpu.memory_space<vmem>> -> memref<128xi32, #tpu.memory_space<vmem>>
      %dma_start3A_100 = arith.constant 0 : i32
      %dma_start3A_101 = arith.constant 0 : i32
      %dma_start3A_102 = tpu.memref_slice %arg2[%dma_start3A_100, %dma_start3A_101] : memref<20480x128xf32, #tpu.memory_space<hbm>> -> memref<20480x128xf32, #tpu.memory_space<hbm>>
      tpu.enqueue_indirect_dma source(%dma_start3A_102 : memref<20480x128xf32, #tpu.memory_space<hbm>>) target(%arg8 : memref<128x128xf32, #tpu.memory_space<vmem>>) offsets(%dma_start3A_99 : memref<128xi32, #tpu.memory_space<vmem>>) semaphore(%arg11 : memref<!tpu.dma_semaphore, #tpu.memory_space<semaphore_mem>>)
      %dma_wait3A = arith.constant 0 : i32
      %dma_wait3A_103 = tpu.memref_slice %arg6[%scan3A_96, %dma_wait3A] : memref<80x128xi32, #tpu.memory_space<vmem>> -> memref<1x128xi32, #tpu.memory_space<vmem>>
      %dma_wait3A_104 = tpu.memref_squeeze %dma_wait3A_103 : memref<1x128xi32, #tpu.memory_space<vmem>> -> memref<128xi32, #tpu.memory_space<vmem>>
      %dma_wait3A_105 = arith.constant 0 : i32
      %dma_wait3A_106 = arith.constant 0 : i32
      %dma_wait3A_107 = tpu.memref_slice %arg2[%dma_wait3A_105, %dma_wait3A_106] : memref<20480x128xf32, #tpu.memory_space<hbm>> -> memref<20480x128xf32, #tpu.memory_space<hbm>>
      tpu.wait_indirect_dma semaphore(%arg11 : memref<!tpu.dma_semaphore, #tpu.memory_space<semaphore_mem>>) src(%dma_wait3A_107 : memref<20480x128xf32, #tpu.memory_space<hbm>>) dst(%arg8 : memref<128x128xf32, #tpu.memory_space<vmem>>)
      %mul3A_108 = arith.constant 2 : i32
      %mul3A_109 = arith.muli %mul3A_108, %scan3A_96 : i32
      %add3A_110 = arith.constant 0 : i32
      %add3A_111 = arith.addi %mul3A_109, %add3A_110 : i32
      "tpu.region"() ({
        %run_scoped3A = tpu.sem_alloc : memref<!tpu.dma_semaphore, #tpu.memory_space<semaphore_mem>>
        %dma_start3A_117 = arith.constant 0 : i32
        %dma_start3A_118 = arith.constant 0 : i32
        %dma_start3A_119 = tpu.memref_slice %arg8[%dma_start3A_117, %dma_start3A_118] : memref<128x128xf32, #tpu.memory_space<vmem>> -> memref<64x128xf32, #tpu.memory_space<vmem>>
        %dma_start3A_120 = arith.constant 0 : i32
        %dma_start3A_121 = tpu.memref_slice %arg7[%add3A_111, %dma_start3A_120] : memref<160x64xi32, #tpu.memory_space<vmem>> -> memref<1x64xi32, #tpu.memory_space<vmem>>
        %dma_start3A_122 = tpu.memref_squeeze %dma_start3A_121 : memref<1x64xi32, #tpu.memory_space<vmem>> -> memref<64xi32, #tpu.memory_space<vmem>>
        %dma_start3A_123 = arith.constant 0 : i32
        %dma_start3A_124 = arith.constant 0 : i32
        %dma_start3A_125 = tpu.memref_slice %arg10[%dma_start3A_123, %dma_start3A_124] : memref<10240x128xf32, #tpu.memory_space<vmem_shared>> -> memref<10240x128xf32, #tpu.memory_space<vmem_shared>>
        tpu.enqueue_indirect_dma source(%dma_start3A_119 : memref<64x128xf32, #tpu.memory_space<vmem>>) target(%dma_start3A_125 : memref<10240x128xf32, #tpu.memory_space<vmem_shared>>) offsets(%dma_start3A_122 : memref<64xi32, #tpu.memory_space<vmem>>) semaphore(%run_scoped3A : memref<!tpu.dma_semaphore, #tpu.memory_space<semaphore_mem>>) {add = true}
        %dma_wait3A_126 = arith.constant 0 : i32
        %dma_wait3A_127 = arith.constant 0 : i32
        %dma_wait3A_128 = tpu.memref_slice %arg8[%dma_wait3A_126, %dma_wait3A_127] : memref<128x128xf32, #tpu.memory_space<vmem>> -> memref<64x128xf32, #tpu.memory_space<vmem>>
        %dma_wait3A_129 = arith.constant 0 : i32
        %dma_wait3A_130 = tpu.memref_slice %arg7[%add3A_111, %dma_wait3A_129] : memref<160x64xi32, #tpu.memory_space<vmem>> -> memref<1x64xi32, #tpu.memory_space<vmem>>
        %dma_wait3A_131 = tpu.memref_squeeze %dma_wait3A_130 : memref<1x64xi32, #tpu.memory_space<vmem>> -> memref<64xi32, #tpu.memory_space<vmem>>
        %dma_wait3A_132 = arith.constant 0 : i32
        %dma_wait3A_133 = arith.constant 0 : i32
        %dma_wait3A_134 = tpu.memref_slice %arg10[%dma_wait3A_132, %dma_wait3A_133] : memref<10240x128xf32, #tpu.memory_space<vmem_shared>> -> memref<10240x128xf32, #tpu.memory_space<vmem_shared>>
        tpu.wait_indirect_dma semaphore(%run_scoped3A : memref<!tpu.dma_semaphore, #tpu.memory_space<semaphore_mem>>) src(%dma_wait3A_128 : memref<64x128xf32, #tpu.memory_space<vmem>>) dst(%dma_wait3A_134 : memref<10240x128xf32, #tpu.memory_space<vmem_shared>>)
        tpu.yield
      }) : () -> ()
      %mul3A_112 = arith.constant 2 : i32
      %mul3A_113 = arith.muli %mul3A_112, %scan3A_96 : i32
      %add3A_114 = arith.constant 1 : i32
      %add3A_115 = arith.addi %mul3A_113, %add3A_114 : i32
      "tpu.region"() ({
        %run_scoped3A = tpu.sem_alloc : memref<!tpu.dma_semaphore, #tpu.memory_space<semaphore_mem>>
        %dma_start3A_117 = arith.constant 64 : i32
        %dma_start3A_118 = arith.constant 0 : i32
        %dma_start3A_119 = tpu.memref_slice %arg8[%dma_start3A_117, %dma_start3A_118] : memref<128x128xf32, #tpu.memory_space<vmem>> -> memref<64x128xf32, #tpu.memory_space<vmem>>
        %dma_start3A_120 = arith.constant 0 : i32
        %dma_start3A_121 = tpu.memref_slice %arg7[%add3A_115, %dma_start3A_120] : memref<160x64xi32, #tpu.memory_space<vmem>> -> memref<1x64xi32, #tpu.memory_space<vmem>>
        %dma_start3A_122 = tpu.memref_squeeze %dma_start3A_121 : memref<1x64xi32, #tpu.memory_space<vmem>> -> memref<64xi32, #tpu.memory_space<vmem>>
        %dma_start3A_123 = arith.constant 0 : i32
        %dma_start3A_124 = arith.constant 0 : i32
        %dma_start3A_125 = tpu.memref_slice %arg10[%dma_start3A_123, %dma_start3A_124] : memref<10240x128xf32, #tpu.memory_space<vmem_shared>> -> memref<10240x128xf32, #tpu.memory_space<vmem_shared>>
        tpu.enqueue_indirect_dma source(%dma_start3A_119 : memref<64x128xf32, #tpu.memory_space<vmem>>) target(%dma_start3A_125 : memref<10240x128xf32, #tpu.memory_space<vmem_shared>>) offsets(%dma_start3A_122 : memref<64xi32, #tpu.memory_space<vmem>>) semaphore(%run_scoped3A : memref<!tpu.dma_semaphore, #tpu.memory_space<semaphore_mem>>) {add = true}
        %dma_wait3A_126 = arith.constant 64 : i32
        %dma_wait3A_127 = arith.constant 0 : i32
        %dma_wait3A_128 = tpu.memref_slice %arg8[%dma_wait3A_126, %dma_wait3A_127] : memref<128x128xf32, #tpu.memory_space<vmem>> -> memref<64x128xf32, #tpu.memory_space<vmem>>
        %dma_wait3A_129 = arith.constant 0 : i32
        %dma_wait3A_130 = tpu.memref_slice %arg7[%add3A_115, %dma_wait3A_129] : memref<160x64xi32, #tpu.memory_space<vmem>> -> memref<1x64xi32, #tpu.memory_space<vmem>>
        %dma_wait3A_131 = tpu.memref_squeeze %dma_wait3A_130 : memref<1x64xi32, #tpu.memory_space<vmem>> -> memref<64xi32, #tpu.memory_space<vmem>>
        %dma_wait3A_132 = arith.constant 0 : i32
        %dma_wait3A_133 = arith.constant 0 : i32
        %dma_wait3A_134 = tpu.memref_slice %arg10[%dma_wait3A_132, %dma_wait3A_133] : memref<10240x128xf32, #tpu.memory_space<vmem_shared>> -> memref<10240x128xf32, #tpu.memory_space<vmem_shared>>
        tpu.wait_indirect_dma semaphore(%run_scoped3A : memref<!tpu.dma_semaphore, #tpu.memory_space<semaphore_mem>>) src(%dma_wait3A_128 : memref<64x128xf32, #tpu.memory_space<vmem>>) dst(%dma_wait3A_134 : memref<10240x128xf32, #tpu.memory_space<vmem_shared>>)
        tpu.yield
      }) : () -> ()
      %scan3A_116 = arith.constant 0 : i32
      scf.yield %scan3A_116 : i32
    }
    %scan3A_54 = arith.constant 80 : i32
    %barrier3A_55 = arith.constant 0 : index
    tpu.barrier barrier_id(%barrier3A_55)
    %mul3A_56 = arith.constant 640 : i32
    %mul3A_57 = arith.muli %arg1, %mul3A_56 : i32
    %add3A_58 = arith.constant 0 : i32
    %add3A_59 = arith.addi %mul3A_57, %add3A_58 : i32
    "tpu.region"() ({
      %run_scoped3A = tpu.sem_alloc : memref<!tpu.dma_semaphore, #tpu.memory_space<semaphore_mem>>
      %dma_start3A = arith.constant 0 : i32
      %dma_start3A_96 = tpu.memref_slice %arg5[%arg0, %add3A_59, %dma_start3A] : memref<2x10240x128xf32, #tpu.memory_space<hbm>> -> memref<1x64x128xf32, #tpu.memory_space<hbm>>
      %dma_start3A_97 = tpu.memref_squeeze %dma_start3A_96 : memref<1x64x128xf32, #tpu.memory_space<hbm>> -> memref<64x128xf32, #tpu.memory_space<hbm>>
      %dma_start3A_98 = arith.constant 0 : i32
      %dma_start3A_99 = tpu.memref_slice %arg10[%add3A_59, %dma_start3A_98] : memref<10240x128xf32, #tpu.memory_space<vmem_shared>> -> memref<64x128xf32, #tpu.memory_space<vmem_shared>>
      tpu.enqueue_dma source(%dma_start3A_99 : memref<64x128xf32, #tpu.memory_space<vmem_shared>>) target(%dma_start3A_97 : memref<64x128xf32, #tpu.memory_space<hbm>>) target_semaphore(%run_scoped3A : memref<!tpu.dma_semaphore, #tpu.memory_space<semaphore_mem>>)
      %dma_wait3A = arith.constant 0 : i32
      %dma_wait3A_100 = tpu.memref_slice %arg5[%arg0, %add3A_59, %dma_wait3A] : memref<2x10240x128xf32, #tpu.memory_space<hbm>> -> memref<1x64x128xf32, #tpu.memory_space<hbm>>
      %dma_wait3A_101 = tpu.memref_squeeze %dma_wait3A_100 : memref<1x64x128xf32, #tpu.memory_space<hbm>> -> memref<64x128xf32, #tpu.memory_space<hbm>>
      %dma_wait3A_102 = arith.constant 0 : i32
      %dma_wait3A_103 = tpu.memref_slice %arg10[%add3A_59, %dma_wait3A_102] : memref<10240x128xf32, #tpu.memory_space<vmem_shared>> -> memref<64x128xf32, #tpu.memory_space<vmem_shared>>
      tpu.wait_dma2 semaphore(%run_scoped3A : memref<!tpu.dma_semaphore, #tpu.memory_space<semaphore_mem>>) src(%dma_wait3A_103 : memref<64x128xf32, #tpu.memory_space<vmem_shared>>) dst(%dma_wait3A_101 : memref<64x128xf32, #tpu.memory_space<hbm>>)
      tpu.yield
    }) : () -> ()
    %mul3A_60 = arith.constant 640 : i32
    %mul3A_61 = arith.muli %arg1, %mul3A_60 : i32
    %add3A_62 = arith.constant 64 : i32
    %add3A_63 = arith.addi %mul3A_61, %add3A_62 : i32
    "tpu.region"() ({
      %run_scoped3A = tpu.sem_alloc : memref<!tpu.dma_semaphore, #tpu.memory_space<semaphore_mem>>
      %dma_start3A = arith.constant 0 : i32
      %dma_start3A_96 = tpu.memref_slice %arg5[%arg0, %add3A_63, %dma_start3A] : memref<2x10240x128xf32, #tpu.memory_space<hbm>> -> memref<1x64x128xf32, #tpu.memory_space<hbm>>
      %dma_start3A_97 = tpu.memref_squeeze %dma_start3A_96 : memref<1x64x128xf32, #tpu.memory_space<hbm>> -> memref<64x128xf32, #tpu.memory_space<hbm>>
      %dma_start3A_98 = arith.constant 0 : i32
      %dma_start3A_99 = tpu.memref_slice %arg10[%add3A_63, %dma_start3A_98] : memref<10240x128xf32, #tpu.memory_space<vmem_shared>> -> memref<64x128xf32, #tpu.memory_space<vmem_shared>>
      tpu.enqueue_dma source(%dma_start3A_99 : memref<64x128xf32, #tpu.memory_space<vmem_shared>>) target(%dma_start3A_97 : memref<64x128xf32, #tpu.memory_space<hbm>>) target_semaphore(%run_scoped3A : memref<!tpu.dma_semaphore, #tpu.memory_space<semaphore_mem>>)
      %dma_wait3A = arith.constant 0 : i32
      %dma_wait3A_100 = tpu.memref_slice %arg5[%arg0, %add3A_63, %dma_wait3A] : memref<2x10240x128xf32, #tpu.memory_space<hbm>> -> memref<1x64x128xf32, #tpu.memory_space<hbm>>
      %dma_wait3A_101 = tpu.memref_squeeze %dma_wait3A_100 : memref<1x64x128xf32, #tpu.memory_space<hbm>> -> memref<64x128xf32, #tpu.memory_space<hbm>>
      %dma_wait3A_102 = arith.constant 0 : i32
      %dma_wait3A_103 = tpu.memref_slice %arg10[%add3A_63, %dma_wait3A_102] : memref<10240x128xf32, #tpu.memory_space<vmem_shared>> -> memref<64x128xf32, #tpu.memory_space<vmem_shared>>
      tpu.wait_dma2 semaphore(%run_scoped3A : memref<!tpu.dma_semaphore, #tpu.memory_space<semaphore_mem>>) src(%dma_wait3A_103 : memref<64x128xf32, #tpu.memory_space<vmem_shared>>) dst(%dma_wait3A_101 : memref<64x128xf32, #tpu.memory_space<hbm>>)
      tpu.yield
    }) : () -> ()
    %mul3A_64 = arith.constant 640 : i32
    %mul3A_65 = arith.muli %arg1, %mul3A_64 : i32
    %add3A_66 = arith.constant 128 : i32
    %add3A_67 = arith.addi %mul3A_65, %add3A_66 : i32
    "tpu.region"() ({
      %run_scoped3A = tpu.sem_alloc : memref<!tpu.dma_semaphore, #tpu.memory_space<semaphore_mem>>
      %dma_start3A = arith.constant 0 : i32
      %dma_start3A_96 = tpu.memref_slice %arg5[%arg0, %add3A_67, %dma_start3A] : memref<2x10240x128xf32, #tpu.memory_space<hbm>> -> memref<1x64x128xf32, #tpu.memory_space<hbm>>
      %dma_start3A_97 = tpu.memref_squeeze %dma_start3A_96 : memref<1x64x128xf32, #tpu.memory_space<hbm>> -> memref<64x128xf32, #tpu.memory_space<hbm>>
      %dma_start3A_98 = arith.constant 0 : i32
      %dma_start3A_99 = tpu.memref_slice %arg10[%add3A_67, %dma_start3A_98] : memref<10240x128xf32, #tpu.memory_space<vmem_shared>> -> memref<64x128xf32, #tpu.memory_space<vmem_shared>>
      tpu.enqueue_dma source(%dma_start3A_99 : memref<64x128xf32, #tpu.memory_space<vmem_shared>>) target(%dma_start3A_97 : memref<64x128xf32, #tpu.memory_space<hbm>>) target_semaphore(%run_scoped3A : memref<!tpu.dma_semaphore, #tpu.memory_space<semaphore_mem>>)
      %dma_wait3A = arith.constant 0 : i32
      %dma_wait3A_100 = tpu.memref_slice %arg5[%arg0, %add3A_67, %dma_wait3A] : memref<2x10240x128xf32, #tpu.memory_space<hbm>> -> memref<1x64x128xf32, #tpu.memory_space<hbm>>
      %dma_wait3A_101 = tpu.memref_squeeze %dma_wait3A_100 : memref<1x64x128xf32, #tpu.memory_space<hbm>> -> memref<64x128xf32, #tpu.memory_space<hbm>>
      %dma_wait3A_102 = arith.constant 0 : i32
      %dma_wait3A_103 = tpu.memref_slice %arg10[%add3A_67, %dma_wait3A_102] : memref<10240x128xf32, #tpu.memory_space<vmem_shared>> -> memref<64x128xf32, #tpu.memory_space<vmem_shared>>
      tpu.wait_dma2 semaphore(%run_scoped3A : memref<!tpu.dma_semaphore, #tpu.memory_space<semaphore_mem>>) src(%dma_wait3A_103 : memref<64x128xf32, #tpu.memory_space<vmem_shared>>) dst(%dma_wait3A_101 : memref<64x128xf32, #tpu.memory_space<hbm>>)
      tpu.yield
    }) : () -> ()
    %mul3A_68 = arith.constant 640 : i32
    %mul3A_69 = arith.muli %arg1, %mul3A_68 : i32
    %add3A_70 = arith.constant 192 : i32
    %add3A_71 = arith.addi %mul3A_69, %add3A_70 : i32
    "tpu.region"() ({
      %run_scoped3A = tpu.sem_alloc : memref<!tpu.dma_semaphore, #tpu.memory_space<semaphore_mem>>
      %dma_start3A = arith.constant 0 : i32
      %dma_start3A_96 = tpu.memref_slice %arg5[%arg0, %add3A_71, %dma_start3A] : memref<2x10240x128xf32, #tpu.memory_space<hbm>> -> memref<1x64x128xf32, #tpu.memory_space<hbm>>
      %dma_start3A_97 = tpu.memref_squeeze %dma_start3A_96 : memref<1x64x128xf32, #tpu.memory_space<hbm>> -> memref<64x128xf32, #tpu.memory_space<hbm>>
      %dma_start3A_98 = arith.constant 0 : i32
      %dma_start3A_99 = tpu.memref_slice %arg10[%add3A_71, %dma_start3A_98] : memref<10240x128xf32, #tpu.memory_space<vmem_shared>> -> memref<64x128xf32, #tpu.memory_space<vmem_shared>>
      tpu.enqueue_dma source(%dma_start3A_99 : memref<64x128xf32, #tpu.memory_space<vmem_shared>>) target(%dma_start3A_97 : memref<64x128xf32, #tpu.memory_space<hbm>>) target_semaphore(%run_scoped3A : memref<!tpu.dma_semaphore, #tpu.memory_space<semaphore_mem>>)
      %dma_wait3A = arith.constant 0 : i32
      %dma_wait3A_100 = tpu.memref_slice %arg5[%arg0, %add3A_71, %dma_wait3A] : memref<2x10240x128xf32, #tpu.memory_space<hbm>> -> memref<1x64x128xf32, #tpu.memory_space<hbm>>
      %dma_wait3A_101 = tpu.memref_squeeze %dma_wait3A_100 : memref<1x64x128xf32, #tpu.memory_space<hbm>> -> memref<64x128xf32, #tpu.memory_space<hbm>>
      %dma_wait3A_102 = arith.constant 0 : i32
      %dma_wait3A_103 = tpu.memref_slice %arg10[%add3A_71, %dma_wait3A_102] : memref<10240x128xf32, #tpu.memory_space<vmem_shared>> -> memref<64x128xf32, #tpu.memory_space<vmem_shared>>
      tpu.wait_dma2 semaphore(%run_scoped3A : memref<!tpu.dma_semaphore, #tpu.memory_space<semaphore_mem>>) src(%dma_wait3A_103 : memref<64x128xf32, #tpu.memory_space<vmem_shared>>) dst(%dma_wait3A_101 : memref<64x128xf32, #tpu.memory_space<hbm>>)
      tpu.yield
    }) : () -> ()
    %mul3A_72 = arith.constant 640 : i32
    %mul3A_73 = arith.muli %arg1, %mul3A_72 : i32
    %add3A_74 = arith.constant 256 : i32
    %add3A_75 = arith.addi %mul3A_73, %add3A_74 : i32
    "tpu.region"() ({
      %run_scoped3A = tpu.sem_alloc : memref<!tpu.dma_semaphore, #tpu.memory_space<semaphore_mem>>
      %dma_start3A = arith.constant 0 : i32
      %dma_start3A_96 = tpu.memref_slice %arg5[%arg0, %add3A_75, %dma_start3A] : memref<2x10240x128xf32, #tpu.memory_space<hbm>> -> memref<1x64x128xf32, #tpu.memory_space<hbm>>
      %dma_start3A_97 = tpu.memref_squeeze %dma_start3A_96 : memref<1x64x128xf32, #tpu.memory_space<hbm>> -> memref<64x128xf32, #tpu.memory_space<hbm>>
      %dma_start3A_98 = arith.constant 0 : i32
      %dma_start3A_99 = tpu.memref_slice %arg10[%add3A_75, %dma_start3A_98] : memref<10240x128xf32, #tpu.memory_space<vmem_shared>> -> memref<64x128xf32, #tpu.memory_space<vmem_shared>>
      tpu.enqueue_dma source(%dma_start3A_99 : memref<64x128xf32, #tpu.memory_space<vmem_shared>>) target(%dma_start3A_97 : memref<64x128xf32, #tpu.memory_space<hbm>>) target_semaphore(%run_scoped3A : memref<!tpu.dma_semaphore, #tpu.memory_space<semaphore_mem>>)
      %dma_wait3A = arith.constant 0 : i32
      %dma_wait3A_100 = tpu.memref_slice %arg5[%arg0, %add3A_75, %dma_wait3A] : memref<2x10240x128xf32, #tpu.memory_space<hbm>> -> memref<1x64x128xf32, #tpu.memory_space<hbm>>
      %dma_wait3A_101 = tpu.memref_squeeze %dma_wait3A_100 : memref<1x64x128xf32, #tpu.memory_space<hbm>> -> memref<64x128xf32, #tpu.memory_space<hbm>>
      %dma_wait3A_102 = arith.constant 0 : i32
      %dma_wait3A_103 = tpu.memref_slice %arg10[%add3A_75, %dma_wait3A_102] : memref<10240x128xf32, #tpu.memory_space<vmem_shared>> -> memref<64x128xf32, #tpu.memory_space<vmem_shared>>
      tpu.wait_dma2 semaphore(%run_scoped3A : memref<!tpu.dma_semaphore, #tpu.memory_space<semaphore_mem>>) src(%dma_wait3A_103 : memref<64x128xf32, #tpu.memory_space<vmem_shared>>) dst(%dma_wait3A_101 : memref<64x128xf32, #tpu.memory_space<hbm>>)
      tpu.yield
    }) : () -> ()
    %mul3A_76 = arith.constant 640 : i32
    %mul3A_77 = arith.muli %arg1, %mul3A_76 : i32
    %add3A_78 = arith.constant 320 : i32
    %add3A_79 = arith.addi %mul3A_77, %add3A_78 : i32
    "tpu.region"() ({
      %run_scoped3A = tpu.sem_alloc : memref<!tpu.dma_semaphore, #tpu.memory_space<semaphore_mem>>
      %dma_start3A = arith.constant 0 : i32
      %dma_start3A_96 = tpu.memref_slice %arg5[%arg0, %add3A_79, %dma_start3A] : memref<2x10240x128xf32, #tpu.memory_space<hbm>> -> memref<1x64x128xf32, #tpu.memory_space<hbm>>
      %dma_start3A_97 = tpu.memref_squeeze %dma_start3A_96 : memref<1x64x128xf32, #tpu.memory_space<hbm>> -> memref<64x128xf32, #tpu.memory_space<hbm>>
      %dma_start3A_98 = arith.constant 0 : i32
      %dma_start3A_99 = tpu.memref_slice %arg10[%add3A_79, %dma_start3A_98] : memref<10240x128xf32, #tpu.memory_space<vmem_shared>> -> memref<64x128xf32, #tpu.memory_space<vmem_shared>>
      tpu.enqueue_dma source(%dma_start3A_99 : memref<64x128xf32, #tpu.memory_space<vmem_shared>>) target(%dma_start3A_97 : memref<64x128xf32, #tpu.memory_space<hbm>>) target_semaphore(%run_scoped3A : memref<!tpu.dma_semaphore, #tpu.memory_space<semaphore_mem>>)
      %dma_wait3A = arith.constant 0 : i32
      %dma_wait3A_100 = tpu.memref_slice %arg5[%arg0, %add3A_79, %dma_wait3A] : memref<2x10240x128xf32, #tpu.memory_space<hbm>> -> memref<1x64x128xf32, #tpu.memory_space<hbm>>
      %dma_wait3A_101 = tpu.memref_squeeze %dma_wait3A_100 : memref<1x64x128xf32, #tpu.memory_space<hbm>> -> memref<64x128xf32, #tpu.memory_space<hbm>>
      %dma_wait3A_102 = arith.constant 0 : i32
      %dma_wait3A_103 = tpu.memref_slice %arg10[%add3A_79, %dma_wait3A_102] : memref<10240x128xf32, #tpu.memory_space<vmem_shared>> -> memref<64x128xf32, #tpu.memory_space<vmem_shared>>
      tpu.wait_dma2 semaphore(%run_scoped3A : memref<!tpu.dma_semaphore, #tpu.memory_space<semaphore_mem>>) src(%dma_wait3A_103 : memref<64x128xf32, #tpu.memory_space<vmem_shared>>) dst(%dma_wait3A_101 : memref<64x128xf32, #tpu.memory_space<hbm>>)
      tpu.yield
    }) : () -> ()
    %mul3A_80 = arith.constant 640 : i32
    %mul3A_81 = arith.muli %arg1, %mul3A_80 : i32
    %add3A_82 = arith.constant 384 : i32
    %add3A_83 = arith.addi %mul3A_81, %add3A_82 : i32
    "tpu.region"() ({
      %run_scoped3A = tpu.sem_alloc : memref<!tpu.dma_semaphore, #tpu.memory_space<semaphore_mem>>
      %dma_start3A = arith.constant 0 : i32
      %dma_start3A_96 = tpu.memref_slice %arg5[%arg0, %add3A_83, %dma_start3A] : memref<2x10240x128xf32, #tpu.memory_space<hbm>> -> memref<1x64x128xf32, #tpu.memory_space<hbm>>
      %dma_start3A_97 = tpu.memref_squeeze %dma_start3A_96 : memref<1x64x128xf32, #tpu.memory_space<hbm>> -> memref<64x128xf32, #tpu.memory_space<hbm>>
      %dma_start3A_98 = arith.constant 0 : i32
      %dma_start3A_99 = tpu.memref_slice %arg10[%add3A_83, %dma_start3A_98] : memref<10240x128xf32, #tpu.memory_space<vmem_shared>> -> memref<64x128xf32, #tpu.memory_space<vmem_shared>>
      tpu.enqueue_dma source(%dma_start3A_99 : memref<64x128xf32, #tpu.memory_space<vmem_shared>>) target(%dma_start3A_97 : memref<64x128xf32, #tpu.memory_space<hbm>>) target_semaphore(%run_scoped3A : memref<!tpu.dma_semaphore, #tpu.memory_space<semaphore_mem>>)
      %dma_wait3A = arith.constant 0 : i32
      %dma_wait3A_100 = tpu.memref_slice %arg5[%arg0, %add3A_83, %dma_wait3A] : memref<2x10240x128xf32, #tpu.memory_space<hbm>> -> memref<1x64x128xf32, #tpu.memory_space<hbm>>
      %dma_wait3A_101 = tpu.memref_squeeze %dma_wait3A_100 : memref<1x64x128xf32, #tpu.memory_space<hbm>> -> memref<64x128xf32, #tpu.memory_space<hbm>>
      %dma_wait3A_102 = arith.constant 0 : i32
      %dma_wait3A_103 = tpu.memref_slice %arg10[%add3A_83, %dma_wait3A_102] : memref<10240x128xf32, #tpu.memory_space<vmem_shared>> -> memref<64x128xf32, #tpu.memory_space<vmem_shared>>
      tpu.wait_dma2 semaphore(%run_scoped3A : memref<!tpu.dma_semaphore, #tpu.memory_space<semaphore_mem>>) src(%dma_wait3A_103 : memref<64x128xf32, #tpu.memory_space<vmem_shared>>) dst(%dma_wait3A_101 : memref<64x128xf32, #tpu.memory_space<hbm>>)
      tpu.yield
    }) : () -> ()
    %mul3A_84 = arith.constant 640 : i32
    %mul3A_85 = arith.muli %arg1, %mul3A_84 : i32
    %add3A_86 = arith.constant 448 : i32
    %add3A_87 = arith.addi %mul3A_85, %add3A_86 : i32
    "tpu.region"() ({
      %run_scoped3A = tpu.sem_alloc : memref<!tpu.dma_semaphore, #tpu.memory_space<semaphore_mem>>
      %dma_start3A = arith.constant 0 : i32
      %dma_start3A_96 = tpu.memref_slice %arg5[%arg0, %add3A_87, %dma_start3A] : memref<2x10240x128xf32, #tpu.memory_space<hbm>> -> memref<1x64x128xf32, #tpu.memory_space<hbm>>
      %dma_start3A_97 = tpu.memref_squeeze %dma_start3A_96 : memref<1x64x128xf32, #tpu.memory_space<hbm>> -> memref<64x128xf32, #tpu.memory_space<hbm>>
      %dma_start3A_98 = arith.constant 0 : i32
      %dma_start3A_99 = tpu.memref_slice %arg10[%add3A_87, %dma_start3A_98] : memref<10240x128xf32, #tpu.memory_space<vmem_shared>> -> memref<64x128xf32, #tpu.memory_space<vmem_shared>>
      tpu.enqueue_dma source(%dma_start3A_99 : memref<64x128xf32, #tpu.memory_space<vmem_shared>>) target(%dma_start3A_97 : memref<64x128xf32, #tpu.memory_space<hbm>>) target_semaphore(%run_scoped3A : memref<!tpu.dma_semaphore, #tpu.memory_space<semaphore_mem>>)
      %dma_wait3A = arith.constant 0 : i32
      %dma_wait3A_100 = tpu.memref_slice %arg5[%arg0, %add3A_87, %dma_wait3A] : memref<2x10240x128xf32, #tpu.memory_space<hbm>> -> memref<1x64x128xf32, #tpu.memory_space<hbm>>
      %dma_wait3A_101 = tpu.memref_squeeze %dma_wait3A_100 : memref<1x64x128xf32, #tpu.memory_space<hbm>> -> memref<64x128xf32, #tpu.memory_space<hbm>>
      %dma_wait3A_102 = arith.constant 0 : i32
      %dma_wait3A_103 = tpu.memref_slice %arg10[%add3A_87, %dma_wait3A_102] : memref<10240x128xf32, #tpu.memory_space<vmem_shared>> -> memref<64x128xf32, #tpu.memory_space<vmem_shared>>
      tpu.wait_dma2 semaphore(%run_scoped3A : memref<!tpu.dma_semaphore, #tpu.memory_space<semaphore_mem>>) src(%dma_wait3A_103 : memref<64x128xf32, #tpu.memory_space<vmem_shared>>) dst(%dma_wait3A_101 : memref<64x128xf32, #tpu.memory_space<hbm>>)
      tpu.yield
    }) : () -> ()
    %mul3A_88 = arith.constant 640 : i32
    %mul3A_89 = arith.muli %arg1, %mul3A_88 : i32
    %add3A_90 = arith.constant 512 : i32
    %add3A_91 = arith.addi %mul3A_89, %add3A_90 : i32
    "tpu.region"() ({
      %run_scoped3A = tpu.sem_alloc : memref<!tpu.dma_semaphore, #tpu.memory_space<semaphore_mem>>
      %dma_start3A = arith.constant 0 : i32
      %dma_start3A_96 = tpu.memref_slice %arg5[%arg0, %add3A_91, %dma_start3A] : memref<2x10240x128xf32, #tpu.memory_space<hbm>> -> memref<1x64x128xf32, #tpu.memory_space<hbm>>
      %dma_start3A_97 = tpu.memref_squeeze %dma_start3A_96 : memref<1x64x128xf32, #tpu.memory_space<hbm>> -> memref<64x128xf32, #tpu.memory_space<hbm>>
      %dma_start3A_98 = arith.constant 0 : i32
      %dma_start3A_99 = tpu.memref_slice %arg10[%add3A_91, %dma_start3A_98] : memref<10240x128xf32, #tpu.memory_space<vmem_shared>> -> memref<64x128xf32, #tpu.memory_space<vmem_shared>>
      tpu.enqueue_dma source(%dma_start3A_99 : memref<64x128xf32, #tpu.memory_space<vmem_shared>>) target(%dma_start3A_97 : memref<64x128xf32, #tpu.memory_space<hbm>>) target_semaphore(%run_scoped3A : memref<!tpu.dma_semaphore, #tpu.memory_space<semaphore_mem>>)
      %dma_wait3A = arith.constant 0 : i32
      %dma_wait3A_100 = tpu.memref_slice %arg5[%arg0, %add3A_91, %dma_wait3A] : memref<2x10240x128xf32, #tpu.memory_space<hbm>> -> memref<1x64x128xf32, #tpu.memory_space<hbm>>
      %dma_wait3A_101 = tpu.memref_squeeze %dma_wait3A_100 : memref<1x64x128xf32, #tpu.memory_space<hbm>> -> memref<64x128xf32, #tpu.memory_space<hbm>>
      %dma_wait3A_102 = arith.constant 0 : i32
      %dma_wait3A_103 = tpu.memref_slice %arg10[%add3A_91, %dma_wait3A_102] : memref<10240x128xf32, #tpu.memory_space<vmem_shared>> -> memref<64x128xf32, #tpu.memory_space<vmem_shared>>
      tpu.wait_dma2 semaphore(%run_scoped3A : memref<!tpu.dma_semaphore, #tpu.memory_space<semaphore_mem>>) src(%dma_wait3A_103 : memref<64x128xf32, #tpu.memory_space<vmem_shared>>) dst(%dma_wait3A_101 : memref<64x128xf32, #tpu.memory_space<hbm>>)
      tpu.yield
    }) : () -> ()
    %mul3A_92 = arith.constant 640 : i32
    %mul3A_93 = arith.muli %arg1, %mul3A_92 : i32
    %add3A_94 = arith.constant 576 : i32
    %add3A_95 = arith.addi %mul3A_93, %add3A_94 : i32
    "tpu.region"() ({
      %run_scoped3A = tpu.sem_alloc : memref<!tpu.dma_semaphore, #tpu.memory_space<semaphore_mem>>
      %dma_start3A = arith.constant 0 : i32
      %dma_start3A_96 = tpu.memref_slice %arg5[%arg0, %add3A_95, %dma_start3A] : memref<2x10240x128xf32, #tpu.memory_space<hbm>> -> memref<1x64x128xf32, #tpu.memory_space<hbm>>
      %dma_start3A_97 = tpu.memref_squeeze %dma_start3A_96 : memref<1x64x128xf32, #tpu.memory_space<hbm>> -> memref<64x128xf32, #tpu.memory_space<hbm>>
      %dma_start3A_98 = arith.constant 0 : i32
      %dma_start3A_99 = tpu.memref_slice %arg10[%add3A_95, %dma_start3A_98] : memref<10240x128xf32, #tpu.memory_space<vmem_shared>> -> memref<64x128xf32, #tpu.memory_space<vmem_shared>>
      tpu.enqueue_dma source(%dma_start3A_99 : memref<64x128xf32, #tpu.memory_space<vmem_shared>>) target(%dma_start3A_97 : memref<64x128xf32, #tpu.memory_space<hbm>>) target_semaphore(%run_scoped3A : memref<!tpu.dma_semaphore, #tpu.memory_space<semaphore_mem>>)
      %dma_wait3A = arith.constant 0 : i32
      %dma_wait3A_100 = tpu.memref_slice %arg5[%arg0, %add3A_95, %dma_wait3A] : memref<2x10240x128xf32, #tpu.memory_space<hbm>> -> memref<1x64x128xf32, #tpu.memory_space<hbm>>
      %dma_wait3A_101 = tpu.memref_squeeze %dma_wait3A_100 : memref<1x64x128xf32, #tpu.memory_space<hbm>> -> memref<64x128xf32, #tpu.memory_space<hbm>>
      %dma_wait3A_102 = arith.constant 0 : i32
      %dma_wait3A_103 = tpu.memref_slice %arg10[%add3A_95, %dma_wait3A_102] : memref<10240x128xf32, #tpu.memory_space<vmem_shared>> -> memref<64x128xf32, #tpu.memory_space<vmem_shared>>
      tpu.wait_dma2 semaphore(%run_scoped3A : memref<!tpu.dma_semaphore, #tpu.memory_space<semaphore_mem>>) src(%dma_wait3A_103 : memref<64x128xf32, #tpu.memory_space<vmem_shared>>) dst(%dma_wait3A_101 : memref<64x128xf32, #tpu.memory_space<hbm>>)
      tpu.yield
    }) : () -> ()
    return
  }
}

module attributes {stable_mosaic.version = 14 : i64} {
  func.func @_prep_body(%arg0: i32, %arg1: memref<1024x256xf32, #tpu.memory_space<vmem>>, %arg2: memref<256x256xf32, #tpu.memory_space<vmem>>, %arg3: memref<1x256xf32, #tpu.memory_space<vmem>>, %arg4: memref<1024x128xf32, #tpu.memory_space<vmem>>, %arg5: memref<1024x128xf32, #tpu.memory_space<vmem>>, %arg6: memref<1024x256xf32, #tpu.memory_space<vmem>>, %arg7: memref<1024x128xf32, #tpu.memory_space<vmem>>, %arg8: memref<1024x128xf32, #tpu.memory_space<vmem>>) attributes {dimension_semantics = [#tpu.dimension_semantics<arbitrary>], iteration_bounds = array<i64: 10>, scalar_prefetch = 0 : i64, scratch_operands = 0 : i64, tpu.core_type = #tpu.core_type<tc>, window_params = [{transform_indices = @transform_0, window_bounds = array<i64: 1024, 256>}, {pipeline_mode = #tpu.pipeline_mode<synchronous>, transform_indices = @transform_1, window_bounds = array<i64: 256, 256>}, {pipeline_mode = #tpu.pipeline_mode<synchronous>, transform_indices = @transform_2, window_bounds = array<i64: 1, 256>}, {transform_indices = @transform_3, window_bounds = array<i64: 1024, 128>}, {transform_indices = @transform_4, window_bounds = array<i64: 1024, 128>}, {transform_indices = @transform_5, window_bounds = array<i64: 1024, 256>}, {transform_indices = @transform_6, window_bounds = array<i64: 1024, 128>}, {transform_indices = @transform_7, window_bounds = array<i64: 1024, 128>}]} {
    %get3A = arith.constant 0 : index
    %get3A_0 = arith.constant 0 : index
    %get3A_1 = vector.load %arg1[%get3A, %get3A_0] : memref<1024x256xf32, #tpu.memory_space<vmem>>, vector<1024x256xf32>
    %get3A_2 = arith.constant 0 : index
    %get3A_3 = arith.constant 0 : index
    %get3A_4 = vector.load %arg2[%get3A_2, %get3A_3] : memref<256x256xf32, #tpu.memory_space<vmem>>, vector<256x256xf32>
    %dot_general3A = arith.constant dense<0.000000e+00> : vector<1024x256xf32>
    %dot_general3A_5 = tpu.matmul %get3A_1, %get3A_4, %dot_general3A {dimension_numbers = #tpu.dot_dimension_numbers<[1], [0], [0], [1], [0, 0, 1, 1], [], []>, transpose_lhs_hint = false} : vector<1024x256xf32>, vector<256x256xf32>, vector<1024x256xf32> -> vector<1024x256xf32>
    %get3A_6 = arith.constant 0 : index
    %get3A_7 = arith.constant 0 : index
    %get3A_8 = vector.load %arg3[%get3A_6, %get3A_7] : memref<1x256xf32, #tpu.memory_space<vmem>>, vector<1x256xf32>
    %add3A = vector.broadcast %get3A_8 : vector<1x256xf32> to vector<1024x256xf32>
    %add3A_9 = arith.addf %dot_general3A_5, %add3A : vector<1024x256xf32>
    %get3A_10 = arith.constant 0 : index
    %get3A_11 = arith.constant 0 : index
    %get3A_12 = vector.load %arg4[%get3A_10, %get3A_11] : memref<1024x128xf32, #tpu.memory_space<vmem>>, vector<1024x128xf32>
    %slice3A = vector.extract_strided_slice %get3A_12 {offsets = [0, 0], sizes = [1024, 1], strides = [1, 1]} : vector<1024x128xf32> to vector<1024x1xf32>
    %get3A_13 = arith.constant 0 : index
    %get3A_14 = arith.constant 0 : index
    %get3A_15 = vector.load %arg5[%get3A_13, %get3A_14] : memref<1024x128xf32, #tpu.memory_space<vmem>>, vector<1024x128xf32>
    %slice3A_16 = vector.extract_strided_slice %get3A_15 {offsets = [0, 0], sizes = [1024, 1], strides = [1, 1]} : vector<1024x128xf32> to vector<1024x1xf32>
    %add3A_17 = arith.addf %slice3A, %slice3A_16 : vector<1024x1xf32>
    %add3A_18 = arith.constant 1.000000e+00 : f32
    %add3A_19 = vector.broadcast %add3A_18 : f32 to vector<1024x1xf32>
    %add3A_20 = arith.addf %add3A_17, %add3A_19 : vector<1024x1xf32>
    %rsqrt3A = math.rsqrt %add3A_20 : vector<1024x1xf32>
    %swap3A = arith.constant 0 : index
    %swap3A_21 = arith.constant 0 : index
    %swap3A_22 = vector.load %arg6[%swap3A, %swap3A_21] : memref<1024x256xf32, #tpu.memory_space<vmem>>, vector<1024x256xf32>
    tpu.vector_store %arg6[%swap3A, %swap3A_21], %add3A_9 {strides = array<i32>} : memref<1024x256xf32, #tpu.memory_space<vmem>>, vector<1024x256xf32>,
    %mul3A = vector.broadcast %rsqrt3A : vector<1024x1xf32> to vector<1024x256xf32>
    %mul3A_23 = arith.mulf %mul3A, %add3A_9 : vector<1024x256xf32>
    %slice3A_24 = vector.extract_strided_slice %mul3A_23 {offsets = [0, 0], sizes = [1024, 128], strides = [1, 1]} : vector<1024x256xf32> to vector<1024x128xf32>
    %swap3A_25 = arith.constant 0 : index
    %swap3A_26 = arith.constant 0 : index
    %swap3A_27 = vector.load %arg7[%swap3A_25, %swap3A_26] : memref<1024x128xf32, #tpu.memory_space<vmem>>, vector<1024x128xf32>
    tpu.vector_store %arg7[%swap3A_25, %swap3A_26], %slice3A_24 {strides = array<i32>} : memref<1024x128xf32, #tpu.memory_space<vmem>>, vector<1024x128xf32>,
    %slice3A_28 = vector.extract_strided_slice %mul3A_23 {offsets = [0, 128], sizes = [1024, 128], strides = [1, 1]} : vector<1024x256xf32> to vector<1024x128xf32>
    %swap3A_29 = arith.constant 0 : index
    %swap3A_30 = arith.constant 0 : index
    %swap3A_31 = vector.load %arg8[%swap3A_29, %swap3A_30] : memref<1024x128xf32, #tpu.memory_space<vmem>>, vector<1024x128xf32>
    tpu.vector_store %arg8[%swap3A_29, %swap3A_30], %slice3A_28 {strides = array<i32>} : memref<1024x128xf32, #tpu.memory_space<vmem>>, vector<1024x128xf32>,
    return
  }
  func.func @transform_0(%arg0: i32) -> (i32, i32) {
    %c0_i32 = arith.constant 0 : i32
    %c0_i32_0 = arith.constant 0 : i32
    return %arg0, %c0_i32 : i32, i32
  }
  func.func @transform_1(%arg0: i32) -> (i32, i32) {
    %c0_i32 = arith.constant 0 : i32
    %c0_i32_0 = arith.constant 0 : i32
    %c0_i32_1 = arith.constant 0 : i32
    return %c0_i32, %c0_i32_0 : i32, i32
  }
  func.func @transform_2(%arg0: i32) -> (i32, i32) {
    %c0_i32 = arith.constant 0 : i32
    %c0_i32_0 = arith.constant 0 : i32
    %c0_i32_1 = arith.constant 0 : i32
    return %c0_i32, %c0_i32_0 : i32, i32
  }
  func.func @transform_3(%arg0: i32) -> (i32, i32) {
    %c0_i32 = arith.constant 0 : i32
    %c0_i32_0 = arith.constant 0 : i32
    return %arg0, %c0_i32 : i32, i32
  }
  func.func @transform_4(%arg0: i32) -> (i32, i32) {
    %c0_i32 = arith.constant 0 : i32
    %c0_i32_0 = arith.constant 0 : i32
    return %arg0, %c0_i32 : i32, i32
  }
  func.func @transform_5(%arg0: i32) -> (i32, i32) {
    %c0_i32 = arith.constant 0 : i32
    %c0_i32_0 = arith.constant 0 : i32
    return %arg0, %c0_i32 : i32, i32
  }
  func.func @transform_6(%arg0: i32) -> (i32, i32) {
    %c0_i32 = arith.constant 0 : i32
    %c0_i32_0 = arith.constant 0 : i32
    return %arg0, %c0_i32 : i32, i32
  }
  func.func @transform_7(%arg0: i32) -> (i32, i32) {
    %c0_i32 = arith.constant 0 : i32
    %c0_i32_0 = arith.constant 0 : i32
    return %arg0, %c0_i32 : i32, i32
  }
}

module attributes {stable_mosaic.version = 14 : i64} {
  func.func @_update_body(%arg0: i32, %arg1: memref<1024x128xf32, #tpu.memory_space<vmem>>, %arg2: memref<1024x128xf32, #tpu.memory_space<vmem>>, %arg3: memref<1024x256xf32, #tpu.memory_space<vmem>>, %arg4: memref<1024x256xf32, #tpu.memory_space<vmem>>, %arg5: memref<1024x128xf32, #tpu.memory_space<vmem>>, %arg6: memref<1024x128xf32, #tpu.memory_space<vmem>>, %arg7: memref<256x256xf32, #tpu.memory_space<vmem>>, %arg8: memref<1024x256xf32, #tpu.memory_space<vmem>>, %arg9: memref<1024x128xf32, #tpu.memory_space<vmem>>, %arg10: memref<1024x128xf32, #tpu.memory_space<vmem>>) attributes {dimension_semantics = [#tpu.dimension_semantics<arbitrary>], iteration_bounds = array<i64: 10>, scalar_prefetch = 0 : i64, scratch_operands = 0 : i64, tpu.core_type = #tpu.core_type<tc>, window_params = [{transform_indices = @transform_0, window_bounds = array<i64: 1024, 128>}, {transform_indices = @transform_1, window_bounds = array<i64: 1024, 128>}, {transform_indices = @transform_2, window_bounds = array<i64: 1024, 256>}, {transform_indices = @transform_3, window_bounds = array<i64: 1024, 256>}, {transform_indices = @transform_4, window_bounds = array<i64: 1024, 128>}, {transform_indices = @transform_5, window_bounds = array<i64: 1024, 128>}, {pipeline_mode = #tpu.pipeline_mode<synchronous>, transform_indices = @transform_6, window_bounds = array<i64: 256, 256>}, {transform_indices = @transform_7, window_bounds = array<i64: 1024, 256>}, {transform_indices = @transform_8, window_bounds = array<i64: 1024, 128>}, {transform_indices = @transform_9, window_bounds = array<i64: 1024, 128>}]} {
    %get3A = arith.constant 0 : index
    %get3A_0 = arith.constant 0 : index
    %get3A_1 = vector.load %arg5[%get3A, %get3A_0] : memref<1024x128xf32, #tpu.memory_space<vmem>>, vector<1024x128xf32>
    %slice3A = vector.extract_strided_slice %get3A_1 {offsets = [0, 0], sizes = [1024, 1], strides = [1, 1]} : vector<1024x128xf32> to vector<1024x1xf32>
    %get3A_2 = arith.constant 0 : index
    %get3A_3 = arith.constant 0 : index
    %get3A_4 = vector.load %arg6[%get3A_2, %get3A_3] : memref<1024x128xf32, #tpu.memory_space<vmem>>, vector<1024x128xf32>
    %slice3A_5 = vector.extract_strided_slice %get3A_4 {offsets = [0, 0], sizes = [1024, 1], strides = [1, 1]} : vector<1024x128xf32> to vector<1024x1xf32>
    %add3A = arith.addf %slice3A, %slice3A_5 : vector<1024x1xf32>
    %add3A_6 = arith.constant 1.000000e+00 : f32
    %add3A_7 = vector.broadcast %add3A_6 : f32 to vector<1024x1xf32>
    %add3A_8 = arith.addf %add3A, %add3A_7 : vector<1024x1xf32>
    %rsqrt3A = math.rsqrt %add3A_8 : vector<1024x1xf32>
    %get3A_9 = arith.constant 0 : index
    %get3A_10 = arith.constant 0 : index
    %get3A_11 = vector.load %arg4[%get3A_9, %get3A_10] : memref<1024x256xf32, #tpu.memory_space<vmem>>, vector<1024x256xf32>
    %get3A_12 = arith.constant 0 : index
    %get3A_13 = arith.constant 0 : index
    %get3A_14 = vector.load %arg1[%get3A_12, %get3A_13] : memref<1024x128xf32, #tpu.memory_space<vmem>>, vector<1024x128xf32>
    %get3A_15 = arith.constant 0 : index
    %get3A_16 = arith.constant 0 : index
    %get3A_17 = vector.load %arg2[%get3A_15, %get3A_16] : memref<1024x128xf32, #tpu.memory_space<vmem>>, vector<1024x128xf32>
    %concatenate3A = tpu.concatenate %get3A_14, %get3A_17 in 1 : vector<1024x128xf32>, vector<1024x128xf32> -> vector<1024x256xf32>
    %mul3A = vector.broadcast %rsqrt3A : vector<1024x1xf32> to vector<1024x256xf32>
    %mul3A_18 = arith.mulf %mul3A, %concatenate3A : vector<1024x256xf32>
    %mul3A_19 = arith.mulf %rsqrt3A, %rsqrt3A : vector<1024x1xf32>
    %mul3A_20 = vector.broadcast %mul3A_19 : vector<1024x1xf32> to vector<1024x256xf32>
    %mul3A_21 = arith.mulf %mul3A_20, %get3A_11 : vector<1024x256xf32>
    %add3A_22 = arith.addf %mul3A_18, %mul3A_21 : vector<1024x256xf32>
    %mul3A_23 = arith.constant 0.899999976 : f32
    %mul3A_24 = vector.broadcast %mul3A_23 : f32 to vector<1024x256xf32>
    %mul3A_25 = arith.mulf %mul3A_24, %add3A_22 : vector<1024x256xf32>
    %get3A_26 = arith.constant 0 : index
    %get3A_27 = arith.constant 0 : index
    %get3A_28 = vector.load %arg3[%get3A_26, %get3A_27] : memref<1024x256xf32, #tpu.memory_space<vmem>>, vector<1024x256xf32>
    %mul3A_29 = arith.constant 1.000000e-01 : f32
    %mul3A_30 = vector.broadcast %mul3A_29 : f32 to vector<1024x256xf32>
    %mul3A_31 = arith.mulf %mul3A_30, %get3A_28 : vector<1024x256xf32>
    %add3A_32 = arith.addf %mul3A_25, %mul3A_31 : vector<1024x256xf32>
    %mul3A_33 = arith.constant 0.594534874 : f32
    %mul3A_34 = vector.broadcast %mul3A_33 : f32 to vector<1024x256xf32>
    %mul3A_35 = arith.mulf %mul3A_34, %add3A_32 : vector<1024x256xf32>
    %get3A_36 = arith.constant 0 : index
    %get3A_37 = arith.constant 0 : index
    %get3A_38 = vector.load %arg7[%get3A_36, %get3A_37] : memref<256x256xf32, #tpu.memory_space<vmem>>, vector<256x256xf32>
    %dot_general3A = arith.constant dense<0.000000e+00> : vector<1024x256xf32>
    %dot_general3A_39 = tpu.matmul %add3A_32, %get3A_38, %dot_general3A {dimension_numbers = #tpu.dot_dimension_numbers<[1], [0], [0], [1], [0, 0, 1, 1], [], []>, transpose_lhs_hint = false} : vector<1024x256xf32>, vector<256x256xf32>, vector<1024x256xf32> -> vector<1024x256xf32>
    %mul3A_40 = arith.constant 0.405465096 : f32
    %mul3A_41 = vector.broadcast %mul3A_40 : f32 to vector<1024x256xf32>
    %mul3A_42 = arith.mulf %mul3A_41, %dot_general3A_39 : vector<1024x256xf32>
    %add3A_43 = arith.addf %mul3A_35, %mul3A_42 : vector<1024x256xf32>
    %add3A_44 = arith.addf %add3A_43, %get3A_11 : vector<1024x256xf32>
    %max3A = arith.constant 0.000000e+00 : f32
    %max3A_45 = vector.broadcast %max3A : f32 to vector<1024x256xf32>
    %max3A_46 = arith.maximumf %add3A_44, %max3A_45 : vector<1024x256xf32>
    %swap3A = arith.constant 0 : index
    %swap3A_47 = arith.constant 0 : index
    %swap3A_48 = vector.load %arg8[%swap3A, %swap3A_47] : memref<1024x256xf32, #tpu.memory_space<vmem>>, vector<1024x256xf32>
    tpu.vector_store %arg8[%swap3A, %swap3A_47], %max3A_46 {strides = array<i32>} : memref<1024x256xf32, #tpu.memory_space<vmem>>, vector<1024x256xf32>,
    %mul3A_49 = vector.broadcast %rsqrt3A : vector<1024x1xf32> to vector<1024x256xf32>
    %mul3A_50 = arith.mulf %mul3A_49, %max3A_46 : vector<1024x256xf32>
    %slice3A_51 = vector.extract_strided_slice %mul3A_50 {offsets = [0, 0], sizes = [1024, 128], strides = [1, 1]} : vector<1024x256xf32> to vector<1024x128xf32>
    %swap3A_52 = arith.constant 0 : index
    %swap3A_53 = arith.constant 0 : index
    %swap3A_54 = vector.load %arg9[%swap3A_52, %swap3A_53] : memref<1024x128xf32, #tpu.memory_space<vmem>>, vector<1024x128xf32>
    tpu.vector_store %arg9[%swap3A_52, %swap3A_53], %slice3A_51 {strides = array<i32>} : memref<1024x128xf32, #tpu.memory_space<vmem>>, vector<1024x128xf32>,
    %slice3A_55 = vector.extract_strided_slice %mul3A_50 {offsets = [0, 128], sizes = [1024, 128], strides = [1, 1]} : vector<1024x256xf32> to vector<1024x128xf32>
    %swap3A_56 = arith.constant 0 : index
    %swap3A_57 = arith.constant 0 : index
    %swap3A_58 = vector.load %arg10[%swap3A_56, %swap3A_57] : memref<1024x128xf32, #tpu.memory_space<vmem>>, vector<1024x128xf32>
    tpu.vector_store %arg10[%swap3A_56, %swap3A_57], %slice3A_55 {strides = array<i32>} : memref<1024x128xf32, #tpu.memory_space<vmem>>, vector<1024x128xf32>,
    return
  }
  func.func @transform_0(%arg0: i32) -> (i32, i32) {
    %c0_i32 = arith.constant 0 : i32
    %c0_i32_0 = arith.constant 0 : i32
    return %arg0, %c0_i32 : i32, i32
  }
  func.func @transform_1(%arg0: i32) -> (i32, i32) {
    %c0_i32 = arith.constant 0 : i32
    %c0_i32_0 = arith.constant 0 : i32
    return %arg0, %c0_i32 : i32, i32
  }
  func.func @transform_2(%arg0: i32) -> (i32, i32) {
    %c0_i32 = arith.constant 0 : i32
    %c0_i32_0 = arith.constant 0 : i32
    return %arg0, %c0_i32 : i32, i32
  }
  func.func @transform_3(%arg0: i32) -> (i32, i32) {
    %c0_i32 = arith.constant 0 : i32
    %c0_i32_0 = arith.constant 0 : i32
    return %arg0, %c0_i32 : i32, i32
  }
  func.func @transform_4(%arg0: i32) -> (i32, i32) {
    %c0_i32 = arith.constant 0 : i32
    %c0_i32_0 = arith.constant 0 : i32
    return %arg0, %c0_i32 : i32, i32
  }
  func.func @transform_5(%arg0: i32) -> (i32, i32) {
    %c0_i32 = arith.constant 0 : i32
    %c0_i32_0 = arith.constant 0 : i32
    return %arg0, %c0_i32 : i32, i32
  }
  func.func @transform_6(%arg0: i32) -> (i32, i32) {
    %c0_i32 = arith.constant 0 : i32
    %c0_i32_0 = arith.constant 0 : i32
    %c0_i32_1 = arith.constant 0 : i32
    return %c0_i32, %c0_i32_0 : i32, i32
  }
  func.func @transform_7(%arg0: i32) -> (i32, i32) {
    %c0_i32 = arith.constant 0 : i32
    %c0_i32_0 = arith.constant 0 : i32
    return %arg0, %c0_i32 : i32, i32
  }
  func.func @transform_8(%arg0: i32) -> (i32, i32) {
    %c0_i32 = arith.constant 0 : i32
    %c0_i32_0 = arith.constant 0 : i32
    return %arg0, %c0_i32 : i32, i32
  }
  func.func @transform_9(%arg0: i32) -> (i32, i32) {
    %c0_i32 = arith.constant 0 : i32
    %c0_i32_0 = arith.constant 0 : i32
    return %arg0, %c0_i32 : i32, i32
  }
}

module attributes {stable_mosaic.version = 14 : i64} {
  func.func @_update_body(%arg0: i32, %arg1: memref<1024x128xf32, #tpu.memory_space<vmem>>, %arg2: memref<1024x128xf32, #tpu.memory_space<vmem>>, %arg3: memref<1024x256xf32, #tpu.memory_space<vmem>>, %arg4: memref<1024x256xf32, #tpu.memory_space<vmem>>, %arg5: memref<1024x128xf32, #tpu.memory_space<vmem>>, %arg6: memref<1024x128xf32, #tpu.memory_space<vmem>>, %arg7: memref<256x256xf32, #tpu.memory_space<vmem>>, %arg8: memref<1024x256xf32, #tpu.memory_space<vmem>>, %arg9: memref<1024x128xf32, #tpu.memory_space<vmem>>, %arg10: memref<1024x128xf32, #tpu.memory_space<vmem>>) attributes {dimension_semantics = [#tpu.dimension_semantics<arbitrary>], iteration_bounds = array<i64: 10>, scalar_prefetch = 0 : i64, scratch_operands = 0 : i64, tpu.core_type = #tpu.core_type<tc>, window_params = [{transform_indices = @transform_0, window_bounds = array<i64: 1024, 128>}, {transform_indices = @transform_1, window_bounds = array<i64: 1024, 128>}, {transform_indices = @transform_2, window_bounds = array<i64: 1024, 256>}, {transform_indices = @transform_3, window_bounds = array<i64: 1024, 256>}, {transform_indices = @transform_4, window_bounds = array<i64: 1024, 128>}, {transform_indices = @transform_5, window_bounds = array<i64: 1024, 128>}, {pipeline_mode = #tpu.pipeline_mode<synchronous>, transform_indices = @transform_6, window_bounds = array<i64: 256, 256>}, {transform_indices = @transform_7, window_bounds = array<i64: 1024, 256>}, {transform_indices = @transform_8, window_bounds = array<i64: 1024, 128>}, {transform_indices = @transform_9, window_bounds = array<i64: 1024, 128>}]} {
    %get3A = arith.constant 0 : index
    %get3A_0 = arith.constant 0 : index
    %get3A_1 = vector.load %arg5[%get3A, %get3A_0] : memref<1024x128xf32, #tpu.memory_space<vmem>>, vector<1024x128xf32>
    %slice3A = vector.extract_strided_slice %get3A_1 {offsets = [0, 0], sizes = [1024, 1], strides = [1, 1]} : vector<1024x128xf32> to vector<1024x1xf32>
    %get3A_2 = arith.constant 0 : index
    %get3A_3 = arith.constant 0 : index
    %get3A_4 = vector.load %arg6[%get3A_2, %get3A_3] : memref<1024x128xf32, #tpu.memory_space<vmem>>, vector<1024x128xf32>
    %slice3A_5 = vector.extract_strided_slice %get3A_4 {offsets = [0, 0], sizes = [1024, 1], strides = [1, 1]} : vector<1024x128xf32> to vector<1024x1xf32>
    %add3A = arith.addf %slice3A, %slice3A_5 : vector<1024x1xf32>
    %add3A_6 = arith.constant 1.000000e+00 : f32
    %add3A_7 = vector.broadcast %add3A_6 : f32 to vector<1024x1xf32>
    %add3A_8 = arith.addf %add3A, %add3A_7 : vector<1024x1xf32>
    %rsqrt3A = math.rsqrt %add3A_8 : vector<1024x1xf32>
    %get3A_9 = arith.constant 0 : index
    %get3A_10 = arith.constant 0 : index
    %get3A_11 = vector.load %arg4[%get3A_9, %get3A_10] : memref<1024x256xf32, #tpu.memory_space<vmem>>, vector<1024x256xf32>
    %get3A_12 = arith.constant 0 : index
    %get3A_13 = arith.constant 0 : index
    %get3A_14 = vector.load %arg1[%get3A_12, %get3A_13] : memref<1024x128xf32, #tpu.memory_space<vmem>>, vector<1024x128xf32>
    %get3A_15 = arith.constant 0 : index
    %get3A_16 = arith.constant 0 : index
    %get3A_17 = vector.load %arg2[%get3A_15, %get3A_16] : memref<1024x128xf32, #tpu.memory_space<vmem>>, vector<1024x128xf32>
    %concatenate3A = tpu.concatenate %get3A_14, %get3A_17 in 1 : vector<1024x128xf32>, vector<1024x128xf32> -> vector<1024x256xf32>
    %mul3A = vector.broadcast %rsqrt3A : vector<1024x1xf32> to vector<1024x256xf32>
    %mul3A_18 = arith.mulf %mul3A, %concatenate3A : vector<1024x256xf32>
    %mul3A_19 = arith.mulf %rsqrt3A, %rsqrt3A : vector<1024x1xf32>
    %mul3A_20 = vector.broadcast %mul3A_19 : vector<1024x1xf32> to vector<1024x256xf32>
    %mul3A_21 = arith.mulf %mul3A_20, %get3A_11 : vector<1024x256xf32>
    %add3A_22 = arith.addf %mul3A_18, %mul3A_21 : vector<1024x256xf32>
    %mul3A_23 = arith.constant 0.899999976 : f32
    %mul3A_24 = vector.broadcast %mul3A_23 : f32 to vector<1024x256xf32>
    %mul3A_25 = arith.mulf %mul3A_24, %add3A_22 : vector<1024x256xf32>
    %get3A_26 = arith.constant 0 : index
    %get3A_27 = arith.constant 0 : index
    %get3A_28 = vector.load %arg3[%get3A_26, %get3A_27] : memref<1024x256xf32, #tpu.memory_space<vmem>>, vector<1024x256xf32>
    %mul3A_29 = arith.constant 1.000000e-01 : f32
    %mul3A_30 = vector.broadcast %mul3A_29 : f32 to vector<1024x256xf32>
    %mul3A_31 = arith.mulf %mul3A_30, %get3A_28 : vector<1024x256xf32>
    %add3A_32 = arith.addf %mul3A_25, %mul3A_31 : vector<1024x256xf32>
    %mul3A_33 = arith.constant 0.776856422 : f32
    %mul3A_34 = vector.broadcast %mul3A_33 : f32 to vector<1024x256xf32>
    %mul3A_35 = arith.mulf %mul3A_34, %add3A_32 : vector<1024x256xf32>
    %get3A_36 = arith.constant 0 : index
    %get3A_37 = arith.constant 0 : index
    %get3A_38 = vector.load %arg7[%get3A_36, %get3A_37] : memref<256x256xf32, #tpu.memory_space<vmem>>, vector<256x256xf32>
    %dot_general3A = arith.constant dense<0.000000e+00> : vector<1024x256xf32>
    %dot_general3A_39 = tpu.matmul %add3A_32, %get3A_38, %dot_general3A {dimension_numbers = #tpu.dot_dimension_numbers<[1], [0], [0], [1], [0, 0, 1, 1], [], []>, transpose_lhs_hint = false} : vector<1024x256xf32>, vector<256x256xf32>, vector<1024x256xf32> -> vector<1024x256xf32>
    %mul3A_40 = arith.constant 0.223143548 : f32
    %mul3A_41 = vector.broadcast %mul3A_40 : f32 to vector<1024x256xf32>
    %mul3A_42 = arith.mulf %mul3A_41, %dot_general3A_39 : vector<1024x256xf32>
    %add3A_43 = arith.addf %mul3A_35, %mul3A_42 : vector<1024x256xf32>
    %add3A_44 = arith.addf %add3A_43, %get3A_11 : vector<1024x256xf32>
    %max3A = arith.constant 0.000000e+00 : f32
    %max3A_45 = vector.broadcast %max3A : f32 to vector<1024x256xf32>
    %max3A_46 = arith.maximumf %add3A_44, %max3A_45 : vector<1024x256xf32>
    %swap3A = arith.constant 0 : index
    %swap3A_47 = arith.constant 0 : index
    %swap3A_48 = vector.load %arg8[%swap3A, %swap3A_47] : memref<1024x256xf32, #tpu.memory_space<vmem>>, vector<1024x256xf32>
    tpu.vector_store %arg8[%swap3A, %swap3A_47], %max3A_46 {strides = array<i32>} : memref<1024x256xf32, #tpu.memory_space<vmem>>, vector<1024x256xf32>,
    %mul3A_49 = vector.broadcast %rsqrt3A : vector<1024x1xf32> to vector<1024x256xf32>
    %mul3A_50 = arith.mulf %mul3A_49, %max3A_46 : vector<1024x256xf32>
    %slice3A_51 = vector.extract_strided_slice %mul3A_50 {offsets = [0, 0], sizes = [1024, 128], strides = [1, 1]} : vector<1024x256xf32> to vector<1024x128xf32>
    %swap3A_52 = arith.constant 0 : index
    %swap3A_53 = arith.constant 0 : index
    %swap3A_54 = vector.load %arg9[%swap3A_52, %swap3A_53] : memref<1024x128xf32, #tpu.memory_space<vmem>>, vector<1024x128xf32>
    tpu.vector_store %arg9[%swap3A_52, %swap3A_53], %slice3A_51 {strides = array<i32>} : memref<1024x128xf32, #tpu.memory_space<vmem>>, vector<1024x128xf32>,
    %slice3A_55 = vector.extract_strided_slice %mul3A_50 {offsets = [0, 128], sizes = [1024, 128], strides = [1, 1]} : vector<1024x256xf32> to vector<1024x128xf32>
    %swap3A_56 = arith.constant 0 : index
    %swap3A_57 = arith.constant 0 : index
    %swap3A_58 = vector.load %arg10[%swap3A_56, %swap3A_57] : memref<1024x128xf32, #tpu.memory_space<vmem>>, vector<1024x128xf32>
    tpu.vector_store %arg10[%swap3A_56, %swap3A_57], %slice3A_55 {strides = array<i32>} : memref<1024x128xf32, #tpu.memory_space<vmem>>, vector<1024x128xf32>,
    return
  }
  func.func @transform_0(%arg0: i32) -> (i32, i32) {
    %c0_i32 = arith.constant 0 : i32
    %c0_i32_0 = arith.constant 0 : i32
    return %arg0, %c0_i32 : i32, i32
  }
  func.func @transform_1(%arg0: i32) -> (i32, i32) {
    %c0_i32 = arith.constant 0 : i32
    %c0_i32_0 = arith.constant 0 : i32
    return %arg0, %c0_i32 : i32, i32
  }
  func.func @transform_2(%arg0: i32) -> (i32, i32) {
    %c0_i32 = arith.constant 0 : i32
    %c0_i32_0 = arith.constant 0 : i32
    return %arg0, %c0_i32 : i32, i32
  }
  func.func @transform_3(%arg0: i32) -> (i32, i32) {
    %c0_i32 = arith.constant 0 : i32
    %c0_i32_0 = arith.constant 0 : i32
    return %arg0, %c0_i32 : i32, i32
  }
  func.func @transform_4(%arg0: i32) -> (i32, i32) {
    %c0_i32 = arith.constant 0 : i32
    %c0_i32_0 = arith.constant 0 : i32
    return %arg0, %c0_i32 : i32, i32
  }
  func.func @transform_5(%arg0: i32) -> (i32, i32) {
    %c0_i32 = arith.constant 0 : i32
    %c0_i32_0 = arith.constant 0 : i32
    return %arg0, %c0_i32 : i32, i32
  }
  func.func @transform_6(%arg0: i32) -> (i32, i32) {
    %c0_i32 = arith.constant 0 : i32
    %c0_i32_0 = arith.constant 0 : i32
    %c0_i32_1 = arith.constant 0 : i32
    return %c0_i32, %c0_i32_0 : i32, i32
  }
  func.func @transform_7(%arg0: i32) -> (i32, i32) {
    %c0_i32 = arith.constant 0 : i32
    %c0_i32_0 = arith.constant 0 : i32
    return %arg0, %c0_i32 : i32, i32
  }
  func.func @transform_8(%arg0: i32) -> (i32, i32) {
    %c0_i32 = arith.constant 0 : i32
    %c0_i32_0 = arith.constant 0 : i32
    return %arg0, %c0_i32 : i32, i32
  }
  func.func @transform_9(%arg0: i32) -> (i32, i32) {
    %c0_i32 = arith.constant 0 : i32
    %c0_i32_0 = arith.constant 0 : i32
    return %arg0, %c0_i32 : i32, i32
  }
}

module attributes {stable_mosaic.version = 14 : i64} {
  func.func @_update_body(%arg0: i32, %arg1: memref<1024x128xf32, #tpu.memory_space<vmem>>, %arg2: memref<1024x128xf32, #tpu.memory_space<vmem>>, %arg3: memref<1024x256xf32, #tpu.memory_space<vmem>>, %arg4: memref<1024x256xf32, #tpu.memory_space<vmem>>, %arg5: memref<1024x128xf32, #tpu.memory_space<vmem>>, %arg6: memref<1024x128xf32, #tpu.memory_space<vmem>>, %arg7: memref<256x256xf32, #tpu.memory_space<vmem>>, %arg8: memref<1024x256xf32, #tpu.memory_space<vmem>>, %arg9: memref<1024x128xf32, #tpu.memory_space<vmem>>, %arg10: memref<1024x128xf32, #tpu.memory_space<vmem>>) attributes {dimension_semantics = [#tpu.dimension_semantics<arbitrary>], iteration_bounds = array<i64: 10>, scalar_prefetch = 0 : i64, scratch_operands = 0 : i64, tpu.core_type = #tpu.core_type<tc>, window_params = [{transform_indices = @transform_0, window_bounds = array<i64: 1024, 128>}, {transform_indices = @transform_1, window_bounds = array<i64: 1024, 128>}, {transform_indices = @transform_2, window_bounds = array<i64: 1024, 256>}, {transform_indices = @transform_3, window_bounds = array<i64: 1024, 256>}, {transform_indices = @transform_4, window_bounds = array<i64: 1024, 128>}, {transform_indices = @transform_5, window_bounds = array<i64: 1024, 128>}, {pipeline_mode = #tpu.pipeline_mode<synchronous>, transform_indices = @transform_6, window_bounds = array<i64: 256, 256>}, {transform_indices = @transform_7, window_bounds = array<i64: 1024, 256>}, {transform_indices = @transform_8, window_bounds = array<i64: 1024, 128>}, {transform_indices = @transform_9, window_bounds = array<i64: 1024, 128>}]} {
    %get3A = arith.constant 0 : index
    %get3A_0 = arith.constant 0 : index
    %get3A_1 = vector.load %arg5[%get3A, %get3A_0] : memref<1024x128xf32, #tpu.memory_space<vmem>>, vector<1024x128xf32>
    %slice3A = vector.extract_strided_slice %get3A_1 {offsets = [0, 0], sizes = [1024, 1], strides = [1, 1]} : vector<1024x128xf32> to vector<1024x1xf32>
    %get3A_2 = arith.constant 0 : index
    %get3A_3 = arith.constant 0 : index
    %get3A_4 = vector.load %arg6[%get3A_2, %get3A_3] : memref<1024x128xf32, #tpu.memory_space<vmem>>, vector<1024x128xf32>
    %slice3A_5 = vector.extract_strided_slice %get3A_4 {offsets = [0, 0], sizes = [1024, 1], strides = [1, 1]} : vector<1024x128xf32> to vector<1024x1xf32>
    %add3A = arith.addf %slice3A, %slice3A_5 : vector<1024x1xf32>
    %add3A_6 = arith.constant 1.000000e+00 : f32
    %add3A_7 = vector.broadcast %add3A_6 : f32 to vector<1024x1xf32>
    %add3A_8 = arith.addf %add3A, %add3A_7 : vector<1024x1xf32>
    %rsqrt3A = math.rsqrt %add3A_8 : vector<1024x1xf32>
    %get3A_9 = arith.constant 0 : index
    %get3A_10 = arith.constant 0 : index
    %get3A_11 = vector.load %arg4[%get3A_9, %get3A_10] : memref<1024x256xf32, #tpu.memory_space<vmem>>, vector<1024x256xf32>
    %get3A_12 = arith.constant 0 : index
    %get3A_13 = arith.constant 0 : index
    %get3A_14 = vector.load %arg1[%get3A_12, %get3A_13] : memref<1024x128xf32, #tpu.memory_space<vmem>>, vector<1024x128xf32>
    %get3A_15 = arith.constant 0 : index
    %get3A_16 = arith.constant 0 : index
    %get3A_17 = vector.load %arg2[%get3A_15, %get3A_16] : memref<1024x128xf32, #tpu.memory_space<vmem>>, vector<1024x128xf32>
    %concatenate3A = tpu.concatenate %get3A_14, %get3A_17 in 1 : vector<1024x128xf32>, vector<1024x128xf32> -> vector<1024x256xf32>
    %mul3A = vector.broadcast %rsqrt3A : vector<1024x1xf32> to vector<1024x256xf32>
    %mul3A_18 = arith.mulf %mul3A, %concatenate3A : vector<1024x256xf32>
    %mul3A_19 = arith.mulf %rsqrt3A, %rsqrt3A : vector<1024x1xf32>
    %mul3A_20 = vector.broadcast %mul3A_19 : vector<1024x1xf32> to vector<1024x256xf32>
    %mul3A_21 = arith.mulf %mul3A_20, %get3A_11 : vector<1024x256xf32>
    %add3A_22 = arith.addf %mul3A_18, %mul3A_21 : vector<1024x256xf32>
    %mul3A_23 = arith.constant 0.899999976 : f32
    %mul3A_24 = vector.broadcast %mul3A_23 : f32 to vector<1024x256xf32>
    %mul3A_25 = arith.mulf %mul3A_24, %add3A_22 : vector<1024x256xf32>
    %get3A_26 = arith.constant 0 : index
    %get3A_27 = arith.constant 0 : index
    %get3A_28 = vector.load %arg3[%get3A_26, %get3A_27] : memref<1024x256xf32, #tpu.memory_space<vmem>>, vector<1024x256xf32>
    %mul3A_29 = arith.constant 1.000000e-01 : f32
    %mul3A_30 = vector.broadcast %mul3A_29 : f32 to vector<1024x256xf32>
    %mul3A_31 = arith.mulf %mul3A_30, %get3A_28 : vector<1024x256xf32>
    %add3A_32 = arith.addf %mul3A_25, %mul3A_31 : vector<1024x256xf32>
    %mul3A_33 = arith.constant 0.845849335 : f32
    %mul3A_34 = vector.broadcast %mul3A_33 : f32 to vector<1024x256xf32>
    %mul3A_35 = arith.mulf %mul3A_34, %add3A_32 : vector<1024x256xf32>
    %get3A_36 = arith.constant 0 : index
    %get3A_37 = arith.constant 0 : index
    %get3A_38 = vector.load %arg7[%get3A_36, %get3A_37] : memref<256x256xf32, #tpu.memory_space<vmem>>, vector<256x256xf32>
    %dot_general3A = arith.constant dense<0.000000e+00> : vector<1024x256xf32>
    %dot_general3A_39 = tpu.matmul %add3A_32, %get3A_38, %dot_general3A {dimension_numbers = #tpu.dot_dimension_numbers<[1], [0], [0], [1], [0, 0, 1, 1], [], []>, transpose_lhs_hint = false} : vector<1024x256xf32>, vector<256x256xf32>, vector<1024x256xf32> -> vector<1024x256xf32>
    %mul3A_40 = arith.constant 0.15415068 : f32
    %mul3A_41 = vector.broadcast %mul3A_40 : f32 to vector<1024x256xf32>
    %mul3A_42 = arith.mulf %mul3A_41, %dot_general3A_39 : vector<1024x256xf32>
    %add3A_43 = arith.addf %mul3A_35, %mul3A_42 : vector<1024x256xf32>
    %add3A_44 = arith.addf %add3A_43, %get3A_11 : vector<1024x256xf32>
    %max3A = arith.constant 0.000000e+00 : f32
    %max3A_45 = vector.broadcast %max3A : f32 to vector<1024x256xf32>
    %max3A_46 = arith.maximumf %add3A_44, %max3A_45 : vector<1024x256xf32>
    %swap3A = arith.constant 0 : index
    %swap3A_47 = arith.constant 0 : index
    %swap3A_48 = vector.load %arg8[%swap3A, %swap3A_47] : memref<1024x256xf32, #tpu.memory_space<vmem>>, vector<1024x256xf32>
    tpu.vector_store %arg8[%swap3A, %swap3A_47], %max3A_46 {strides = array<i32>} : memref<1024x256xf32, #tpu.memory_space<vmem>>, vector<1024x256xf32>,
    %mul3A_49 = vector.broadcast %rsqrt3A : vector<1024x1xf32> to vector<1024x256xf32>
    %mul3A_50 = arith.mulf %mul3A_49, %max3A_46 : vector<1024x256xf32>
    %slice3A_51 = vector.extract_strided_slice %mul3A_50 {offsets = [0, 0], sizes = [1024, 128], strides = [1, 1]} : vector<1024x256xf32> to vector<1024x128xf32>
    %swap3A_52 = arith.constant 0 : index
    %swap3A_53 = arith.constant 0 : index
    %swap3A_54 = vector.load %arg9[%swap3A_52, %swap3A_53] : memref<1024x128xf32, #tpu.memory_space<vmem>>, vector<1024x128xf32>
    tpu.vector_store %arg9[%swap3A_52, %swap3A_53], %slice3A_51 {strides = array<i32>} : memref<1024x128xf32, #tpu.memory_space<vmem>>, vector<1024x128xf32>,
    %slice3A_55 = vector.extract_strided_slice %mul3A_50 {offsets = [0, 128], sizes = [1024, 128], strides = [1, 1]} : vector<1024x256xf32> to vector<1024x128xf32>
    %swap3A_56 = arith.constant 0 : index
    %swap3A_57 = arith.constant 0 : index
    %swap3A_58 = vector.load %arg10[%swap3A_56, %swap3A_57] : memref<1024x128xf32, #tpu.memory_space<vmem>>, vector<1024x128xf32>
    tpu.vector_store %arg10[%swap3A_56, %swap3A_57], %slice3A_55 {strides = array<i32>} : memref<1024x128xf32, #tpu.memory_space<vmem>>, vector<1024x128xf32>,
    return
  }
  func.func @transform_0(%arg0: i32) -> (i32, i32) {
    %c0_i32 = arith.constant 0 : i32
    %c0_i32_0 = arith.constant 0 : i32
    return %arg0, %c0_i32 : i32, i32
  }
  func.func @transform_1(%arg0: i32) -> (i32, i32) {
    %c0_i32 = arith.constant 0 : i32
    %c0_i32_0 = arith.constant 0 : i32
    return %arg0, %c0_i32 : i32, i32
  }
  func.func @transform_2(%arg0: i32) -> (i32, i32) {
    %c0_i32 = arith.constant 0 : i32
    %c0_i32_0 = arith.constant 0 : i32
    return %arg0, %c0_i32 : i32, i32
  }
  func.func @transform_3(%arg0: i32) -> (i32, i32) {
    %c0_i32 = arith.constant 0 : i32
    %c0_i32_0 = arith.constant 0 : i32
    return %arg0, %c0_i32 : i32, i32
  }
  func.func @transform_4(%arg0: i32) -> (i32, i32) {
    %c0_i32 = arith.constant 0 : i32
    %c0_i32_0 = arith.constant 0 : i32
    return %arg0, %c0_i32 : i32, i32
  }
  func.func @transform_5(%arg0: i32) -> (i32, i32) {
    %c0_i32 = arith.constant 0 : i32
    %c0_i32_0 = arith.constant 0 : i32
    return %arg0, %c0_i32 : i32, i32
  }
  func.func @transform_6(%arg0: i32) -> (i32, i32) {
    %c0_i32 = arith.constant 0 : i32
    %c0_i32_0 = arith.constant 0 : i32
    %c0_i32_1 = arith.constant 0 : i32
    return %c0_i32, %c0_i32_0 : i32, i32
  }
  func.func @transform_7(%arg0: i32) -> (i32, i32) {
    %c0_i32 = arith.constant 0 : i32
    %c0_i32_0 = arith.constant 0 : i32
    return %arg0, %c0_i32 : i32, i32
  }
  func.func @transform_8(%arg0: i32) -> (i32, i32) {
    %c0_i32 = arith.constant 0 : i32
    %c0_i32_0 = arith.constant 0 : i32
    return %arg0, %c0_i32 : i32, i32
  }
  func.func @transform_9(%arg0: i32) -> (i32, i32) {
    %c0_i32 = arith.constant 0 : i32
    %c0_i32_0 = arith.constant 0 : i32
    return %arg0, %c0_i32 : i32, i32
  }
}

module attributes {stable_mosaic.version = 14 : i64} {
  func.func @_update_body(%arg0: i32, %arg1: memref<1024x128xf32, #tpu.memory_space<vmem>>, %arg2: memref<1024x128xf32, #tpu.memory_space<vmem>>, %arg3: memref<1024x256xf32, #tpu.memory_space<vmem>>, %arg4: memref<1024x256xf32, #tpu.memory_space<vmem>>, %arg5: memref<1024x128xf32, #tpu.memory_space<vmem>>, %arg6: memref<1024x128xf32, #tpu.memory_space<vmem>>, %arg7: memref<256x256xf32, #tpu.memory_space<vmem>>, %arg8: memref<1024x256xf32, #tpu.memory_space<vmem>>, %arg9: memref<1024x128xf32, #tpu.memory_space<vmem>>, %arg10: memref<1024x128xf32, #tpu.memory_space<vmem>>) attributes {dimension_semantics = [#tpu.dimension_semantics<arbitrary>], iteration_bounds = array<i64: 10>, scalar_prefetch = 0 : i64, scratch_operands = 0 : i64, tpu.core_type = #tpu.core_type<tc>, window_params = [{transform_indices = @transform_0, window_bounds = array<i64: 1024, 128>}, {transform_indices = @transform_1, window_bounds = array<i64: 1024, 128>}, {transform_indices = @transform_2, window_bounds = array<i64: 1024, 256>}, {transform_indices = @transform_3, window_bounds = array<i64: 1024, 256>}, {transform_indices = @transform_4, window_bounds = array<i64: 1024, 128>}, {transform_indices = @transform_5, window_bounds = array<i64: 1024, 128>}, {pipeline_mode = #tpu.pipeline_mode<synchronous>, transform_indices = @transform_6, window_bounds = array<i64: 256, 256>}, {transform_indices = @transform_7, window_bounds = array<i64: 1024, 256>}, {transform_indices = @transform_8, window_bounds = array<i64: 1024, 128>}, {transform_indices = @transform_9, window_bounds = array<i64: 1024, 128>}]} {
    %get3A = arith.constant 0 : index
    %get3A_0 = arith.constant 0 : index
    %get3A_1 = vector.load %arg5[%get3A, %get3A_0] : memref<1024x128xf32, #tpu.memory_space<vmem>>, vector<1024x128xf32>
    %slice3A = vector.extract_strided_slice %get3A_1 {offsets = [0, 0], sizes = [1024, 1], strides = [1, 1]} : vector<1024x128xf32> to vector<1024x1xf32>
    %get3A_2 = arith.constant 0 : index
    %get3A_3 = arith.constant 0 : index
    %get3A_4 = vector.load %arg6[%get3A_2, %get3A_3] : memref<1024x128xf32, #tpu.memory_space<vmem>>, vector<1024x128xf32>
    %slice3A_5 = vector.extract_strided_slice %get3A_4 {offsets = [0, 0], sizes = [1024, 1], strides = [1, 1]} : vector<1024x128xf32> to vector<1024x1xf32>
    %add3A = arith.addf %slice3A, %slice3A_5 : vector<1024x1xf32>
    %add3A_6 = arith.constant 1.000000e+00 : f32
    %add3A_7 = vector.broadcast %add3A_6 : f32 to vector<1024x1xf32>
    %add3A_8 = arith.addf %add3A, %add3A_7 : vector<1024x1xf32>
    %rsqrt3A = math.rsqrt %add3A_8 : vector<1024x1xf32>
    %get3A_9 = arith.constant 0 : index
    %get3A_10 = arith.constant 0 : index
    %get3A_11 = vector.load %arg4[%get3A_9, %get3A_10] : memref<1024x256xf32, #tpu.memory_space<vmem>>, vector<1024x256xf32>
    %get3A_12 = arith.constant 0 : index
    %get3A_13 = arith.constant 0 : index
    %get3A_14 = vector.load %arg1[%get3A_12, %get3A_13] : memref<1024x128xf32, #tpu.memory_space<vmem>>, vector<1024x128xf32>
    %get3A_15 = arith.constant 0 : index
    %get3A_16 = arith.constant 0 : index
    %get3A_17 = vector.load %arg2[%get3A_15, %get3A_16] : memref<1024x128xf32, #tpu.memory_space<vmem>>, vector<1024x128xf32>
    %concatenate3A = tpu.concatenate %get3A_14, %get3A_17 in 1 : vector<1024x128xf32>, vector<1024x128xf32> -> vector<1024x256xf32>
    %mul3A = vector.broadcast %rsqrt3A : vector<1024x1xf32> to vector<1024x256xf32>
    %mul3A_18 = arith.mulf %mul3A, %concatenate3A : vector<1024x256xf32>
    %mul3A_19 = arith.mulf %rsqrt3A, %rsqrt3A : vector<1024x1xf32>
    %mul3A_20 = vector.broadcast %mul3A_19 : vector<1024x1xf32> to vector<1024x256xf32>
    %mul3A_21 = arith.mulf %mul3A_20, %get3A_11 : vector<1024x256xf32>
    %add3A_22 = arith.addf %mul3A_18, %mul3A_21 : vector<1024x256xf32>
    %mul3A_23 = arith.constant 0.899999976 : f32
    %mul3A_24 = vector.broadcast %mul3A_23 : f32 to vector<1024x256xf32>
    %mul3A_25 = arith.mulf %mul3A_24, %add3A_22 : vector<1024x256xf32>
    %get3A_26 = arith.constant 0 : index
    %get3A_27 = arith.constant 0 : index
    %get3A_28 = vector.load %arg3[%get3A_26, %get3A_27] : memref<1024x256xf32, #tpu.memory_space<vmem>>, vector<1024x256xf32>
    %mul3A_29 = arith.constant 1.000000e-01 : f32
    %mul3A_30 = vector.broadcast %mul3A_29 : f32 to vector<1024x256xf32>
    %mul3A_31 = arith.mulf %mul3A_30, %get3A_28 : vector<1024x256xf32>
    %add3A_32 = arith.addf %mul3A_25, %mul3A_31 : vector<1024x256xf32>
    %mul3A_33 = arith.constant 0.882216989 : f32
    %mul3A_34 = vector.broadcast %mul3A_33 : f32 to vector<1024x256xf32>
    %mul3A_35 = arith.mulf %mul3A_34, %add3A_32 : vector<1024x256xf32>
    %get3A_36 = arith.constant 0 : index
    %get3A_37 = arith.constant 0 : index
    %get3A_38 = vector.load %arg7[%get3A_36, %get3A_37] : memref<256x256xf32, #tpu.memory_space<vmem>>, vector<256x256xf32>
    %dot_general3A = arith.constant dense<0.000000e+00> : vector<1024x256xf32>
    %dot_general3A_39 = tpu.matmul %add3A_32, %get3A_38, %dot_general3A {dimension_numbers = #tpu.dot_dimension_numbers<[1], [0], [0], [1], [0, 0, 1, 1], [], []>, transpose_lhs_hint = false} : vector<1024x256xf32>, vector<256x256xf32>, vector<1024x256xf32> -> vector<1024x256xf32>
    %mul3A_40 = arith.constant 0.117783032 : f32
    %mul3A_41 = vector.broadcast %mul3A_40 : f32 to vector<1024x256xf32>
    %mul3A_42 = arith.mulf %mul3A_41, %dot_general3A_39 : vector<1024x256xf32>
    %add3A_43 = arith.addf %mul3A_35, %mul3A_42 : vector<1024x256xf32>
    %add3A_44 = arith.addf %add3A_43, %get3A_11 : vector<1024x256xf32>
    %swap3A = arith.constant 0 : index
    %swap3A_45 = arith.constant 0 : index
    %swap3A_46 = vector.load %arg8[%swap3A, %swap3A_45] : memref<1024x256xf32, #tpu.memory_space<vmem>>, vector<1024x256xf32>
    tpu.vector_store %arg8[%swap3A, %swap3A_45], %add3A_44 {strides = array<i32>} : memref<1024x256xf32, #tpu.memory_space<vmem>>, vector<1024x256xf32>,
    %mul3A_47 = vector.broadcast %rsqrt3A : vector<1024x1xf32> to vector<1024x256xf32>
    %mul3A_48 = arith.mulf %mul3A_47, %add3A_44 : vector<1024x256xf32>
    %slice3A_49 = vector.extract_strided_slice %mul3A_48 {offsets = [0, 0], sizes = [1024, 128], strides = [1, 1]} : vector<1024x256xf32> to vector<1024x128xf32>
    %swap3A_50 = arith.constant 0 : index
    %swap3A_51 = arith.constant 0 : index
    %swap3A_52 = vector.load %arg9[%swap3A_50, %swap3A_51] : memref<1024x128xf32, #tpu.memory_space<vmem>>, vector<1024x128xf32>
    tpu.vector_store %arg9[%swap3A_50, %swap3A_51], %slice3A_49 {strides = array<i32>} : memref<1024x128xf32, #tpu.memory_space<vmem>>, vector<1024x128xf32>,
    %slice3A_53 = vector.extract_strided_slice %mul3A_48 {offsets = [0, 128], sizes = [1024, 128], strides = [1, 1]} : vector<1024x256xf32> to vector<1024x128xf32>
    %swap3A_54 = arith.constant 0 : index
    %swap3A_55 = arith.constant 0 : index
    %swap3A_56 = vector.load %arg10[%swap3A_54, %swap3A_55] : memref<1024x128xf32, #tpu.memory_space<vmem>>, vector<1024x128xf32>
    tpu.vector_store %arg10[%swap3A_54, %swap3A_55], %slice3A_53 {strides = array<i32>} : memref<1024x128xf32, #tpu.memory_space<vmem>>, vector<1024x128xf32>,
    return
  }
  func.func @transform_0(%arg0: i32) -> (i32, i32) {
    %c0_i32 = arith.constant 0 : i32
    %c0_i32_0 = arith.constant 0 : i32
    return %arg0, %c0_i32 : i32, i32
  }
  func.func @transform_1(%arg0: i32) -> (i32, i32) {
    %c0_i32 = arith.constant 0 : i32
    %c0_i32_0 = arith.constant 0 : i32
    return %arg0, %c0_i32 : i32, i32
  }
  func.func @transform_2(%arg0: i32) -> (i32, i32) {
    %c0_i32 = arith.constant 0 : i32
    %c0_i32_0 = arith.constant 0 : i32
    return %arg0, %c0_i32 : i32, i32
  }
  func.func @transform_3(%arg0: i32) -> (i32, i32) {
    %c0_i32 = arith.constant 0 : i32
    %c0_i32_0 = arith.constant 0 : i32
    return %arg0, %c0_i32 : i32, i32
  }
  func.func @transform_4(%arg0: i32) -> (i32, i32) {
    %c0_i32 = arith.constant 0 : i32
    %c0_i32_0 = arith.constant 0 : i32
    return %arg0, %c0_i32 : i32, i32
  }
  func.func @transform_5(%arg0: i32) -> (i32, i32) {
    %c0_i32 = arith.constant 0 : i32
    %c0_i32_0 = arith.constant 0 : i32
    return %arg0, %c0_i32 : i32, i32
  }
  func.func @transform_6(%arg0: i32) -> (i32, i32) {
    %c0_i32 = arith.constant 0 : i32
    %c0_i32_0 = arith.constant 0 : i32
    %c0_i32_1 = arith.constant 0 : i32
    return %c0_i32, %c0_i32_0 : i32, i32
  }
  func.func @transform_7(%arg0: i32) -> (i32, i32) {
    %c0_i32 = arith.constant 0 : i32
    %c0_i32_0 = arith.constant 0 : i32
    return %arg0, %c0_i32 : i32, i32
  }
  func.func @transform_8(%arg0: i32) -> (i32, i32) {
    %c0_i32 = arith.constant 0 : i32
    %c0_i32_0 = arith.constant 0 : i32
    return %arg0, %c0_i32 : i32, i32
  }
  func.func @transform_9(%arg0: i32) -> (i32, i32) {
    %c0_i32 = arith.constant 0 : i32
    %c0_i32_0 = arith.constant 0 : i32
    return %arg0, %c0_i32 : i32, i32
  }
}

</mosaic_0001>

<sc_bundles>
// kernel: kernel.12.cloned.1.call-start
scs
__scs_entry_jumppad:
0x0: {  	(pc) =	sbr.rel $0x88, $3  }
0x1: {  	(tag) =	ssettag $0x0;
	lr =	simm.s32 $0x1  }
0x2: {  	[smem:$0x3F9C] =	sst lr;
	_ =	strace $0xD0000000  }
0x3: {  	_ = 	snop  }
0x4: {  	_ = 	snop  }
0x5: {  	_ = 	snop  }
0x6: {  	_ = 	snop  }
0x7: {  	_ = 	snop  }
__scs_overlays_trampoline_lowered:
0x8: {  	[smem:$0x3FAB] =	sst s0  }
0x9: {  	[smem:$0x3FAC] =	sst s1  }
0xa: {  	[smem:$0x3FAD] =	sst s2  }
0xb: {  	[smem:$0x3FAE] =	sst s3  }
0xc: {  	[smem:$0x3FAF] =	sst s4  }
0xd: {  	[smem:$0x3FB0] =	sst s5  }
0xe: {  	[smem:$0x3FB1] =	sst s6  }
0xf: {  	[smem:$0x3FB2] =	sst s7  }
0x10: {  	[smem:$0x3FB3] =	sst s8  }
0x11: {  	[smem:$0x3FB4] =	sst s9;
	s0 =	simm.s32 @!p0 $0x0  }
0x12: {  	s1 =	sld [smem:$0x3F9A];
	s0 =	simm.s32 @p0 $0x1  }
0x13: {  	[smem:$0x3FB5] =	sst s0;
	s0 =	simm.s32 @!p1 $0x0  }
0x14: {  	s2 =	sld [smem:$0x3F99];
	s0 =	simm.s32 @p1 $0x1  }
0x15: {  	[smem:$0x3FB6] =	sst s0;
	s0 =	simm.s32 @!p2 $0x0  }
0x16: {  	s3 =	sld [smem:$0x3FDB];
	s0 =	simm.s32 @p2 $0x1  }
0x17: {  	s4 =	simm.s32 $0x1BF5;
	[smem:$0x3FB8] =	sst s0  }
0x18: {  	s0 =	sld [smem:$0x3F9B];
	_ =	swait.ge [sflag:s4], $0x0  }
0x19: {  	s7 =	sld [smem:$0x3F9C]  }
0x1a: {  	s8 =	sadd.s32 $0xFFFFE003, lr  }
0x1b: {  	s9 =	sadd.s32 $0xFFFFFEF7, lr;
	s5 =	simm.s32 $0xFFFFFFFF;
	p2 =	slt.u32 s8, $0xFFFFF086  }
0x1c: {  	p1 =	slt.u32 s9, $0xF7A;
	s5 =	simm.s32 @!p2 $0x0  }
0x1d: {  	s5 =	simm.s32 @p1 $0x1;
	p0 =	seq.s32 s7, s2  }
0x1e: {  	s7 =	smul.u32 @!p0 $0xF7A, s2;
	p2 =	seq.s32 @!p0 s5, $0x0  }
0x1f: {  	s9 =	smul.u32 $0xF7A, s1;
	s8 =	simm.s32 @!p0 $0x1BF5;
	p2 =	por !p2, p0  }
0x20: {  	[sflag:s8] =	ssyncset.s32 @!p0 $0xFFFFF086;
	s6 =	sadd.s32 @!p0 s3, s7;
	s7 =	simm.s32 @!p0 $0x108  }
0x21: {  	s3 =	sadd.s32 s3, s9;
	s6 =	sadd.s32 @!p0 $0x88, s6;
	s7 =	simm.s32 @p2 $0x1082  }
0x22: {  	[simem:s7], [sflag:s8] =	dma.local @!p0 [hbm:s6], $0xF7A  }
0x23: {  	s9 =	sor.u32 $0xD0000000, s2;
	s6 =	simm.s32 $0x108;
	_ =	swait.ge @!p0 [sflag:s8], $0x0  }
0x24: {  	s3 =	sadd.s32 $0x88, s3;
	s6 =	simm.s32 @!p1 $0x1082;
	[sflag:s4] =	ssyncset.s32 $0xFFFFF086  }
0x25: {  	[simem:s6], [sflag:s4] =	dma.local [hbm:s3], $0xF7A  }
0x26: {  	[smem:$0x3F9C] =	sst s1;
	(tag) =	ssettag s2;
	_ =	strace s9  }
0x27: {  	s1 =	sld [smem:$0x3FAC]  }
0x28: {  	s2 =	sld [smem:$0x3FAD]  }
0x29: {  	s4 =	sld [smem:$0x3FAF]  }
0x2a: {  	p0 =	seq.s32 s5, $0x0;
	s5 =	sld [smem:$0x3FB0]  }
0x2b: {  	s6 =	sld [smem:$0x3FB1]  }
0x2c: {  	s7 =	sld [smem:$0x3FB2]  }
0x2d: {  	s3 =	simm.s32 $0x108;
	s8 =	sld [smem:$0x3FB3]  }
0x2e: {  	s3 =	simm.s32 @!p0 $0x1082;
	s9 =	sld [smem:$0x3FB4]  }
0x2f: {  	lr =	sadd.s32 s0, s3;
	s0 =	sld [smem:$0x3FAB]  }
0x30: {  	s3 =	sld [smem:$0x3FAE]  }
0x31: {  	[smem:$0x3FB7] =	sst s10  }
0x32: {  	s10 =	sld [smem:$0x3FB5];
	_ =	sdelay $0x3  }
0x33: {  	p0 =	seq.s32 s10, $0x1;
	s10 =	sld [smem:$0x3FB7];
	_ =	sdelay $0x3  }
0x34: {  	[smem:$0x3FB7] =	sst s10  }
0x35: {  	s10 =	sld [smem:$0x3FB6];
	_ =	sdelay $0x3  }
0x36: {  	p1 =	seq.s32 s10, $0x1;
	s10 =	sld [smem:$0x3FB7];
	_ =	sdelay $0x3  }
0x37: {  	[smem:$0x3FB7] =	sst s10  }
0x38: {  	s10 =	sld [smem:$0x3FB8]  }
0x39: {  	_ = 	snop;
	(pc) =	sbr.ind lr, $3  }
0x3a: {  	_ = 	snop  }
0x3b: {  	_ = 	snop  }
0x3c: {  	p2 =	seq.s32 s10, $0x1;
	s10 =	sld [smem:$0x3FB7]  }
0x3d: {  	_ =	shalt  }
0x3e: {  	_ =	shalt  }
0x3f: {  	_ =	shalt  }
0x40: {  	_ =	shalt  }
0x41: {  	_ =	shalt  }
0x42: {  	_ =	shalt  }
0x43: {  	_ =	shalt  }
0x44: {  	_ =	shalt  }
0x45: {  	_ =	shalt  }
0x46: {  	_ =	shalt  }
0x47: {  	_ =	shalt  }
0x48: {  	_ =	shalt  }
0x49: {  	_ =	shalt  }
0x4a: {  	_ =	shalt  }
0x4b: {  	_ =	shalt  }
0x4c: {  	_ =	shalt  }
0x4d: {  	_ =	shalt  }
0x4e: {  	_ =	shalt  }
0x4f: {  	_ =	shalt  }
0x50: {  	_ =	shalt  }
0x51: {  	_ =	shalt  }
0x52: {  	_ =	shalt  }
0x53: {  	_ =	shalt  }
0x54: {  	_ =	shalt  }
0x55: {  	_ =	shalt  }
0x56: {  	_ =	shalt  }
0x57: {  	_ =	shalt  }
0x58: {  	_ =	shalt  }
0x59: {  	_ =	shalt  }
0x5a: {  	_ =	shalt  }
0x5b: {  	_ =	shalt  }
0x5c: {  	_ =	shalt  }
0x5d: {  	_ =	shalt  }
0x5e: {  	_ =	shalt  }
0x5f: {  	_ =	shalt  }
0x60: {  	_ =	shalt  }
0x61: {  	_ =	shalt  }
0x62: {  	_ =	shalt  }
0x63: {  	_ =	shalt  }
0x64: {  	_ =	shalt  }
0x65: {  	_ =	shalt  }
0x66: {  	_ =	shalt  }
0x67: {  	_ =	shalt  }
0x68: {  	_ =	shalt  }
0x69: {  	_ =	shalt  }
0x6a: {  	_ =	shalt  }
0x6b: {  	_ =	shalt  }
0x6c: {  	_ =	shalt  }
0x6d: {  	_ =	shalt  }
0x6e: {  	_ =	shalt  }
0x6f: {  	_ =	shalt  }
0x70: {  	_ =	shalt  }
0x71: {  	_ =	shalt  }
0x72: {  	_ =	shalt  }
0x73: {  	_ =	shalt  }
0x74: {  	_ =	shalt  }
0x75: {  	_ =	shalt  }
0x76: {  	_ =	shalt  }
0x77: {  	_ =	shalt  }
0x78: {  	_ =	shalt  }
0x79: {  	_ =	shalt  }
0x7a: {  	_ =	shalt  }
0x7b: {  	_ =	shalt  }
0x7c: {  	_ =	shalt  }
0x7d: {  	_ =	shalt  }
0x7e: {  	_ =	shalt  }
0x7f: {  	_ =	shalt  }
0x80: {  	_ =	shalt  }
0x81: {  	_ =	shalt  }
0x82: {  	_ =	shalt  }
0x83: {  	_ =	shalt  }
0x84: {  	_ =	shalt  }
0x85: {  	_ =	shalt  }
0x86: {  	_ =	shalt  }
0x87: {  	_ =	shalt  }
.Lfunc_end0:
.L_simem_size_0:
called_computation_lowered:
.L_overlay_start_0:
0x88: {  	s2 =	sld [smem:$0x3FD9]  }
0x89: {  	s3 =	sld [smem:$0x3FFE];
	_ =	sdelay $0x1  }
0x8a: {  	s1 =	srdreg.scid  }
0x8b: {  	s0 =	sand.u32 $0x1, s1  }
0x8c: {  	s17 =	sshll.u32 s0, $0xA;
	s2 =	sadd.s32 s3, s2  }
0x8d: {  	s2 =	sadd.s32 s2, s17  }
0x8e: {  	[smem:$0x3FC3] =	sst s2  }
0x8f: {  	_ = 	snop  }
0x90: {  	s2 =	sld [smem:$0x3FD0];
	(tm) =	ssettm $0x1  }
0x91: {  	s18 =	sld [smem:$0x3FFB];
	_ =	sdelay $0x3  }
0x92: {  	_ =	strace s18  }
0x93: {  	s3 =	sld [smem:$0x3FFC];
	_ =	sdelay $0x3  }
0x94: {  	_ =	strace s3  }
0x95: {  	s3 =	sld [smem:$0x3FFD];
	_ =	sdelay $0x3  }
0x96: {  	_ =	strace s3  }
0x97: {  	_ =	strace $0x8FFFFFFF  }
0x98: {  	s19 =	sld [smem:$0x3FDB];
	_ =	sdelay $0x1  }
0x99: {  	s4 =	simm.s32 $_scs_section_size  }
0x9a: {  	s5 =	simm.s32 $_size__tile_overlayer_lowered;
	s6 =	simm.s32 $_tile_overlayer_lowered  }
0x9b: {  	s22 =	simm.s32 $0x1BFF;
	s21 =	sshll.u32 s6, $0x1;
	s3 =	sadd.s32 s4, s19  }
0x9c: {  	s7 =	simm.s32 $0x0;
	s20 =	sshll.u32 s5, $0x1;
	s5 =	sadd.s32 s21, s3  }
0x9d: {  	[timem:s7], [sflag:s22] =	dma.local [hbm:s5], s20  }
0x9e: {  	_ =	swait.ge [sflag:s22], s20  }
0x9f: {  	s4 =	ssub.s32 $0x0, s20;
	[sflag:s22] =	ssyncset.done $0x0  }
0xa0: {  	[sflag:s22] =	ssyncadd.s32 s4;
	_ =	sdelay $0x1  }
0xa1: {  	s23 =	simm.s32 $0x1B8B  }
0xa2: {  	_ =	swait.ge [sflag:s23], $0x1  }
0xa3: {  	[sflag:s23] =	ssyncset.done $0x0  }
0xa4: {  	s25 =	simm.s32 $0x1B8E;
	s24 =	sld [smem:$0x3FFE];
	[sflag:s23] =	ssyncadd.s32 $0xFFFFFFFF  }
0xa5: {  	s26 =	simm.s32 $execute0_lowered;
	[smem:$0x3FD2] =	sst s25  }
0xa6: {  	s5 =	sshll.u32 s26, $0x1;
	_ =	strace $0x80000046;
	[dreg:$0x1] =	wrdreg $0xFFFFFFFF  }
0xa7: {  	s28 =	simm.s32 $_size_execute0_lowered;
	s3 =	sadd.s32 s3, s5;
	[dreg:$0x0] =	wrdreg $0x0  }
0xa8: {  	s5 =	sshll.u32 s28, $0x1;
	[dreg:$0x2] =	wrdreg s3  }
0xa9: {  	[dreg:$0x3] =	wrdreg s5  }
0xaa: {  	[dreg:$0x4] =	wrdreg $0xC0  }
0xab: {  	_ =	task [dreg:s7], $0x5FFFF  }
0xac: {  	[dreg:$0x1] =	wrdreg $0xFFFFFFFF  }
0xad: {  	[dreg:$0x0] =	wrdreg $0x60  }
0xae: {  	[dreg:$0x2] =	wrdreg s2  }
0xaf: {  	[dreg:$0x3] =	wrdreg s24  }
0xb0: {  	[dreg:$0x4] =	wrdreg $0x48000  }
0xb1: {  	[dreg:$0x5] =	wrdreg $0x9  }
0xb2: {  	_ =	task.clear_ibuf [dreg:s7], $0x6FFFF;
	_ =	strace $0x90000046  }
0xb3: {  	s29 =	simm.s32 $0x9;
	_ =	strace $0x80000048  }
0xb4: {  	_ =	swait.ge [sflag:s29], $0x1  }
0xb5: {  	[sflag:s29] =	ssyncadd.s32 $0xFFFFFFFF  }
0xb6: {  	_ =	strace $0x90000048  }
0xb7: {  	_ =	sfence  }
0xb8: {  	s30 =	sld [smem:$0x0];
	_ =	sdelay $0x2  }
0xb9: {  	s31 =	sshll.u32 s1, $0xD;
	s1 =	sshrl.u32 s1, $0x2  }
0xba: {  	s3 =	sand.u32 $0x4000, s31;
	s1 =	sadd.s32 s1, s30  }
0xbb: {  	s0 =	sor.u32 s3, s0;
	s1 =	sshll.u32 s1, $0x11  }
0xbc: {  	s0 =	sor.u32 s1, s0  }
0xbd: {  	s0 =	sadd.s32 $0x8F2B, s0  }
0xbe: {  	[sflag:s0] =	ssyncadd.remote.s32 $0x1  }
0xbf: {  	_ =	sfence.sel $0xFFFF  }
0xc0: {  	[dreg:$0x0] =	wrdreg $0xFFFFFFFF;
	(pc) =	sbr.abs _section_cstart, $3  }
0xc1: {  	[dreg:$0x1] =	wrdreg $0xFFFFFFFF  }
0xc2: {  	_ =	task.clear_ibuf [dreg:s7], $0x2FFFF;
	_ =	strace $0x9FFFFFFF  }
0xc3: {  	(tm) =	ssettm $0x7FFFFFFF  }
tec
execute0_lowered:
.L_overlay_start_1:
0x0: {  	(tag) =	ssettag $0x1  }
0x1: {  	s3 =	rddreg [dreg:$0x0]  }
0x2: {  	s2 =	rddreg [dreg:$0x1]  }
0x3: {  	s1 =	rddreg [dreg:$0x2]  }
0x4: {  	s4 =	srdreg.scid;
	s0 =	rddreg [dreg:$0x3];
	s28 =	simm.s32 $0x1  }
0x5: {  	s4 =	sand.u32 $0x1, s4;
	s14 =	sadd.s32 $0x3800, s2;
	s2 =	stileid.u32  }
0x6: {  	s29 =	simm.s32 $0x40;
	s5 =	ssub.s32 $0x2, s4;
	s8 =	smul.u32 $0x14000, s2  }
0x7: {  	s7 =	sshll.u32 s4, $0x4;
	s15 =	smul.u32 $0x50000, s2;
	s6 =	sshrl.u32 s5, $0x1  }
0x8: {  	s12 =	smul.u32 $0x140000, s4;
	s7 =	sor.u32 s2, s7;
	s25 =	ssub.s32 s5, s6  }
0x9: {  	s16 =	sor.u32 $0x2000, s8;
	s17 =	sadd.s32 $0x4000, s8;
	s18 =	sadd.s32 $0x6000, s8  }
0xa: {  	s19 =	sadd.s32 $0x8000, s8;
	s20 =	sadd.s32 $0xA000, s8;
	s21 =	sadd.s32 $0xC000, s8  }
0xb: {  	s22 =	sadd.s32 $0xE000, s8;
	s9 =	smul.u32 $0x500, s7;
	s23 =	sadd.s32 $0x10000, s8  }
0xc: {  	s24 =	sadd.s32 $0x12000, s8;
	s10 =	sadd.s32 s8, s12;
	s15 =	sshrl.u32 s15, $0x2  }
0xd: {  	s11 =	sshrl.u32 s10, $0x3;
	s13 =	sadd.s32 s12, s16;
	s26 =	sadd.s32 s12, s17  }
0xe: {  	s30 =	sadd.s32 s12, s18;
	s31 =	sadd.s32 s12, s19;
	s10 =	sadd.s32 s12, s21  }
0xf: {  	s15 =	sadd.s32 s15, s1;
	s16 =	sadd.s32 s16, s1;
	s17 =	sadd.s32 s17, s1  }
0x10: {  	s18 =	sadd.s32 s18, s1;
	s19 =	sadd.s32 s19, s1;
	s21 =	sadd.s32 s21, s1  }
0x11: {  	s25 =	smax.u32 s25, $0x1;
	s3 =	sadd.s32 s3, s9;
	s4 =	sadd.s32 s14, s11  }
0x12: {  	s5 =	sshrl.u32 s13, $0x3;
	s6 =	sshrl.u32 s26, $0x3;
	s7 =	sshrl.u32 s30, $0x3  }
0x13: {  	s8 =	sshrl.u32 s31, $0x3;
	s9 =	sadd.s32 s12, s20;
	s10 =	sshrl.u32 s10, $0x3  }
0x14: {  	s11 =	sadd.s32 s12, s22;
	s13 =	sadd.s32 s12, s23;
	s26 =	sadd.s32 s12, s24  }
0x15: {  	s20 =	sadd.s32 s20, s1;
	s22 =	sadd.s32 s22, s1;
	s23 =	sadd.s32 s23, s1  }
0x16: {  	s24 =	sadd.s32 s24, s1;
	s5 =	sadd.s32 s14, s5;
	s6 =	sadd.s32 s14, s6  }
0x17: {  	s7 =	sadd.s32 s14, s7;
	s8 =	sadd.s32 s14, s8;
	s9 =	sshrl.u32 s9, $0x3  }
0x18: {  	s10 =	sadd.s32 s14, s10;
	s11 =	sshrl.u32 s11, $0x3;
	s13 =	sshrl.u32 s13, $0x3  }
0x19: {  	s26 =	sshrl.u32 s26, $0x3;
	s12 =	sadd.s32 s14, s13;
	s13 =	simm.s32 $0x0  }
0x1a: {  	s9 =	sadd.s32 s14, s9;
	s11 =	sadd.s32 s14, s11;
	[smem:$0x7FF] =	sst s13  }
0x1b: {  	v0 =	vimm.f32 $0.0e+00;
	v1 =	vimm.f32 $1.000000000e+00;
	s14 =	sadd.s32 s14, s26;
	s26 =	simm.s32 $0x2800;
	_ =	strace $0x80000047  }
.LBB2_1:
0x1c: {  	s30 =	simm.s32 $0x0;
	s31 =	simm.s32 $0x200  }
.LBB2_2:
0x1d: {  	p0 =	sne.s32 s31, $0x7E00;
	[tilespmem:s30+$0x2870] =	vst v0  }
0x1e: {  	[tilespmem:s30+$0x2800] =	vst v0  }
0x1f: {  	[tilespmem:s30+$0x2810] =	vst v0  }
.Ltmp0:
0x20: {  	[tilespmem:s30+$0x2820] =	vst v0;
	(pc) =	sbr.rel @p0 .LBB2_2-.Ltmp0, $4  }
0x21: {  	[tilespmem:s30+$0x2830] =	vst v0  }
0x22: {  	[tilespmem:s30+$0x2840] =	vst v0  }
0x23: {  	[tilespmem:s30+$0x2850] =	vst v0  }
0x24: {  	[tilespmem:s30+$0x2860] =	vst v0;
	s30 =	sshra.s32 s31, $0x2;
	s31 =	sadd.s32 $0x200, s31  }
0x25: {  	[tilespmem:s30+$0x2870] =	vst v0  }
0x26: {  	[tilespmem:s30+$0x2800] =	vst v0  }
0x27: {  	[tilespmem:s30+$0x2810] =	vst v0  }
0x28: {  	[tilespmem:s30+$0x2820] =	vst v0  }
0x29: {  	[tilespmem:s30+$0x2830] =	vst v0  }
0x2a: {  	[tilespmem:s30+$0x2840] =	vst v0  }
0x2b: {  	[tilespmem:s30+$0x2850] =	vst v0  }
0x2c: {  	[tilespmem:s30+$0x2860] =	vst v0  }
0x2d: {  	[spmem:s15] =	stream.linear.scatter [tilespmem:s26], [sflag:$0x1], $0x2000, $0x38;
	[tilespmem:$0x18800] =	vst v63  }
0x2e: {  	_ =	swait.ge [sflag:s28], $0x2000  }
0x2f: {  	[sflag:s28] =	ssyncset.done $0x0  }
0x30: {  	[sflag:s28] =	ssyncadd.s32 $0xFFFFE000  }
0x31: {  	[spmem:s16] =	stream.linear.scatter [tilespmem:s26], [sflag:$0x1], $0x2000, $0x38;
	[tilespmem:$0x18800] =	vst v63  }
0x32: {  	_ =	swait.ge [sflag:s28], $0x2000  }
0x33: {  	[sflag:s28] =	ssyncset.done $0x0  }
0x34: {  	[sflag:s28] =	ssyncadd.s32 $0xFFFFE000  }
0x35: {  	[spmem:s17] =	stream.linear.scatter [tilespmem:s26], [sflag:$0x1], $0x2000, $0x38;
	[tilespmem:$0x18800] =	vst v63  }
0x36: {  	_ =	swait.ge [sflag:s28], $0x2000  }
0x37: {  	[sflag:s28] =	ssyncset.done $0x0  }
0x38: {  	[sflag:s28] =	ssyncadd.s32 $0xFFFFE000  }
0x39: {  	[spmem:s18] =	stream.linear.scatter [tilespmem:s26], [sflag:$0x1], $0x2000, $0x38;
	[tilespmem:$0x18800] =	vst v63  }
0x3a: {  	_ =	swait.ge [sflag:s28], $0x2000  }
0x3b: {  	[sflag:s28] =	ssyncset.done $0x0  }
0x3c: {  	[sflag:s28] =	ssyncadd.s32 $0xFFFFE000  }
0x3d: {  	[spmem:s19] =	stream.linear.scatter [tilespmem:s26], [sflag:$0x1], $0x2000, $0x38;
	[tilespmem:$0x18800] =	vst v63  }
0x3e: {  	_ =	swait.ge [sflag:s28], $0x2000  }
0x3f: {  	[sflag:s28] =	ssyncset.done $0x0  }
0x40: {  	[sflag:s28] =	ssyncadd.s32 $0xFFFFE000  }
0x41: {  	[spmem:s20] =	stream.linear.scatter [tilespmem:s26], [sflag:$0x1], $0x2000, $0x38;
	[tilespmem:$0x18800] =	vst v63  }
0x42: {  	_ =	swait.ge [sflag:s28], $0x2000  }
0x43: {  	[sflag:s28] =	ssyncset.done $0x0  }
0x44: {  	[sflag:s28] =	ssyncadd.s32 $0xFFFFE000  }
0x45: {  	[spmem:s21] =	stream.linear.scatter [tilespmem:s26], [sflag:$0x1], $0x2000, $0x38;
	[tilespmem:$0x18800] =	vst v63  }
0x46: {  	_ =	swait.ge [sflag:s28], $0x2000  }
0x47: {  	[sflag:s28] =	ssyncset.done $0x0  }
0x48: {  	[sflag:s28] =	ssyncadd.s32 $0xFFFFE000  }
0x49: {  	[spmem:s22] =	stream.linear.scatter [tilespmem:s26], [sflag:$0x1], $0x2000, $0x38;
	[tilespmem:$0x18800] =	vst v63  }
0x4a: {  	_ =	swait.ge [sflag:s28], $0x2000  }
0x4b: {  	[sflag:s28] =	ssyncset.done $0x0  }
0x4c: {  	[sflag:s28] =	ssyncadd.s32 $0xFFFFE000  }
0x4d: {  	[spmem:s23] =	stream.linear.scatter [tilespmem:s26], [sflag:$0x1], $0x2000, $0x38;
	[tilespmem:$0x18800] =	vst v63  }
0x4e: {  	_ =	swait.ge [sflag:s28], $0x2000  }
0x4f: {  	[sflag:s28] =	ssyncset.done $0x0  }
0x50: {  	[sflag:s28] =	ssyncadd.s32 $0xFFFFE000  }
0x51: {  	[spmem:s24] =	stream.linear.scatter [tilespmem:s26], [sflag:$0x1], $0x2000, $0x38;
	[tilespmem:$0x18800] =	vst v63  }
0x52: {  	_ =	swait.ge [sflag:s28], $0x2000  }
0x53: {  	[sflag:s28] =	ssyncset.done $0x0  }
0x54: {  	s30 =	simm.s32 $0x0;
	s31 =	simm.s32 $0x200;
	[sflag:s28] =	ssyncadd.s32 $0xFFFFE000  }
.LBB2_4:
0x55: {  	p0 =	sne.s32 s31, $0x7E00;
	[tilespmem:s30+$0x2870] =	vst v1  }
0x56: {  	[tilespmem:s30+$0x2800] =	vst v1  }
0x57: {  	[tilespmem:s30+$0x2810] =	vst v1  }
.Ltmp1:
0x58: {  	[tilespmem:s30+$0x2820] =	vst v1;
	(pc) =	sbr.rel @p0 .LBB2_4-.Ltmp1, $4  }
0x59: {  	[tilespmem:s30+$0x2830] =	vst v1  }
0x5a: {  	[tilespmem:s30+$0x2840] =	vst v1  }
0x5b: {  	[tilespmem:s30+$0x2850] =	vst v1  }
0x5c: {  	[tilespmem:s30+$0x2860] =	vst v1;
	s30 =	sshra.s32 s31, $0x2;
	s31 =	sadd.s32 $0x200, s31  }
0x5d: {  	[tilespmem:s30+$0x2870] =	vst v1  }
0x5e: {  	[tilespmem:s30+$0x2800] =	vst v1  }
0x5f: {  	[tilespmem:s30+$0x2810] =	vst v1  }
0x60: {  	[tilespmem:s30+$0x2820] =	vst v1  }
0x61: {  	[tilespmem:s30+$0x2830] =	vst v1  }
0x62: {  	[tilespmem:s30+$0x2840] =	vst v1  }
0x63: {  	[tilespmem:s30+$0x2850] =	vst v1  }
0x64: {  	[tilespmem:s30+$0x2860] =	vst v1  }
0x65: {  	s30 =	simm.s32 $0x0;
	[bflag:$0x0] =	sbarrier.arrive $0xFFFF  }
0x66: {  	[tilespmem:s30], [sflag:$0x1] =	stream.linear.gather [hbm4b:s3+s30], $0x2800, $0x38;
	[tilespmem:$0x18800] =	vst v63  }
0x67: {  	_ =	swait.ge [sflag:s28], $0x2800  }
0x68: {  	[sflag:s28] =	ssyncset.done $0x0  }
0x69: {  	s30 =	simm.s32 $0x0;
	[sflag:s28] =	ssyncadd.s32 $0xFFFFD800  }
0x6a: {  	[spmem:s1] =	stream.indirect.scatter.add.f32 [tilespmem:s26], [sflag:$0x1], $0x80, s30, s29, $0xb8;
	[tilespmem:$0x18800] =	vst v63  }
0x6b: {  	_ =	swait.ge [sflag:s28], $0x2000  }
0x6c: {  	s30 =	simm.s32 $0x200;
	[sflag:s28] =	ssyncset.done $0x0  }
.LBB2_6:
0x6d: {  	s31 =	sshra.s32 s30, $0x2;
	[sflag:s28] =	ssyncadd.s32 $0xFFFFE000;
	p0 =	sne.s32 s30, $0x9E00  }
0x6e: {  	[spmem:s1] =	stream.indirect.scatter.add.f32 [tilespmem:s26], [sflag:$0x1], $0x80, s31, s29, $0xb8;
	[tilespmem:$0x18800] =	vst v63  }
.Ltmp2:
0x6f: {  	_ = 	snop;
	(pc) =	sbr.rel @p0 .LBB2_6-.Ltmp2, $4  }
0x70: {  	_ = 	snop  }
0x71: {  	s30 =	sadd.s32 $0x200, s30  }
0x72: {  	_ =	swait.ge [sflag:s28], $0x2000  }
0x73: {  	[sflag:s28] =	ssyncset.done $0x0  }
0x74: {  	[sflag:s28] =	ssyncadd.s32 $0xFFFFE000;
	s30 =	sshll.u32 s2, $0x6  }
0x75: {  	s31 =	sshrl.u32 s15, $0x3;
	[bflag:$0x0] =	sbarrier.arrive $0xFFFF;
	s30 =	sor.u32 $0x1C01, s30  }
0x76: {  	[hbm:s4], [sflag:s30] =	dma.local [spmem:s31], $0x400  }
0x77: {  	_ =	swait.ge [sflag:s28], $0x400  }
0x78: {  	[sflag:s28] =	ssyncset.done $0x0  }
0x79: {  	s31 =	sshrl.u32 s16, $0x3;
	[sflag:s28] =	ssyncadd.s32 $0xFFFFFC00  }
0x7a: {  	[hbm:s5], [sflag:s30] =	dma.local [spmem:s31], $0x400  }
0x7b: {  	_ =	swait.ge [sflag:s28], $0x400  }
0x7c: {  	[sflag:s28] =	ssyncset.done $0x0  }
0x7d: {  	s31 =	sshrl.u32 s17, $0x3;
	[sflag:s28] =	ssyncadd.s32 $0xFFFFFC00  }
0x7e: {  	[hbm:s6], [sflag:s30] =	dma.local [spmem:s31], $0x400  }
0x7f: {  	_ =	swait.ge [sflag:s28], $0x400  }
0x80: {  	[sflag:s28] =	ssyncset.done $0x0  }
0x81: {  	s31 =	sshrl.u32 s18, $0x3;
	[sflag:s28] =	ssyncadd.s32 $0xFFFFFC00  }
0x82: {  	[hbm:s7], [sflag:s30] =	dma.local [spmem:s31], $0x400  }
0x83: {  	_ =	swait.ge [sflag:s28], $0x400  }
0x84: {  	[sflag:s28] =	ssyncset.done $0x0  }
0x85: {  	s31 =	sshrl.u32 s19, $0x3;
	[sflag:s28] =	ssyncadd.s32 $0xFFFFFC00  }
0x86: {  	[hbm:s8], [sflag:s30] =	dma.local [spmem:s31], $0x400  }
0x87: {  	_ =	swait.ge [sflag:s28], $0x400  }
0x88: {  	[sflag:s28] =	ssyncset.done $0x0  }
0x89: {  	s31 =	sshrl.u32 s20, $0x3;
	[sflag:s28] =	ssyncadd.s32 $0xFFFFFC00  }
0x8a: {  	[hbm:s9], [sflag:s30] =	dma.local [spmem:s31], $0x400  }
0x8b: {  	_ =	swait.ge [sflag:s28], $0x400  }
0x8c: {  	[sflag:s28] =	ssyncset.done $0x0  }
0x8d: {  	s31 =	sshrl.u32 s21, $0x3;
	[sflag:s28] =	ssyncadd.s32 $0xFFFFFC00  }
0x8e: {  	[hbm:s10], [sflag:s30] =	dma.local [spmem:s31], $0x400  }
0x8f: {  	_ =	swait.ge [sflag:s28], $0x400  }
0x90: {  	[sflag:s28] =	ssyncset.done $0x0  }
0x91: {  	s31 =	sshrl.u32 s22, $0x3;
	[sflag:s28] =	ssyncadd.s32 $0xFFFFFC00  }
0x92: {  	[hbm:s11], [sflag:s30] =	dma.local [spmem:s31], $0x400  }
0x93: {  	_ =	swait.ge [sflag:s28], $0x400  }
0x94: {  	[sflag:s28] =	ssyncset.done $0x0  }
0x95: {  	s31 =	sshrl.u32 s23, $0x3;
	[sflag:s28] =	ssyncadd.s32 $0xFFFFFC00  }
0x96: {  	[hbm:s12], [sflag:s30] =	dma.local [spmem:s31], $0x400  }
0x97: {  	s13 =	sadd.s32 $0x1, s13;
	_ =	swait.ge [sflag:s28], $0x400  }
0x98: {  	p0 =	sne.s32 s13, s25;
	[sflag:s28] =	ssyncset.done $0x0  }
.Ltmp3:
0x99: {  	s31 =	sshrl.u32 s24, $0x3;
	[sflag:s28] =	ssyncadd.s32 $0xFFFFFC00;
	(pc) =	sbr.rel @p0 .LBB2_1-.Ltmp3, $4  }
0x9a: {  	[hbm:s14], [sflag:s30] =	dma.local [spmem:s31], $0x400  }
0x9b: {  	_ =	swait.ge [sflag:s28], $0x400  }
0x9c: {  	[sflag:s28] =	ssyncset.done $0x0  }
0x9d: {  	[sflag:s28] =	ssyncadd.s32 $0xFFFFFC00  }
0x9e: {  	_ =	sfence.sel $0x180000  }
0x9f: {  	[bflag:$0x0] =	sbarrier.arrive $0xFFFF  }
0xa0: {  	p0 =	sne.s32 s2, $0x0;
	_ =	strace $0x90000047  }
0xa1: {  	s0 =	sadd.s32 @!p0 $0x100000, s0;
	[bflag:$0x2] =	sbarrier.arrive $0xFFFF  }
0xa2: {  	[sflag:s0] =	ssyncadd.tile.s32 @!p0 $0x1;
	_ =	shalt  }
.Lfunc_end2:
_tile_overlayer_lowered:
.L_overlay_start_2:
0xa3: {  	(tag) =	ssettag $0x2  }
0xa4: {  	s0 =	rddreg [dreg:$0x0];
	s2 =	stileid.u32  }
0xa5: {  	s1 =	rddreg [dreg:$0x1];
	p0 =	sne.s32 s2, $0x0  }
0xa6: {  	s3 =	rddreg [dreg:$0x2];
	[bflag:$0x3] =	sbarrier.arrive $0xFFFF;
	s2 =	simm.s32 @!p0 $0x1C01  }
0xa7: {  	[timem:s3], [sflag:s2] =	dma.local @!p0 [hbm:s0], s1  }
0xa8: {  	s0 =	simm.s32 @!p0 $0x1  }
0xa9: {  	_ =	swait.ge @!p0 [sflag:s0], s1  }
0xaa: {  	s1 =	ssub.s32 @!p0 $0x0, s1;
	[sflag:s0] =	ssyncset.done @!p0 $0x0  }
0xab: {  	[sflag:s0] =	ssyncadd.s32 @!p0 s1  }
0xac: {  	[bflag:$0x3] =	sbarrier.arrive $0xFFFF  }
0xad: {  	_ =	shalt  }

// kernel: kernel.15.cloned.1.call-start
scs
__scs_entry_jumppad:
0x0: {  	(pc) =	sbr.rel $0x88, $3  }
0x1: {  	(tag) =	ssettag $0x0;
	lr =	simm.s32 $0x1  }
0x2: {  	[smem:$0x3F9C] =	sst lr;
	_ =	strace $0xD0000000  }
0x3: {  	_ = 	snop  }
0x4: {  	_ = 	snop  }
0x5: {  	_ = 	snop  }
0x6: {  	_ = 	snop  }
0x7: {  	_ = 	snop  }
__scs_overlays_trampoline_lowered:
0x8: {  	[smem:$0x3FAB] =	sst s0  }
0x9: {  	[smem:$0x3FAC] =	sst s1  }
0xa: {  	[smem:$0x3FAD] =	sst s2  }
0xb: {  	[smem:$0x3FAE] =	sst s3  }
0xc: {  	[smem:$0x3FAF] =	sst s4  }
0xd: {  	[smem:$0x3FB0] =	sst s5  }
0xe: {  	[smem:$0x3FB1] =	sst s6  }
0xf: {  	[smem:$0x3FB2] =	sst s7  }
0x10: {  	[smem:$0x3FB3] =	sst s8  }
0x11: {  	[smem:$0x3FB4] =	sst s9;
	s0 =	simm.s32 @!p0 $0x0  }
0x12: {  	s1 =	sld [smem:$0x3F9A];
	s0 =	simm.s32 @p0 $0x1  }
0x13: {  	[smem:$0x3FB5] =	sst s0;
	s0 =	simm.s32 @!p1 $0x0  }
0x14: {  	s2 =	sld [smem:$0x3F99];
	s0 =	simm.s32 @p1 $0x1  }
0x15: {  	[smem:$0x3FB6] =	sst s0;
	s0 =	simm.s32 @!p2 $0x0  }
0x16: {  	s3 =	sld [smem:$0x3FDB];
	s0 =	simm.s32 @p2 $0x1  }
0x17: {  	s4 =	simm.s32 $0x1BF5;
	[smem:$0x3FB8] =	sst s0  }
0x18: {  	s0 =	sld [smem:$0x3F9B];
	_ =	swait.ge [sflag:s4], $0x0  }
0x19: {  	s7 =	sld [smem:$0x3F9C]  }
0x1a: {  	s8 =	sadd.s32 $0xFFFFE003, lr  }
0x1b: {  	s9 =	sadd.s32 $0xFFFFFEF7, lr;
	s5 =	simm.s32 $0xFFFFFFFF;
	p2 =	slt.u32 s8, $0xFFFFF086  }
0x1c: {  	p1 =	slt.u32 s9, $0xF7A;
	s5 =	simm.s32 @!p2 $0x0  }
0x1d: {  	s5 =	simm.s32 @p1 $0x1;
	p0 =	seq.s32 s7, s2  }
0x1e: {  	s7 =	smul.u32 @!p0 $0xF7A, s2;
	p2 =	seq.s32 @!p0 s5, $0x0  }
0x1f: {  	s9 =	smul.u32 $0xF7A, s1;
	s8 =	simm.s32 @!p0 $0x1BF5;
	p2 =	por !p2, p0  }
0x20: {  	[sflag:s8] =	ssyncset.s32 @!p0 $0xFFFFF086;
	s6 =	sadd.s32 @!p0 s3, s7;
	s7 =	simm.s32 @!p0 $0x108  }
0x21: {  	s3 =	sadd.s32 s3, s9;
	s6 =	sadd.s32 @!p0 $0x88, s6;
	s7 =	simm.s32 @p2 $0x1082  }
0x22: {  	[simem:s7], [sflag:s8] =	dma.local @!p0 [hbm:s6], $0xF7A  }
0x23: {  	s9 =	sor.u32 $0xD0000000, s2;
	s6 =	simm.s32 $0x108;
	_ =	swait.ge @!p0 [sflag:s8], $0x0  }
0x24: {  	s3 =	sadd.s32 $0x88, s3;
	s6 =	simm.s32 @!p1 $0x1082;
	[sflag:s4] =	ssyncset.s32 $0xFFFFF086  }
0x25: {  	[simem:s6], [sflag:s4] =	dma.local [hbm:s3], $0xF7A  }
0x26: {  	[smem:$0x3F9C] =	sst s1;
	(tag) =	ssettag s2;
	_ =	strace s9  }
0x27: {  	s1 =	sld [smem:$0x3FAC]  }
0x28: {  	s2 =	sld [smem:$0x3FAD]  }
0x29: {  	s4 =	sld [smem:$0x3FAF]  }
0x2a: {  	p0 =	seq.s32 s5, $0x0;
	s5 =	sld [smem:$0x3FB0]  }
0x2b: {  	s6 =	sld [smem:$0x3FB1]  }
0x2c: {  	s7 =	sld [smem:$0x3FB2]  }
0x2d: {  	s3 =	simm.s32 $0x108;
	s8 =	sld [smem:$0x3FB3]  }
0x2e: {  	s3 =	simm.s32 @!p0 $0x1082;
	s9 =	sld [smem:$0x3FB4]  }
0x2f: {  	lr =	sadd.s32 s0, s3;
	s0 =	sld [smem:$0x3FAB]  }
0x30: {  	s3 =	sld [smem:$0x3FAE]  }
0x31: {  	[smem:$0x3FB7] =	sst s10  }
0x32: {  	s10 =	sld [smem:$0x3FB5];
	_ =	sdelay $0x3  }
0x33: {  	p0 =	seq.s32 s10, $0x1;
	s10 =	sld [smem:$0x3FB7];
	_ =	sdelay $0x3  }
0x34: {  	[smem:$0x3FB7] =	sst s10  }
0x35: {  	s10 =	sld [smem:$0x3FB6];
	_ =	sdelay $0x3  }
0x36: {  	p1 =	seq.s32 s10, $0x1;
	s10 =	sld [smem:$0x3FB7];
	_ =	sdelay $0x3  }
0x37: {  	[smem:$0x3FB7] =	sst s10  }
0x38: {  	s10 =	sld [smem:$0x3FB8]  }
0x39: {  	_ = 	snop;
	(pc) =	sbr.ind lr, $3  }
0x3a: {  	_ = 	snop  }
0x3b: {  	_ = 	snop  }
0x3c: {  	p2 =	seq.s32 s10, $0x1;
	s10 =	sld [smem:$0x3FB7]  }
0x3d: {  	_ =	shalt  }
0x3e: {  	_ =	shalt  }
0x3f: {  	_ =	shalt  }
0x40: {  	_ =	shalt  }
0x41: {  	_ =	shalt  }
0x42: {  	_ =	shalt  }
0x43: {  	_ =	shalt  }
0x44: {  	_ =	shalt  }
0x45: {  	_ =	shalt  }
0x46: {  	_ =	shalt  }
0x47: {  	_ =	shalt  }
0x48: {  	_ =	shalt  }
0x49: {  	_ =	shalt  }
0x4a: {  	_ =	shalt  }
0x4b: {  	_ =	shalt  }
0x4c: {  	_ =	shalt  }
0x4d: {  	_ =	shalt  }
0x4e: {  	_ =	shalt  }
0x4f: {  	_ =	shalt  }
0x50: {  	_ =	shalt  }
0x51: {  	_ =	shalt  }
0x52: {  	_ =	shalt  }
0x53: {  	_ =	shalt  }
0x54: {  	_ =	shalt  }
0x55: {  	_ =	shalt  }
0x56: {  	_ =	shalt  }
0x57: {  	_ =	shalt  }
0x58: {  	_ =	shalt  }
0x59: {  	_ =	shalt  }
0x5a: {  	_ =	shalt  }
0x5b: {  	_ =	shalt  }
0x5c: {  	_ =	shalt  }
0x5d: {  	_ =	shalt  }
0x5e: {  	_ =	shalt  }
0x5f: {  	_ =	shalt  }
0x60: {  	_ =	shalt  }
0x61: {  	_ =	shalt  }
0x62: {  	_ =	shalt  }
0x63: {  	_ =	shalt  }
0x64: {  	_ =	shalt  }
0x65: {  	_ =	shalt  }
0x66: {  	_ =	shalt  }
0x67: {  	_ =	shalt  }
0x68: {  	_ =	shalt  }
0x69: {  	_ =	shalt  }
0x6a: {  	_ =	shalt  }
0x6b: {  	_ =	shalt  }
0x6c: {  	_ =	shalt  }
0x6d: {  	_ =	shalt  }
0x6e: {  	_ =	shalt  }
0x6f: {  	_ =	shalt  }
0x70: {  	_ =	shalt  }
0x71: {  	_ =	shalt  }
0x72: {  	_ =	shalt  }
0x73: {  	_ =	shalt  }
0x74: {  	_ =	shalt  }
0x75: {  	_ =	shalt  }
0x76: {  	_ =	shalt  }
0x77: {  	_ =	shalt  }
0x78: {  	_ =	shalt  }
0x79: {  	_ =	shalt  }
0x7a: {  	_ =	shalt  }
0x7b: {  	_ =	shalt  }
0x7c: {  	_ =	shalt  }
0x7d: {  	_ =	shalt  }
0x7e: {  	_ =	shalt  }
0x7f: {  	_ =	shalt  }
0x80: {  	_ =	shalt  }
0x81: {  	_ =	shalt  }
0x82: {  	_ =	shalt  }
0x83: {  	_ =	shalt  }
0x84: {  	_ =	shalt  }
0x85: {  	_ =	shalt  }
0x86: {  	_ =	shalt  }
0x87: {  	_ =	shalt  }
.Lfunc_end0:
.L_simem_size_0:
called_computation.1_lowered:
.L_overlay_start_0:
0x88: {  	s2 =	sld [smem:$0x3FD9]  }
0x89: {  	s3 =	sld [smem:$0x3FFE];
	_ =	sdelay $0x1  }
0x8a: {  	s1 =	srdreg.scid  }
0x8b: {  	s0 =	sand.u32 $0x1, s1  }
0x8c: {  	s16 =	sshll.u32 s0, $0xA;
	s2 =	sadd.s32 s3, s2  }
0x8d: {  	s2 =	sadd.s32 s2, s16  }
0x8e: {  	[smem:$0x3FC3] =	sst s2  }
0x8f: {  	_ = 	snop  }
0x90: {  	(tm) =	ssettm $0x1  }
0x91: {  	s17 =	sld [smem:$0x3FFB];
	_ =	sdelay $0x3  }
0x92: {  	_ =	strace s17  }
0x93: {  	s2 =	sld [smem:$0x3FFC];
	_ =	sdelay $0x3  }
0x94: {  	_ =	strace s2  }
0x95: {  	s2 =	sld [smem:$0x3FFD];
	_ =	sdelay $0x3  }
0x96: {  	_ =	strace s2  }
0x97: {  	_ =	strace $0x8FFFFFFF  }
0x98: {  	s18 =	sld [smem:$0x3FDB];
	_ =	sdelay $0x1  }
0x99: {  	s19 =	simm.s32 $_scs_section_size  }
0x9a: {  	s4 =	simm.s32 $_size__tile_overlayer_lowered;
	s5 =	simm.s32 $_tile_overlayer_lowered  }
0x9b: {  	s22 =	simm.s32 $0x1BFF;
	s21 =	sshll.u32 s5, $0x1;
	s2 =	sadd.s32 s19, s18  }
0x9c: {  	s6 =	simm.s32 $0x0;
	s20 =	sshll.u32 s4, $0x1;
	s4 =	sadd.s32 s21, s2  }
0x9d: {  	[timem:s6], [sflag:s22] =	dma.local [hbm:s4], s20  }
0x9e: {  	_ =	swait.ge [sflag:s22], s20  }
0x9f: {  	s3 =	ssub.s32 $0x0, s20;
	[sflag:s22] =	ssyncset.done $0x0  }
0xa0: {  	[sflag:s22] =	ssyncadd.s32 s3;
	_ =	sdelay $0x1  }
0xa1: {  	s23 =	simm.s32 $0x1B8B  }
0xa2: {  	_ =	swait.ge [sflag:s23], $0x1  }
0xa3: {  	[sflag:s23] =	ssyncset.done $0x0  }
0xa4: {  	s25 =	simm.s32 $0x1B8E;
	s24 =	sld [smem:$0x3FFE];
	[sflag:s23] =	ssyncadd.s32 $0xFFFFFFFF  }
0xa5: {  	s26 =	simm.s32 $execute0_lowered;
	[smem:$0x3FD2] =	sst s25  }
0xa6: {  	s4 =	sshll.u32 s26, $0x1;
	_ =	strace $0x80000049;
	[dreg:$0x1] =	wrdreg $0xFFFFFFFF  }
0xa7: {  	s28 =	simm.s32 $_size_execute0_lowered;
	s2 =	sadd.s32 s2, s4;
	[dreg:$0x0] =	wrdreg $0x0  }
0xa8: {  	s4 =	sshll.u32 s28, $0x1;
	[dreg:$0x2] =	wrdreg s2  }
0xa9: {  	[dreg:$0x3] =	wrdreg s4  }
0xaa: {  	[dreg:$0x4] =	wrdreg $0xC0  }
0xab: {  	_ =	task [dreg:s6], $0x5FFFF  }
0xac: {  	[dreg:$0x1] =	wrdreg $0xFFFFFFFF  }
0xad: {  	[dreg:$0x0] =	wrdreg $0x60  }
0xae: {  	[dreg:$0x2] =	wrdreg s24  }
0xaf: {  	[dreg:$0x3] =	wrdreg $0xB8000  }
0xb0: {  	[dreg:$0x4] =	wrdreg $0x9  }
0xb1: {  	_ =	task.clear_ibuf [dreg:s6], $0x5FFFF;
	_ =	strace $0x90000049  }
0xb2: {  	s29 =	simm.s32 $0x9;
	_ =	strace $0x8000004B  }
0xb3: {  	_ =	swait.ge [sflag:s29], $0x1  }
0xb4: {  	[sflag:s29] =	ssyncadd.s32 $0xFFFFFFFF  }
0xb5: {  	_ =	strace $0x9000004B  }
0xb6: {  	_ =	sfence  }
0xb7: {  	s30 =	sld [smem:$0x0];
	_ =	sdelay $0x2  }
0xb8: {  	s31 =	sshll.u32 s1, $0xD;
	s1 =	sshrl.u32 s1, $0x2  }
0xb9: {  	s3 =	sand.u32 $0x4000, s31;
	s1 =	sadd.s32 s1, s30  }
0xba: {  	s0 =	sor.u32 s3, s0;
	s1 =	sshll.u32 s1, $0x11  }
0xbb: {  	s0 =	sor.u32 s1, s0  }
0xbc: {  	s0 =	sadd.s32 $0x8F2B, s0  }
0xbd: {  	[sflag:s0] =	ssyncadd.remote.s32 $0x1  }
0xbe: {  	_ =	sfence.sel $0xFFFF  }
0xbf: {  	[dreg:$0x0] =	wrdreg $0xFFFFFFFF;
	(pc) =	sbr.abs _section_cstart, $3  }
0xc0: {  	[dreg:$0x1] =	wrdreg $0xFFFFFFFF  }
0xc1: {  	_ =	task.clear_ibuf [dreg:s6], $0x2FFFF;
	_ =	strace $0x9FFFFFFF  }
0xc2: {  	(tm) =	ssettm $0x7FFFFFFF  }
0xc3: {  	_ =	shalt  }
tec
execute0_lowered:
.L_overlay_start_1:
0x0: {  	(tag) =	ssettag $0x1  }
0x1: {  	s0 =	rddreg [dreg:$0x0]  }
0x2: {  	s3 =	srdreg.scid;
	s1 =	rddreg [dreg:$0x1]  }
0x3: {  	s2 =	simm.s32 $0x0;
	s13 =	stileid.u32;
	s29 =	simm.s32 $0x7800  }
0x4: {  	s30 =	simm.s32 $0x2;
	s31 =	simm.s32 $0x40;
	s3 =	sand.u32 $0x1, s3  }
0x5: {  	[smem:$0x7FF] =	sst s2;
	s6 =	smul.u32 $0x14000, s13;
	s10 =	sadd.s32 $0x107800, s0  }
0x6: {  	s4 =	sshll.u32 s3, $0x4;
	s5 =	ssub.s32 $0x2, s3;
	s3 =	smul.u32 $0x140000, s3  }
0x7: {  	s4 =	sor.u32 s13, s4;
	s7 =	sshrl.u32 s5, $0x1;
	s16 =	sor.u32 $0x2000, s6  }
0x8: {  	s17 =	sadd.s32 $0x4000, s6;
	s18 =	sadd.s32 $0x6000, s6;
	s19 =	sadd.s32 $0x8000, s6  }
0x9: {  	s20 =	sadd.s32 $0xA000, s6;
	s21 =	sadd.s32 $0xC000, s6;
	s22 =	sadd.s32 $0xE000, s6  }
0xa: {  	s23 =	sadd.s32 $0x10000, s6;
	s4 =	smul.u32 $0x500, s4;
	s5 =	ssub.s32 s5, s7  }
0xb: {  	s26 =	sadd.s32 s6, s3;
	s8 =	sadd.s32 s3, s16;
	s6 =	sadd.s32 $0x12000, s6  }
0xc: {  	s9 =	sadd.s32 s3, s17;
	s11 =	sadd.s32 s3, s18;
	s24 =	sadd.s32 s3, s20  }
0xd: {  	s25 =	sadd.s32 s3, s21;
	s16 =	sadd.s32 s16, s1;
	s17 =	sadd.s32 s17, s1  }
0xe: {  	s18 =	sadd.s32 s18, s1;
	s20 =	sadd.s32 s20, s1;
	s21 =	sadd.s32 s21, s1  }
0xf: {  	s7 =	sshrl.u32 s26, $0x3;
	s8 =	sshrl.u32 s8, $0x3;
	s12 =	sshrl.u32 s11, $0x3  }
0x10: {  	s11 =	sadd.s32 s3, s22;
	s22 =	sadd.s32 s22, s1;
	s7 =	sadd.s32 s10, s7  }
0x11: {  	s28 =	smax.u32 s5, $0x1;
	s8 =	sadd.s32 s10, s8;
	[dreg:$0x3] =	wrdreg s7  }
0x12: {  	s11 =	sshrl.u32 s11, $0x3;
	[dreg:$0x4] =	wrdreg s8;
	s7 =	sshrl.u32 s9, $0x3  }
0x13: {  	s9 =	sadd.s32 s3, s19;
	s8 =	sshrl.u32 s24, $0x3;
	s11 =	sadd.s32 s10, s11  }
0x14: {  	s19 =	sadd.s32 s19, s1;
	s24 =	sadd.s32 s6, s1;
	s7 =	sadd.s32 s10, s7  }
0x15: {  	s14 =	sshrl.u32 s9, $0x3;
	s26 =	sadd.s32 s10, s8;
	s9 =	sshrl.u32 s25, $0x3  }
0x16: {  	[dreg:$0x5] =	wrdreg s7;
	s7 =	sadd.s32 s10, s12;
	s15 =	sadd.s32 s10, s14  }
0x17: {  	[dreg:$0x8] =	wrdreg s26;
	s9 =	sadd.s32 s10, s9;
	s12 =	sadd.s32 s3, s23  }
0x18: {  	s3 =	sadd.s32 s3, s6;
	s14 =	smul.u32 $0xA00, s13;
	[dreg:$0x6] =	wrdreg s7  }
0x19: {  	s23 =	sadd.s32 s23, s1;
	[dreg:$0x7] =	wrdreg s15;
	s12 =	sshrl.u32 s12, $0x3  }
0x1a: {  	s3 =	sshrl.u32 s3, $0x3;
	s15 =	smul.u32 $0x50000, s13;
	s7 =	sadd.s32 s4, s0  }
0x1b: {  	s12 =	sadd.s32 s10, s12;
	s13 =	sadd.s32 s10, s3;
	_ =	strace $0x8000004A  }
0x1c: {  	s8 =	sadd.s32 s14, s0;
	s14 =	sadd.s32 $0x5D800, s0;
	s25 =	sadd.s32 $0xAD800, s7  }
0x1d: {  	s10 =	simm.s32 $0x80;
	s0 =	simm.s32 $0x1;
	s26 =	sshrl.u32 s15, $0x2  }
0x1e: {  	v0 =	vimm.f32 $0.0e+00;
	s3 =	simm.s32 $0x9800;
	s15 =	sadd.s32 s26, s1;
	s26 =	sadd.s32 $0x53800, s8  }
.LBB2_1:
0x1f: {  	s4 =	simm.s32 $0x0;
	s5 =	simm.s32 $0x200  }
.LBB2_2:
0x20: {  	p0 =	sne.s32 s5, $0x7E00;
	[tilespmem:s4+$0x7870] =	vst v0  }
0x21: {  	[tilespmem:s4+$0x7800] =	vst v0  }
0x22: {  	[tilespmem:s4+$0x7810] =	vst v0  }
.Ltmp0:
0x23: {  	[tilespmem:s4+$0x7820] =	vst v0;
	(pc) =	sbr.rel @p0 .LBB2_2-.Ltmp0, $4  }
0x24: {  	[tilespmem:s4+$0x7830] =	vst v0  }
0x25: {  	[tilespmem:s4+$0x7840] =	vst v0  }
0x26: {  	[tilespmem:s4+$0x7850] =	vst v0  }
0x27: {  	[tilespmem:s4+$0x7860] =	vst v0;
	s4 =	sshra.s32 s5, $0x2;
	s5 =	sadd.s32 $0x200, s5  }
0x28: {  	[tilespmem:s4+$0x7870] =	vst v0  }
0x29: {  	[tilespmem:s4+$0x7800] =	vst v0  }
0x2a: {  	[tilespmem:s4+$0x7810] =	vst v0  }
0x2b: {  	[tilespmem:s4+$0x7820] =	vst v0  }
0x2c: {  	[tilespmem:s4+$0x7830] =	vst v0  }
0x2d: {  	[tilespmem:s4+$0x7840] =	vst v0  }
0x2e: {  	[tilespmem:s4+$0x7850] =	vst v0  }
0x2f: {  	[tilespmem:s4+$0x7860] =	vst v0  }
0x30: {  	[spmem:s15] =	stream.linear.scatter [tilespmem:s29], [sflag:$0x2], $0x2000, $0x38;
	[tilespmem:$0x1F800] =	vst v63  }
0x31: {  	_ =	swait.ge [sflag:s30], $0x2000  }
0x32: {  	[sflag:s30] =	ssyncset.done $0x0  }
0x33: {  	[sflag:s30] =	ssyncadd.s32 $0xFFFFE000  }
0x34: {  	[spmem:s16] =	stream.linear.scatter [tilespmem:s29], [sflag:$0x2], $0x2000, $0x38;
	[tilespmem:$0x1F800] =	vst v63  }
0x35: {  	_ =	swait.ge [sflag:s30], $0x2000  }
0x36: {  	[sflag:s30] =	ssyncset.done $0x0  }
0x37: {  	[sflag:s30] =	ssyncadd.s32 $0xFFFFE000  }
0x38: {  	[spmem:s17] =	stream.linear.scatter [tilespmem:s29], [sflag:$0x2], $0x2000, $0x38;
	[tilespmem:$0x1F800] =	vst v63  }
0x39: {  	_ =	swait.ge [sflag:s30], $0x2000  }
0x3a: {  	[sflag:s30] =	ssyncset.done $0x0  }
0x3b: {  	[sflag:s30] =	ssyncadd.s32 $0xFFFFE000  }
0x3c: {  	[spmem:s18] =	stream.linear.scatter [tilespmem:s29], [sflag:$0x2], $0x2000, $0x38;
	[tilespmem:$0x1F800] =	vst v63  }
0x3d: {  	_ =	swait.ge [sflag:s30], $0x2000  }
0x3e: {  	[sflag:s30] =	ssyncset.done $0x0  }
0x3f: {  	[sflag:s30] =	ssyncadd.s32 $0xFFFFE000  }
0x40: {  	[spmem:s19] =	stream.linear.scatter [tilespmem:s29], [sflag:$0x2], $0x2000, $0x38;
	[tilespmem:$0x1F800] =	vst v63  }
0x41: {  	_ =	swait.ge [sflag:s30], $0x2000  }
0x42: {  	[sflag:s30] =	ssyncset.done $0x0  }
0x43: {  	[sflag:s30] =	ssyncadd.s32 $0xFFFFE000  }
0x44: {  	[spmem:s20] =	stream.linear.scatter [tilespmem:s29], [sflag:$0x2], $0x2000, $0x38;
	[tilespmem:$0x1F800] =	vst v63  }
0x45: {  	_ =	swait.ge [sflag:s30], $0x2000  }
0x46: {  	[sflag:s30] =	ssyncset.done $0x0  }
0x47: {  	[sflag:s30] =	ssyncadd.s32 $0xFFFFE000  }
0x48: {  	[spmem:s21] =	stream.linear.scatter [tilespmem:s29], [sflag:$0x2], $0x2000, $0x38;
	[tilespmem:$0x1F800] =	vst v63  }
0x49: {  	_ =	swait.ge [sflag:s30], $0x2000  }
0x4a: {  	[sflag:s30] =	ssyncset.done $0x0  }
0x4b: {  	[sflag:s30] =	ssyncadd.s32 $0xFFFFE000  }
0x4c: {  	[spmem:s22] =	stream.linear.scatter [tilespmem:s29], [sflag:$0x2], $0x2000, $0x38;
	[tilespmem:$0x1F800] =	vst v63  }
0x4d: {  	_ =	swait.ge [sflag:s30], $0x2000  }
0x4e: {  	[sflag:s30] =	ssyncset.done $0x0  }
0x4f: {  	[sflag:s30] =	ssyncadd.s32 $0xFFFFE000  }
0x50: {  	[spmem:s23] =	stream.linear.scatter [tilespmem:s29], [sflag:$0x2], $0x2000, $0x38;
	[tilespmem:$0x1F800] =	vst v63  }
0x51: {  	_ =	swait.ge [sflag:s30], $0x2000  }
0x52: {  	[sflag:s30] =	ssyncset.done $0x0  }
0x53: {  	[sflag:s30] =	ssyncadd.s32 $0xFFFFE000  }
0x54: {  	[spmem:s24] =	stream.linear.scatter [tilespmem:s29], [sflag:$0x2], $0x2000, $0x38;
	[tilespmem:$0x1F800] =	vst v63  }
0x55: {  	_ =	swait.ge [sflag:s30], $0x2000  }
0x56: {  	[sflag:s30] =	ssyncset.done $0x0  }
0x57: {  	[sflag:s30] =	ssyncadd.s32 $0xFFFFE000  }
0x58: {  	s8 =	simm.s32 $0x0;
	[bflag:$0x0] =	sbarrier.arrive $0xFFFF  }
0x59: {  	[tilespmem:s8], [sflag:$0x2] =	stream.linear.gather [hbm4b:s25+s8], $0x2800, $0x38;
	[tilespmem:$0x1F800] =	vst v63  }
0x5a: {  	_ =	swait.ge [sflag:s30], $0x2800  }
0x5b: {  	[sflag:s30] =	ssyncset.done $0x0  }
0x5c: {  	s5 =	simm.s32 $0x2800;
	[sflag:s30] =	ssyncadd.s32 $0xFFFFD800  }
0x5d: {  	[tilespmem:s5], [sflag:$0x2] =	stream.linear.gather [hbm4b:s26+s8], $0x5000, $0x38;
	[tilespmem:$0x1F800] =	vst v63  }
0x5e: {  	_ =	swait.ge [sflag:s30], $0x5000  }
0x5f: {  	[sflag:s30] =	ssyncset.done $0x0  }
0x60: {  	s6 =	simm.s32 $0x0;
	[sflag:s30] =	ssyncadd.s32 $0xFFFFB000  }
0x61: {  	[tilespmem:s29], [sflag:$0x1] =	stream.indirect.gather [hbm4b:s14+s10], $0x80, s6, s10, $0xb8;
	[tilespmem:$0x1F800] =	vst v63  }
0x62: {  	_ =	swait.ge [sflag:s0], $0x4000  }
0x63: {  	[sflag:s0] =	ssyncset.done $0x0  }
0x64: {  	s7 =	simm.s32 $0x2800;
	[sflag:s0] =	ssyncadd.s32 $0xFFFFC000  }
0x65: {  	[spmem:s1] =	stream.indirect.scatter.add.f32 [tilespmem:s29], [sflag:$0x2], $0x80, s7, s31, $0xb8;
	[tilespmem:$0x1F800] =	vst v63  }
0x66: {  	_ =	swait.ge [sflag:s30], $0x2000  }
0x67: {  	[sflag:s30] =	ssyncset.done $0x0  }
0x68: {  	s8 =	simm.s32 $0x2880;
	[sflag:s30] =	ssyncadd.s32 $0xFFFFE000  }
0x69: {  	[spmem:s1] =	stream.indirect.scatter.add.f32 [tilespmem:s3], [sflag:$0x2], $0x80, s8, s31, $0xb8;
	[tilespmem:$0x1F800] =	vst v63  }
0x6a: {  	s4 =	simm.s32 $0x2980;
	_ =	swait.ge [sflag:s30], $0x2000  }
0x6b: {  	s5 =	simm.s32 $0x200;
	s6 =	simm.s32 $0x400;
	[sflag:s30] =	ssyncset.done $0x0  }
.LBB2_4:
0x6c: {  	s7 =	sshra.s32 s5, $0x2  }
0x6d: {  	[sflag:s30] =	ssyncadd.s32 $0xFFFFE000;
	s5 =	smov.u32 s6;
	s8 =	sadd.s32 $0x200, s6  }
0x6e: {  	[tilespmem:s29], [sflag:$0x1] =	stream.indirect.gather [hbm4b:s14+s10], $0x80, s7, s10, $0xb8;
	[tilespmem:$0x1F800] =	vst v63  }
0x6f: {  	p0 =	sne.s32 s6, $0x9E00;
	_ =	swait.ge [sflag:s0], $0x4000  }
0x70: {  	[sflag:s0] =	ssyncset.done $0x0  }
0x71: {  	s6 =	sadd.s32 $0xFFFFFF80, s4;
	[sflag:s0] =	ssyncadd.s32 $0xFFFFC000  }
0x72: {  	[spmem:s1] =	stream.indirect.scatter.add.f32 [tilespmem:s29], [sflag:$0x2], $0x80, s6, s31, $0xb8;
	[tilespmem:$0x1F800] =	vst v63  }
0x73: {  	_ =	swait.ge [sflag:s30], $0x2000  }
.Ltmp1:
0x74: {  	[sflag:s30] =	ssyncset.done $0x0;
	(pc) =	sbr.rel @p0 .LBB2_4-.Ltmp1, $4  }
0x75: {  	[sflag:s30] =	ssyncadd.s32 $0xFFFFE000  }
0x76: {  	[spmem:s1] =	stream.indirect.scatter.add.f32 [tilespmem:s3], [sflag:$0x2], $0x80, s4, s31, $0xb8;
	[tilespmem:$0x1F800] =	vst v63  }
0x77: {  	_ =	swait.ge [sflag:s30], $0x2000  }
0x78: {  	s6 =	smov.u32 s8;
	s4 =	sadd.s32 $0x100, s4;
	[sflag:s30] =	ssyncset.done $0x0  }
0x79: {  	s5 =	sshra.s32 s5, $0x2;
	[sflag:s30] =	ssyncadd.s32 $0xFFFFE000  }
0x7a: {  	[tilespmem:s29], [sflag:$0x1] =	stream.indirect.gather [hbm4b:s14+s10], $0x80, s5, s10, $0xb8;
	[tilespmem:$0x1F800] =	vst v63  }
0x7b: {  	_ =	swait.ge [sflag:s0], $0x4000  }
0x7c: {  	[sflag:s0] =	ssyncset.done $0x0  }
0x7d: {  	s6 =	sadd.s32 $0xFFFFFF80, s4;
	[sflag:s0] =	ssyncadd.s32 $0xFFFFC000  }
0x7e: {  	[spmem:s1] =	stream.indirect.scatter.add.f32 [tilespmem:s29], [sflag:$0x2], $0x80, s6, s31, $0xb8;
	[tilespmem:$0x1F800] =	vst v63  }
0x7f: {  	_ =	swait.ge [sflag:s30], $0x2000  }
0x80: {  	[sflag:s30] =	ssyncset.done $0x0  }
0x81: {  	[sflag:s30] =	ssyncadd.s32 $0xFFFFE000  }
0x82: {  	[spmem:s1] =	stream.indirect.scatter.add.f32 [tilespmem:s3], [sflag:$0x2], $0x80, s4, s31, $0xb8;
	[tilespmem:$0x1F800] =	vst v63  }
0x83: {  	_ =	swait.ge [sflag:s30], $0x2000  }
0x84: {  	[sflag:s30] =	ssyncset.done $0x0  }
0x85: {  	s7 =	stileid.u32;
	[sflag:s30] =	ssyncadd.s32 $0xFFFFE000  }
0x86: {  	s4 =	sshll.u32 s7, $0x6;
	[bflag:$0x0] =	sbarrier.arrive $0xFFFF  }
0x87: {  	s8 =	sshrl.u32 s15, $0x3;
	s4 =	sor.u32 $0x1C02, s4;
	s6 =	rddreg [dreg:$0x3]  }
0x88: {  	[hbm:s6], [sflag:s4] =	dma.local [spmem:s8], $0x400  }
0x89: {  	_ =	swait.ge [sflag:s30], $0x400  }
0x8a: {  	[sflag:s30] =	ssyncset.done $0x0  }
0x8b: {  	s7 =	sshrl.u32 s16, $0x3;
	s8 =	rddreg [dreg:$0x4];
	[sflag:s30] =	ssyncadd.s32 $0xFFFFFC00  }
0x8c: {  	[hbm:s8], [sflag:s4] =	dma.local [spmem:s7], $0x400  }
0x8d: {  	_ =	swait.ge [sflag:s30], $0x400  }
0x8e: {  	[sflag:s30] =	ssyncset.done $0x0  }
0x8f: {  	s7 =	sshrl.u32 s17, $0x3;
	s8 =	rddreg [dreg:$0x5];
	[sflag:s30] =	ssyncadd.s32 $0xFFFFFC00  }
0x90: {  	[hbm:s8], [sflag:s4] =	dma.local [spmem:s7], $0x400  }
0x91: {  	_ =	swait.ge [sflag:s30], $0x400  }
0x92: {  	[sflag:s30] =	ssyncset.done $0x0  }
0x93: {  	s7 =	sshrl.u32 s18, $0x3;
	s8 =	rddreg [dreg:$0x6];
	[sflag:s30] =	ssyncadd.s32 $0xFFFFFC00  }
0x94: {  	[hbm:s8], [sflag:s4] =	dma.local [spmem:s7], $0x400  }
0x95: {  	_ =	swait.ge [sflag:s30], $0x400  }
0x96: {  	[sflag:s30] =	ssyncset.done $0x0  }
0x97: {  	s7 =	sshrl.u32 s19, $0x3;
	s8 =	rddreg [dreg:$0x7];
	[sflag:s30] =	ssyncadd.s32 $0xFFFFFC00  }
0x98: {  	[hbm:s8], [sflag:s4] =	dma.local [spmem:s7], $0x400  }
0x99: {  	_ =	swait.ge [sflag:s30], $0x400  }
0x9a: {  	[sflag:s30] =	ssyncset.done $0x0  }
0x9b: {  	s6 =	sshrl.u32 s20, $0x3;
	s7 =	rddreg [dreg:$0x8];
	[sflag:s30] =	ssyncadd.s32 $0xFFFFFC00  }
0x9c: {  	[hbm:s7], [sflag:s4] =	dma.local [spmem:s6], $0x400  }
0x9d: {  	_ =	swait.ge [sflag:s30], $0x400  }
0x9e: {  	[sflag:s30] =	ssyncset.done $0x0  }
0x9f: {  	s8 =	sshrl.u32 s21, $0x3;
	[sflag:s30] =	ssyncadd.s32 $0xFFFFFC00  }
0xa0: {  	[hbm:s9], [sflag:s4] =	dma.local [spmem:s8], $0x400  }
0xa1: {  	_ =	swait.ge [sflag:s30], $0x400  }
0xa2: {  	[sflag:s30] =	ssyncset.done $0x0  }
0xa3: {  	s6 =	sshrl.u32 s22, $0x3;
	[sflag:s30] =	ssyncadd.s32 $0xFFFFFC00  }
0xa4: {  	[hbm:s11], [sflag:s4] =	dma.local [spmem:s6], $0x400  }
0xa5: {  	_ =	swait.ge [sflag:s30], $0x400  }
0xa6: {  	[sflag:s30] =	ssyncset.done $0x0  }
0xa7: {  	s7 =	sshrl.u32 s23, $0x3;
	[sflag:s30] =	ssyncadd.s32 $0xFFFFFC00  }
0xa8: {  	[hbm:s12], [sflag:s4] =	dma.local [spmem:s7], $0x400  }
0xa9: {  	s2 =	sadd.s32 $0x1, s2;
	_ =	swait.ge [sflag:s30], $0x400  }
0xaa: {  	p0 =	sne.s32 s2, s28;
	[sflag:s30] =	ssyncset.done $0x0  }
.Ltmp2:
0xab: {  	s8 =	sshrl.u32 s24, $0x3;
	[sflag:s30] =	ssyncadd.s32 $0xFFFFFC00;
	(pc) =	sbr.rel @p0 .LBB2_1-.Ltmp2, $4  }
0xac: {  	[hbm:s13], [sflag:s4] =	dma.local [spmem:s8], $0x400  }
0xad: {  	_ =	swait.ge [sflag:s30], $0x400  }
0xae: {  	[sflag:s30] =	ssyncset.done $0x0  }
0xaf: {  	[sflag:s30] =	ssyncadd.s32 $0xFFFFFC00  }
0xb0: {  	_ =	sfence.sel $0x180000  }
0xb1: {  	[bflag:$0x0] =	sbarrier.arrive $0xFFFF  }
0xb2: {  	_ =	strace $0x9000004A  }
0xb3: {  	s0 =	stileid.u32;
	[bflag:$0x2] =	sbarrier.arrive $0xFFFF  }
0xb4: {  	p0 =	sne.s32 s0, $0x0;
	s0 =	rddreg [dreg:$0x2]  }
0xb5: {  	s0 =	sadd.s32 @!p0 $0x100000, s0  }
0xb6: {  	[sflag:s0] =	ssyncadd.tile.s32 @!p0 $0x1;
	_ =	shalt  }
.Lfunc_end2:
_tile_overlayer_lowered:
.L_overlay_start_2:
0xb7: {  	(tag) =	ssettag $0x2  }
0xb8: {  	s0 =	rddreg [dreg:$0x0];
	s2 =	stileid.u32  }
0xb9: {  	s1 =	rddreg [dreg:$0x1];
	p0 =	sne.s32 s2, $0x0  }
0xba: {  	s3 =	rddreg [dreg:$0x2];
	[bflag:$0x3] =	sbarrier.arrive $0xFFFF;
	s2 =	simm.s32 @!p0 $0x1C02  }
0xbb: {  	[timem:s3], [sflag:s2] =	dma.local @!p0 [hbm:s0], s1  }
0xbc: {  	s0 =	simm.s32 @!p0 $0x2  }
0xbd: {  	_ =	swait.ge @!p0 [sflag:s0], s1  }
0xbe: {  	s1 =	ssub.s32 @!p0 $0x0, s1;
	[sflag:s0] =	ssyncset.done @!p0 $0x0  }
0xbf: {  	[sflag:s0] =	ssyncadd.s32 @!p0 s1  }
0xc0: {  	[bflag:$0x3] =	sbarrier.arrive $0xFFFF  }
0xc1: {  	_ =	shalt  }

// kernel: kernel.18.cloned.1.call-start
scs
__scs_entry_jumppad:
0x0: {  	(pc) =	sbr.rel $0x88, $3  }
0x1: {  	(tag) =	ssettag $0x0;
	lr =	simm.s32 $0x1  }
0x2: {  	[smem:$0x3F9C] =	sst lr;
	_ =	strace $0xD0000000  }
0x3: {  	_ = 	snop  }
0x4: {  	_ = 	snop  }
0x5: {  	_ = 	snop  }
0x6: {  	_ = 	snop  }
0x7: {  	_ = 	snop  }
__scs_overlays_trampoline_lowered:
0x8: {  	[smem:$0x3FAB] =	sst s0  }
0x9: {  	[smem:$0x3FAC] =	sst s1  }
0xa: {  	[smem:$0x3FAD] =	sst s2  }
0xb: {  	[smem:$0x3FAE] =	sst s3  }
0xc: {  	[smem:$0x3FAF] =	sst s4  }
0xd: {  	[smem:$0x3FB0] =	sst s5  }
0xe: {  	[smem:$0x3FB1] =	sst s6  }
0xf: {  	[smem:$0x3FB2] =	sst s7  }
0x10: {  	[smem:$0x3FB3] =	sst s8  }
0x11: {  	[smem:$0x3FB4] =	sst s9;
	s0 =	simm.s32 @!p0 $0x0  }
0x12: {  	s1 =	sld [smem:$0x3F9A];
	s0 =	simm.s32 @p0 $0x1  }
0x13: {  	[smem:$0x3FB5] =	sst s0;
	s0 =	simm.s32 @!p1 $0x0  }
0x14: {  	s2 =	sld [smem:$0x3F99];
	s0 =	simm.s32 @p1 $0x1  }
0x15: {  	[smem:$0x3FB6] =	sst s0;
	s0 =	simm.s32 @!p2 $0x0  }
0x16: {  	s3 =	sld [smem:$0x3FDB];
	s0 =	simm.s32 @p2 $0x1  }
0x17: {  	s4 =	simm.s32 $0x1BF5;
	[smem:$0x3FB8] =	sst s0  }
0x18: {  	s0 =	sld [smem:$0x3F9B];
	_ =	swait.ge [sflag:s4], $0x0  }
0x19: {  	s7 =	sld [smem:$0x3F9C]  }
0x1a: {  	s8 =	sadd.s32 $0xFFFFE003, lr  }
0x1b: {  	s9 =	sadd.s32 $0xFFFFFEF7, lr;
	s5 =	simm.s32 $0xFFFFFFFF;
	p2 =	slt.u32 s8, $0xFFFFF086  }
0x1c: {  	p1 =	slt.u32 s9, $0xF7A;
	s5 =	simm.s32 @!p2 $0x0  }
0x1d: {  	s5 =	simm.s32 @p1 $0x1;
	p0 =	seq.s32 s7, s2  }
0x1e: {  	s7 =	smul.u32 @!p0 $0xF7A, s2;
	p2 =	seq.s32 @!p0 s5, $0x0  }
0x1f: {  	s9 =	smul.u32 $0xF7A, s1;
	s8 =	simm.s32 @!p0 $0x1BF5;
	p2 =	por !p2, p0  }
0x20: {  	[sflag:s8] =	ssyncset.s32 @!p0 $0xFFFFF086;
	s6 =	sadd.s32 @!p0 s3, s7;
	s7 =	simm.s32 @!p0 $0x108  }
0x21: {  	s3 =	sadd.s32 s3, s9;
	s6 =	sadd.s32 @!p0 $0x88, s6;
	s7 =	simm.s32 @p2 $0x1082  }
0x22: {  	[simem:s7], [sflag:s8] =	dma.local @!p0 [hbm:s6], $0xF7A  }
0x23: {  	s9 =	sor.u32 $0xD0000000, s2;
	s6 =	simm.s32 $0x108;
	_ =	swait.ge @!p0 [sflag:s8], $0x0  }
0x24: {  	s3 =	sadd.s32 $0x88, s3;
	s6 =	simm.s32 @!p1 $0x1082;
	[sflag:s4] =	ssyncset.s32 $0xFFFFF086  }
0x25: {  	[simem:s6], [sflag:s4] =	dma.local [hbm:s3], $0xF7A  }
0x26: {  	[smem:$0x3F9C] =	sst s1;
	(tag) =	ssettag s2;
	_ =	strace s9  }
0x27: {  	s1 =	sld [smem:$0x3FAC]  }
0x28: {  	s2 =	sld [smem:$0x3FAD]  }
0x29: {  	s4 =	sld [smem:$0x3FAF]  }
0x2a: {  	p0 =	seq.s32 s5, $0x0;
	s5 =	sld [smem:$0x3FB0]  }
0x2b: {  	s6 =	sld [smem:$0x3FB1]  }
0x2c: {  	s7 =	sld [smem:$0x3FB2]  }
0x2d: {  	s3 =	simm.s32 $0x108;
	s8 =	sld [smem:$0x3FB3]  }
0x2e: {  	s3 =	simm.s32 @!p0 $0x1082;
	s9 =	sld [smem:$0x3FB4]  }
0x2f: {  	lr =	sadd.s32 s0, s3;
	s0 =	sld [smem:$0x3FAB]  }
0x30: {  	s3 =	sld [smem:$0x3FAE]  }
0x31: {  	[smem:$0x3FB7] =	sst s10  }
0x32: {  	s10 =	sld [smem:$0x3FB5];
	_ =	sdelay $0x3  }
0x33: {  	p0 =	seq.s32 s10, $0x1;
	s10 =	sld [smem:$0x3FB7];
	_ =	sdelay $0x3  }
0x34: {  	[smem:$0x3FB7] =	sst s10  }
0x35: {  	s10 =	sld [smem:$0x3FB6];
	_ =	sdelay $0x3  }
0x36: {  	p1 =	seq.s32 s10, $0x1;
	s10 =	sld [smem:$0x3FB7];
	_ =	sdelay $0x3  }
0x37: {  	[smem:$0x3FB7] =	sst s10  }
0x38: {  	s10 =	sld [smem:$0x3FB8]  }
0x39: {  	_ = 	snop;
	(pc) =	sbr.ind lr, $3  }
0x3a: {  	_ = 	snop  }
0x3b: {  	_ = 	snop  }
0x3c: {  	p2 =	seq.s32 s10, $0x1;
	s10 =	sld [smem:$0x3FB7]  }
0x3d: {  	_ =	shalt  }
0x3e: {  	_ =	shalt  }
0x3f: {  	_ =	shalt  }
0x40: {  	_ =	shalt  }
0x41: {  	_ =	shalt  }
0x42: {  	_ =	shalt  }
0x43: {  	_ =	shalt  }
0x44: {  	_ =	shalt  }
0x45: {  	_ =	shalt  }
0x46: {  	_ =	shalt  }
0x47: {  	_ =	shalt  }
0x48: {  	_ =	shalt  }
0x49: {  	_ =	shalt  }
0x4a: {  	_ =	shalt  }
0x4b: {  	_ =	shalt  }
0x4c: {  	_ =	shalt  }
0x4d: {  	_ =	shalt  }
0x4e: {  	_ =	shalt  }
0x4f: {  	_ =	shalt  }
0x50: {  	_ =	shalt  }
0x51: {  	_ =	shalt  }
0x52: {  	_ =	shalt  }
0x53: {  	_ =	shalt  }
0x54: {  	_ =	shalt  }
0x55: {  	_ =	shalt  }
0x56: {  	_ =	shalt  }
0x57: {  	_ =	shalt  }
0x58: {  	_ =	shalt  }
0x59: {  	_ =	shalt  }
0x5a: {  	_ =	shalt  }
0x5b: {  	_ =	shalt  }
0x5c: {  	_ =	shalt  }
0x5d: {  	_ =	shalt  }
0x5e: {  	_ =	shalt  }
0x5f: {  	_ =	shalt  }
0x60: {  	_ =	shalt  }
0x61: {  	_ =	shalt  }
0x62: {  	_ =	shalt  }
0x63: {  	_ =	shalt  }
0x64: {  	_ =	shalt  }
0x65: {  	_ =	shalt  }
0x66: {  	_ =	shalt  }
0x67: {  	_ =	shalt  }
0x68: {  	_ =	shalt  }
0x69: {  	_ =	shalt  }
0x6a: {  	_ =	shalt  }
0x6b: {  	_ =	shalt  }
0x6c: {  	_ =	shalt  }
0x6d: {  	_ =	shalt  }
0x6e: {  	_ =	shalt  }
0x6f: {  	_ =	shalt  }
0x70: {  	_ =	shalt  }
0x71: {  	_ =	shalt  }
0x72: {  	_ =	shalt  }
0x73: {  	_ =	shalt  }
0x74: {  	_ =	shalt  }
0x75: {  	_ =	shalt  }
0x76: {  	_ =	shalt  }
0x77: {  	_ =	shalt  }
0x78: {  	_ =	shalt  }
0x79: {  	_ =	shalt  }
0x7a: {  	_ =	shalt  }
0x7b: {  	_ =	shalt  }
0x7c: {  	_ =	shalt  }
0x7d: {  	_ =	shalt  }
0x7e: {  	_ =	shalt  }
0x7f: {  	_ =	shalt  }
0x80: {  	_ =	shalt  }
0x81: {  	_ =	shalt  }
0x82: {  	_ =	shalt  }
0x83: {  	_ =	shalt  }
0x84: {  	_ =	shalt  }
0x85: {  	_ =	shalt  }
0x86: {  	_ =	shalt  }
0x87: {  	_ =	shalt  }
.Lfunc_end0:
.L_simem_size_0:
called_computation.2_lowered:
.L_overlay_start_0:
0x88: {  	s2 =	sld [smem:$0x3FD9]  }
0x89: {  	s3 =	sld [smem:$0x3FFE];
	_ =	sdelay $0x1  }
0x8a: {  	s1 =	srdreg.scid  }
0x8b: {  	s0 =	sand.u32 $0x1, s1  }
0x8c: {  	s16 =	sshll.u32 s0, $0xA;
	s2 =	sadd.s32 s3, s2  }
0x8d: {  	s2 =	sadd.s32 s2, s16  }
0x8e: {  	[smem:$0x3FC3] =	sst s2  }
0x8f: {  	_ = 	snop  }
0x90: {  	(tm) =	ssettm $0x1  }
0x91: {  	s17 =	sld [smem:$0x3FFB];
	_ =	sdelay $0x3  }
0x92: {  	_ =	strace s17  }
0x93: {  	s2 =	sld [smem:$0x3FFC];
	_ =	sdelay $0x3  }
0x94: {  	_ =	strace s2  }
0x95: {  	s2 =	sld [smem:$0x3FFD];
	_ =	sdelay $0x3  }
0x96: {  	_ =	strace s2  }
0x97: {  	_ =	strace $0x8FFFFFFF  }
0x98: {  	s18 =	sld [smem:$0x3FDB];
	_ =	sdelay $0x1  }
0x99: {  	s19 =	simm.s32 $_scs_section_size  }
0x9a: {  	s4 =	simm.s32 $_size__tile_overlayer_lowered;
	s5 =	simm.s32 $_tile_overlayer_lowered  }
0x9b: {  	s22 =	simm.s32 $0x1BFF;
	s21 =	sshll.u32 s5, $0x1;
	s2 =	sadd.s32 s19, s18  }
0x9c: {  	s6 =	simm.s32 $0x0;
	s20 =	sshll.u32 s4, $0x1;
	s4 =	sadd.s32 s21, s2  }
0x9d: {  	[timem:s6], [sflag:s22] =	dma.local [hbm:s4], s20  }
0x9e: {  	_ =	swait.ge [sflag:s22], s20  }
0x9f: {  	s3 =	ssub.s32 $0x0, s20;
	[sflag:s22] =	ssyncset.done $0x0  }
0xa0: {  	[sflag:s22] =	ssyncadd.s32 s3;
	_ =	sdelay $0x1  }
0xa1: {  	s23 =	simm.s32 $0x1B8B  }
0xa2: {  	_ =	swait.ge [sflag:s23], $0x1  }
0xa3: {  	[sflag:s23] =	ssyncset.done $0x0  }
0xa4: {  	s25 =	simm.s32 $0x1B8E;
	s24 =	sld [smem:$0x3FFE];
	[sflag:s23] =	ssyncadd.s32 $0xFFFFFFFF  }
0xa5: {  	s26 =	simm.s32 $execute0_lowered;
	[smem:$0x3FD2] =	sst s25  }
0xa6: {  	s4 =	sshll.u32 s26, $0x1;
	_ =	strace $0x8000004C;
	[dreg:$0x1] =	wrdreg $0xFFFFFFFF  }
0xa7: {  	s28 =	simm.s32 $_size_execute0_lowered;
	s2 =	sadd.s32 s2, s4;
	[dreg:$0x0] =	wrdreg $0x0  }
0xa8: {  	s4 =	sshll.u32 s28, $0x1;
	[dreg:$0x2] =	wrdreg s2  }
0xa9: {  	[dreg:$0x3] =	wrdreg s4  }
0xaa: {  	[dreg:$0x4] =	wrdreg $0xC0  }
0xab: {  	_ =	task [dreg:s6], $0x5FFFF  }
0xac: {  	[dreg:$0x1] =	wrdreg $0xFFFFFFFF  }
0xad: {  	[dreg:$0x0] =	wrdreg $0x60  }
0xae: {  	[dreg:$0x2] =	wrdreg s24  }
0xaf: {  	[dreg:$0x3] =	wrdreg $0xB8000  }
0xb0: {  	[dreg:$0x4] =	wrdreg $0x9  }
0xb1: {  	_ =	task.clear_ibuf [dreg:s6], $0x5FFFF;
	_ =	strace $0x9000004C  }
0xb2: {  	s29 =	simm.s32 $0x9;
	_ =	strace $0x8000004E  }
0xb3: {  	_ =	swait.ge [sflag:s29], $0x1  }
0xb4: {  	[sflag:s29] =	ssyncadd.s32 $0xFFFFFFFF  }
0xb5: {  	_ =	strace $0x9000004E  }
0xb6: {  	_ =	sfence  }
0xb7: {  	s30 =	sld [smem:$0x0];
	_ =	sdelay $0x2  }
0xb8: {  	s31 =	sshll.u32 s1, $0xD;
	s1 =	sshrl.u32 s1, $0x2  }
0xb9: {  	s3 =	sand.u32 $0x4000, s31;
	s1 =	sadd.s32 s1, s30  }
0xba: {  	s0 =	sor.u32 s3, s0;
	s1 =	sshll.u32 s1, $0x11  }
0xbb: {  	s0 =	sor.u32 s1, s0  }
0xbc: {  	s0 =	sadd.s32 $0x8F2B, s0  }
0xbd: {  	[sflag:s0] =	ssyncadd.remote.s32 $0x1  }
0xbe: {  	_ =	sfence.sel $0xFFFF  }
0xbf: {  	[dreg:$0x0] =	wrdreg $0xFFFFFFFF;
	(pc) =	sbr.abs _section_cstart, $3  }
0xc0: {  	[dreg:$0x1] =	wrdreg $0xFFFFFFFF  }
0xc1: {  	_ =	task.clear_ibuf [dreg:s6], $0x2FFFF;
	_ =	strace $0x9FFFFFFF  }
0xc2: {  	(tm) =	ssettm $0x7FFFFFFF  }
0xc3: {  	_ =	shalt  }
tec
execute0_lowered:
.L_overlay_start_1:
0x0: {  	(tag) =	ssettag $0x1  }
0x1: {  	s0 =	rddreg [dreg:$0x0]  }
0x2: {  	s3 =	srdreg.scid;
	s1 =	rddreg [dreg:$0x1]  }
0x3: {  	s2 =	simm.s32 $0x0;
	s13 =	stileid.u32;
	s29 =	simm.s32 $0x7800  }
0x4: {  	s30 =	simm.s32 $0x2;
	s31 =	simm.s32 $0x40;
	s3 =	sand.u32 $0x1, s3  }
0x5: {  	[smem:$0x7FF] =	sst s2;
	s6 =	smul.u32 $0x14000, s13;
	s10 =	sadd.s32 $0x157800, s0  }
0x6: {  	s4 =	sshll.u32 s3, $0x4;
	s5 =	ssub.s32 $0x2, s3;
	s3 =	smul.u32 $0x140000, s3  }
0x7: {  	s4 =	sor.u32 s13, s4;
	s7 =	sshrl.u32 s5, $0x1;
	s16 =	sor.u32 $0x2000, s6  }
0x8: {  	s17 =	sadd.s32 $0x4000, s6;
	s18 =	sadd.s32 $0x6000, s6;
	s19 =	sadd.s32 $0x8000, s6  }
0x9: {  	s20 =	sadd.s32 $0xA000, s6;
	s21 =	sadd.s32 $0xC000, s6;
	s22 =	sadd.s32 $0xE000, s6  }
0xa: {  	s23 =	sadd.s32 $0x10000, s6;
	s4 =	smul.u32 $0x500, s4;
	s5 =	ssub.s32 s5, s7  }
0xb: {  	s26 =	sadd.s32 s6, s3;
	s8 =	sadd.s32 s3, s16;
	s6 =	sadd.s32 $0x12000, s6  }
0xc: {  	s9 =	sadd.s32 s3, s17;
	s11 =	sadd.s32 s3, s18;
	s24 =	sadd.s32 s3, s20  }
0xd: {  	s25 =	sadd.s32 s3, s21;
	s16 =	sadd.s32 s16, s1;
	s17 =	sadd.s32 s17, s1  }
0xe: {  	s18 =	sadd.s32 s18, s1;
	s20 =	sadd.s32 s20, s1;
	s21 =	sadd.s32 s21, s1  }
0xf: {  	s7 =	sshrl.u32 s26, $0x3;
	s8 =	sshrl.u32 s8, $0x3;
	s12 =	sshrl.u32 s11, $0x3  }
0x10: {  	s11 =	sadd.s32 s3, s22;
	s22 =	sadd.s32 s22, s1;
	s7 =	sadd.s32 s10, s7  }
0x11: {  	s28 =	smax.u32 s5, $0x1;
	s8 =	sadd.s32 s10, s8;
	[dreg:$0x3] =	wrdreg s7  }
0x12: {  	s11 =	sshrl.u32 s11, $0x3;
	[dreg:$0x4] =	wrdreg s8;
	s7 =	sshrl.u32 s9, $0x3  }
0x13: {  	s9 =	sadd.s32 s3, s19;
	s8 =	sshrl.u32 s24, $0x3;
	s11 =	sadd.s32 s10, s11  }
0x14: {  	s19 =	sadd.s32 s19, s1;
	s24 =	sadd.s32 s6, s1;
	s7 =	sadd.s32 s10, s7  }
0x15: {  	s14 =	sshrl.u32 s9, $0x3;
	s26 =	sadd.s32 s10, s8;
	s9 =	sshrl.u32 s25, $0x3  }
0x16: {  	[dreg:$0x5] =	wrdreg s7;
	s7 =	sadd.s32 s10, s12;
	s15 =	sadd.s32 s10, s14  }
0x17: {  	[dreg:$0x8] =	wrdreg s26;
	s9 =	sadd.s32 s10, s9;
	s12 =	sadd.s32 s3, s23  }
0x18: {  	s3 =	sadd.s32 s3, s6;
	s14 =	smul.u32 $0xA00, s13;
	[dreg:$0x6] =	wrdreg s7  }
0x19: {  	s23 =	sadd.s32 s23, s1;
	[dreg:$0x7] =	wrdreg s15;
	s12 =	sshrl.u32 s12, $0x3  }
0x1a: {  	s3 =	sshrl.u32 s3, $0x3;
	s15 =	smul.u32 $0x50000, s13;
	s7 =	sadd.s32 s4, s0  }
0x1b: {  	s12 =	sadd.s32 s10, s12;
	s13 =	sadd.s32 s10, s3;
	_ =	strace $0x8000004D  }
0x1c: {  	s8 =	sadd.s32 s14, s0;
	s14 =	sadd.s32 $0x107800, s0;
	s25 =	sadd.s32 $0xAD800, s7  }
0x1d: {  	s10 =	simm.s32 $0x80;
	s0 =	simm.s32 $0x1;
	s26 =	sshrl.u32 s15, $0x2  }
0x1e: {  	v0 =	vimm.f32 $0.0e+00;
	s3 =	simm.s32 $0x9800;
	s15 =	sadd.s32 s26, s1;
	s26 =	sadd.s32 $0x53800, s8  }
.LBB2_1:
0x1f: {  	s4 =	simm.s32 $0x0;
	s5 =	simm.s32 $0x200  }
.LBB2_2:
0x20: {  	p0 =	sne.s32 s5, $0x7E00;
	[tilespmem:s4+$0x7870] =	vst v0  }
0x21: {  	[tilespmem:s4+$0x7800] =	vst v0  }
0x22: {  	[tilespmem:s4+$0x7810] =	vst v0  }
.Ltmp0:
0x23: {  	[tilespmem:s4+$0x7820] =	vst v0;
	(pc) =	sbr.rel @p0 .LBB2_2-.Ltmp0, $4  }
0x24: {  	[tilespmem:s4+$0x7830] =	vst v0  }
0x25: {  	[tilespmem:s4+$0x7840] =	vst v0  }
0x26: {  	[tilespmem:s4+$0x7850] =	vst v0  }
0x27: {  	[tilespmem:s4+$0x7860] =	vst v0;
	s4 =	sshra.s32 s5, $0x2;
	s5 =	sadd.s32 $0x200, s5  }
0x28: {  	[tilespmem:s4+$0x7870] =	vst v0  }
0x29: {  	[tilespmem:s4+$0x7800] =	vst v0  }
0x2a: {  	[tilespmem:s4+$0x7810] =	vst v0  }
0x2b: {  	[tilespmem:s4+$0x7820] =	vst v0  }
0x2c: {  	[tilespmem:s4+$0x7830] =	vst v0  }
0x2d: {  	[tilespmem:s4+$0x7840] =	vst v0  }
0x2e: {  	[tilespmem:s4+$0x7850] =	vst v0  }
0x2f: {  	[tilespmem:s4+$0x7860] =	vst v0  }
0x30: {  	[spmem:s15] =	stream.linear.scatter [tilespmem:s29], [sflag:$0x2], $0x2000, $0x38;
	[tilespmem:$0x1F800] =	vst v63  }
0x31: {  	_ =	swait.ge [sflag:s30], $0x2000  }
0x32: {  	[sflag:s30] =	ssyncset.done $0x0  }
0x33: {  	[sflag:s30] =	ssyncadd.s32 $0xFFFFE000  }
0x34: {  	[spmem:s16] =	stream.linear.scatter [tilespmem:s29], [sflag:$0x2], $0x2000, $0x38;
	[tilespmem:$0x1F800] =	vst v63  }
0x35: {  	_ =	swait.ge [sflag:s30], $0x2000  }
0x36: {  	[sflag:s30] =	ssyncset.done $0x0  }
0x37: {  	[sflag:s30] =	ssyncadd.s32 $0xFFFFE000  }
0x38: {  	[spmem:s17] =	stream.linear.scatter [tilespmem:s29], [sflag:$0x2], $0x2000, $0x38;
	[tilespmem:$0x1F800] =	vst v63  }
0x39: {  	_ =	swait.ge [sflag:s30], $0x2000  }
0x3a: {  	[sflag:s30] =	ssyncset.done $0x0  }
0x3b: {  	[sflag:s30] =	ssyncadd.s32 $0xFFFFE000  }
0x3c: {  	[spmem:s18] =	stream.linear.scatter [tilespmem:s29], [sflag:$0x2], $0x2000, $0x38;
	[tilespmem:$0x1F800] =	vst v63  }
0x3d: {  	_ =	swait.ge [sflag:s30], $0x2000  }
0x3e: {  	[sflag:s30] =	ssyncset.done $0x0  }
0x3f: {  	[sflag:s30] =	ssyncadd.s32 $0xFFFFE000  }
0x40: {  	[spmem:s19] =	stream.linear.scatter [tilespmem:s29], [sflag:$0x2], $0x2000, $0x38;
	[tilespmem:$0x1F800] =	vst v63  }
0x41: {  	_ =	swait.ge [sflag:s30], $0x2000  }
0x42: {  	[sflag:s30] =	ssyncset.done $0x0  }
0x43: {  	[sflag:s30] =	ssyncadd.s32 $0xFFFFE000  }
0x44: {  	[spmem:s20] =	stream.linear.scatter [tilespmem:s29], [sflag:$0x2], $0x2000, $0x38;
	[tilespmem:$0x1F800] =	vst v63  }
0x45: {  	_ =	swait.ge [sflag:s30], $0x2000  }
0x46: {  	[sflag:s30] =	ssyncset.done $0x0  }
0x47: {  	[sflag:s30] =	ssyncadd.s32 $0xFFFFE000  }
0x48: {  	[spmem:s21] =	stream.linear.scatter [tilespmem:s29], [sflag:$0x2], $0x2000, $0x38;
	[tilespmem:$0x1F800] =	vst v63  }
0x49: {  	_ =	swait.ge [sflag:s30], $0x2000  }
0x4a: {  	[sflag:s30] =	ssyncset.done $0x0  }
0x4b: {  	[sflag:s30] =	ssyncadd.s32 $0xFFFFE000  }
0x4c: {  	[spmem:s22] =	stream.linear.scatter [tilespmem:s29], [sflag:$0x2], $0x2000, $0x38;
	[tilespmem:$0x1F800] =	vst v63  }
0x4d: {  	_ =	swait.ge [sflag:s30], $0x2000  }
0x4e: {  	[sflag:s30] =	ssyncset.done $0x0  }
0x4f: {  	[sflag:s30] =	ssyncadd.s32 $0xFFFFE000  }
0x50: {  	[spmem:s23] =	stream.linear.scatter [tilespmem:s29], [sflag:$0x2], $0x2000, $0x38;
	[tilespmem:$0x1F800] =	vst v63  }
0x51: {  	_ =	swait.ge [sflag:s30], $0x2000  }
0x52: {  	[sflag:s30] =	ssyncset.done $0x0  }
0x53: {  	[sflag:s30] =	ssyncadd.s32 $0xFFFFE000  }
0x54: {  	[spmem:s24] =	stream.linear.scatter [tilespmem:s29], [sflag:$0x2], $0x2000, $0x38;
	[tilespmem:$0x1F800] =	vst v63  }
0x55: {  	_ =	swait.ge [sflag:s30], $0x2000  }
0x56: {  	[sflag:s30] =	ssyncset.done $0x0  }
0x57: {  	[sflag:s30] =	ssyncadd.s32 $0xFFFFE000  }
0x58: {  	s8 =	simm.s32 $0x0;
	[bflag:$0x0] =	sbarrier.arrive $0xFFFF  }
0x59: {  	[tilespmem:s8], [sflag:$0x2] =	stream.linear.gather [hbm4b:s25+s8], $0x2800, $0x38;
	[tilespmem:$0x1F800] =	vst v63  }
0x5a: {  	_ =	swait.ge [sflag:s30], $0x2800  }
0x5b: {  	[sflag:s30] =	ssyncset.done $0x0  }
0x5c: {  	s5 =	simm.s32 $0x2800;
	[sflag:s30] =	ssyncadd.s32 $0xFFFFD800  }
0x5d: {  	[tilespmem:s5], [sflag:$0x2] =	stream.linear.gather [hbm4b:s26+s8], $0x5000, $0x38;
	[tilespmem:$0x1F800] =	vst v63  }
0x5e: {  	_ =	swait.ge [sflag:s30], $0x5000  }
0x5f: {  	[sflag:s30] =	ssyncset.done $0x0  }
0x60: {  	s6 =	simm.s32 $0x0;
	[sflag:s30] =	ssyncadd.s32 $0xFFFFB000  }
0x61: {  	[tilespmem:s29], [sflag:$0x1] =	stream.indirect.gather [hbm4b:s14+s10], $0x80, s6, s10, $0xb8;
	[tilespmem:$0x1F800] =	vst v63  }
0x62: {  	_ =	swait.ge [sflag:s0], $0x4000  }
0x63: {  	[sflag:s0] =	ssyncset.done $0x0  }
0x64: {  	s7 =	simm.s32 $0x2800;
	[sflag:s0] =	ssyncadd.s32 $0xFFFFC000  }
0x65: {  	[spmem:s1] =	stream.indirect.scatter.add.f32 [tilespmem:s29], [sflag:$0x2], $0x80, s7, s31, $0xb8;
	[tilespmem:$0x1F800] =	vst v63  }
0x66: {  	_ =	swait.ge [sflag:s30], $0x2000  }
0x67: {  	[sflag:s30] =	ssyncset.done $0x0  }
0x68: {  	s8 =	simm.s32 $0x2880;
	[sflag:s30] =	ssyncadd.s32 $0xFFFFE000  }
0x69: {  	[spmem:s1] =	stream.indirect.scatter.add.f32 [tilespmem:s3], [sflag:$0x2], $0x80, s8, s31, $0xb8;
	[tilespmem:$0x1F800] =	vst v63  }
0x6a: {  	s4 =	simm.s32 $0x2980;
	_ =	swait.ge [sflag:s30], $0x2000  }
0x6b: {  	s5 =	simm.s32 $0x200;
	s6 =	simm.s32 $0x400;
	[sflag:s30] =	ssyncset.done $0x0  }
.LBB2_4:
0x6c: {  	s7 =	sshra.s32 s5, $0x2  }
0x6d: {  	[sflag:s30] =	ssyncadd.s32 $0xFFFFE000;
	s5 =	smov.u32 s6;
	s8 =	sadd.s32 $0x200, s6  }
0x6e: {  	[tilespmem:s29], [sflag:$0x1] =	stream.indirect.gather [hbm4b:s14+s10], $0x80, s7, s10, $0xb8;
	[tilespmem:$0x1F800] =	vst v63  }
0x6f: {  	p0 =	sne.s32 s6, $0x9E00;
	_ =	swait.ge [sflag:s0], $0x4000  }
0x70: {  	[sflag:s0] =	ssyncset.done $0x0  }
0x71: {  	s6 =	sadd.s32 $0xFFFFFF80, s4;
	[sflag:s0] =	ssyncadd.s32 $0xFFFFC000  }
0x72: {  	[spmem:s1] =	stream.indirect.scatter.add.f32 [tilespmem:s29], [sflag:$0x2], $0x80, s6, s31, $0xb8;
	[tilespmem:$0x1F800] =	vst v63  }
0x73: {  	_ =	swait.ge [sflag:s30], $0x2000  }
.Ltmp1:
0x74: {  	[sflag:s30] =	ssyncset.done $0x0;
	(pc) =	sbr.rel @p0 .LBB2_4-.Ltmp1, $4  }
0x75: {  	[sflag:s30] =	ssyncadd.s32 $0xFFFFE000  }
0x76: {  	[spmem:s1] =	stream.indirect.scatter.add.f32 [tilespmem:s3], [sflag:$0x2], $0x80, s4, s31, $0xb8;
	[tilespmem:$0x1F800] =	vst v63  }
0x77: {  	_ =	swait.ge [sflag:s30], $0x2000  }
0x78: {  	s6 =	smov.u32 s8;
	s4 =	sadd.s32 $0x100, s4;
	[sflag:s30] =	ssyncset.done $0x0  }
0x79: {  	s5 =	sshra.s32 s5, $0x2;
	[sflag:s30] =	ssyncadd.s32 $0xFFFFE000  }
0x7a: {  	[tilespmem:s29], [sflag:$0x1] =	stream.indirect.gather [hbm4b:s14+s10], $0x80, s5, s10, $0xb8;
	[tilespmem:$0x1F800] =	vst v63  }
0x7b: {  	_ =	swait.ge [sflag:s0], $0x4000  }
0x7c: {  	[sflag:s0] =	ssyncset.done $0x0  }
0x7d: {  	s6 =	sadd.s32 $0xFFFFFF80, s4;
	[sflag:s0] =	ssyncadd.s32 $0xFFFFC000  }
0x7e: {  	[spmem:s1] =	stream.indirect.scatter.add.f32 [tilespmem:s29], [sflag:$0x2], $0x80, s6, s31, $0xb8;
	[tilespmem:$0x1F800] =	vst v63  }
0x7f: {  	_ =	swait.ge [sflag:s30], $0x2000  }
0x80: {  	[sflag:s30] =	ssyncset.done $0x0  }
0x81: {  	[sflag:s30] =	ssyncadd.s32 $0xFFFFE000  }
0x82: {  	[spmem:s1] =	stream.indirect.scatter.add.f32 [tilespmem:s3], [sflag:$0x2], $0x80, s4, s31, $0xb8;
	[tilespmem:$0x1F800] =	vst v63  }
0x83: {  	_ =	swait.ge [sflag:s30], $0x2000  }
0x84: {  	[sflag:s30] =	ssyncset.done $0x0  }
0x85: {  	s7 =	stileid.u32;
	[sflag:s30] =	ssyncadd.s32 $0xFFFFE000  }
0x86: {  	s4 =	sshll.u32 s7, $0x6;
	[bflag:$0x0] =	sbarrier.arrive $0xFFFF  }
0x87: {  	s8 =	sshrl.u32 s15, $0x3;
	s4 =	sor.u32 $0x1C02, s4;
	s6 =	rddreg [dreg:$0x3]  }
0x88: {  	[hbm:s6], [sflag:s4] =	dma.local [spmem:s8], $0x400  }
0x89: {  	_ =	swait.ge [sflag:s30], $0x400  }
0x8a: {  	[sflag:s30] =	ssyncset.done $0x0  }
0x8b: {  	s7 =	sshrl.u32 s16, $0x3;
	s8 =	rddreg [dreg:$0x4];
	[sflag:s30] =	ssyncadd.s32 $0xFFFFFC00  }
0x8c: {  	[hbm:s8], [sflag:s4] =	dma.local [spmem:s7], $0x400  }
0x8d: {  	_ =	swait.ge [sflag:s30], $0x400  }
0x8e: {  	[sflag:s30] =	ssyncset.done $0x0  }
0x8f: {  	s7 =	sshrl.u32 s17, $0x3;
	s8 =	rddreg [dreg:$0x5];
	[sflag:s30] =	ssyncadd.s32 $0xFFFFFC00  }
0x90: {  	[hbm:s8], [sflag:s4] =	dma.local [spmem:s7], $0x400  }
0x91: {  	_ =	swait.ge [sflag:s30], $0x400  }
0x92: {  	[sflag:s30] =	ssyncset.done $0x0  }
0x93: {  	s7 =	sshrl.u32 s18, $0x3;
	s8 =	rddreg [dreg:$0x6];
	[sflag:s30] =	ssyncadd.s32 $0xFFFFFC00  }
0x94: {  	[hbm:s8], [sflag:s4] =	dma.local [spmem:s7], $0x400  }
0x95: {  	_ =	swait.ge [sflag:s30], $0x400  }
0x96: {  	[sflag:s30] =	ssyncset.done $0x0  }
0x97: {  	s7 =	sshrl.u32 s19, $0x3;
	s8 =	rddreg [dreg:$0x7];
	[sflag:s30] =	ssyncadd.s32 $0xFFFFFC00  }
0x98: {  	[hbm:s8], [sflag:s4] =	dma.local [spmem:s7], $0x400  }
0x99: {  	_ =	swait.ge [sflag:s30], $0x400  }
0x9a: {  	[sflag:s30] =	ssyncset.done $0x0  }
0x9b: {  	s6 =	sshrl.u32 s20, $0x3;
	s7 =	rddreg [dreg:$0x8];
	[sflag:s30] =	ssyncadd.s32 $0xFFFFFC00  }
0x9c: {  	[hbm:s7], [sflag:s4] =	dma.local [spmem:s6], $0x400  }
0x9d: {  	_ =	swait.ge [sflag:s30], $0x400  }
0x9e: {  	[sflag:s30] =	ssyncset.done $0x0  }
0x9f: {  	s8 =	sshrl.u32 s21, $0x3;
	[sflag:s30] =	ssyncadd.s32 $0xFFFFFC00  }
0xa0: {  	[hbm:s9], [sflag:s4] =	dma.local [spmem:s8], $0x400  }
0xa1: {  	_ =	swait.ge [sflag:s30], $0x400  }
0xa2: {  	[sflag:s30] =	ssyncset.done $0x0  }
0xa3: {  	s6 =	sshrl.u32 s22, $0x3;
	[sflag:s30] =	ssyncadd.s32 $0xFFFFFC00  }
0xa4: {  	[hbm:s11], [sflag:s4] =	dma.local [spmem:s6], $0x400  }
0xa5: {  	_ =	swait.ge [sflag:s30], $0x400  }
0xa6: {  	[sflag:s30] =	ssyncset.done $0x0  }
0xa7: {  	s7 =	sshrl.u32 s23, $0x3;
	[sflag:s30] =	ssyncadd.s32 $0xFFFFFC00  }
0xa8: {  	[hbm:s12], [sflag:s4] =	dma.local [spmem:s7], $0x400  }
0xa9: {  	s2 =	sadd.s32 $0x1, s2;
	_ =	swait.ge [sflag:s30], $0x400  }
0xaa: {  	p0 =	sne.s32 s2, s28;
	[sflag:s30] =	ssyncset.done $0x0  }
.Ltmp2:
0xab: {  	s8 =	sshrl.u32 s24, $0x3;
	[sflag:s30] =	ssyncadd.s32 $0xFFFFFC00;
	(pc) =	sbr.rel @p0 .LBB2_1-.Ltmp2, $4  }
0xac: {  	[hbm:s13], [sflag:s4] =	dma.local [spmem:s8], $0x400  }
0xad: {  	_ =	swait.ge [sflag:s30], $0x400  }
0xae: {  	[sflag:s30] =	ssyncset.done $0x0  }
0xaf: {  	[sflag:s30] =	ssyncadd.s32 $0xFFFFFC00  }
0xb0: {  	_ =	sfence.sel $0x180000  }
0xb1: {  	[bflag:$0x0] =	sbarrier.arrive $0xFFFF  }
0xb2: {  	_ =	strace $0x9000004D  }
0xb3: {  	s0 =	stileid.u32;
	[bflag:$0x2] =	sbarrier.arrive $0xFFFF  }
0xb4: {  	p0 =	sne.s32 s0, $0x0;
	s0 =	rddreg [dreg:$0x2]  }
0xb5: {  	s0 =	sadd.s32 @!p0 $0x100000, s0  }
0xb6: {  	[sflag:s0] =	ssyncadd.tile.s32 @!p0 $0x1;
	_ =	shalt  }
.Lfunc_end2:
_tile_overlayer_lowered:
.L_overlay_start_2:
0xb7: {  	(tag) =	ssettag $0x2  }
0xb8: {  	s0 =	rddreg [dreg:$0x0];
	s2 =	stileid.u32  }
0xb9: {  	s1 =	rddreg [dreg:$0x1];
	p0 =	sne.s32 s2, $0x0  }
0xba: {  	s3 =	rddreg [dreg:$0x2];
	[bflag:$0x3] =	sbarrier.arrive $0xFFFF;
	s2 =	simm.s32 @!p0 $0x1C02  }
0xbb: {  	[timem:s3], [sflag:s2] =	dma.local @!p0 [hbm:s0], s1  }
0xbc: {  	s0 =	simm.s32 @!p0 $0x2  }
0xbd: {  	_ =	swait.ge @!p0 [sflag:s0], s1  }
0xbe: {  	s1 =	ssub.s32 @!p0 $0x0, s1;
	[sflag:s0] =	ssyncset.done @!p0 $0x0  }
0xbf: {  	[sflag:s0] =	ssyncadd.s32 @!p0 s1  }
0xc0: {  	[bflag:$0x3] =	sbarrier.arrive $0xFFFF  }
0xc1: {  	_ =	shalt  }

// kernel: kernel.21.cloned.1.call-start
scs
__scs_entry_jumppad:
0x0: {  	(pc) =	sbr.rel $0x88, $3  }
0x1: {  	(tag) =	ssettag $0x0;
	lr =	simm.s32 $0x1  }
0x2: {  	[smem:$0x3F9C] =	sst lr;
	_ =	strace $0xD0000000  }
0x3: {  	_ = 	snop  }
0x4: {  	_ = 	snop  }
0x5: {  	_ = 	snop  }
0x6: {  	_ = 	snop  }
0x7: {  	_ = 	snop  }
__scs_overlays_trampoline_lowered:
0x8: {  	[smem:$0x3FAB] =	sst s0  }
0x9: {  	[smem:$0x3FAC] =	sst s1  }
0xa: {  	[smem:$0x3FAD] =	sst s2  }
0xb: {  	[smem:$0x3FAE] =	sst s3  }
0xc: {  	[smem:$0x3FAF] =	sst s4  }
0xd: {  	[smem:$0x3FB0] =	sst s5  }
0xe: {  	[smem:$0x3FB1] =	sst s6  }
0xf: {  	[smem:$0x3FB2] =	sst s7  }
0x10: {  	[smem:$0x3FB3] =	sst s8  }
0x11: {  	[smem:$0x3FB4] =	sst s9;
	s0 =	simm.s32 @!p0 $0x0  }
0x12: {  	s1 =	sld [smem:$0x3F9A];
	s0 =	simm.s32 @p0 $0x1  }
0x13: {  	[smem:$0x3FB5] =	sst s0;
	s0 =	simm.s32 @!p1 $0x0  }
0x14: {  	s2 =	sld [smem:$0x3F99];
	s0 =	simm.s32 @p1 $0x1  }
0x15: {  	[smem:$0x3FB6] =	sst s0;
	s0 =	simm.s32 @!p2 $0x0  }
0x16: {  	s3 =	sld [smem:$0x3FDB];
	s0 =	simm.s32 @p2 $0x1  }
0x17: {  	s4 =	simm.s32 $0x1BF5;
	[smem:$0x3FB8] =	sst s0  }
0x18: {  	s0 =	sld [smem:$0x3F9B];
	_ =	swait.ge [sflag:s4], $0x0  }
0x19: {  	s7 =	sld [smem:$0x3F9C]  }
0x1a: {  	s8 =	sadd.s32 $0xFFFFE003, lr  }
0x1b: {  	s9 =	sadd.s32 $0xFFFFFEF7, lr;
	s5 =	simm.s32 $0xFFFFFFFF;
	p2 =	slt.u32 s8, $0xFFFFF086  }
0x1c: {  	p1 =	slt.u32 s9, $0xF7A;
	s5 =	simm.s32 @!p2 $0x0  }
0x1d: {  	s5 =	simm.s32 @p1 $0x1;
	p0 =	seq.s32 s7, s2  }
0x1e: {  	s7 =	smul.u32 @!p0 $0xF7A, s2;
	p2 =	seq.s32 @!p0 s5, $0x0  }
0x1f: {  	s9 =	smul.u32 $0xF7A, s1;
	s8 =	simm.s32 @!p0 $0x1BF5;
	p2 =	por !p2, p0  }
0x20: {  	[sflag:s8] =	ssyncset.s32 @!p0 $0xFFFFF086;
	s6 =	sadd.s32 @!p0 s3, s7;
	s7 =	simm.s32 @!p0 $0x108  }
0x21: {  	s3 =	sadd.s32 s3, s9;
	s6 =	sadd.s32 @!p0 $0x88, s6;
	s7 =	simm.s32 @p2 $0x1082  }
0x22: {  	[simem:s7], [sflag:s8] =	dma.local @!p0 [hbm:s6], $0xF7A  }
0x23: {  	s9 =	sor.u32 $0xD0000000, s2;
	s6 =	simm.s32 $0x108;
	_ =	swait.ge @!p0 [sflag:s8], $0x0  }
0x24: {  	s3 =	sadd.s32 $0x88, s3;
	s6 =	simm.s32 @!p1 $0x1082;
	[sflag:s4] =	ssyncset.s32 $0xFFFFF086  }
0x25: {  	[simem:s6], [sflag:s4] =	dma.local [hbm:s3], $0xF7A  }
0x26: {  	[smem:$0x3F9C] =	sst s1;
	(tag) =	ssettag s2;
	_ =	strace s9  }
0x27: {  	s1 =	sld [smem:$0x3FAC]  }
0x28: {  	s2 =	sld [smem:$0x3FAD]  }
0x29: {  	s4 =	sld [smem:$0x3FAF]  }
0x2a: {  	p0 =	seq.s32 s5, $0x0;
	s5 =	sld [smem:$0x3FB0]  }
0x2b: {  	s6 =	sld [smem:$0x3FB1]  }
0x2c: {  	s7 =	sld [smem:$0x3FB2]  }
0x2d: {  	s3 =	simm.s32 $0x108;
	s8 =	sld [smem:$0x3FB3]  }
0x2e: {  	s3 =	simm.s32 @!p0 $0x1082;
	s9 =	sld [smem:$0x3FB4]  }
0x2f: {  	lr =	sadd.s32 s0, s3;
	s0 =	sld [smem:$0x3FAB]  }
0x30: {  	s3 =	sld [smem:$0x3FAE]  }
0x31: {  	[smem:$0x3FB7] =	sst s10  }
0x32: {  	s10 =	sld [smem:$0x3FB5];
	_ =	sdelay $0x3  }
0x33: {  	p0 =	seq.s32 s10, $0x1;
	s10 =	sld [smem:$0x3FB7];
	_ =	sdelay $0x3  }
0x34: {  	[smem:$0x3FB7] =	sst s10  }
0x35: {  	s10 =	sld [smem:$0x3FB6];
	_ =	sdelay $0x3  }
0x36: {  	p1 =	seq.s32 s10, $0x1;
	s10 =	sld [smem:$0x3FB7];
	_ =	sdelay $0x3  }
0x37: {  	[smem:$0x3FB7] =	sst s10  }
0x38: {  	s10 =	sld [smem:$0x3FB8]  }
0x39: {  	_ = 	snop;
	(pc) =	sbr.ind lr, $3  }
0x3a: {  	_ = 	snop  }
0x3b: {  	_ = 	snop  }
0x3c: {  	p2 =	seq.s32 s10, $0x1;
	s10 =	sld [smem:$0x3FB7]  }
0x3d: {  	_ =	shalt  }
0x3e: {  	_ =	shalt  }
0x3f: {  	_ =	shalt  }
0x40: {  	_ =	shalt  }
0x41: {  	_ =	shalt  }
0x42: {  	_ =	shalt  }
0x43: {  	_ =	shalt  }
0x44: {  	_ =	shalt  }
0x45: {  	_ =	shalt  }
0x46: {  	_ =	shalt  }
0x47: {  	_ =	shalt  }
0x48: {  	_ =	shalt  }
0x49: {  	_ =	shalt  }
0x4a: {  	_ =	shalt  }
0x4b: {  	_ =	shalt  }
0x4c: {  	_ =	shalt  }
0x4d: {  	_ =	shalt  }
0x4e: {  	_ =	shalt  }
0x4f: {  	_ =	shalt  }
0x50: {  	_ =	shalt  }
0x51: {  	_ =	shalt  }
0x52: {  	_ =	shalt  }
0x53: {  	_ =	shalt  }
0x54: {  	_ =	shalt  }
0x55: {  	_ =	shalt  }
0x56: {  	_ =	shalt  }
0x57: {  	_ =	shalt  }
0x58: {  	_ =	shalt  }
0x59: {  	_ =	shalt  }
0x5a: {  	_ =	shalt  }
0x5b: {  	_ =	shalt  }
0x5c: {  	_ =	shalt  }
0x5d: {  	_ =	shalt  }
0x5e: {  	_ =	shalt  }
0x5f: {  	_ =	shalt  }
0x60: {  	_ =	shalt  }
0x61: {  	_ =	shalt  }
0x62: {  	_ =	shalt  }
0x63: {  	_ =	shalt  }
0x64: {  	_ =	shalt  }
0x65: {  	_ =	shalt  }
0x66: {  	_ =	shalt  }
0x67: {  	_ =	shalt  }
0x68: {  	_ =	shalt  }
0x69: {  	_ =	shalt  }
0x6a: {  	_ =	shalt  }
0x6b: {  	_ =	shalt  }
0x6c: {  	_ =	shalt  }
0x6d: {  	_ =	shalt  }
0x6e: {  	_ =	shalt  }
0x6f: {  	_ =	shalt  }
0x70: {  	_ =	shalt  }
0x71: {  	_ =	shalt  }
0x72: {  	_ =	shalt  }
0x73: {  	_ =	shalt  }
0x74: {  	_ =	shalt  }
0x75: {  	_ =	shalt  }
0x76: {  	_ =	shalt  }
0x77: {  	_ =	shalt  }
0x78: {  	_ =	shalt  }
0x79: {  	_ =	shalt  }
0x7a: {  	_ =	shalt  }
0x7b: {  	_ =	shalt  }
0x7c: {  	_ =	shalt  }
0x7d: {  	_ =	shalt  }
0x7e: {  	_ =	shalt  }
0x7f: {  	_ =	shalt  }
0x80: {  	_ =	shalt  }
0x81: {  	_ =	shalt  }
0x82: {  	_ =	shalt  }
0x83: {  	_ =	shalt  }
0x84: {  	_ =	shalt  }
0x85: {  	_ =	shalt  }
0x86: {  	_ =	shalt  }
0x87: {  	_ =	shalt  }
.Lfunc_end0:
.L_simem_size_0:
called_computation.3_lowered:
.L_overlay_start_0:
0x88: {  	s2 =	sld [smem:$0x3FD9]  }
0x89: {  	s3 =	sld [smem:$0x3FFE];
	_ =	sdelay $0x1  }
0x8a: {  	s1 =	srdreg.scid  }
0x8b: {  	s0 =	sand.u32 $0x1, s1  }
0x8c: {  	s16 =	sshll.u32 s0, $0xA;
	s2 =	sadd.s32 s3, s2  }
0x8d: {  	s2 =	sadd.s32 s2, s16  }
0x8e: {  	[smem:$0x3FC3] =	sst s2  }
0x8f: {  	_ = 	snop  }
0x90: {  	(tm) =	ssettm $0x1  }
0x91: {  	s17 =	sld [smem:$0x3FFB];
	_ =	sdelay $0x3  }
0x92: {  	_ =	strace s17  }
0x93: {  	s2 =	sld [smem:$0x3FFC];
	_ =	sdelay $0x3  }
0x94: {  	_ =	strace s2  }
0x95: {  	s2 =	sld [smem:$0x3FFD];
	_ =	sdelay $0x3  }
0x96: {  	_ =	strace s2  }
0x97: {  	_ =	strace $0x8FFFFFFF  }
0x98: {  	s18 =	sld [smem:$0x3FDB];
	_ =	sdelay $0x1  }
0x99: {  	s19 =	simm.s32 $_scs_section_size  }
0x9a: {  	s4 =	simm.s32 $_size__tile_overlayer_lowered;
	s5 =	simm.s32 $_tile_overlayer_lowered  }
0x9b: {  	s22 =	simm.s32 $0x1BFF;
	s21 =	sshll.u32 s5, $0x1;
	s2 =	sadd.s32 s19, s18  }
0x9c: {  	s6 =	simm.s32 $0x0;
	s20 =	sshll.u32 s4, $0x1;
	s4 =	sadd.s32 s21, s2  }
0x9d: {  	[timem:s6], [sflag:s22] =	dma.local [hbm:s4], s20  }
0x9e: {  	_ =	swait.ge [sflag:s22], s20  }
0x9f: {  	s3 =	ssub.s32 $0x0, s20;
	[sflag:s22] =	ssyncset.done $0x0  }
0xa0: {  	[sflag:s22] =	ssyncadd.s32 s3;
	_ =	sdelay $0x1  }
0xa1: {  	s23 =	simm.s32 $0x1B8B  }
0xa2: {  	_ =	swait.ge [sflag:s23], $0x1  }
0xa3: {  	[sflag:s23] =	ssyncset.done $0x0  }
0xa4: {  	s25 =	simm.s32 $0x1B8E;
	s24 =	sld [smem:$0x3FFE];
	[sflag:s23] =	ssyncadd.s32 $0xFFFFFFFF  }
0xa5: {  	s26 =	simm.s32 $execute0_lowered;
	[smem:$0x3FD2] =	sst s25  }
0xa6: {  	s4 =	sshll.u32 s26, $0x1;
	_ =	strace $0x8000004F;
	[dreg:$0x1] =	wrdreg $0xFFFFFFFF  }
0xa7: {  	s28 =	simm.s32 $_size_execute0_lowered;
	s2 =	sadd.s32 s2, s4;
	[dreg:$0x0] =	wrdreg $0x0  }
0xa8: {  	s4 =	sshll.u32 s28, $0x1;
	[dreg:$0x2] =	wrdreg s2  }
0xa9: {  	[dreg:$0x3] =	wrdreg s4  }
0xaa: {  	[dreg:$0x4] =	wrdreg $0xC0  }
0xab: {  	_ =	task [dreg:s6], $0x5FFFF  }
0xac: {  	[dreg:$0x1] =	wrdreg $0xFFFFFFFF  }
0xad: {  	[dreg:$0x0] =	wrdreg $0x60  }
0xae: {  	[dreg:$0x2] =	wrdreg s24  }
0xaf: {  	[dreg:$0x3] =	wrdreg $0xB8000  }
0xb0: {  	[dreg:$0x4] =	wrdreg $0x9  }
0xb1: {  	_ =	task.clear_ibuf [dreg:s6], $0x5FFFF;
	_ =	strace $0x9000004F  }
0xb2: {  	s29 =	simm.s32 $0x9;
	_ =	strace $0x80000051  }
0xb3: {  	_ =	swait.ge [sflag:s29], $0x1  }
0xb4: {  	[sflag:s29] =	ssyncadd.s32 $0xFFFFFFFF  }
0xb5: {  	_ =	strace $0x90000051  }
0xb6: {  	_ =	sfence  }
0xb7: {  	s30 =	sld [smem:$0x0];
	_ =	sdelay $0x2  }
0xb8: {  	s31 =	sshll.u32 s1, $0xD;
	s1 =	sshrl.u32 s1, $0x2  }
0xb9: {  	s3 =	sand.u32 $0x4000, s31;
	s1 =	sadd.s32 s1, s30  }
0xba: {  	s0 =	sor.u32 s3, s0;
	s1 =	sshll.u32 s1, $0x11  }
0xbb: {  	s0 =	sor.u32 s1, s0  }
0xbc: {  	s0 =	sadd.s32 $0x8F2B, s0  }
0xbd: {  	[sflag:s0] =	ssyncadd.remote.s32 $0x1  }
0xbe: {  	_ =	sfence.sel $0xFFFF  }
0xbf: {  	[dreg:$0x0] =	wrdreg $0xFFFFFFFF;
	(pc) =	sbr.abs _section_cstart, $3  }
0xc0: {  	[dreg:$0x1] =	wrdreg $0xFFFFFFFF  }
0xc1: {  	_ =	task.clear_ibuf [dreg:s6], $0x2FFFF;
	_ =	strace $0x9FFFFFFF  }
0xc2: {  	(tm) =	ssettm $0x7FFFFFFF  }
0xc3: {  	_ =	shalt  }
tec
execute0_lowered:
.L_overlay_start_1:
0x0: {  	(tag) =	ssettag $0x1  }
0x1: {  	s0 =	rddreg [dreg:$0x0]  }
0x2: {  	s3 =	srdreg.scid;
	s1 =	rddreg [dreg:$0x1]  }
0x3: {  	s2 =	simm.s32 $0x0;
	s13 =	stileid.u32;
	s29 =	simm.s32 $0x7800  }
0x4: {  	s30 =	simm.s32 $0x2;
	s31 =	simm.s32 $0x40;
	s3 =	sand.u32 $0x1, s3  }
0x5: {  	[smem:$0x7FF] =	sst s2;
	s6 =	smul.u32 $0x14000, s13;
	s10 =	sadd.s32 $0x157800, s0  }
0x6: {  	s4 =	sshll.u32 s3, $0x4;
	s5 =	ssub.s32 $0x2, s3;
	s3 =	smul.u32 $0x140000, s3  }
0x7: {  	s4 =	sor.u32 s13, s4;
	s7 =	sshrl.u32 s5, $0x1;
	s16 =	sor.u32 $0x2000, s6  }
0x8: {  	s17 =	sadd.s32 $0x4000, s6;
	s18 =	sadd.s32 $0x6000, s6;
	s19 =	sadd.s32 $0x8000, s6  }
0x9: {  	s20 =	sadd.s32 $0xA000, s6;
	s21 =	sadd.s32 $0xC000, s6;
	s22 =	sadd.s32 $0xE000, s6  }
0xa: {  	s23 =	sadd.s32 $0x10000, s6;
	s4 =	smul.u32 $0x500, s4;
	s5 =	ssub.s32 s5, s7  }
0xb: {  	s26 =	sadd.s32 s6, s3;
	s8 =	sadd.s32 s3, s16;
	s6 =	sadd.s32 $0x12000, s6  }
0xc: {  	s9 =	sadd.s32 s3, s17;
	s11 =	sadd.s32 s3, s18;
	s24 =	sadd.s32 s3, s20  }
0xd: {  	s25 =	sadd.s32 s3, s21;
	s16 =	sadd.s32 s16, s1;
	s17 =	sadd.s32 s17, s1  }
0xe: {  	s18 =	sadd.s32 s18, s1;
	s20 =	sadd.s32 s20, s1;
	s21 =	sadd.s32 s21, s1  }
0xf: {  	s7 =	sshrl.u32 s26, $0x3;
	s8 =	sshrl.u32 s8, $0x3;
	s12 =	sshrl.u32 s11, $0x3  }
0x10: {  	s11 =	sadd.s32 s3, s22;
	s22 =	sadd.s32 s22, s1;
	s7 =	sadd.s32 s10, s7  }
0x11: {  	s28 =	smax.u32 s5, $0x1;
	s8 =	sadd.s32 s10, s8;
	[dreg:$0x3] =	wrdreg s7  }
0x12: {  	s11 =	sshrl.u32 s11, $0x3;
	[dreg:$0x4] =	wrdreg s8;
	s7 =	sshrl.u32 s9, $0x3  }
0x13: {  	s9 =	sadd.s32 s3, s19;
	s8 =	sshrl.u32 s24, $0x3;
	s11 =	sadd.s32 s10, s11  }
0x14: {  	s19 =	sadd.s32 s19, s1;
	s24 =	sadd.s32 s6, s1;
	s7 =	sadd.s32 s10, s7  }
0x15: {  	s14 =	sshrl.u32 s9, $0x3;
	s26 =	sadd.s32 s10, s8;
	s9 =	sshrl.u32 s25, $0x3  }
0x16: {  	[dreg:$0x5] =	wrdreg s7;
	s7 =	sadd.s32 s10, s12;
	s15 =	sadd.s32 s10, s14  }
0x17: {  	[dreg:$0x8] =	wrdreg s26;
	s9 =	sadd.s32 s10, s9;
	s12 =	sadd.s32 s3, s23  }
0x18: {  	s3 =	sadd.s32 s3, s6;
	s14 =	smul.u32 $0xA00, s13;
	[dreg:$0x6] =	wrdreg s7  }
0x19: {  	s23 =	sadd.s32 s23, s1;
	[dreg:$0x7] =	wrdreg s15;
	s12 =	sshrl.u32 s12, $0x3  }
0x1a: {  	s3 =	sshrl.u32 s3, $0x3;
	s15 =	smul.u32 $0x50000, s13;
	s7 =	sadd.s32 s4, s0  }
0x1b: {  	s12 =	sadd.s32 s10, s12;
	s13 =	sadd.s32 s10, s3;
	_ =	strace $0x80000050  }
0x1c: {  	s8 =	sadd.s32 s14, s0;
	s14 =	sadd.s32 $0x5D800, s0;
	s25 =	sadd.s32 $0xAD800, s7  }
0x1d: {  	s10 =	simm.s32 $0x80;
	s0 =	simm.s32 $0x1;
	s26 =	sshrl.u32 s15, $0x2  }
0x1e: {  	v0 =	vimm.f32 $0.0e+00;
	s3 =	simm.s32 $0x9800;
	s15 =	sadd.s32 s26, s1;
	s26 =	sadd.s32 $0x53800, s8  }
.LBB2_1:
0x1f: {  	s4 =	simm.s32 $0x0;
	s5 =	simm.s32 $0x200  }
.LBB2_2:
0x20: {  	p0 =	sne.s32 s5, $0x7E00;
	[tilespmem:s4+$0x7870] =	vst v0  }
0x21: {  	[tilespmem:s4+$0x7800] =	vst v0  }
0x22: {  	[tilespmem:s4+$0x7810] =	vst v0  }
.Ltmp0:
0x23: {  	[tilespmem:s4+$0x7820] =	vst v0;
	(pc) =	sbr.rel @p0 .LBB2_2-.Ltmp0, $4  }
0x24: {  	[tilespmem:s4+$0x7830] =	vst v0  }
0x25: {  	[tilespmem:s4+$0x7840] =	vst v0  }
0x26: {  	[tilespmem:s4+$0x7850] =	vst v0  }
0x27: {  	[tilespmem:s4+$0x7860] =	vst v0;
	s4 =	sshra.s32 s5, $0x2;
	s5 =	sadd.s32 $0x200, s5  }
0x28: {  	[tilespmem:s4+$0x7870] =	vst v0  }
0x29: {  	[tilespmem:s4+$0x7800] =	vst v0  }
0x2a: {  	[tilespmem:s4+$0x7810] =	vst v0  }
0x2b: {  	[tilespmem:s4+$0x7820] =	vst v0  }
0x2c: {  	[tilespmem:s4+$0x7830] =	vst v0  }
0x2d: {  	[tilespmem:s4+$0x7840] =	vst v0  }
0x2e: {  	[tilespmem:s4+$0x7850] =	vst v0  }
0x2f: {  	[tilespmem:s4+$0x7860] =	vst v0  }
0x30: {  	[spmem:s15] =	stream.linear.scatter [tilespmem:s29], [sflag:$0x2], $0x2000, $0x38;
	[tilespmem:$0x1F800] =	vst v63  }
0x31: {  	_ =	swait.ge [sflag:s30], $0x2000  }
0x32: {  	[sflag:s30] =	ssyncset.done $0x0  }
0x33: {  	[sflag:s30] =	ssyncadd.s32 $0xFFFFE000  }
0x34: {  	[spmem:s16] =	stream.linear.scatter [tilespmem:s29], [sflag:$0x2], $0x2000, $0x38;
	[tilespmem:$0x1F800] =	vst v63  }
0x35: {  	_ =	swait.ge [sflag:s30], $0x2000  }
0x36: {  	[sflag:s30] =	ssyncset.done $0x0  }
0x37: {  	[sflag:s30] =	ssyncadd.s32 $0xFFFFE000  }
0x38: {  	[spmem:s17] =	stream.linear.scatter [tilespmem:s29], [sflag:$0x2], $0x2000, $0x38;
	[tilespmem:$0x1F800] =	vst v63  }
0x39: {  	_ =	swait.ge [sflag:s30], $0x2000  }
0x3a: {  	[sflag:s30] =	ssyncset.done $0x0  }
0x3b: {  	[sflag:s30] =	ssyncadd.s32 $0xFFFFE000  }
0x3c: {  	[spmem:s18] =	stream.linear.scatter [tilespmem:s29], [sflag:$0x2], $0x2000, $0x38;
	[tilespmem:$0x1F800] =	vst v63  }
0x3d: {  	_ =	swait.ge [sflag:s30], $0x2000  }
0x3e: {  	[sflag:s30] =	ssyncset.done $0x0  }
0x3f: {  	[sflag:s30] =	ssyncadd.s32 $0xFFFFE000  }
0x40: {  	[spmem:s19] =	stream.linear.scatter [tilespmem:s29], [sflag:$0x2], $0x2000, $0x38;
	[tilespmem:$0x1F800] =	vst v63  }
0x41: {  	_ =	swait.ge [sflag:s30], $0x2000  }
0x42: {  	[sflag:s30] =	ssyncset.done $0x0  }
0x43: {  	[sflag:s30] =	ssyncadd.s32 $0xFFFFE000  }
0x44: {  	[spmem:s20] =	stream.linear.scatter [tilespmem:s29], [sflag:$0x2], $0x2000, $0x38;
	[tilespmem:$0x1F800] =	vst v63  }
0x45: {  	_ =	swait.ge [sflag:s30], $0x2000  }
0x46: {  	[sflag:s30] =	ssyncset.done $0x0  }
0x47: {  	[sflag:s30] =	ssyncadd.s32 $0xFFFFE000  }
0x48: {  	[spmem:s21] =	stream.linear.scatter [tilespmem:s29], [sflag:$0x2], $0x2000, $0x38;
	[tilespmem:$0x1F800] =	vst v63  }
0x49: {  	_ =	swait.ge [sflag:s30], $0x2000  }
0x4a: {  	[sflag:s30] =	ssyncset.done $0x0  }
0x4b: {  	[sflag:s30] =	ssyncadd.s32 $0xFFFFE000  }
0x4c: {  	[spmem:s22] =	stream.linear.scatter [tilespmem:s29], [sflag:$0x2], $0x2000, $0x38;
	[tilespmem:$0x1F800] =	vst v63  }
0x4d: {  	_ =	swait.ge [sflag:s30], $0x2000  }
0x4e: {  	[sflag:s30] =	ssyncset.done $0x0  }
0x4f: {  	[sflag:s30] =	ssyncadd.s32 $0xFFFFE000  }
0x50: {  	[spmem:s23] =	stream.linear.scatter [tilespmem:s29], [sflag:$0x2], $0x2000, $0x38;
	[tilespmem:$0x1F800] =	vst v63  }
0x51: {  	_ =	swait.ge [sflag:s30], $0x2000  }
0x52: {  	[sflag:s30] =	ssyncset.done $0x0  }
0x53: {  	[sflag:s30] =	ssyncadd.s32 $0xFFFFE000  }
0x54: {  	[spmem:s24] =	stream.linear.scatter [tilespmem:s29], [sflag:$0x2], $0x2000, $0x38;
	[tilespmem:$0x1F800] =	vst v63  }
0x55: {  	_ =	swait.ge [sflag:s30], $0x2000  }
0x56: {  	[sflag:s30] =	ssyncset.done $0x0  }
0x57: {  	[sflag:s30] =	ssyncadd.s32 $0xFFFFE000  }
0x58: {  	s8 =	simm.s32 $0x0;
	[bflag:$0x0] =	sbarrier.arrive $0xFFFF  }
0x59: {  	[tilespmem:s8], [sflag:$0x2] =	stream.linear.gather [hbm4b:s25+s8], $0x2800, $0x38;
	[tilespmem:$0x1F800] =	vst v63  }
0x5a: {  	_ =	swait.ge [sflag:s30], $0x2800  }
0x5b: {  	[sflag:s30] =	ssyncset.done $0x0  }
0x5c: {  	s5 =	simm.s32 $0x2800;
	[sflag:s30] =	ssyncadd.s32 $0xFFFFD800  }
0x5d: {  	[tilespmem:s5], [sflag:$0x2] =	stream.linear.gather [hbm4b:s26+s8], $0x5000, $0x38;
	[tilespmem:$0x1F800] =	vst v63  }
0x5e: {  	_ =	swait.ge [sflag:s30], $0x5000  }
0x5f: {  	[sflag:s30] =	ssyncset.done $0x0  }
0x60: {  	s6 =	simm.s32 $0x0;
	[sflag:s30] =	ssyncadd.s32 $0xFFFFB000  }
0x61: {  	[tilespmem:s29], [sflag:$0x1] =	stream.indirect.gather [hbm4b:s14+s10], $0x80, s6, s10, $0xb8;
	[tilespmem:$0x1F800] =	vst v63  }
0x62: {  	_ =	swait.ge [sflag:s0], $0x4000  }
0x63: {  	[sflag:s0] =	ssyncset.done $0x0  }
0x64: {  	s7 =	simm.s32 $0x2800;
	[sflag:s0] =	ssyncadd.s32 $0xFFFFC000  }
0x65: {  	[spmem:s1] =	stream.indirect.scatter.add.f32 [tilespmem:s29], [sflag:$0x2], $0x80, s7, s31, $0xb8;
	[tilespmem:$0x1F800] =	vst v63  }
0x66: {  	_ =	swait.ge [sflag:s30], $0x2000  }
0x67: {  	[sflag:s30] =	ssyncset.done $0x0  }
0x68: {  	s8 =	simm.s32 $0x2880;
	[sflag:s30] =	ssyncadd.s32 $0xFFFFE000  }
0x69: {  	[spmem:s1] =	stream.indirect.scatter.add.f32 [tilespmem:s3], [sflag:$0x2], $0x80, s8, s31, $0xb8;
	[tilespmem:$0x1F800] =	vst v63  }
0x6a: {  	s4 =	simm.s32 $0x2980;
	_ =	swait.ge [sflag:s30], $0x2000  }
0x6b: {  	s5 =	simm.s32 $0x200;
	s6 =	simm.s32 $0x400;
	[sflag:s30] =	ssyncset.done $0x0  }
.LBB2_4:
0x6c: {  	s7 =	sshra.s32 s5, $0x2  }
0x6d: {  	[sflag:s30] =	ssyncadd.s32 $0xFFFFE000;
	s5 =	smov.u32 s6;
	s8 =	sadd.s32 $0x200, s6  }
0x6e: {  	[tilespmem:s29], [sflag:$0x1] =	stream.indirect.gather [hbm4b:s14+s10], $0x80, s7, s10, $0xb8;
	[tilespmem:$0x1F800] =	vst v63  }
0x6f: {  	p0 =	sne.s32 s6, $0x9E00;
	_ =	swait.ge [sflag:s0], $0x4000  }
0x70: {  	[sflag:s0] =	ssyncset.done $0x0  }
0x71: {  	s6 =	sadd.s32 $0xFFFFFF80, s4;
	[sflag:s0] =	ssyncadd.s32 $0xFFFFC000  }
0x72: {  	[spmem:s1] =	stream.indirect.scatter.add.f32 [tilespmem:s29], [sflag:$0x2], $0x80, s6, s31, $0xb8;
	[tilespmem:$0x1F800] =	vst v63  }
0x73: {  	_ =	swait.ge [sflag:s30], $0x2000  }
.Ltmp1:
0x74: {  	[sflag:s30] =	ssyncset.done $0x0;
	(pc) =	sbr.rel @p0 .LBB2_4-.Ltmp1, $4  }
0x75: {  	[sflag:s30] =	ssyncadd.s32 $0xFFFFE000  }
0x76: {  	[spmem:s1] =	stream.indirect.scatter.add.f32 [tilespmem:s3], [sflag:$0x2], $0x80, s4, s31, $0xb8;
	[tilespmem:$0x1F800] =	vst v63  }
0x77: {  	_ =	swait.ge [sflag:s30], $0x2000  }
0x78: {  	s6 =	smov.u32 s8;
	s4 =	sadd.s32 $0x100, s4;
	[sflag:s30] =	ssyncset.done $0x0  }
0x79: {  	s5 =	sshra.s32 s5, $0x2;
	[sflag:s30] =	ssyncadd.s32 $0xFFFFE000  }
0x7a: {  	[tilespmem:s29], [sflag:$0x1] =	stream.indirect.gather [hbm4b:s14+s10], $0x80, s5, s10, $0xb8;
	[tilespmem:$0x1F800] =	vst v63  }
0x7b: {  	_ =	swait.ge [sflag:s0], $0x4000  }
0x7c: {  	[sflag:s0] =	ssyncset.done $0x0  }
0x7d: {  	s6 =	sadd.s32 $0xFFFFFF80, s4;
	[sflag:s0] =	ssyncadd.s32 $0xFFFFC000  }
0x7e: {  	[spmem:s1] =	stream.indirect.scatter.add.f32 [tilespmem:s29], [sflag:$0x2], $0x80, s6, s31, $0xb8;
	[tilespmem:$0x1F800] =	vst v63  }
0x7f: {  	_ =	swait.ge [sflag:s30], $0x2000  }
0x80: {  	[sflag:s30] =	ssyncset.done $0x0  }
0x81: {  	[sflag:s30] =	ssyncadd.s32 $0xFFFFE000  }
0x82: {  	[spmem:s1] =	stream.indirect.scatter.add.f32 [tilespmem:s3], [sflag:$0x2], $0x80, s4, s31, $0xb8;
	[tilespmem:$0x1F800] =	vst v63  }
0x83: {  	_ =	swait.ge [sflag:s30], $0x2000  }
0x84: {  	[sflag:s30] =	ssyncset.done $0x0  }
0x85: {  	s7 =	stileid.u32;
	[sflag:s30] =	ssyncadd.s32 $0xFFFFE000  }
0x86: {  	s4 =	sshll.u32 s7, $0x6;
	[bflag:$0x0] =	sbarrier.arrive $0xFFFF  }
0x87: {  	s8 =	sshrl.u32 s15, $0x3;
	s4 =	sor.u32 $0x1C02, s4;
	s6 =	rddreg [dreg:$0x3]  }
0x88: {  	[hbm:s6], [sflag:s4] =	dma.local [spmem:s8], $0x400  }
0x89: {  	_ =	swait.ge [sflag:s30], $0x400  }
0x8a: {  	[sflag:s30] =	ssyncset.done $0x0  }
0x8b: {  	s7 =	sshrl.u32 s16, $0x3;
	s8 =	rddreg [dreg:$0x4];
	[sflag:s30] =	ssyncadd.s32 $0xFFFFFC00  }
0x8c: {  	[hbm:s8], [sflag:s4] =	dma.local [spmem:s7], $0x400  }
0x8d: {  	_ =	swait.ge [sflag:s30], $0x400  }
0x8e: {  	[sflag:s30] =	ssyncset.done $0x0  }
0x8f: {  	s7 =	sshrl.u32 s17, $0x3;
	s8 =	rddreg [dreg:$0x5];
	[sflag:s30] =	ssyncadd.s32 $0xFFFFFC00  }
0x90: {  	[hbm:s8], [sflag:s4] =	dma.local [spmem:s7], $0x400  }
0x91: {  	_ =	swait.ge [sflag:s30], $0x400  }
0x92: {  	[sflag:s30] =	ssyncset.done $0x0  }
0x93: {  	s7 =	sshrl.u32 s18, $0x3;
	s8 =	rddreg [dreg:$0x6];
	[sflag:s30] =	ssyncadd.s32 $0xFFFFFC00  }
0x94: {  	[hbm:s8], [sflag:s4] =	dma.local [spmem:s7], $0x400  }
0x95: {  	_ =	swait.ge [sflag:s30], $0x400  }
0x96: {  	[sflag:s30] =	ssyncset.done $0x0  }
0x97: {  	s7 =	sshrl.u32 s19, $0x3;
	s8 =	rddreg [dreg:$0x7];
	[sflag:s30] =	ssyncadd.s32 $0xFFFFFC00  }
0x98: {  	[hbm:s8], [sflag:s4] =	dma.local [spmem:s7], $0x400  }
0x99: {  	_ =	swait.ge [sflag:s30], $0x400  }
0x9a: {  	[sflag:s30] =	ssyncset.done $0x0  }
0x9b: {  	s6 =	sshrl.u32 s20, $0x3;
	s7 =	rddreg [dreg:$0x8];
	[sflag:s30] =	ssyncadd.s32 $0xFFFFFC00  }
0x9c: {  	[hbm:s7], [sflag:s4] =	dma.local [spmem:s6], $0x400  }
0x9d: {  	_ =	swait.ge [sflag:s30], $0x400  }
0x9e: {  	[sflag:s30] =	ssyncset.done $0x0  }
0x9f: {  	s8 =	sshrl.u32 s21, $0x3;
	[sflag:s30] =	ssyncadd.s32 $0xFFFFFC00  }
0xa0: {  	[hbm:s9], [sflag:s4] =	dma.local [spmem:s8], $0x400  }
0xa1: {  	_ =	swait.ge [sflag:s30], $0x400  }
0xa2: {  	[sflag:s30] =	ssyncset.done $0x0  }
0xa3: {  	s6 =	sshrl.u32 s22, $0x3;
	[sflag:s30] =	ssyncadd.s32 $0xFFFFFC00  }
0xa4: {  	[hbm:s11], [sflag:s4] =	dma.local [spmem:s6], $0x400  }
0xa5: {  	_ =	swait.ge [sflag:s30], $0x400  }
0xa6: {  	[sflag:s30] =	ssyncset.done $0x0  }
0xa7: {  	s7 =	sshrl.u32 s23, $0x3;
	[sflag:s30] =	ssyncadd.s32 $0xFFFFFC00  }
0xa8: {  	[hbm:s12], [sflag:s4] =	dma.local [spmem:s7], $0x400  }
0xa9: {  	s2 =	sadd.s32 $0x1, s2;
	_ =	swait.ge [sflag:s30], $0x400  }
0xaa: {  	p0 =	sne.s32 s2, s28;
	[sflag:s30] =	ssyncset.done $0x0  }
.Ltmp2:
0xab: {  	s8 =	sshrl.u32 s24, $0x3;
	[sflag:s30] =	ssyncadd.s32 $0xFFFFFC00;
	(pc) =	sbr.rel @p0 .LBB2_1-.Ltmp2, $4  }
0xac: {  	[hbm:s13], [sflag:s4] =	dma.local [spmem:s8], $0x400  }
0xad: {  	_ =	swait.ge [sflag:s30], $0x400  }
0xae: {  	[sflag:s30] =	ssyncset.done $0x0  }
0xaf: {  	[sflag:s30] =	ssyncadd.s32 $0xFFFFFC00  }
0xb0: {  	_ =	sfence.sel $0x180000  }
0xb1: {  	[bflag:$0x0] =	sbarrier.arrive $0xFFFF  }
0xb2: {  	_ =	strace $0x90000050  }
0xb3: {  	s0 =	stileid.u32;
	[bflag:$0x2] =	sbarrier.arrive $0xFFFF  }
0xb4: {  	p0 =	sne.s32 s0, $0x0;
	s0 =	rddreg [dreg:$0x2]  }
0xb5: {  	s0 =	sadd.s32 @!p0 $0x100000, s0  }
0xb6: {  	[sflag:s0] =	ssyncadd.tile.s32 @!p0 $0x1;
	_ =	shalt  }
.Lfunc_end2:
_tile_overlayer_lowered:
.L_overlay_start_2:
0xb7: {  	(tag) =	ssettag $0x2  }
0xb8: {  	s0 =	rddreg [dreg:$0x0];
	s2 =	stileid.u32  }
0xb9: {  	s1 =	rddreg [dreg:$0x1];
	p0 =	sne.s32 s2, $0x0  }
0xba: {  	s3 =	rddreg [dreg:$0x2];
	[bflag:$0x3] =	sbarrier.arrive $0xFFFF;
	s2 =	simm.s32 @!p0 $0x1C02  }
0xbb: {  	[timem:s3], [sflag:s2] =	dma.local @!p0 [hbm:s0], s1  }
0xbc: {  	s0 =	simm.s32 @!p0 $0x2  }
0xbd: {  	_ =	swait.ge @!p0 [sflag:s0], s1  }
0xbe: {  	s1 =	ssub.s32 @!p0 $0x0, s1;
	[sflag:s0] =	ssyncset.done @!p0 $0x0  }
0xbf: {  	[sflag:s0] =	ssyncadd.s32 @!p0 s1  }
0xc0: {  	[bflag:$0x3] =	sbarrier.arrive $0xFFFF  }
0xc1: {  	_ =	shalt  }

// kernel: kernel.24.cloned.1.call-start
scs
__scs_entry_jumppad:
0x0: {  	(pc) =	sbr.rel $0x88, $3  }
0x1: {  	(tag) =	ssettag $0x0;
	lr =	simm.s32 $0x1  }
0x2: {  	[smem:$0x3F9C] =	sst lr;
	_ =	strace $0xD0000000  }
0x3: {  	_ = 	snop  }
0x4: {  	_ = 	snop  }
0x5: {  	_ = 	snop  }
0x6: {  	_ = 	snop  }
0x7: {  	_ = 	snop  }
__scs_overlays_trampoline_lowered:
0x8: {  	[smem:$0x3FAB] =	sst s0  }
0x9: {  	[smem:$0x3FAC] =	sst s1  }
0xa: {  	[smem:$0x3FAD] =	sst s2  }
0xb: {  	[smem:$0x3FAE] =	sst s3  }
0xc: {  	[smem:$0x3FAF] =	sst s4  }
0xd: {  	[smem:$0x3FB0] =	sst s5  }
0xe: {  	[smem:$0x3FB1] =	sst s6  }
0xf: {  	[smem:$0x3FB2] =	sst s7  }
0x10: {  	[smem:$0x3FB3] =	sst s8  }
0x11: {  	[smem:$0x3FB4] =	sst s9;
	s0 =	simm.s32 @!p0 $0x0  }
0x12: {  	s1 =	sld [smem:$0x3F9A];
	s0 =	simm.s32 @p0 $0x1  }
0x13: {  	[smem:$0x3FB5] =	sst s0;
	s0 =	simm.s32 @!p1 $0x0  }
0x14: {  	s2 =	sld [smem:$0x3F99];
	s0 =	simm.s32 @p1 $0x1  }
0x15: {  	[smem:$0x3FB6] =	sst s0;
	s0 =	simm.s32 @!p2 $0x0  }
0x16: {  	s3 =	sld [smem:$0x3FDB];
	s0 =	simm.s32 @p2 $0x1  }
0x17: {  	s4 =	simm.s32 $0x1BF5;
	[smem:$0x3FB8] =	sst s0  }
0x18: {  	s0 =	sld [smem:$0x3F9B];
	_ =	swait.ge [sflag:s4], $0x0  }
0x19: {  	s7 =	sld [smem:$0x3F9C]  }
0x1a: {  	s8 =	sadd.s32 $0xFFFFE003, lr  }
0x1b: {  	s9 =	sadd.s32 $0xFFFFFEF7, lr;
	s5 =	simm.s32 $0xFFFFFFFF;
	p2 =	slt.u32 s8, $0xFFFFF086  }
0x1c: {  	p1 =	slt.u32 s9, $0xF7A;
	s5 =	simm.s32 @!p2 $0x0  }
0x1d: {  	s5 =	simm.s32 @p1 $0x1;
	p0 =	seq.s32 s7, s2  }
0x1e: {  	s7 =	smul.u32 @!p0 $0xF7A, s2;
	p2 =	seq.s32 @!p0 s5, $0x0  }
0x1f: {  	s9 =	smul.u32 $0xF7A, s1;
	s8 =	simm.s32 @!p0 $0x1BF5;
	p2 =	por !p2, p0  }
0x20: {  	[sflag:s8] =	ssyncset.s32 @!p0 $0xFFFFF086;
	s6 =	sadd.s32 @!p0 s3, s7;
	s7 =	simm.s32 @!p0 $0x108  }
0x21: {  	s3 =	sadd.s32 s3, s9;
	s6 =	sadd.s32 @!p0 $0x88, s6;
	s7 =	simm.s32 @p2 $0x1082  }
0x22: {  	[simem:s7], [sflag:s8] =	dma.local @!p0 [hbm:s6], $0xF7A  }
0x23: {  	s9 =	sor.u32 $0xD0000000, s2;
	s6 =	simm.s32 $0x108;
	_ =	swait.ge @!p0 [sflag:s8], $0x0  }
0x24: {  	s3 =	sadd.s32 $0x88, s3;
	s6 =	simm.s32 @!p1 $0x1082;
	[sflag:s4] =	ssyncset.s32 $0xFFFFF086  }
0x25: {  	[simem:s6], [sflag:s4] =	dma.local [hbm:s3], $0xF7A  }
0x26: {  	[smem:$0x3F9C] =	sst s1;
	(tag) =	ssettag s2;
	_ =	strace s9  }
0x27: {  	s1 =	sld [smem:$0x3FAC]  }
0x28: {  	s2 =	sld [smem:$0x3FAD]  }
0x29: {  	s4 =	sld [smem:$0x3FAF]  }
0x2a: {  	p0 =	seq.s32 s5, $0x0;
	s5 =	sld [smem:$0x3FB0]  }
0x2b: {  	s6 =	sld [smem:$0x3FB1]  }
0x2c: {  	s7 =	sld [smem:$0x3FB2]  }
0x2d: {  	s3 =	simm.s32 $0x108;
	s8 =	sld [smem:$0x3FB3]  }
0x2e: {  	s3 =	simm.s32 @!p0 $0x1082;
	s9 =	sld [smem:$0x3FB4]  }
0x2f: {  	lr =	sadd.s32 s0, s3;
	s0 =	sld [smem:$0x3FAB]  }
0x30: {  	s3 =	sld [smem:$0x3FAE]  }
0x31: {  	[smem:$0x3FB7] =	sst s10  }
0x32: {  	s10 =	sld [smem:$0x3FB5];
	_ =	sdelay $0x3  }
0x33: {  	p0 =	seq.s32 s10, $0x1;
	s10 =	sld [smem:$0x3FB7];
	_ =	sdelay $0x3  }
0x34: {  	[smem:$0x3FB7] =	sst s10  }
0x35: {  	s10 =	sld [smem:$0x3FB6];
	_ =	sdelay $0x3  }
0x36: {  	p1 =	seq.s32 s10, $0x1;
	s10 =	sld [smem:$0x3FB7];
	_ =	sdelay $0x3  }
0x37: {  	[smem:$0x3FB7] =	sst s10  }
0x38: {  	s10 =	sld [smem:$0x3FB8]  }
0x39: {  	_ = 	snop;
	(pc) =	sbr.ind lr, $3  }
0x3a: {  	_ = 	snop  }
0x3b: {  	_ = 	snop  }
0x3c: {  	p2 =	seq.s32 s10, $0x1;
	s10 =	sld [smem:$0x3FB7]  }
0x3d: {  	_ =	shalt  }
0x3e: {  	_ =	shalt  }
0x3f: {  	_ =	shalt  }
0x40: {  	_ =	shalt  }
0x41: {  	_ =	shalt  }
0x42: {  	_ =	shalt  }
0x43: {  	_ =	shalt  }
0x44: {  	_ =	shalt  }
0x45: {  	_ =	shalt  }
0x46: {  	_ =	shalt  }
0x47: {  	_ =	shalt  }
0x48: {  	_ =	shalt  }
0x49: {  	_ =	shalt  }
0x4a: {  	_ =	shalt  }
0x4b: {  	_ =	shalt  }
0x4c: {  	_ =	shalt  }
0x4d: {  	_ =	shalt  }
0x4e: {  	_ =	shalt  }
0x4f: {  	_ =	shalt  }
0x50: {  	_ =	shalt  }
0x51: {  	_ =	shalt  }
0x52: {  	_ =	shalt  }
0x53: {  	_ =	shalt  }
0x54: {  	_ =	shalt  }
0x55: {  	_ =	shalt  }
0x56: {  	_ =	shalt  }
0x57: {  	_ =	shalt  }
0x58: {  	_ =	shalt  }
0x59: {  	_ =	shalt  }
0x5a: {  	_ =	shalt  }
0x5b: {  	_ =	shalt  }
0x5c: {  	_ =	shalt  }
0x5d: {  	_ =	shalt  }
0x5e: {  	_ =	shalt  }
0x5f: {  	_ =	shalt  }
0x60: {  	_ =	shalt  }
0x61: {  	_ =	shalt  }
0x62: {  	_ =	shalt  }
0x63: {  	_ =	shalt  }
0x64: {  	_ =	shalt  }
0x65: {  	_ =	shalt  }
0x66: {  	_ =	shalt  }
0x67: {  	_ =	shalt  }
0x68: {  	_ =	shalt  }
0x69: {  	_ =	shalt  }
0x6a: {  	_ =	shalt  }
0x6b: {  	_ =	shalt  }
0x6c: {  	_ =	shalt  }
0x6d: {  	_ =	shalt  }
0x6e: {  	_ =	shalt  }
0x6f: {  	_ =	shalt  }
0x70: {  	_ =	shalt  }
0x71: {  	_ =	shalt  }
0x72: {  	_ =	shalt  }
0x73: {  	_ =	shalt  }
0x74: {  	_ =	shalt  }
0x75: {  	_ =	shalt  }
0x76: {  	_ =	shalt  }
0x77: {  	_ =	shalt  }
0x78: {  	_ =	shalt  }
0x79: {  	_ =	shalt  }
0x7a: {  	_ =	shalt  }
0x7b: {  	_ =	shalt  }
0x7c: {  	_ =	shalt  }
0x7d: {  	_ =	shalt  }
0x7e: {  	_ =	shalt  }
0x7f: {  	_ =	shalt  }
0x80: {  	_ =	shalt  }
0x81: {  	_ =	shalt  }
0x82: {  	_ =	shalt  }
0x83: {  	_ =	shalt  }
0x84: {  	_ =	shalt  }
0x85: {  	_ =	shalt  }
0x86: {  	_ =	shalt  }
0x87: {  	_ =	shalt  }
.Lfunc_end0:
.L_simem_size_0:
called_computation.4_lowered:
.L_overlay_start_0:
0x88: {  	s2 =	sld [smem:$0x3FD9]  }
0x89: {  	s3 =	sld [smem:$0x3FFE];
	_ =	sdelay $0x1  }
0x8a: {  	s1 =	srdreg.scid  }
0x8b: {  	s0 =	sand.u32 $0x1, s1  }
0x8c: {  	s16 =	sshll.u32 s0, $0xA;
	s2 =	sadd.s32 s3, s2  }
0x8d: {  	s2 =	sadd.s32 s2, s16  }
0x8e: {  	[smem:$0x3FC3] =	sst s2  }
0x8f: {  	_ = 	snop  }
0x90: {  	(tm) =	ssettm $0x1  }
0x91: {  	s17 =	sld [smem:$0x3FFB];
	_ =	sdelay $0x3  }
0x92: {  	_ =	strace s17  }
0x93: {  	s2 =	sld [smem:$0x3FFC];
	_ =	sdelay $0x3  }
0x94: {  	_ =	strace s2  }
0x95: {  	s2 =	sld [smem:$0x3FFD];
	_ =	sdelay $0x3  }
0x96: {  	_ =	strace s2  }
0x97: {  	_ =	strace $0x8FFFFFFF  }
0x98: {  	s18 =	sld [smem:$0x3FDB];
	_ =	sdelay $0x1  }
0x99: {  	s19 =	simm.s32 $_scs_section_size  }
0x9a: {  	s4 =	simm.s32 $_size__tile_overlayer_lowered;
	s5 =	simm.s32 $_tile_overlayer_lowered  }
0x9b: {  	s22 =	simm.s32 $0x1BFF;
	s21 =	sshll.u32 s5, $0x1;
	s2 =	sadd.s32 s19, s18  }
0x9c: {  	s6 =	simm.s32 $0x0;
	s20 =	sshll.u32 s4, $0x1;
	s4 =	sadd.s32 s21, s2  }
0x9d: {  	[timem:s6], [sflag:s22] =	dma.local [hbm:s4], s20  }
0x9e: {  	_ =	swait.ge [sflag:s22], s20  }
0x9f: {  	s3 =	ssub.s32 $0x0, s20;
	[sflag:s22] =	ssyncset.done $0x0  }
0xa0: {  	[sflag:s22] =	ssyncadd.s32 s3;
	_ =	sdelay $0x1  }
0xa1: {  	s23 =	simm.s32 $0x1B8B  }
0xa2: {  	_ =	swait.ge [sflag:s23], $0x1  }
0xa3: {  	[sflag:s23] =	ssyncset.done $0x0  }
0xa4: {  	s25 =	simm.s32 $0x1B8E;
	s24 =	sld [smem:$0x3FFE];
	[sflag:s23] =	ssyncadd.s32 $0xFFFFFFFF  }
0xa5: {  	s26 =	simm.s32 $execute0_lowered;
	[smem:$0x3FD2] =	sst s25  }
0xa6: {  	s4 =	sshll.u32 s26, $0x1;
	_ =	strace $0x80000052;
	[dreg:$0x1] =	wrdreg $0xFFFFFFFF  }
0xa7: {  	s28 =	simm.s32 $_size_execute0_lowered;
	s2 =	sadd.s32 s2, s4;
	[dreg:$0x0] =	wrdreg $0x0  }
0xa8: {  	s4 =	sshll.u32 s28, $0x1;
	[dreg:$0x2] =	wrdreg s2  }
0xa9: {  	[dreg:$0x3] =	wrdreg s4  }
0xaa: {  	[dreg:$0x4] =	wrdreg $0xC0  }
0xab: {  	_ =	task [dreg:s6], $0x5FFFF  }
0xac: {  	[dreg:$0x1] =	wrdreg $0xFFFFFFFF  }
0xad: {  	[dreg:$0x0] =	wrdreg $0x60  }
0xae: {  	[dreg:$0x2] =	wrdreg s24  }
0xaf: {  	[dreg:$0x3] =	wrdreg $0xB8000  }
0xb0: {  	[dreg:$0x4] =	wrdreg $0x9  }
0xb1: {  	_ =	task.clear_ibuf [dreg:s6], $0x5FFFF;
	_ =	strace $0x90000052  }
0xb2: {  	s29 =	simm.s32 $0x9;
	_ =	strace $0x80000054  }
0xb3: {  	_ =	swait.ge [sflag:s29], $0x1  }
0xb4: {  	[sflag:s29] =	ssyncadd.s32 $0xFFFFFFFF  }
0xb5: {  	_ =	strace $0x90000054  }
0xb6: {  	_ =	sfence  }
0xb7: {  	s30 =	sld [smem:$0x0];
	_ =	sdelay $0x2  }
0xb8: {  	s31 =	sshll.u32 s1, $0xD;
	s1 =	sshrl.u32 s1, $0x2  }
0xb9: {  	s3 =	sand.u32 $0x4000, s31;
	s1 =	sadd.s32 s1, s30  }
0xba: {  	s0 =	sor.u32 s3, s0;
	s1 =	sshll.u32 s1, $0x11  }
0xbb: {  	s0 =	sor.u32 s1, s0  }
0xbc: {  	s0 =	sadd.s32 $0x8F2B, s0  }
0xbd: {  	[sflag:s0] =	ssyncadd.remote.s32 $0x1  }
0xbe: {  	_ =	sfence.sel $0xFFFF  }
0xbf: {  	[dreg:$0x0] =	wrdreg $0xFFFFFFFF;
	(pc) =	sbr.abs _section_cstart, $3  }
0xc0: {  	[dreg:$0x1] =	wrdreg $0xFFFFFFFF  }
0xc1: {  	_ =	task.clear_ibuf [dreg:s6], $0x2FFFF;
	_ =	strace $0x9FFFFFFF  }
0xc2: {  	(tm) =	ssettm $0x7FFFFFFF  }
0xc3: {  	_ =	shalt  }
tec
execute0_lowered:
.L_overlay_start_1:
0x0: {  	(tag) =	ssettag $0x1  }
0x1: {  	s0 =	rddreg [dreg:$0x0]  }
0x2: {  	s3 =	srdreg.scid;
	s1 =	rddreg [dreg:$0x1]  }
0x3: {  	s2 =	simm.s32 $0x0;
	s13 =	stileid.u32;
	s29 =	simm.s32 $0x7800  }
0x4: {  	s30 =	simm.s32 $0x2;
	s31 =	simm.s32 $0x40;
	s3 =	sand.u32 $0x1, s3  }
0x5: {  	[smem:$0x7FF] =	sst s2;
	s6 =	smul.u32 $0x14000, s13;
	s10 =	sadd.s32 $0x157800, s0  }
0x6: {  	s4 =	sshll.u32 s3, $0x4;
	s5 =	ssub.s32 $0x2, s3;
	s3 =	smul.u32 $0x140000, s3  }
0x7: {  	s4 =	sor.u32 s13, s4;
	s7 =	sshrl.u32 s5, $0x1;
	s16 =	sor.u32 $0x2000, s6  }
0x8: {  	s17 =	sadd.s32 $0x4000, s6;
	s18 =	sadd.s32 $0x6000, s6;
	s19 =	sadd.s32 $0x8000, s6  }
0x9: {  	s20 =	sadd.s32 $0xA000, s6;
	s21 =	sadd.s32 $0xC000, s6;
	s22 =	sadd.s32 $0xE000, s6  }
0xa: {  	s23 =	sadd.s32 $0x10000, s6;
	s4 =	smul.u32 $0x500, s4;
	s5 =	ssub.s32 s5, s7  }
0xb: {  	s26 =	sadd.s32 s6, s3;
	s8 =	sadd.s32 s3, s16;
	s6 =	sadd.s32 $0x12000, s6  }
0xc: {  	s9 =	sadd.s32 s3, s17;
	s11 =	sadd.s32 s3, s18;
	s24 =	sadd.s32 s3, s20  }
0xd: {  	s25 =	sadd.s32 s3, s21;
	s16 =	sadd.s32 s16, s1;
	s17 =	sadd.s32 s17, s1  }
0xe: {  	s18 =	sadd.s32 s18, s1;
	s20 =	sadd.s32 s20, s1;
	s21 =	sadd.s32 s21, s1  }
0xf: {  	s7 =	sshrl.u32 s26, $0x3;
	s8 =	sshrl.u32 s8, $0x3;
	s12 =	sshrl.u32 s11, $0x3  }
0x10: {  	s11 =	sadd.s32 s3, s22;
	s22 =	sadd.s32 s22, s1;
	s7 =	sadd.s32 s10, s7  }
0x11: {  	s28 =	smax.u32 s5, $0x1;
	s8 =	sadd.s32 s10, s8;
	[dreg:$0x3] =	wrdreg s7  }
0x12: {  	s11 =	sshrl.u32 s11, $0x3;
	[dreg:$0x4] =	wrdreg s8;
	s7 =	sshrl.u32 s9, $0x3  }
0x13: {  	s9 =	sadd.s32 s3, s19;
	s8 =	sshrl.u32 s24, $0x3;
	s11 =	sadd.s32 s10, s11  }
0x14: {  	s19 =	sadd.s32 s19, s1;
	s24 =	sadd.s32 s6, s1;
	s7 =	sadd.s32 s10, s7  }
0x15: {  	s14 =	sshrl.u32 s9, $0x3;
	s26 =	sadd.s32 s10, s8;
	s9 =	sshrl.u32 s25, $0x3  }
0x16: {  	[dreg:$0x5] =	wrdreg s7;
	s7 =	sadd.s32 s10, s12;
	s15 =	sadd.s32 s10, s14  }
0x17: {  	[dreg:$0x8] =	wrdreg s26;
	s9 =	sadd.s32 s10, s9;
	s12 =	sadd.s32 s3, s23  }
0x18: {  	s3 =	sadd.s32 s3, s6;
	s14 =	smul.u32 $0xA00, s13;
	[dreg:$0x6] =	wrdreg s7  }
0x19: {  	s23 =	sadd.s32 s23, s1;
	[dreg:$0x7] =	wrdreg s15;
	s12 =	sshrl.u32 s12, $0x3  }
0x1a: {  	s3 =	sshrl.u32 s3, $0x3;
	s15 =	smul.u32 $0x50000, s13;
	s7 =	sadd.s32 s4, s0  }
0x1b: {  	s12 =	sadd.s32 s10, s12;
	s13 =	sadd.s32 s10, s3;
	_ =	strace $0x80000053  }
0x1c: {  	s8 =	sadd.s32 s14, s0;
	s14 =	sadd.s32 $0x107800, s0;
	s25 =	sadd.s32 $0xAD800, s7  }
0x1d: {  	s10 =	simm.s32 $0x80;
	s0 =	simm.s32 $0x1;
	s26 =	sshrl.u32 s15, $0x2  }
0x1e: {  	v0 =	vimm.f32 $0.0e+00;
	s3 =	simm.s32 $0x9800;
	s15 =	sadd.s32 s26, s1;
	s26 =	sadd.s32 $0x53800, s8  }
.LBB2_1:
0x1f: {  	s4 =	simm.s32 $0x0;
	s5 =	simm.s32 $0x200  }
.LBB2_2:
0x20: {  	p0 =	sne.s32 s5, $0x7E00;
	[tilespmem:s4+$0x7870] =	vst v0  }
0x21: {  	[tilespmem:s4+$0x7800] =	vst v0  }
0x22: {  	[tilespmem:s4+$0x7810] =	vst v0  }
.Ltmp0:
0x23: {  	[tilespmem:s4+$0x7820] =	vst v0;
	(pc) =	sbr.rel @p0 .LBB2_2-.Ltmp0, $4  }
0x24: {  	[tilespmem:s4+$0x7830] =	vst v0  }
0x25: {  	[tilespmem:s4+$0x7840] =	vst v0  }
0x26: {  	[tilespmem:s4+$0x7850] =	vst v0  }
0x27: {  	[tilespmem:s4+$0x7860] =	vst v0;
	s4 =	sshra.s32 s5, $0x2;
	s5 =	sadd.s32 $0x200, s5  }
0x28: {  	[tilespmem:s4+$0x7870] =	vst v0  }
0x29: {  	[tilespmem:s4+$0x7800] =	vst v0  }
0x2a: {  	[tilespmem:s4+$0x7810] =	vst v0  }
0x2b: {  	[tilespmem:s4+$0x7820] =	vst v0  }
0x2c: {  	[tilespmem:s4+$0x7830] =	vst v0  }
0x2d: {  	[tilespmem:s4+$0x7840] =	vst v0  }
0x2e: {  	[tilespmem:s4+$0x7850] =	vst v0  }
0x2f: {  	[tilespmem:s4+$0x7860] =	vst v0  }
0x30: {  	[spmem:s15] =	stream.linear.scatter [tilespmem:s29], [sflag:$0x2], $0x2000, $0x38;
	[tilespmem:$0x1F800] =	vst v63  }
0x31: {  	_ =	swait.ge [sflag:s30], $0x2000  }
0x32: {  	[sflag:s30] =	ssyncset.done $0x0  }
0x33: {  	[sflag:s30] =	ssyncadd.s32 $0xFFFFE000  }
0x34: {  	[spmem:s16] =	stream.linear.scatter [tilespmem:s29], [sflag:$0x2], $0x2000, $0x38;
	[tilespmem:$0x1F800] =	vst v63  }
0x35: {  	_ =	swait.ge [sflag:s30], $0x2000  }
0x36: {  	[sflag:s30] =	ssyncset.done $0x0  }
0x37: {  	[sflag:s30] =	ssyncadd.s32 $0xFFFFE000  }
0x38: {  	[spmem:s17] =	stream.linear.scatter [tilespmem:s29], [sflag:$0x2], $0x2000, $0x38;
	[tilespmem:$0x1F800] =	vst v63  }
0x39: {  	_ =	swait.ge [sflag:s30], $0x2000  }
0x3a: {  	[sflag:s30] =	ssyncset.done $0x0  }
0x3b: {  	[sflag:s30] =	ssyncadd.s32 $0xFFFFE000  }
0x3c: {  	[spmem:s18] =	stream.linear.scatter [tilespmem:s29], [sflag:$0x2], $0x2000, $0x38;
	[tilespmem:$0x1F800] =	vst v63  }
0x3d: {  	_ =	swait.ge [sflag:s30], $0x2000  }
0x3e: {  	[sflag:s30] =	ssyncset.done $0x0  }
0x3f: {  	[sflag:s30] =	ssyncadd.s32 $0xFFFFE000  }
0x40: {  	[spmem:s19] =	stream.linear.scatter [tilespmem:s29], [sflag:$0x2], $0x2000, $0x38;
	[tilespmem:$0x1F800] =	vst v63  }
0x41: {  	_ =	swait.ge [sflag:s30], $0x2000  }
0x42: {  	[sflag:s30] =	ssyncset.done $0x0  }
0x43: {  	[sflag:s30] =	ssyncadd.s32 $0xFFFFE000  }
0x44: {  	[spmem:s20] =	stream.linear.scatter [tilespmem:s29], [sflag:$0x2], $0x2000, $0x38;
	[tilespmem:$0x1F800] =	vst v63  }
0x45: {  	_ =	swait.ge [sflag:s30], $0x2000  }
0x46: {  	[sflag:s30] =	ssyncset.done $0x0  }
0x47: {  	[sflag:s30] =	ssyncadd.s32 $0xFFFFE000  }
0x48: {  	[spmem:s21] =	stream.linear.scatter [tilespmem:s29], [sflag:$0x2], $0x2000, $0x38;
	[tilespmem:$0x1F800] =	vst v63  }
0x49: {  	_ =	swait.ge [sflag:s30], $0x2000  }
0x4a: {  	[sflag:s30] =	ssyncset.done $0x0  }
0x4b: {  	[sflag:s30] =	ssyncadd.s32 $0xFFFFE000  }
0x4c: {  	[spmem:s22] =	stream.linear.scatter [tilespmem:s29], [sflag:$0x2], $0x2000, $0x38;
	[tilespmem:$0x1F800] =	vst v63  }
0x4d: {  	_ =	swait.ge [sflag:s30], $0x2000  }
0x4e: {  	[sflag:s30] =	ssyncset.done $0x0  }
0x4f: {  	[sflag:s30] =	ssyncadd.s32 $0xFFFFE000  }
0x50: {  	[spmem:s23] =	stream.linear.scatter [tilespmem:s29], [sflag:$0x2], $0x2000, $0x38;
	[tilespmem:$0x1F800] =	vst v63  }
0x51: {  	_ =	swait.ge [sflag:s30], $0x2000  }
0x52: {  	[sflag:s30] =	ssyncset.done $0x0  }
0x53: {  	[sflag:s30] =	ssyncadd.s32 $0xFFFFE000  }
0x54: {  	[spmem:s24] =	stream.linear.scatter [tilespmem:s29], [sflag:$0x2], $0x2000, $0x38;
	[tilespmem:$0x1F800] =	vst v63  }
0x55: {  	_ =	swait.ge [sflag:s30], $0x2000  }
0x56: {  	[sflag:s30] =	ssyncset.done $0x0  }
0x57: {  	[sflag:s30] =	ssyncadd.s32 $0xFFFFE000  }
0x58: {  	s8 =	simm.s32 $0x0;
	[bflag:$0x0] =	sbarrier.arrive $0xFFFF  }
0x59: {  	[tilespmem:s8], [sflag:$0x2] =	stream.linear.gather [hbm4b:s25+s8], $0x2800, $0x38;
	[tilespmem:$0x1F800] =	vst v63  }
0x5a: {  	_ =	swait.ge [sflag:s30], $0x2800  }
0x5b: {  	[sflag:s30] =	ssyncset.done $0x0  }
0x5c: {  	s5 =	simm.s32 $0x2800;
	[sflag:s30] =	ssyncadd.s32 $0xFFFFD800  }
0x5d: {  	[tilespmem:s5], [sflag:$0x2] =	stream.linear.gather [hbm4b:s26+s8], $0x5000, $0x38;
	[tilespmem:$0x1F800] =	vst v63  }
0x5e: {  	_ =	swait.ge [sflag:s30], $0x5000  }
0x5f: {  	[sflag:s30] =	ssyncset.done $0x0  }
0x60: {  	s6 =	simm.s32 $0x0;
	[sflag:s30] =	ssyncadd.s32 $0xFFFFB000  }
0x61: {  	[tilespmem:s29], [sflag:$0x1] =	stream.indirect.gather [hbm4b:s14+s10], $0x80, s6, s10, $0xb8;
	[tilespmem:$0x1F800] =	vst v63  }
0x62: {  	_ =	swait.ge [sflag:s0], $0x4000  }
0x63: {  	[sflag:s0] =	ssyncset.done $0x0  }
0x64: {  	s7 =	simm.s32 $0x2800;
	[sflag:s0] =	ssyncadd.s32 $0xFFFFC000  }
0x65: {  	[spmem:s1] =	stream.indirect.scatter.add.f32 [tilespmem:s29], [sflag:$0x2], $0x80, s7, s31, $0xb8;
	[tilespmem:$0x1F800] =	vst v63  }
0x66: {  	_ =	swait.ge [sflag:s30], $0x2000  }
0x67: {  	[sflag:s30] =	ssyncset.done $0x0  }
0x68: {  	s8 =	simm.s32 $0x2880;
	[sflag:s30] =	ssyncadd.s32 $0xFFFFE000  }
0x69: {  	[spmem:s1] =	stream.indirect.scatter.add.f32 [tilespmem:s3], [sflag:$0x2], $0x80, s8, s31, $0xb8;
	[tilespmem:$0x1F800] =	vst v63  }
0x6a: {  	s4 =	simm.s32 $0x2980;
	_ =	swait.ge [sflag:s30], $0x2000  }
0x6b: {  	s5 =	simm.s32 $0x200;
	s6 =	simm.s32 $0x400;
	[sflag:s30] =	ssyncset.done $0x0  }
.LBB2_4:
0x6c: {  	s7 =	sshra.s32 s5, $0x2  }
0x6d: {  	[sflag:s30] =	ssyncadd.s32 $0xFFFFE000;
	s5 =	smov.u32 s6;
	s8 =	sadd.s32 $0x200, s6  }
0x6e: {  	[tilespmem:s29], [sflag:$0x1] =	stream.indirect.gather [hbm4b:s14+s10], $0x80, s7, s10, $0xb8;
	[tilespmem:$0x1F800] =	vst v63  }
0x6f: {  	p0 =	sne.s32 s6, $0x9E00;
	_ =	swait.ge [sflag:s0], $0x4000  }
0x70: {  	[sflag:s0] =	ssyncset.done $0x0  }
0x71: {  	s6 =	sadd.s32 $0xFFFFFF80, s4;
	[sflag:s0] =	ssyncadd.s32 $0xFFFFC000  }
0x72: {  	[spmem:s1] =	stream.indirect.scatter.add.f32 [tilespmem:s29], [sflag:$0x2], $0x80, s6, s31, $0xb8;
	[tilespmem:$0x1F800] =	vst v63  }
0x73: {  	_ =	swait.ge [sflag:s30], $0x2000  }
.Ltmp1:
0x74: {  	[sflag:s30] =	ssyncset.done $0x0;
	(pc) =	sbr.rel @p0 .LBB2_4-.Ltmp1, $4  }
0x75: {  	[sflag:s30] =	ssyncadd.s32 $0xFFFFE000  }
0x76: {  	[spmem:s1] =	stream.indirect.scatter.add.f32 [tilespmem:s3], [sflag:$0x2], $0x80, s4, s31, $0xb8;
	[tilespmem:$0x1F800] =	vst v63  }
0x77: {  	_ =	swait.ge [sflag:s30], $0x2000  }
0x78: {  	s6 =	smov.u32 s8;
	s4 =	sadd.s32 $0x100, s4;
	[sflag:s30] =	ssyncset.done $0x0  }
0x79: {  	s5 =	sshra.s32 s5, $0x2;
	[sflag:s30] =	ssyncadd.s32 $0xFFFFE000  }
0x7a: {  	[tilespmem:s29], [sflag:$0x1] =	stream.indirect.gather [hbm4b:s14+s10], $0x80, s5, s10, $0xb8;
	[tilespmem:$0x1F800] =	vst v63  }
0x7b: {  	_ =	swait.ge [sflag:s0], $0x4000  }
0x7c: {  	[sflag:s0] =	ssyncset.done $0x0  }
0x7d: {  	s6 =	sadd.s32 $0xFFFFFF80, s4;
	[sflag:s0] =	ssyncadd.s32 $0xFFFFC000  }
0x7e: {  	[spmem:s1] =	stream.indirect.scatter.add.f32 [tilespmem:s29], [sflag:$0x2], $0x80, s6, s31, $0xb8;
	[tilespmem:$0x1F800] =	vst v63  }
0x7f: {  	_ =	swait.ge [sflag:s30], $0x2000  }
0x80: {  	[sflag:s30] =	ssyncset.done $0x0  }
0x81: {  	[sflag:s30] =	ssyncadd.s32 $0xFFFFE000  }
0x82: {  	[spmem:s1] =	stream.indirect.scatter.add.f32 [tilespmem:s3], [sflag:$0x2], $0x80, s4, s31, $0xb8;
	[tilespmem:$0x1F800] =	vst v63  }
0x83: {  	_ =	swait.ge [sflag:s30], $0x2000  }
0x84: {  	[sflag:s30] =	ssyncset.done $0x0  }
0x85: {  	s7 =	stileid.u32;
	[sflag:s30] =	ssyncadd.s32 $0xFFFFE000  }
0x86: {  	s4 =	sshll.u32 s7, $0x6;
	[bflag:$0x0] =	sbarrier.arrive $0xFFFF  }
0x87: {  	s8 =	sshrl.u32 s15, $0x3;
	s4 =	sor.u32 $0x1C02, s4;
	s6 =	rddreg [dreg:$0x3]  }
0x88: {  	[hbm:s6], [sflag:s4] =	dma.local [spmem:s8], $0x400  }
0x89: {  	_ =	swait.ge [sflag:s30], $0x400  }
0x8a: {  	[sflag:s30] =	ssyncset.done $0x0  }
0x8b: {  	s7 =	sshrl.u32 s16, $0x3;
	s8 =	rddreg [dreg:$0x4];
	[sflag:s30] =	ssyncadd.s32 $0xFFFFFC00  }
0x8c: {  	[hbm:s8], [sflag:s4] =	dma.local [spmem:s7], $0x400  }
0x8d: {  	_ =	swait.ge [sflag:s30], $0x400  }
0x8e: {  	[sflag:s30] =	ssyncset.done $0x0  }
0x8f: {  	s7 =	sshrl.u32 s17, $0x3;
	s8 =	rddreg [dreg:$0x5];
	[sflag:s30] =	ssyncadd.s32 $0xFFFFFC00  }
0x90: {  	[hbm:s8], [sflag:s4] =	dma.local [spmem:s7], $0x400  }
0x91: {  	_ =	swait.ge [sflag:s30], $0x400  }
0x92: {  	[sflag:s30] =	ssyncset.done $0x0  }
0x93: {  	s7 =	sshrl.u32 s18, $0x3;
	s8 =	rddreg [dreg:$0x6];
	[sflag:s30] =	ssyncadd.s32 $0xFFFFFC00  }
0x94: {  	[hbm:s8], [sflag:s4] =	dma.local [spmem:s7], $0x400  }
0x95: {  	_ =	swait.ge [sflag:s30], $0x400  }
0x96: {  	[sflag:s30] =	ssyncset.done $0x0  }
0x97: {  	s7 =	sshrl.u32 s19, $0x3;
	s8 =	rddreg [dreg:$0x7];
	[sflag:s30] =	ssyncadd.s32 $0xFFFFFC00  }
0x98: {  	[hbm:s8], [sflag:s4] =	dma.local [spmem:s7], $0x400  }
0x99: {  	_ =	swait.ge [sflag:s30], $0x400  }
0x9a: {  	[sflag:s30] =	ssyncset.done $0x0  }
0x9b: {  	s6 =	sshrl.u32 s20, $0x3;
	s7 =	rddreg [dreg:$0x8];
	[sflag:s30] =	ssyncadd.s32 $0xFFFFFC00  }
0x9c: {  	[hbm:s7], [sflag:s4] =	dma.local [spmem:s6], $0x400  }
0x9d: {  	_ =	swait.ge [sflag:s30], $0x400  }
0x9e: {  	[sflag:s30] =	ssyncset.done $0x0  }
0x9f: {  	s8 =	sshrl.u32 s21, $0x3;
	[sflag:s30] =	ssyncadd.s32 $0xFFFFFC00  }
0xa0: {  	[hbm:s9], [sflag:s4] =	dma.local [spmem:s8], $0x400  }
0xa1: {  	_ =	swait.ge [sflag:s30], $0x400  }
0xa2: {  	[sflag:s30] =	ssyncset.done $0x0  }
0xa3: {  	s6 =	sshrl.u32 s22, $0x3;
	[sflag:s30] =	ssyncadd.s32 $0xFFFFFC00  }
0xa4: {  	[hbm:s11], [sflag:s4] =	dma.local [spmem:s6], $0x400  }
0xa5: {  	_ =	swait.ge [sflag:s30], $0x400  }
0xa6: {  	[sflag:s30] =	ssyncset.done $0x0  }
0xa7: {  	s7 =	sshrl.u32 s23, $0x3;
	[sflag:s30] =	ssyncadd.s32 $0xFFFFFC00  }
0xa8: {  	[hbm:s12], [sflag:s4] =	dma.local [spmem:s7], $0x400  }
0xa9: {  	s2 =	sadd.s32 $0x1, s2;
	_ =	swait.ge [sflag:s30], $0x400  }
0xaa: {  	p0 =	sne.s32 s2, s28;
	[sflag:s30] =	ssyncset.done $0x0  }
.Ltmp2:
0xab: {  	s8 =	sshrl.u32 s24, $0x3;
	[sflag:s30] =	ssyncadd.s32 $0xFFFFFC00;
	(pc) =	sbr.rel @p0 .LBB2_1-.Ltmp2, $4  }
0xac: {  	[hbm:s13], [sflag:s4] =	dma.local [spmem:s8], $0x400  }
0xad: {  	_ =	swait.ge [sflag:s30], $0x400  }
0xae: {  	[sflag:s30] =	ssyncset.done $0x0  }
0xaf: {  	[sflag:s30] =	ssyncadd.s32 $0xFFFFFC00  }
0xb0: {  	_ =	sfence.sel $0x180000  }
0xb1: {  	[bflag:$0x0] =	sbarrier.arrive $0xFFFF  }
0xb2: {  	_ =	strace $0x90000053  }
0xb3: {  	s0 =	stileid.u32;
	[bflag:$0x2] =	sbarrier.arrive $0xFFFF  }
0xb4: {  	p0 =	sne.s32 s0, $0x0;
	s0 =	rddreg [dreg:$0x2]  }
0xb5: {  	s0 =	sadd.s32 @!p0 $0x100000, s0  }
0xb6: {  	[sflag:s0] =	ssyncadd.tile.s32 @!p0 $0x1;
	_ =	shalt  }
.Lfunc_end2:
_tile_overlayer_lowered:
.L_overlay_start_2:
0xb7: {  	(tag) =	ssettag $0x2  }
0xb8: {  	s0 =	rddreg [dreg:$0x0];
	s2 =	stileid.u32  }
0xb9: {  	s1 =	rddreg [dreg:$0x1];
	p0 =	sne.s32 s2, $0x0  }
0xba: {  	s3 =	rddreg [dreg:$0x2];
	[bflag:$0x3] =	sbarrier.arrive $0xFFFF;
	s2 =	simm.s32 @!p0 $0x1C02  }
0xbb: {  	[timem:s3], [sflag:s2] =	dma.local @!p0 [hbm:s0], s1  }
0xbc: {  	s0 =	simm.s32 @!p0 $0x2  }
0xbd: {  	_ =	swait.ge @!p0 [sflag:s0], s1  }
0xbe: {  	s1 =	ssub.s32 @!p0 $0x0, s1;
	[sflag:s0] =	ssyncset.done @!p0 $0x0  }
0xbf: {  	[sflag:s0] =	ssyncadd.s32 @!p0 s1  }
0xc0: {  	[bflag:$0x3] =	sbarrier.arrive $0xFFFF  }
0xc1: {  	_ =	shalt  }

</sc_bundles>
